<compile_context>
chip_gen: v7x
topology: tpu7x:2x2x1
jax: 0.10.2.dev20260603
libtpu: 0.0.44.dev20260713+nightly
codegen_flags: <defaults>
</compile_context>

<pallas_src>
import functools

import jax
import jax.numpy as jnp
from jax import lax
from jax.experimental import pallas as pl
from jax.experimental.pallas import tpu as pltpu
from jax.experimental.pallas import tpu_sc as plsc

B = 16384
L = 16
TOP = 1111111
M = 1000000

_info = plsc.get_sparse_core_info()
NC = 1
NS = _info.num_subcores
NW = NC * NS
BPW = B // NW


HALF = 512


def _compute_range(n_v, o_v, out_v, lo_idx, hi_idx):
    for i in range(lo_idx, hi_idx):
        nv = n_v[pl.ds(i * L, L)]
        ov = o_v[pl.ds(i * L, L)]
        r = nv - TOP
        for t in (8 * M, 4 * M, 2 * M, M):
            r = jnp.where(r >= t, r - t, r)
        cond = nv >= TOP
        m = jnp.where(cond, r, nv)
        c = jnp.where(cond, TOP, 1)
        out_v[pl.ds(i * L, L)] = m * 10 + ov + c


def _sc_body(n_hbm, o_hbm, out_hbm, n_v, o_v, out_v,
             sem_n1, sem_o1, sem_n2, sem_o2, sem_out):
    wid = lax.axis_index("s") * NC + lax.axis_index("c")
    start = wid * BPW
    cp_n1 = pltpu.async_copy(
        n_hbm.at[pl.ds(start, HALF)], n_v.at[pl.ds(0, HALF)], sem_n1)
    cp_o1 = pltpu.async_copy(
        o_hbm.at[pl.ds(start, HALF)], o_v.at[pl.ds(0, HALF)], sem_o1)
    cp_n2 = pltpu.async_copy(
        n_hbm.at[pl.ds(start + HALF, HALF)], n_v.at[pl.ds(HALF, HALF)], sem_n2)
    cp_o2 = pltpu.async_copy(
        o_hbm.at[pl.ds(start + HALF, HALF)], o_v.at[pl.ds(HALF, HALF)], sem_o2)
    cp_n1.wait()
    cp_o1.wait()
    _compute_range(n_v, o_v, out_v, 0, HALF // L)
    cp_out1 = pltpu.async_copy(
        out_v.at[pl.ds(0, HALF)], out_hbm.at[pl.ds(start, HALF)], sem_out)
    cp_n2.wait()
    cp_o2.wait()
    _compute_range(n_v, o_v, out_v, HALF // L, BPW // L)
    cp_out1.wait()
    pltpu.sync_copy(
        out_v.at[pl.ds(HALF, HALF)], out_hbm.at[pl.ds(start + HALF, HALF)])


_sc_call = functools.partial(
    pl.kernel,
    mesh=plsc.VectorSubcoreMesh(
        core_axis_name="c", subcore_axis_name="s", num_cores=NC),
    out_type=jax.ShapeDtypeStruct((B,), jnp.int32),
    scratch_types=[
        pltpu.VMEM((BPW,), jnp.int32),
        pltpu.VMEM((BPW,), jnp.int32),
        pltpu.VMEM((BPW,), jnp.int32),
        pltpu.SemaphoreType.DMA,
        pltpu.SemaphoreType.DMA,
        pltpu.SemaphoreType.DMA,
        pltpu.SemaphoreType.DMA,
        pltpu.SemaphoreType.DMA,
    ],
)(_sc_body)


def kernel(n, o):
    n1 = _sc_call(n, o)
    return (n1, jnp.zeros((), dtype=n1.dtype))

# --- scband reference (transcript-rebuilt; emitter-appended) ---
"""Pipeline reference for scband-ostrategy-reactive-63797444215337 (READ-ONLY COPY).

The authoritative reference and input builder live on the scoring server;
editing this copy changes nothing except your own understanding.
"""

import jax, jax.numpy as jnp
import numpy as np

O = 10
K = 7
B = 16384
NNODES = 11111111  # bases[-1] + O**K for O=10, K=7


def _make_bases():
    full = jnp.full((K,), O, dtype=jnp.int32)
    bases = jnp.concatenate([
        jnp.zeros((1,), dtype=jnp.int32),
        (jnp.cumsum(jnp.cumprod(full)) // O).astype(jnp.int32),
    ])
    return bases


def setup_inputs(seed: int = 0) -> dict:
    key = jax.random.key(seed)
    k1, k2 = jax.random.split(key)
    n = jax.random.randint(k1, (B,), 0, NNODES, dtype=jnp.int32)
    o = jax.random.randint(k2, (B,), 0, O, dtype=jnp.int32)
    return {"n": n, "o": o}


def reference(n, o):
    # Faithful translation of OStrategy_Reactive.sample -> _step
    M = O ** (K - 1)
    bases = _make_bases()
    bases_extra = jnp.concatenate([bases, bases[-1:]])
    # ibase = (bases <= n).sum(1) - 1  (searchsorted-style lookup)
    ibase = jnp.sum(bases[None, :] <= n[:, None], axis=1) - 1
    base = jnp.take(bases, ibase)
    base1 = jnp.take(bases_extra, ibase + 1)
    n1 = (n - base) % M * O + base1 + o
    # sample() returns (n1, torch.tensor(0.0).to(n1)) -> zero scalar cast to n1 dtype
    return (n1, jnp.zeros((), dtype=n1.dtype))

if __name__ == "__main__":
    import jax
    _d = setup_inputs()
    print(jax.jit(kernel)(*tuple(_d.values())))

</pallas_src>

<mosaic_0001>
#map = affine_map<(d0, d1) -> (0)>
module attributes {stable_mosaic.version = 14 : i64} {
  func.func @_sc_body(%arg0: i32, %arg1: i32, %arg2: memref<16384xi32, #tpu.memory_space<hbm>>, %arg3: memref<16384xi32, #tpu.memory_space<hbm>>, %arg4: memref<16384xi32, #tpu.memory_space<hbm>>, %arg5: memref<1024xi32, #tpu.memory_space<vmem>>, %arg6: memref<1024xi32, #tpu.memory_space<vmem>>, %arg7: memref<1024xi32, #tpu.memory_space<vmem>>, %arg8: memref<!tpu.dma_semaphore, #tpu.memory_space<semaphore_mem>>, %arg9: memref<!tpu.dma_semaphore, #tpu.memory_space<semaphore_mem>>, %arg10: memref<!tpu.dma_semaphore, #tpu.memory_space<semaphore_mem>>, %arg11: memref<!tpu.dma_semaphore, #tpu.memory_space<semaphore_mem>>, %arg12: memref<!tpu.dma_semaphore, #tpu.memory_space<semaphore_mem>>) attributes {dimension_semantics = [#tpu.dimension_semantics<core_parallel>, #tpu.dimension_semantics<subcore_parallel>], iteration_bounds = array<i64: 1, 16>, scalar_prefetch = 0 : i64, scratch_operands = 8 : i64, tpu.core_type = #tpu.core_type<sc_vector_subcore>, window_params = [{transform_indices = #map}, {transform_indices = #map}, {transform_indices = #map}]} {
    %mul3A = arith.constant 1 : i32
    %mul3A_0 = arith.muli %arg1, %mul3A : i32
    %add3A = arith.addi %mul3A_0, %arg0 : i32
    %mul3A_1 = arith.constant 1024 : i32
    %mul3A_2 = arith.muli %add3A, %mul3A_1 : i32
    %dma_start3A = arith.constant 0 : i32
    %dma_start3A_3 = tpu.memref_slice %arg5[%dma_start3A] : memref<1024xi32, #tpu.memory_space<vmem>> -> memref<512xi32, #tpu.memory_space<vmem>>
    %dma_start3A_4 = tpu.memref_slice %arg2[%mul3A_2] : memref<16384xi32, #tpu.memory_space<hbm>> -> memref<512xi32, #tpu.memory_space<hbm>>
    %dma_start3A_5 = arith.constant 0 : i32
    %dma_start3A_6 = tpu.memref_slice %arg5[%dma_start3A_5] : memref<1024xi32, #tpu.memory_space<vmem>> -> memref<512xi32, #tpu.memory_space<vmem>>
    %dma_start3A_7 = tpu.memref_slice %arg2[%mul3A_2] : memref<16384xi32, #tpu.memory_space<hbm>> -> memref<512xi32, #tpu.memory_space<hbm>>
    tpu.enqueue_dma source(%dma_start3A_7 : memref<512xi32, #tpu.memory_space<hbm>>) target(%dma_start3A_6 : memref<512xi32, #tpu.memory_space<vmem>>) target_semaphore(%arg8 : memref<!tpu.dma_semaphore, #tpu.memory_space<semaphore_mem>>)
    %dma_start3A_8 = arith.constant 0 : i32
    %dma_start3A_9 = tpu.memref_slice %arg6[%dma_start3A_8] : memref<1024xi32, #tpu.memory_space<vmem>> -> memref<512xi32, #tpu.memory_space<vmem>>
    %dma_start3A_10 = tpu.memref_slice %arg3[%mul3A_2] : memref<16384xi32, #tpu.memory_space<hbm>> -> memref<512xi32, #tpu.memory_space<hbm>>
    %dma_start3A_11 = arith.constant 0 : i32
    %dma_start3A_12 = tpu.memref_slice %arg6[%dma_start3A_11] : memref<1024xi32, #tpu.memory_space<vmem>> -> memref<512xi32, #tpu.memory_space<vmem>>
    %dma_start3A_13 = tpu.memref_slice %arg3[%mul3A_2] : memref<16384xi32, #tpu.memory_space<hbm>> -> memref<512xi32, #tpu.memory_space<hbm>>
    tpu.enqueue_dma source(%dma_start3A_13 : memref<512xi32, #tpu.memory_space<hbm>>) target(%dma_start3A_12 : memref<512xi32, #tpu.memory_space<vmem>>) target_semaphore(%arg9 : memref<!tpu.dma_semaphore, #tpu.memory_space<semaphore_mem>>)
    %add3A_14 = arith.constant 512 : i32
    %add3A_15 = arith.addi %mul3A_2, %add3A_14 : i32
    %dma_start3A_16 = arith.constant 512 : i32
    %dma_start3A_17 = tpu.memref_slice %arg5[%dma_start3A_16] : memref<1024xi32, #tpu.memory_space<vmem>> -> memref<512xi32, #tpu.memory_space<vmem>>
    %dma_start3A_18 = tpu.memref_slice %arg2[%add3A_15] : memref<16384xi32, #tpu.memory_space<hbm>> -> memref<512xi32, #tpu.memory_space<hbm>>
    %dma_start3A_19 = arith.constant 512 : i32
    %dma_start3A_20 = tpu.memref_slice %arg5[%dma_start3A_19] : memref<1024xi32, #tpu.memory_space<vmem>> -> memref<512xi32, #tpu.memory_space<vmem>>
    %dma_start3A_21 = tpu.memref_slice %arg2[%add3A_15] : memref<16384xi32, #tpu.memory_space<hbm>> -> memref<512xi32, #tpu.memory_space<hbm>>
    tpu.enqueue_dma source(%dma_start3A_21 : memref<512xi32, #tpu.memory_space<hbm>>) target(%dma_start3A_20 : memref<512xi32, #tpu.memory_space<vmem>>) target_semaphore(%arg10 : memref<!tpu.dma_semaphore, #tpu.memory_space<semaphore_mem>>)
    %add3A_22 = arith.constant 512 : i32
    %add3A_23 = arith.addi %mul3A_2, %add3A_22 : i32
    %dma_start3A_24 = arith.constant 512 : i32
    %dma_start3A_25 = tpu.memref_slice %arg6[%dma_start3A_24] : memref<1024xi32, #tpu.memory_space<vmem>> -> memref<512xi32, #tpu.memory_space<vmem>>
    %dma_start3A_26 = tpu.memref_slice %arg3[%add3A_23] : memref<16384xi32, #tpu.memory_space<hbm>> -> memref<512xi32, #tpu.memory_space<hbm>>
    %dma_start3A_27 = arith.constant 512 : i32
    %dma_start3A_28 = tpu.memref_slice %arg6[%dma_start3A_27] : memref<1024xi32, #tpu.memory_space<vmem>> -> memref<512xi32, #tpu.memory_space<vmem>>
    %dma_start3A_29 = tpu.memref_slice %arg3[%add3A_23] : memref<16384xi32, #tpu.memory_space<hbm>> -> memref<512xi32, #tpu.memory_space<hbm>>
    tpu.enqueue_dma source(%dma_start3A_29 : memref<512xi32, #tpu.memory_space<hbm>>) target(%dma_start3A_28 : memref<512xi32, #tpu.memory_space<vmem>>) target_semaphore(%arg11 : memref<!tpu.dma_semaphore, #tpu.memory_space<semaphore_mem>>)
    %dma_wait3A = arith.constant 0 : i32
    %dma_wait3A_30 = tpu.memref_slice %arg5[%dma_wait3A] : memref<1024xi32, #tpu.memory_space<vmem>> -> memref<512xi32, #tpu.memory_space<vmem>>
    %dma_wait3A_31 = tpu.memref_slice %arg2[%mul3A_2] : memref<16384xi32, #tpu.memory_space<hbm>> -> memref<512xi32, #tpu.memory_space<hbm>>
    %dma_wait3A_32 = arith.constant 0 : i32
    %dma_wait3A_33 = tpu.memref_slice %arg5[%dma_wait3A_32] : memref<1024xi32, #tpu.memory_space<vmem>> -> memref<512xi32, #tpu.memory_space<vmem>>
    %dma_wait3A_34 = tpu.memref_slice %arg2[%mul3A_2] : memref<16384xi32, #tpu.memory_space<hbm>> -> memref<512xi32, #tpu.memory_space<hbm>>
    tpu.wait_dma2 semaphore(%arg8 : memref<!tpu.dma_semaphore, #tpu.memory_space<semaphore_mem>>) src(%dma_wait3A_34 : memref<512xi32, #tpu.memory_space<hbm>>) dst(%dma_wait3A_33 : memref<512xi32, #tpu.memory_space<vmem>>)
    %dma_wait3A_35 = arith.constant 0 : i32
    %dma_wait3A_36 = tpu.memref_slice %arg6[%dma_wait3A_35] : memref<1024xi32, #tpu.memory_space<vmem>> -> memref<512xi32, #tpu.memory_space<vmem>>
    %dma_wait3A_37 = tpu.memref_slice %arg3[%mul3A_2] : memref<16384xi32, #tpu.memory_space<hbm>> -> memref<512xi32, #tpu.memory_space<hbm>>
    %dma_wait3A_38 = arith.constant 0 : i32
    %dma_wait3A_39 = tpu.memref_slice %arg6[%dma_wait3A_38] : memref<1024xi32, #tpu.memory_space<vmem>> -> memref<512xi32, #tpu.memory_space<vmem>>
    %dma_wait3A_40 = tpu.memref_slice %arg3[%mul3A_2] : memref<16384xi32, #tpu.memory_space<hbm>> -> memref<512xi32, #tpu.memory_space<hbm>>
    tpu.wait_dma2 semaphore(%arg9 : memref<!tpu.dma_semaphore, #tpu.memory_space<semaphore_mem>>) src(%dma_wait3A_40 : memref<512xi32, #tpu.memory_space<hbm>>) dst(%dma_wait3A_39 : memref<512xi32, #tpu.memory_space<vmem>>)
    %get3A = arith.constant 0 : index
    %get3A_41 = tpu.vector_load %arg5[%get3A] {strides = array<i32>} : memref<1024xi32, #tpu.memory_space<vmem>>, vector<16xi32>,
    %get3A_42 = vector.shape_cast %get3A_41 : vector<16xi32> to vector<16xi32>
    %get3A_43 = arith.constant 0 : index
    %get3A_44 = tpu.vector_load %arg6[%get3A_43] {strides = array<i32>} : memref<1024xi32, #tpu.memory_space<vmem>>, vector<16xi32>,
    %get3A_45 = vector.shape_cast %get3A_44 : vector<16xi32> to vector<16xi32>
    %sub3A = arith.constant 1111111 : i32
    %sub3A_46 = vector.broadcast %sub3A : i32 to vector<16xi32>
    %sub3A_47 = arith.subi %get3A_42, %sub3A_46 : vector<16xi32>
    %ge3A = arith.constant 8000000 : i32
    %ge3A_48 = vector.broadcast %ge3A : i32 to vector<16xi32>
    %ge3A_49 = arith.cmpi sge, %sub3A_47, %ge3A_48 : vector<16xi32>
    %sub3A_50 = arith.constant 8000000 : i32
    %sub3A_51 = vector.broadcast %sub3A_50 : i32 to vector<16xi32>
    %sub3A_52 = arith.subi %sub3A_47, %sub3A_51 : vector<16xi32>
    %select_n3A = arith.select %ge3A_49, %sub3A_52, %sub3A_47 : vector<16xi1>, vector<16xi32>
    %ge3A_53 = arith.constant 4000000 : i32
    %ge3A_54 = vector.broadcast %ge3A_53 : i32 to vector<16xi32>
    %ge3A_55 = arith.cmpi sge, %select_n3A, %ge3A_54 : vector<16xi32>
    %sub3A_56 = arith.constant 4000000 : i32
    %sub3A_57 = vector.broadcast %sub3A_56 : i32 to vector<16xi32>
    %sub3A_58 = arith.subi %select_n3A, %sub3A_57 : vector<16xi32>
    %select_n3A_59 = arith.select %ge3A_55, %sub3A_58, %select_n3A : vector<16xi1>, vector<16xi32>
    %ge3A_60 = arith.constant 2000000 : i32
    %ge3A_61 = vector.broadcast %ge3A_60 : i32 to vector<16xi32>
    %ge3A_62 = arith.cmpi sge, %select_n3A_59, %ge3A_61 : vector<16xi32>
    %sub3A_63 = arith.constant 2000000 : i32
    %sub3A_64 = vector.broadcast %sub3A_63 : i32 to vector<16xi32>
    %sub3A_65 = arith.subi %select_n3A_59, %sub3A_64 : vector<16xi32>
    %select_n3A_66 = arith.select %ge3A_62, %sub3A_65, %select_n3A_59 : vector<16xi1>, vector<16xi32>
    %ge3A_67 = arith.constant 1000000 : i32
    %ge3A_68 = vector.broadcast %ge3A_67 : i32 to vector<16xi32>
    %ge3A_69 = arith.cmpi sge, %select_n3A_66, %ge3A_68 : vector<16xi32>
    %sub3A_70 = arith.constant 1000000 : i32
    %sub3A_71 = vector.broadcast %sub3A_70 : i32 to vector<16xi32>
    %sub3A_72 = arith.subi %select_n3A_66, %sub3A_71 : vector<16xi32>
    %select_n3A_73 = arith.select %ge3A_69, %sub3A_72, %select_n3A_66 : vector<16xi1>, vector<16xi32>
    %ge3A_74 = arith.constant 1111111 : i32
    %ge3A_75 = vector.broadcast %ge3A_74 : i32 to vector<16xi32>
    %ge3A_76 = arith.cmpi sge, %get3A_42, %ge3A_75 : vector<16xi32>
    %select_n3A_77 = arith.select %ge3A_76, %select_n3A_73, %get3A_42 : vector<16xi1>, vector<16xi32>
    %jit3A = arith.constant 1111111 : i32
    %jit3A_78 = arith.constant 1 : i32
    %broadcast_in_dim3A = vector.broadcast %jit3A : i32 to vector<16xi32>
    %broadcast_in_dim3A_79 = vector.broadcast %jit3A_78 : i32 to vector<16xi32>
    %select_n3A_80 = arith.select %ge3A_76, %broadcast_in_dim3A, %broadcast_in_dim3A_79 : vector<16xi1>, vector<16xi32>
    %mul3A_81 = arith.constant 10 : i32
    %mul3A_82 = vector.broadcast %mul3A_81 : i32 to vector<16xi32>
    %mul3A_83 = arith.muli %select_n3A_77, %mul3A_82 : vector<16xi32>
    %add3A_84 = arith.addi %mul3A_83, %get3A_45 : vector<16xi32>
    %add3A_85 = arith.addi %add3A_84, %select_n3A_80 : vector<16xi32>
    %swap3A = arith.constant 0 : index
    %swap3A_86 = tpu.vector_load %arg7[%swap3A] {strides = array<i32>} : memref<1024xi32, #tpu.memory_space<vmem>>, vector<16xi32>,
    %swap3A_87 = vector.shape_cast %swap3A_86 : vector<16xi32> to vector<16xi32>
    %swap3A_88 = vector.shape_cast %add3A_85 : vector<16xi32> to vector<16xi32>
    tpu.vector_store %arg7[%swap3A], %swap3A_88 {strides = array<i32>} : memref<1024xi32, #tpu.memory_space<vmem>>, vector<16xi32>,
    %get3A_89 = arith.constant 16 : index
    %get3A_90 = tpu.vector_load %arg5[%get3A_89] {strides = array<i32>} : memref<1024xi32, #tpu.memory_space<vmem>>, vector<16xi32>,
    %get3A_91 = vector.shape_cast %get3A_90 : vector<16xi32> to vector<16xi32>
    %get3A_92 = arith.constant 16 : index
    %get3A_93 = tpu.vector_load %arg6[%get3A_92] {strides = array<i32>} : memref<1024xi32, #tpu.memory_space<vmem>>, vector<16xi32>,
    %get3A_94 = vector.shape_cast %get3A_93 : vector<16xi32> to vector<16xi32>
    %sub3A_95 = arith.constant 1111111 : i32
    %sub3A_96 = vector.broadcast %sub3A_95 : i32 to vector<16xi32>
    %sub3A_97 = arith.subi %get3A_91, %sub3A_96 : vector<16xi32>
    %ge3A_98 = arith.constant 8000000 : i32
    %ge3A_99 = vector.broadcast %ge3A_98 : i32 to vector<16xi32>
    %ge3A_100 = arith.cmpi sge, %sub3A_97, %ge3A_99 : vector<16xi32>
    %sub3A_101 = arith.constant 8000000 : i32
    %sub3A_102 = vector.broadcast %sub3A_101 : i32 to vector<16xi32>
    %sub3A_103 = arith.subi %sub3A_97, %sub3A_102 : vector<16xi32>
    %select_n3A_104 = arith.select %ge3A_100, %sub3A_103, %sub3A_97 : vector<16xi1>, vector<16xi32>
    %ge3A_105 = arith.constant 4000000 : i32
    %ge3A_106 = vector.broadcast %ge3A_105 : i32 to vector<16xi32>
    %ge3A_107 = arith.cmpi sge, %select_n3A_104, %ge3A_106 : vector<16xi32>
    %sub3A_108 = arith.constant 4000000 : i32
    %sub3A_109 = vector.broadcast %sub3A_108 : i32 to vector<16xi32>
    %sub3A_110 = arith.subi %select_n3A_104, %sub3A_109 : vector<16xi32>
    %select_n3A_111 = arith.select %ge3A_107, %sub3A_110, %select_n3A_104 : vector<16xi1>, vector<16xi32>
    %ge3A_112 = arith.constant 2000000 : i32
    %ge3A_113 = vector.broadcast %ge3A_112 : i32 to vector<16xi32>
    %ge3A_114 = arith.cmpi sge, %select_n3A_111, %ge3A_113 : vector<16xi32>
    %sub3A_115 = arith.constant 2000000 : i32
    %sub3A_116 = vector.broadcast %sub3A_115 : i32 to vector<16xi32>
    %sub3A_117 = arith.subi %select_n3A_111, %sub3A_116 : vector<16xi32>
    %select_n3A_118 = arith.select %ge3A_114, %sub3A_117, %select_n3A_111 : vector<16xi1>, vector<16xi32>
    %ge3A_119 = arith.constant 1000000 : i32
    %ge3A_120 = vector.broadcast %ge3A_119 : i32 to vector<16xi32>
    %ge3A_121 = arith.cmpi sge, %select_n3A_118, %ge3A_120 : vector<16xi32>
    %sub3A_122 = arith.constant 1000000 : i32
    %sub3A_123 = vector.broadcast %sub3A_122 : i32 to vector<16xi32>
    %sub3A_124 = arith.subi %select_n3A_118, %sub3A_123 : vector<16xi32>
    %select_n3A_125 = arith.select %ge3A_121, %sub3A_124, %select_n3A_118 : vector<16xi1>, vector<16xi32>
    %ge3A_126 = arith.constant 1111111 : i32
    %ge3A_127 = vector.broadcast %ge3A_126 : i32 to vector<16xi32>
    %ge3A_128 = arith.cmpi sge, %get3A_91, %ge3A_127 : vector<16xi32>
    %select_n3A_129 = arith.select %ge3A_128, %select_n3A_125, %get3A_91 : vector<16xi1>, vector<16xi32>
    %jit3A_130 = arith.constant 1111111 : i32
    %jit3A_131 = arith.constant 1 : i32
    %broadcast_in_dim3A_132 = vector.broadcast %jit3A_130 : i32 to vector<16xi32>
    %broadcast_in_dim3A_133 = vector.broadcast %jit3A_131 : i32 to vector<16xi32>
    %select_n3A_134 = arith.select %ge3A_128, %broadcast_in_dim3A_132, %broadcast_in_dim3A_133 : vector<16xi1>, vector<16xi32>
    %mul3A_135 = arith.constant 10 : i32
    %mul3A_136 = vector.broadcast %mul3A_135 : i32 to vector<16xi32>
    %mul3A_137 = arith.muli %select_n3A_129, %mul3A_136 : vector<16xi32>
    %add3A_138 = arith.addi %mul3A_137, %get3A_94 : vector<16xi32>
    %add3A_139 = arith.addi %add3A_138, %select_n3A_134 : vector<16xi32>
    %swap3A_140 = arith.constant 16 : index
    %swap3A_141 = tpu.vector_load %arg7[%swap3A_140] {strides = array<i32>} : memref<1024xi32, #tpu.memory_space<vmem>>, vector<16xi32>,
    %swap3A_142 = vector.shape_cast %swap3A_141 : vector<16xi32> to vector<16xi32>
    %swap3A_143 = vector.shape_cast %add3A_139 : vector<16xi32> to vector<16xi32>
    tpu.vector_store %arg7[%swap3A_140], %swap3A_143 {strides = array<i32>} : memref<1024xi32, #tpu.memory_space<vmem>>, vector<16xi32>,
    %get3A_144 = arith.constant 32 : index
    %get3A_145 = tpu.vector_load %arg5[%get3A_144] {strides = array<i32>} : memref<1024xi32, #tpu.memory_space<vmem>>, vector<16xi32>,
    %get3A_146 = vector.shape_cast %get3A_145 : vector<16xi32> to vector<16xi32>
    %get3A_147 = arith.constant 32 : index
    %get3A_148 = tpu.vector_load %arg6[%get3A_147] {strides = array<i32>} : memref<1024xi32, #tpu.memory_space<vmem>>, vector<16xi32>,
    %get3A_149 = vector.shape_cast %get3A_148 : vector<16xi32> to vector<16xi32>
    %sub3A_150 = arith.constant 1111111 : i32
    %sub3A_151 = vector.broadcast %sub3A_150 : i32 to vector<16xi32>
    %sub3A_152 = arith.subi %get3A_146, %sub3A_151 : vector<16xi32>
    %ge3A_153 = arith.constant 8000000 : i32
    %ge3A_154 = vector.broadcast %ge3A_153 : i32 to vector<16xi32>
    %ge3A_155 = arith.cmpi sge, %sub3A_152, %ge3A_154 : vector<16xi32>
    %sub3A_156 = arith.constant 8000000 : i32
    %sub3A_157 = vector.broadcast %sub3A_156 : i32 to vector<16xi32>
    %sub3A_158 = arith.subi %sub3A_152, %sub3A_157 : vector<16xi32>
    %select_n3A_159 = arith.select %ge3A_155, %sub3A_158, %sub3A_152 : vector<16xi1>, vector<16xi32>
    %ge3A_160 = arith.constant 4000000 : i32
    %ge3A_161 = vector.broadcast %ge3A_160 : i32 to vector<16xi32>
    %ge3A_162 = arith.cmpi sge, %select_n3A_159, %ge3A_161 : vector<16xi32>
    %sub3A_163 = arith.constant 4000000 : i32
    %sub3A_164 = vector.broadcast %sub3A_163 : i32 to vector<16xi32>
    %sub3A_165 = arith.subi %select_n3A_159, %sub3A_164 : vector<16xi32>
    %select_n3A_166 = arith.select %ge3A_162, %sub3A_165, %select_n3A_159 : vector<16xi1>, vector<16xi32>
    %ge3A_167 = arith.constant 2000000 : i32
    %ge3A_168 = vector.broadcast %ge3A_167 : i32 to vector<16xi32>
    %ge3A_169 = arith.cmpi sge, %select_n3A_166, %ge3A_168 : vector<16xi32>
    %sub3A_170 = arith.constant 2000000 : i32
    %sub3A_171 = vector.broadcast %sub3A_170 : i32 to vector<16xi32>
    %sub3A_172 = arith.subi %select_n3A_166, %sub3A_171 : vector<16xi32>
    %select_n3A_173 = arith.select %ge3A_169, %sub3A_172, %select_n3A_166 : vector<16xi1>, vector<16xi32>
    %ge3A_174 = arith.constant 1000000 : i32
    %ge3A_175 = vector.broadcast %ge3A_174 : i32 to vector<16xi32>
    %ge3A_176 = arith.cmpi sge, %select_n3A_173, %ge3A_175 : vector<16xi32>
    %sub3A_177 = arith.constant 1000000 : i32
    %sub3A_178 = vector.broadcast %sub3A_177 : i32 to vector<16xi32>
    %sub3A_179 = arith.subi %select_n3A_173, %sub3A_178 : vector<16xi32>
    %select_n3A_180 = arith.select %ge3A_176, %sub3A_179, %select_n3A_173 : vector<16xi1>, vector<16xi32>
    %ge3A_181 = arith.constant 1111111 : i32
    %ge3A_182 = vector.broadcast %ge3A_181 : i32 to vector<16xi32>
    %ge3A_183 = arith.cmpi sge, %get3A_146, %ge3A_182 : vector<16xi32>
    %select_n3A_184 = arith.select %ge3A_183, %select_n3A_180, %get3A_146 : vector<16xi1>, vector<16xi32>
    %jit3A_185 = arith.constant 1111111 : i32
    %jit3A_186 = arith.constant 1 : i32
    %broadcast_in_dim3A_187 = vector.broadcast %jit3A_185 : i32 to vector<16xi32>
    %broadcast_in_dim3A_188 = vector.broadcast %jit3A_186 : i32 to vector<16xi32>
    %select_n3A_189 = arith.select %ge3A_183, %broadcast_in_dim3A_187, %broadcast_in_dim3A_188 : vector<16xi1>, vector<16xi32>
    %mul3A_190 = arith.constant 10 : i32
    %mul3A_191 = vector.broadcast %mul3A_190 : i32 to vector<16xi32>
    %mul3A_192 = arith.muli %select_n3A_184, %mul3A_191 : vector<16xi32>
    %add3A_193 = arith.addi %mul3A_192, %get3A_149 : vector<16xi32>
    %add3A_194 = arith.addi %add3A_193, %select_n3A_189 : vector<16xi32>
    %swap3A_195 = arith.constant 32 : index
    %swap3A_196 = tpu.vector_load %arg7[%swap3A_195] {strides = array<i32>} : memref<1024xi32, #tpu.memory_space<vmem>>, vector<16xi32>,
    %swap3A_197 = vector.shape_cast %swap3A_196 : vector<16xi32> to vector<16xi32>
    %swap3A_198 = vector.shape_cast %add3A_194 : vector<16xi32> to vector<16xi32>
    tpu.vector_store %arg7[%swap3A_195], %swap3A_198 {strides = array<i32>} : memref<1024xi32, #tpu.memory_space<vmem>>, vector<16xi32>,
    %get3A_199 = arith.constant 48 : index
    %get3A_200 = tpu.vector_load %arg5[%get3A_199] {strides = array<i32>} : memref<1024xi32, #tpu.memory_space<vmem>>, vector<16xi32>,
    %get3A_201 = vector.shape_cast %get3A_200 : vector<16xi32> to vector<16xi32>
    %get3A_202 = arith.constant 48 : index
    %get3A_203 = tpu.vector_load %arg6[%get3A_202] {strides = array<i32>} : memref<1024xi32, #tpu.memory_space<vmem>>, vector<16xi32>,
    %get3A_204 = vector.shape_cast %get3A_203 : vector<16xi32> to vector<16xi32>
    %sub3A_205 = arith.constant 1111111 : i32
    %sub3A_206 = vector.broadcast %sub3A_205 : i32 to vector<16xi32>
    %sub3A_207 = arith.subi %get3A_201, %sub3A_206 : vector<16xi32>
    %ge3A_208 = arith.constant 8000000 : i32
    %ge3A_209 = vector.broadcast %ge3A_208 : i32 to vector<16xi32>
    %ge3A_210 = arith.cmpi sge, %sub3A_207, %ge3A_209 : vector<16xi32>
    %sub3A_211 = arith.constant 8000000 : i32
    %sub3A_212 = vector.broadcast %sub3A_211 : i32 to vector<16xi32>
    %sub3A_213 = arith.subi %sub3A_207, %sub3A_212 : vector<16xi32>
    %select_n3A_214 = arith.select %ge3A_210, %sub3A_213, %sub3A_207 : vector<16xi1>, vector<16xi32>
    %ge3A_215 = arith.constant 4000000 : i32
    %ge3A_216 = vector.broadcast %ge3A_215 : i32 to vector<16xi32>
    %ge3A_217 = arith.cmpi sge, %select_n3A_214, %ge3A_216 : vector<16xi32>
    %sub3A_218 = arith.constant 4000000 : i32
    %sub3A_219 = vector.broadcast %sub3A_218 : i32 to vector<16xi32>
    %sub3A_220 = arith.subi %select_n3A_214, %sub3A_219 : vector<16xi32>
    %select_n3A_221 = arith.select %ge3A_217, %sub3A_220, %select_n3A_214 : vector<16xi1>, vector<16xi32>
    %ge3A_222 = arith.constant 2000000 : i32
    %ge3A_223 = vector.broadcast %ge3A_222 : i32 to vector<16xi32>
    %ge3A_224 = arith.cmpi sge, %select_n3A_221, %ge3A_223 : vector<16xi32>
    %sub3A_225 = arith.constant 2000000 : i32
    %sub3A_226 = vector.broadcast %sub3A_225 : i32 to vector<16xi32>
    %sub3A_227 = arith.subi %select_n3A_221, %sub3A_226 : vector<16xi32>
    %select_n3A_228 = arith.select %ge3A_224, %sub3A_227, %select_n3A_221 : vector<16xi1>, vector<16xi32>
    %ge3A_229 = arith.constant 1000000 : i32
    %ge3A_230 = vector.broadcast %ge3A_229 : i32 to vector<16xi32>
    %ge3A_231 = arith.cmpi sge, %select_n3A_228, %ge3A_230 : vector<16xi32>
    %sub3A_232 = arith.constant 1000000 : i32
    %sub3A_233 = vector.broadcast %sub3A_232 : i32 to vector<16xi32>
    %sub3A_234 = arith.subi %select_n3A_228, %sub3A_233 : vector<16xi32>
    %select_n3A_235 = arith.select %ge3A_231, %sub3A_234, %select_n3A_228 : vector<16xi1>, vector<16xi32>
    %ge3A_236 = arith.constant 1111111 : i32
    %ge3A_237 = vector.broadcast %ge3A_236 : i32 to vector<16xi32>
    %ge3A_238 = arith.cmpi sge, %get3A_201, %ge3A_237 : vector<16xi32>
    %select_n3A_239 = arith.select %ge3A_238, %select_n3A_235, %get3A_201 : vector<16xi1>, vector<16xi32>
    %jit3A_240 = arith.constant 1111111 : i32
    %jit3A_241 = arith.constant 1 : i32
    %broadcast_in_dim3A_242 = vector.broadcast %jit3A_240 : i32 to vector<16xi32>
    %broadcast_in_dim3A_243 = vector.broadcast %jit3A_241 : i32 to vector<16xi32>
    %select_n3A_244 = arith.select %ge3A_238, %broadcast_in_dim3A_242, %broadcast_in_dim3A_243 : vector<16xi1>, vector<16xi32>
    %mul3A_245 = arith.constant 10 : i32
    %mul3A_246 = vector.broadcast %mul3A_245 : i32 to vector<16xi32>
    %mul3A_247 = arith.muli %select_n3A_239, %mul3A_246 : vector<16xi32>
    %add3A_248 = arith.addi %mul3A_247, %get3A_204 : vector<16xi32>
    %add3A_249 = arith.addi %add3A_248, %select_n3A_244 : vector<16xi32>
    %swap3A_250 = arith.constant 48 : index
    %swap3A_251 = tpu.vector_load %arg7[%swap3A_250] {strides = array<i32>} : memref<1024xi32, #tpu.memory_space<vmem>>, vector<16xi32>,
    %swap3A_252 = vector.shape_cast %swap3A_251 : vector<16xi32> to vector<16xi32>
    %swap3A_253 = vector.shape_cast %add3A_249 : vector<16xi32> to vector<16xi32>
    tpu.vector_store %arg7[%swap3A_250], %swap3A_253 {strides = array<i32>} : memref<1024xi32, #tpu.memory_space<vmem>>, vector<16xi32>,
    %get3A_254 = arith.constant 64 : index
    %get3A_255 = tpu.vector_load %arg5[%get3A_254] {strides = array<i32>} : memref<1024xi32, #tpu.memory_space<vmem>>, vector<16xi32>,
    %get3A_256 = vector.shape_cast %get3A_255 : vector<16xi32> to vector<16xi32>
    %get3A_257 = arith.constant 64 : index
    %get3A_258 = tpu.vector_load %arg6[%get3A_257] {strides = array<i32>} : memref<1024xi32, #tpu.memory_space<vmem>>, vector<16xi32>,
    %get3A_259 = vector.shape_cast %get3A_258 : vector<16xi32> to vector<16xi32>
    %sub3A_260 = arith.constant 1111111 : i32
    %sub3A_261 = vector.broadcast %sub3A_260 : i32 to vector<16xi32>
    %sub3A_262 = arith.subi %get3A_256, %sub3A_261 : vector<16xi32>
    %ge3A_263 = arith.constant 8000000 : i32
    %ge3A_264 = vector.broadcast %ge3A_263 : i32 to vector<16xi32>
    %ge3A_265 = arith.cmpi sge, %sub3A_262, %ge3A_264 : vector<16xi32>
    %sub3A_266 = arith.constant 8000000 : i32
    %sub3A_267 = vector.broadcast %sub3A_266 : i32 to vector<16xi32>
    %sub3A_268 = arith.subi %sub3A_262, %sub3A_267 : vector<16xi32>
    %select_n3A_269 = arith.select %ge3A_265, %sub3A_268, %sub3A_262 : vector<16xi1>, vector<16xi32>
    %ge3A_270 = arith.constant 4000000 : i32
    %ge3A_271 = vector.broadcast %ge3A_270 : i32 to vector<16xi32>
    %ge3A_272 = arith.cmpi sge, %select_n3A_269, %ge3A_271 : vector<16xi32>
    %sub3A_273 = arith.constant 4000000 : i32
    %sub3A_274 = vector.broadcast %sub3A_273 : i32 to vector<16xi32>
    %sub3A_275 = arith.subi %select_n3A_269, %sub3A_274 : vector<16xi32>
    %select_n3A_276 = arith.select %ge3A_272, %sub3A_275, %select_n3A_269 : vector<16xi1>, vector<16xi32>
    %ge3A_277 = arith.constant 2000000 : i32
    %ge3A_278 = vector.broadcast %ge3A_277 : i32 to vector<16xi32>
    %ge3A_279 = arith.cmpi sge, %select_n3A_276, %ge3A_278 : vector<16xi32>
    %sub3A_280 = arith.constant 2000000 : i32
    %sub3A_281 = vector.broadcast %sub3A_280 : i32 to vector<16xi32>
    %sub3A_282 = arith.subi %select_n3A_276, %sub3A_281 : vector<16xi32>
    %select_n3A_283 = arith.select %ge3A_279, %sub3A_282, %select_n3A_276 : vector<16xi1>, vector<16xi32>
    %ge3A_284 = arith.constant 1000000 : i32
    %ge3A_285 = vector.broadcast %ge3A_284 : i32 to vector<16xi32>
    %ge3A_286 = arith.cmpi sge, %select_n3A_283, %ge3A_285 : vector<16xi32>
    %sub3A_287 = arith.constant 1000000 : i32
    %sub3A_288 = vector.broadcast %sub3A_287 : i32 to vector<16xi32>
    %sub3A_289 = arith.subi %select_n3A_283, %sub3A_288 : vector<16xi32>
    %select_n3A_290 = arith.select %ge3A_286, %sub3A_289, %select_n3A_283 : vector<16xi1>, vector<16xi32>
    %ge3A_291 = arith.constant 1111111 : i32
    %ge3A_292 = vector.broadcast %ge3A_291 : i32 to vector<16xi32>
    %ge3A_293 = arith.cmpi sge, %get3A_256, %ge3A_292 : vector<16xi32>
    %select_n3A_294 = arith.select %ge3A_293, %select_n3A_290, %get3A_256 : vector<16xi1>, vector<16xi32>
    %jit3A_295 = arith.constant 1111111 : i32
    %jit3A_296 = arith.constant 1 : i32
    %broadcast_in_dim3A_297 = vector.broadcast %jit3A_295 : i32 to vector<16xi32>
    %broadcast_in_dim3A_298 = vector.broadcast %jit3A_296 : i32 to vector<16xi32>
    %select_n3A_299 = arith.select %ge3A_293, %broadcast_in_dim3A_297, %broadcast_in_dim3A_298 : vector<16xi1>, vector<16xi32>
    %mul3A_300 = arith.constant 10 : i32
    %mul3A_301 = vector.broadcast %mul3A_300 : i32 to vector<16xi32>
    %mul3A_302 = arith.muli %select_n3A_294, %mul3A_301 : vector<16xi32>
    %add3A_303 = arith.addi %mul3A_302, %get3A_259 : vector<16xi32>
    %add3A_304 = arith.addi %add3A_303, %select_n3A_299 : vector<16xi32>
    %swap3A_305 = arith.constant 64 : index
    %swap3A_306 = tpu.vector_load %arg7[%swap3A_305] {strides = array<i32>} : memref<1024xi32, #tpu.memory_space<vmem>>, vector<16xi32>,
    %swap3A_307 = vector.shape_cast %swap3A_306 : vector<16xi32> to vector<16xi32>
    %swap3A_308 = vector.shape_cast %add3A_304 : vector<16xi32> to vector<16xi32>
    tpu.vector_store %arg7[%swap3A_305], %swap3A_308 {strides = array<i32>} : memref<1024xi32, #tpu.memory_space<vmem>>, vector<16xi32>,
    %get3A_309 = arith.constant 80 : index
    %get3A_310 = tpu.vector_load %arg5[%get3A_309] {strides = array<i32>} : memref<1024xi32, #tpu.memory_space<vmem>>, vector<16xi32>,
    %get3A_311 = vector.shape_cast %get3A_310 : vector<16xi32> to vector<16xi32>
    %get3A_312 = arith.constant 80 : index
    %get3A_313 = tpu.vector_load %arg6[%get3A_312] {strides = array<i32>} : memref<1024xi32, #tpu.memory_space<vmem>>, vector<16xi32>,
    %get3A_314 = vector.shape_cast %get3A_313 : vector<16xi32> to vector<16xi32>
    %sub3A_315 = arith.constant 1111111 : i32
    %sub3A_316 = vector.broadcast %sub3A_315 : i32 to vector<16xi32>
    %sub3A_317 = arith.subi %get3A_311, %sub3A_316 : vector<16xi32>
    %ge3A_318 = arith.constant 8000000 : i32
    %ge3A_319 = vector.broadcast %ge3A_318 : i32 to vector<16xi32>
    %ge3A_320 = arith.cmpi sge, %sub3A_317, %ge3A_319 : vector<16xi32>
    %sub3A_321 = arith.constant 8000000 : i32
    %sub3A_322 = vector.broadcast %sub3A_321 : i32 to vector<16xi32>
    %sub3A_323 = arith.subi %sub3A_317, %sub3A_322 : vector<16xi32>
    %select_n3A_324 = arith.select %ge3A_320, %sub3A_323, %sub3A_317 : vector<16xi1>, vector<16xi32>
    %ge3A_325 = arith.constant 4000000 : i32
    %ge3A_326 = vector.broadcast %ge3A_325 : i32 to vector<16xi32>
    %ge3A_327 = arith.cmpi sge, %select_n3A_324, %ge3A_326 : vector<16xi32>
    %sub3A_328 = arith.constant 4000000 : i32
    %sub3A_329 = vector.broadcast %sub3A_328 : i32 to vector<16xi32>
    %sub3A_330 = arith.subi %select_n3A_324, %sub3A_329 : vector<16xi32>
    %select_n3A_331 = arith.select %ge3A_327, %sub3A_330, %select_n3A_324 : vector<16xi1>, vector<16xi32>
    %ge3A_332 = arith.constant 2000000 : i32
    %ge3A_333 = vector.broadcast %ge3A_332 : i32 to vector<16xi32>
    %ge3A_334 = arith.cmpi sge, %select_n3A_331, %ge3A_333 : vector<16xi32>
    %sub3A_335 = arith.constant 2000000 : i32
    %sub3A_336 = vector.broadcast %sub3A_335 : i32 to vector<16xi32>
    %sub3A_337 = arith.subi %select_n3A_331, %sub3A_336 : vector<16xi32>
    %select_n3A_338 = arith.select %ge3A_334, %sub3A_337, %select_n3A_331 : vector<16xi1>, vector<16xi32>
    %ge3A_339 = arith.constant 1000000 : i32
    %ge3A_340 = vector.broadcast %ge3A_339 : i32 to vector<16xi32>
    %ge3A_341 = arith.cmpi sge, %select_n3A_338, %ge3A_340 : vector<16xi32>
    %sub3A_342 = arith.constant 1000000 : i32
    %sub3A_343 = vector.broadcast %sub3A_342 : i32 to vector<16xi32>
    %sub3A_344 = arith.subi %select_n3A_338, %sub3A_343 : vector<16xi32>
    %select_n3A_345 = arith.select %ge3A_341, %sub3A_344, %select_n3A_338 : vector<16xi1>, vector<16xi32>
    %ge3A_346 = arith.constant 1111111 : i32
    %ge3A_347 = vector.broadcast %ge3A_346 : i32 to vector<16xi32>
    %ge3A_348 = arith.cmpi sge, %get3A_311, %ge3A_347 : vector<16xi32>
    %select_n3A_349 = arith.select %ge3A_348, %select_n3A_345, %get3A_311 : vector<16xi1>, vector<16xi32>
    %jit3A_350 = arith.constant 1111111 : i32
    %jit3A_351 = arith.constant 1 : i32
    %broadcast_in_dim3A_352 = vector.broadcast %jit3A_350 : i32 to vector<16xi32>
    %broadcast_in_dim3A_353 = vector.broadcast %jit3A_351 : i32 to vector<16xi32>
    %select_n3A_354 = arith.select %ge3A_348, %broadcast_in_dim3A_352, %broadcast_in_dim3A_353 : vector<16xi1>, vector<16xi32>
    %mul3A_355 = arith.constant 10 : i32
    %mul3A_356 = vector.broadcast %mul3A_355 : i32 to vector<16xi32>
    %mul3A_357 = arith.muli %select_n3A_349, %mul3A_356 : vector<16xi32>
    %add3A_358 = arith.addi %mul3A_357, %get3A_314 : vector<16xi32>
    %add3A_359 = arith.addi %add3A_358, %select_n3A_354 : vector<16xi32>
    %swap3A_360 = arith.constant 80 : index
    %swap3A_361 = tpu.vector_load %arg7[%swap3A_360] {strides = array<i32>} : memref<1024xi32, #tpu.memory_space<vmem>>, vector<16xi32>,
    %swap3A_362 = vector.shape_cast %swap3A_361 : vector<16xi32> to vector<16xi32>
    %swap3A_363 = vector.shape_cast %add3A_359 : vector<16xi32> to vector<16xi32>
    tpu.vector_store %arg7[%swap3A_360], %swap3A_363 {strides = array<i32>} : memref<1024xi32, #tpu.memory_space<vmem>>, vector<16xi32>,
    %get3A_364 = arith.constant 96 : index
    %get3A_365 = tpu.vector_load %arg5[%get3A_364] {strides = array<i32>} : memref<1024xi32, #tpu.memory_space<vmem>>, vector<16xi32>,
    %get3A_366 = vector.shape_cast %get3A_365 : vector<16xi32> to vector<16xi32>
    %get3A_367 = arith.constant 96 : index
    %get3A_368 = tpu.vector_load %arg6[%get3A_367] {strides = array<i32>} : memref<1024xi32, #tpu.memory_space<vmem>>, vector<16xi32>,
    %get3A_369 = vector.shape_cast %get3A_368 : vector<16xi32> to vector<16xi32>
    %sub3A_370 = arith.constant 1111111 : i32
    %sub3A_371 = vector.broadcast %sub3A_370 : i32 to vector<16xi32>
    %sub3A_372 = arith.subi %get3A_366, %sub3A_371 : vector<16xi32>
    %ge3A_373 = arith.constant 8000000 : i32
    %ge3A_374 = vector.broadcast %ge3A_373 : i32 to vector<16xi32>
    %ge3A_375 = arith.cmpi sge, %sub3A_372, %ge3A_374 : vector<16xi32>
    %sub3A_376 = arith.constant 8000000 : i32
    %sub3A_377 = vector.broadcast %sub3A_376 : i32 to vector<16xi32>
    %sub3A_378 = arith.subi %sub3A_372, %sub3A_377 : vector<16xi32>
    %select_n3A_379 = arith.select %ge3A_375, %sub3A_378, %sub3A_372 : vector<16xi1>, vector<16xi32>
    %ge3A_380 = arith.constant 4000000 : i32
    %ge3A_381 = vector.broadcast %ge3A_380 : i32 to vector<16xi32>
    %ge3A_382 = arith.cmpi sge, %select_n3A_379, %ge3A_381 : vector<16xi32>
    %sub3A_383 = arith.constant 4000000 : i32
    %sub3A_384 = vector.broadcast %sub3A_383 : i32 to vector<16xi32>
    %sub3A_385 = arith.subi %select_n3A_379, %sub3A_384 : vector<16xi32>
    %select_n3A_386 = arith.select %ge3A_382, %sub3A_385, %select_n3A_379 : vector<16xi1>, vector<16xi32>
    %ge3A_387 = arith.constant 2000000 : i32
    %ge3A_388 = vector.broadcast %ge3A_387 : i32 to vector<16xi32>
    %ge3A_389 = arith.cmpi sge, %select_n3A_386, %ge3A_388 : vector<16xi32>
    %sub3A_390 = arith.constant 2000000 : i32
    %sub3A_391 = vector.broadcast %sub3A_390 : i32 to vector<16xi32>
    %sub3A_392 = arith.subi %select_n3A_386, %sub3A_391 : vector<16xi32>
    %select_n3A_393 = arith.select %ge3A_389, %sub3A_392, %select_n3A_386 : vector<16xi1>, vector<16xi32>
    %ge3A_394 = arith.constant 1000000 : i32
    %ge3A_395 = vector.broadcast %ge3A_394 : i32 to vector<16xi32>
    %ge3A_396 = arith.cmpi sge, %select_n3A_393, %ge3A_395 : vector<16xi32>
    %sub3A_397 = arith.constant 1000000 : i32
    %sub3A_398 = vector.broadcast %sub3A_397 : i32 to vector<16xi32>
    %sub3A_399 = arith.subi %select_n3A_393, %sub3A_398 : vector<16xi32>
    %select_n3A_400 = arith.select %ge3A_396, %sub3A_399, %select_n3A_393 : vector<16xi1>, vector<16xi32>
    %ge3A_401 = arith.constant 1111111 : i32
    %ge3A_402 = vector.broadcast %ge3A_401 : i32 to vector<16xi32>
    %ge3A_403 = arith.cmpi sge, %get3A_366, %ge3A_402 : vector<16xi32>
    %select_n3A_404 = arith.select %ge3A_403, %select_n3A_400, %get3A_366 : vector<16xi1>, vector<16xi32>
    %jit3A_405 = arith.constant 1111111 : i32
    %jit3A_406 = arith.constant 1 : i32
    %broadcast_in_dim3A_407 = vector.broadcast %jit3A_405 : i32 to vector<16xi32>
    %broadcast_in_dim3A_408 = vector.broadcast %jit3A_406 : i32 to vector<16xi32>
    %select_n3A_409 = arith.select %ge3A_403, %broadcast_in_dim3A_407, %broadcast_in_dim3A_408 : vector<16xi1>, vector<16xi32>
    %mul3A_410 = arith.constant 10 : i32
    %mul3A_411 = vector.broadcast %mul3A_410 : i32 to vector<16xi32>
    %mul3A_412 = arith.muli %select_n3A_404, %mul3A_411 : vector<16xi32>
    %add3A_413 = arith.addi %mul3A_412, %get3A_369 : vector<16xi32>
    %add3A_414 = arith.addi %add3A_413, %select_n3A_409 : vector<16xi32>
    %swap3A_415 = arith.constant 96 : index
    %swap3A_416 = tpu.vector_load %arg7[%swap3A_415] {strides = array<i32>} : memref<1024xi32, #tpu.memory_space<vmem>>, vector<16xi32>,
    %swap3A_417 = vector.shape_cast %swap3A_416 : vector<16xi32> to vector<16xi32>
    %swap3A_418 = vector.shape_cast %add3A_414 : vector<16xi32> to vector<16xi32>
    tpu.vector_store %arg7[%swap3A_415], %swap3A_418 {strides = array<i32>} : memref<1024xi32, #tpu.memory_space<vmem>>, vector<16xi32>,
    %get3A_419 = arith.constant 112 : index
    %get3A_420 = tpu.vector_load %arg5[%get3A_419] {strides = array<i32>} : memref<1024xi32, #tpu.memory_space<vmem>>, vector<16xi32>,
    %get3A_421 = vector.shape_cast %get3A_420 : vector<16xi32> to vector<16xi32>
    %get3A_422 = arith.constant 112 : index
    %get3A_423 = tpu.vector_load %arg6[%get3A_422] {strides = array<i32>} : memref<1024xi32, #tpu.memory_space<vmem>>, vector<16xi32>,
    %get3A_424 = vector.shape_cast %get3A_423 : vector<16xi32> to vector<16xi32>
    %sub3A_425 = arith.constant 1111111 : i32
    %sub3A_426 = vector.broadcast %sub3A_425 : i32 to vector<16xi32>
    %sub3A_427 = arith.subi %get3A_421, %sub3A_426 : vector<16xi32>
    %ge3A_428 = arith.constant 8000000 : i32
    %ge3A_429 = vector.broadcast %ge3A_428 : i32 to vector<16xi32>
    %ge3A_430 = arith.cmpi sge, %sub3A_427, %ge3A_429 : vector<16xi32>
    %sub3A_431 = arith.constant 8000000 : i32
    %sub3A_432 = vector.broadcast %sub3A_431 : i32 to vector<16xi32>
    %sub3A_433 = arith.subi %sub3A_427, %sub3A_432 : vector<16xi32>
    %select_n3A_434 = arith.select %ge3A_430, %sub3A_433, %sub3A_427 : vector<16xi1>, vector<16xi32>
    %ge3A_435 = arith.constant 4000000 : i32
    %ge3A_436 = vector.broadcast %ge3A_435 : i32 to vector<16xi32>
    %ge3A_437 = arith.cmpi sge, %select_n3A_434, %ge3A_436 : vector<16xi32>
    %sub3A_438 = arith.constant 4000000 : i32
    %sub3A_439 = vector.broadcast %sub3A_438 : i32 to vector<16xi32>
    %sub3A_440 = arith.subi %select_n3A_434, %sub3A_439 : vector<16xi32>
    %select_n3A_441 = arith.select %ge3A_437, %sub3A_440, %select_n3A_434 : vector<16xi1>, vector<16xi32>
    %ge3A_442 = arith.constant 2000000 : i32
    %ge3A_443 = vector.broadcast %ge3A_442 : i32 to vector<16xi32>
    %ge3A_444 = arith.cmpi sge, %select_n3A_441, %ge3A_443 : vector<16xi32>
    %sub3A_445 = arith.constant 2000000 : i32
    %sub3A_446 = vector.broadcast %sub3A_445 : i32 to vector<16xi32>
    %sub3A_447 = arith.subi %select_n3A_441, %sub3A_446 : vector<16xi32>
    %select_n3A_448 = arith.select %ge3A_444, %sub3A_447, %select_n3A_441 : vector<16xi1>, vector<16xi32>
    %ge3A_449 = arith.constant 1000000 : i32
    %ge3A_450 = vector.broadcast %ge3A_449 : i32 to vector<16xi32>
    %ge3A_451 = arith.cmpi sge, %select_n3A_448, %ge3A_450 : vector<16xi32>
    %sub3A_452 = arith.constant 1000000 : i32
    %sub3A_453 = vector.broadcast %sub3A_452 : i32 to vector<16xi32>
    %sub3A_454 = arith.subi %select_n3A_448, %sub3A_453 : vector<16xi32>
    %select_n3A_455 = arith.select %ge3A_451, %sub3A_454, %select_n3A_448 : vector<16xi1>, vector<16xi32>
    %ge3A_456 = arith.constant 1111111 : i32
    %ge3A_457 = vector.broadcast %ge3A_456 : i32 to vector<16xi32>
    %ge3A_458 = arith.cmpi sge, %get3A_421, %ge3A_457 : vector<16xi32>
    %select_n3A_459 = arith.select %ge3A_458, %select_n3A_455, %get3A_421 : vector<16xi1>, vector<16xi32>
    %jit3A_460 = arith.constant 1111111 : i32
    %jit3A_461 = arith.constant 1 : i32
    %broadcast_in_dim3A_462 = vector.broadcast %jit3A_460 : i32 to vector<16xi32>
    %broadcast_in_dim3A_463 = vector.broadcast %jit3A_461 : i32 to vector<16xi32>
    %select_n3A_464 = arith.select %ge3A_458, %broadcast_in_dim3A_462, %broadcast_in_dim3A_463 : vector<16xi1>, vector<16xi32>
    %mul3A_465 = arith.constant 10 : i32
    %mul3A_466 = vector.broadcast %mul3A_465 : i32 to vector<16xi32>
    %mul3A_467 = arith.muli %select_n3A_459, %mul3A_466 : vector<16xi32>
    %add3A_468 = arith.addi %mul3A_467, %get3A_424 : vector<16xi32>
    %add3A_469 = arith.addi %add3A_468, %select_n3A_464 : vector<16xi32>
    %swap3A_470 = arith.constant 112 : index
    %swap3A_471 = tpu.vector_load %arg7[%swap3A_470] {strides = array<i32>} : memref<1024xi32, #tpu.memory_space<vmem>>, vector<16xi32>,
    %swap3A_472 = vector.shape_cast %swap3A_471 : vector<16xi32> to vector<16xi32>
    %swap3A_473 = vector.shape_cast %add3A_469 : vector<16xi32> to vector<16xi32>
    tpu.vector_store %arg7[%swap3A_470], %swap3A_473 {strides = array<i32>} : memref<1024xi32, #tpu.memory_space<vmem>>, vector<16xi32>,
    %get3A_474 = arith.constant 128 : index
    %get3A_475 = tpu.vector_load %arg5[%get3A_474] {strides = array<i32>} : memref<1024xi32, #tpu.memory_space<vmem>>, vector<16xi32>,
    %get3A_476 = vector.shape_cast %get3A_475 : vector<16xi32> to vector<16xi32>
    %get3A_477 = arith.constant 128 : index
    %get3A_478 = tpu.vector_load %arg6[%get3A_477] {strides = array<i32>} : memref<1024xi32, #tpu.memory_space<vmem>>, vector<16xi32>,
    %get3A_479 = vector.shape_cast %get3A_478 : vector<16xi32> to vector<16xi32>
    %sub3A_480 = arith.constant 1111111 : i32
    %sub3A_481 = vector.broadcast %sub3A_480 : i32 to vector<16xi32>
    %sub3A_482 = arith.subi %get3A_476, %sub3A_481 : vector<16xi32>
    %ge3A_483 = arith.constant 8000000 : i32
    %ge3A_484 = vector.broadcast %ge3A_483 : i32 to vector<16xi32>
    %ge3A_485 = arith.cmpi sge, %sub3A_482, %ge3A_484 : vector<16xi32>
    %sub3A_486 = arith.constant 8000000 : i32
    %sub3A_487 = vector.broadcast %sub3A_486 : i32 to vector<16xi32>
    %sub3A_488 = arith.subi %sub3A_482, %sub3A_487 : vector<16xi32>
    %select_n3A_489 = arith.select %ge3A_485, %sub3A_488, %sub3A_482 : vector<16xi1>, vector<16xi32>
    %ge3A_490 = arith.constant 4000000 : i32
    %ge3A_491 = vector.broadcast %ge3A_490 : i32 to vector<16xi32>
    %ge3A_492 = arith.cmpi sge, %select_n3A_489, %ge3A_491 : vector<16xi32>
    %sub3A_493 = arith.constant 4000000 : i32
    %sub3A_494 = vector.broadcast %sub3A_493 : i32 to vector<16xi32>
    %sub3A_495 = arith.subi %select_n3A_489, %sub3A_494 : vector<16xi32>
    %select_n3A_496 = arith.select %ge3A_492, %sub3A_495, %select_n3A_489 : vector<16xi1>, vector<16xi32>
    %ge3A_497 = arith.constant 2000000 : i32
    %ge3A_498 = vector.broadcast %ge3A_497 : i32 to vector<16xi32>
    %ge3A_499 = arith.cmpi sge, %select_n3A_496, %ge3A_498 : vector<16xi32>
    %sub3A_500 = arith.constant 2000000 : i32
    %sub3A_501 = vector.broadcast %sub3A_500 : i32 to vector<16xi32>
    %sub3A_502 = arith.subi %select_n3A_496, %sub3A_501 : vector<16xi32>
    %select_n3A_503 = arith.select %ge3A_499, %sub3A_502, %select_n3A_496 : vector<16xi1>, vector<16xi32>
    %ge3A_504 = arith.constant 1000000 : i32
    %ge3A_505 = vector.broadcast %ge3A_504 : i32 to vector<16xi32>
    %ge3A_506 = arith.cmpi sge, %select_n3A_503, %ge3A_505 : vector<16xi32>
    %sub3A_507 = arith.constant 1000000 : i32
    %sub3A_508 = vector.broadcast %sub3A_507 : i32 to vector<16xi32>
    %sub3A_509 = arith.subi %select_n3A_503, %sub3A_508 : vector<16xi32>
    %select_n3A_510 = arith.select %ge3A_506, %sub3A_509, %select_n3A_503 : vector<16xi1>, vector<16xi32>
    %ge3A_511 = arith.constant 1111111 : i32
    %ge3A_512 = vector.broadcast %ge3A_511 : i32 to vector<16xi32>
    %ge3A_513 = arith.cmpi sge, %get3A_476, %ge3A_512 : vector<16xi32>
    %select_n3A_514 = arith.select %ge3A_513, %select_n3A_510, %get3A_476 : vector<16xi1>, vector<16xi32>
    %jit3A_515 = arith.constant 1111111 : i32
    %jit3A_516 = arith.constant 1 : i32
    %broadcast_in_dim3A_517 = vector.broadcast %jit3A_515 : i32 to vector<16xi32>
    %broadcast_in_dim3A_518 = vector.broadcast %jit3A_516 : i32 to vector<16xi32>
    %select_n3A_519 = arith.select %ge3A_513, %broadcast_in_dim3A_517, %broadcast_in_dim3A_518 : vector<16xi1>, vector<16xi32>
    %mul3A_520 = arith.constant 10 : i32
    %mul3A_521 = vector.broadcast %mul3A_520 : i32 to vector<16xi32>
    %mul3A_522 = arith.muli %select_n3A_514, %mul3A_521 : vector<16xi32>
    %add3A_523 = arith.addi %mul3A_522, %get3A_479 : vector<16xi32>
    %add3A_524 = arith.addi %add3A_523, %select_n3A_519 : vector<16xi32>
    %swap3A_525 = arith.constant 128 : index
    %swap3A_526 = tpu.vector_load %arg7[%swap3A_525] {strides = array<i32>} : memref<1024xi32, #tpu.memory_space<vmem>>, vector<16xi32>,
    %swap3A_527 = vector.shape_cast %swap3A_526 : vector<16xi32> to vector<16xi32>
    %swap3A_528 = vector.shape_cast %add3A_524 : vector<16xi32> to vector<16xi32>
    tpu.vector_store %arg7[%swap3A_525], %swap3A_528 {strides = array<i32>} : memref<1024xi32, #tpu.memory_space<vmem>>, vector<16xi32>,
    %get3A_529 = arith.constant 144 : index
    %get3A_530 = tpu.vector_load %arg5[%get3A_529] {strides = array<i32>} : memref<1024xi32, #tpu.memory_space<vmem>>, vector<16xi32>,
    %get3A_531 = vector.shape_cast %get3A_530 : vector<16xi32> to vector<16xi32>
    %get3A_532 = arith.constant 144 : index
    %get3A_533 = tpu.vector_load %arg6[%get3A_532] {strides = array<i32>} : memref<1024xi32, #tpu.memory_space<vmem>>, vector<16xi32>,
    %get3A_534 = vector.shape_cast %get3A_533 : vector<16xi32> to vector<16xi32>
    %sub3A_535 = arith.constant 1111111 : i32
    %sub3A_536 = vector.broadcast %sub3A_535 : i32 to vector<16xi32>
    %sub3A_537 = arith.subi %get3A_531, %sub3A_536 : vector<16xi32>
    %ge3A_538 = arith.constant 8000000 : i32
    %ge3A_539 = vector.broadcast %ge3A_538 : i32 to vector<16xi32>
    %ge3A_540 = arith.cmpi sge, %sub3A_537, %ge3A_539 : vector<16xi32>
    %sub3A_541 = arith.constant 8000000 : i32
    %sub3A_542 = vector.broadcast %sub3A_541 : i32 to vector<16xi32>
    %sub3A_543 = arith.subi %sub3A_537, %sub3A_542 : vector<16xi32>
    %select_n3A_544 = arith.select %ge3A_540, %sub3A_543, %sub3A_537 : vector<16xi1>, vector<16xi32>
    %ge3A_545 = arith.constant 4000000 : i32
    %ge3A_546 = vector.broadcast %ge3A_545 : i32 to vector<16xi32>
    %ge3A_547 = arith.cmpi sge, %select_n3A_544, %ge3A_546 : vector<16xi32>
    %sub3A_548 = arith.constant 4000000 : i32
    %sub3A_549 = vector.broadcast %sub3A_548 : i32 to vector<16xi32>
    %sub3A_550 = arith.subi %select_n3A_544, %sub3A_549 : vector<16xi32>
    %select_n3A_551 = arith.select %ge3A_547, %sub3A_550, %select_n3A_544 : vector<16xi1>, vector<16xi32>
    %ge3A_552 = arith.constant 2000000 : i32
    %ge3A_553 = vector.broadcast %ge3A_552 : i32 to vector<16xi32>
    %ge3A_554 = arith.cmpi sge, %select_n3A_551, %ge3A_553 : vector<16xi32>
    %sub3A_555 = arith.constant 2000000 : i32
    %sub3A_556 = vector.broadcast %sub3A_555 : i32 to vector<16xi32>
    %sub3A_557 = arith.subi %select_n3A_551, %sub3A_556 : vector<16xi32>
    %select_n3A_558 = arith.select %ge3A_554, %sub3A_557, %select_n3A_551 : vector<16xi1>, vector<16xi32>
    %ge3A_559 = arith.constant 1000000 : i32
    %ge3A_560 = vector.broadcast %ge3A_559 : i32 to vector<16xi32>
    %ge3A_561 = arith.cmpi sge, %select_n3A_558, %ge3A_560 : vector<16xi32>
    %sub3A_562 = arith.constant 1000000 : i32
    %sub3A_563 = vector.broadcast %sub3A_562 : i32 to vector<16xi32>
    %sub3A_564 = arith.subi %select_n3A_558, %sub3A_563 : vector<16xi32>
    %select_n3A_565 = arith.select %ge3A_561, %sub3A_564, %select_n3A_558 : vector<16xi1>, vector<16xi32>
    %ge3A_566 = arith.constant 1111111 : i32
    %ge3A_567 = vector.broadcast %ge3A_566 : i32 to vector<16xi32>
    %ge3A_568 = arith.cmpi sge, %get3A_531, %ge3A_567 : vector<16xi32>
    %select_n3A_569 = arith.select %ge3A_568, %select_n3A_565, %get3A_531 : vector<16xi1>, vector<16xi32>
    %jit3A_570 = arith.constant 1111111 : i32
    %jit3A_571 = arith.constant 1 : i32
    %broadcast_in_dim3A_572 = vector.broadcast %jit3A_570 : i32 to vector<16xi32>
    %broadcast_in_dim3A_573 = vector.broadcast %jit3A_571 : i32 to vector<16xi32>
    %select_n3A_574 = arith.select %ge3A_568, %broadcast_in_dim3A_572, %broadcast_in_dim3A_573 : vector<16xi1>, vector<16xi32>
    %mul3A_575 = arith.constant 10 : i32
    %mul3A_576 = vector.broadcast %mul3A_575 : i32 to vector<16xi32>
    %mul3A_577 = arith.muli %select_n3A_569, %mul3A_576 : vector<16xi32>
    %add3A_578 = arith.addi %mul3A_577, %get3A_534 : vector<16xi32>
    %add3A_579 = arith.addi %add3A_578, %select_n3A_574 : vector<16xi32>
    %swap3A_580 = arith.constant 144 : index
    %swap3A_581 = tpu.vector_load %arg7[%swap3A_580] {strides = array<i32>} : memref<1024xi32, #tpu.memory_space<vmem>>, vector<16xi32>,
    %swap3A_582 = vector.shape_cast %swap3A_581 : vector<16xi32> to vector<16xi32>
    %swap3A_583 = vector.shape_cast %add3A_579 : vector<16xi32> to vector<16xi32>
    tpu.vector_store %arg7[%swap3A_580], %swap3A_583 {strides = array<i32>} : memref<1024xi32, #tpu.memory_space<vmem>>, vector<16xi32>,
    %get3A_584 = arith.constant 160 : index
    %get3A_585 = tpu.vector_load %arg5[%get3A_584] {strides = array<i32>} : memref<1024xi32, #tpu.memory_space<vmem>>, vector<16xi32>,
    %get3A_586 = vector.shape_cast %get3A_585 : vector<16xi32> to vector<16xi32>
    %get3A_587 = arith.constant 160 : index
    %get3A_588 = tpu.vector_load %arg6[%get3A_587] {strides = array<i32>} : memref<1024xi32, #tpu.memory_space<vmem>>, vector<16xi32>,
    %get3A_589 = vector.shape_cast %get3A_588 : vector<16xi32> to vector<16xi32>
    %sub3A_590 = arith.constant 1111111 : i32
    %sub3A_591 = vector.broadcast %sub3A_590 : i32 to vector<16xi32>
    %sub3A_592 = arith.subi %get3A_586, %sub3A_591 : vector<16xi32>
    %ge3A_593 = arith.constant 8000000 : i32
    %ge3A_594 = vector.broadcast %ge3A_593 : i32 to vector<16xi32>
    %ge3A_595 = arith.cmpi sge, %sub3A_592, %ge3A_594 : vector<16xi32>
    %sub3A_596 = arith.constant 8000000 : i32
    %sub3A_597 = vector.broadcast %sub3A_596 : i32 to vector<16xi32>
    %sub3A_598 = arith.subi %sub3A_592, %sub3A_597 : vector<16xi32>
    %select_n3A_599 = arith.select %ge3A_595, %sub3A_598, %sub3A_592 : vector<16xi1>, vector<16xi32>
    %ge3A_600 = arith.constant 4000000 : i32
    %ge3A_601 = vector.broadcast %ge3A_600 : i32 to vector<16xi32>
    %ge3A_602 = arith.cmpi sge, %select_n3A_599, %ge3A_601 : vector<16xi32>
    %sub3A_603 = arith.constant 4000000 : i32
    %sub3A_604 = vector.broadcast %sub3A_603 : i32 to vector<16xi32>
    %sub3A_605 = arith.subi %select_n3A_599, %sub3A_604 : vector<16xi32>
    %select_n3A_606 = arith.select %ge3A_602, %sub3A_605, %select_n3A_599 : vector<16xi1>, vector<16xi32>
    %ge3A_607 = arith.constant 2000000 : i32
    %ge3A_608 = vector.broadcast %ge3A_607 : i32 to vector<16xi32>
    %ge3A_609 = arith.cmpi sge, %select_n3A_606, %ge3A_608 : vector<16xi32>
    %sub3A_610 = arith.constant 2000000 : i32
    %sub3A_611 = vector.broadcast %sub3A_610 : i32 to vector<16xi32>
    %sub3A_612 = arith.subi %select_n3A_606, %sub3A_611 : vector<16xi32>
    %select_n3A_613 = arith.select %ge3A_609, %sub3A_612, %select_n3A_606 : vector<16xi1>, vector<16xi32>
    %ge3A_614 = arith.constant 1000000 : i32
    %ge3A_615 = vector.broadcast %ge3A_614 : i32 to vector<16xi32>
    %ge3A_616 = arith.cmpi sge, %select_n3A_613, %ge3A_615 : vector<16xi32>
    %sub3A_617 = arith.constant 1000000 : i32
    %sub3A_618 = vector.broadcast %sub3A_617 : i32 to vector<16xi32>
    %sub3A_619 = arith.subi %select_n3A_613, %sub3A_618 : vector<16xi32>
    %select_n3A_620 = arith.select %ge3A_616, %sub3A_619, %select_n3A_613 : vector<16xi1>, vector<16xi32>
    %ge3A_621 = arith.constant 1111111 : i32
    %ge3A_622 = vector.broadcast %ge3A_621 : i32 to vector<16xi32>
    %ge3A_623 = arith.cmpi sge, %get3A_586, %ge3A_622 : vector<16xi32>
    %select_n3A_624 = arith.select %ge3A_623, %select_n3A_620, %get3A_586 : vector<16xi1>, vector<16xi32>
    %jit3A_625 = arith.constant 1111111 : i32
    %jit3A_626 = arith.constant 1 : i32
    %broadcast_in_dim3A_627 = vector.broadcast %jit3A_625 : i32 to vector<16xi32>
    %broadcast_in_dim3A_628 = vector.broadcast %jit3A_626 : i32 to vector<16xi32>
    %select_n3A_629 = arith.select %ge3A_623, %broadcast_in_dim3A_627, %broadcast_in_dim3A_628 : vector<16xi1>, vector<16xi32>
    %mul3A_630 = arith.constant 10 : i32
    %mul3A_631 = vector.broadcast %mul3A_630 : i32 to vector<16xi32>
    %mul3A_632 = arith.muli %select_n3A_624, %mul3A_631 : vector<16xi32>
    %add3A_633 = arith.addi %mul3A_632, %get3A_589 : vector<16xi32>
    %add3A_634 = arith.addi %add3A_633, %select_n3A_629 : vector<16xi32>
    %swap3A_635 = arith.constant 160 : index
    %swap3A_636 = tpu.vector_load %arg7[%swap3A_635] {strides = array<i32>} : memref<1024xi32, #tpu.memory_space<vmem>>, vector<16xi32>,
    %swap3A_637 = vector.shape_cast %swap3A_636 : vector<16xi32> to vector<16xi32>
    %swap3A_638 = vector.shape_cast %add3A_634 : vector<16xi32> to vector<16xi32>
    tpu.vector_store %arg7[%swap3A_635], %swap3A_638 {strides = array<i32>} : memref<1024xi32, #tpu.memory_space<vmem>>, vector<16xi32>,
    %get3A_639 = arith.constant 176 : index
    %get3A_640 = tpu.vector_load %arg5[%get3A_639] {strides = array<i32>} : memref<1024xi32, #tpu.memory_space<vmem>>, vector<16xi32>,
    %get3A_641 = vector.shape_cast %get3A_640 : vector<16xi32> to vector<16xi32>
    %get3A_642 = arith.constant 176 : index
    %get3A_643 = tpu.vector_load %arg6[%get3A_642] {strides = array<i32>} : memref<1024xi32, #tpu.memory_space<vmem>>, vector<16xi32>,
    %get3A_644 = vector.shape_cast %get3A_643 : vector<16xi32> to vector<16xi32>
    %sub3A_645 = arith.constant 1111111 : i32
    %sub3A_646 = vector.broadcast %sub3A_645 : i32 to vector<16xi32>
    %sub3A_647 = arith.subi %get3A_641, %sub3A_646 : vector<16xi32>
    %ge3A_648 = arith.constant 8000000 : i32
    %ge3A_649 = vector.broadcast %ge3A_648 : i32 to vector<16xi32>
    %ge3A_650 = arith.cmpi sge, %sub3A_647, %ge3A_649 : vector<16xi32>
    %sub3A_651 = arith.constant 8000000 : i32
    %sub3A_652 = vector.broadcast %sub3A_651 : i32 to vector<16xi32>
    %sub3A_653 = arith.subi %sub3A_647, %sub3A_652 : vector<16xi32>
    %select_n3A_654 = arith.select %ge3A_650, %sub3A_653, %sub3A_647 : vector<16xi1>, vector<16xi32>
    %ge3A_655 = arith.constant 4000000 : i32
    %ge3A_656 = vector.broadcast %ge3A_655 : i32 to vector<16xi32>
    %ge3A_657 = arith.cmpi sge, %select_n3A_654, %ge3A_656 : vector<16xi32>
    %sub3A_658 = arith.constant 4000000 : i32
    %sub3A_659 = vector.broadcast %sub3A_658 : i32 to vector<16xi32>
    %sub3A_660 = arith.subi %select_n3A_654, %sub3A_659 : vector<16xi32>
    %select_n3A_661 = arith.select %ge3A_657, %sub3A_660, %select_n3A_654 : vector<16xi1>, vector<16xi32>
    %ge3A_662 = arith.constant 2000000 : i32
    %ge3A_663 = vector.broadcast %ge3A_662 : i32 to vector<16xi32>
    %ge3A_664 = arith.cmpi sge, %select_n3A_661, %ge3A_663 : vector<16xi32>
    %sub3A_665 = arith.constant 2000000 : i32
    %sub3A_666 = vector.broadcast %sub3A_665 : i32 to vector<16xi32>
    %sub3A_667 = arith.subi %select_n3A_661, %sub3A_666 : vector<16xi32>
    %select_n3A_668 = arith.select %ge3A_664, %sub3A_667, %select_n3A_661 : vector<16xi1>, vector<16xi32>
    %ge3A_669 = arith.constant 1000000 : i32
    %ge3A_670 = vector.broadcast %ge3A_669 : i32 to vector<16xi32>
    %ge3A_671 = arith.cmpi sge, %select_n3A_668, %ge3A_670 : vector<16xi32>
    %sub3A_672 = arith.constant 1000000 : i32
    %sub3A_673 = vector.broadcast %sub3A_672 : i32 to vector<16xi32>
    %sub3A_674 = arith.subi %select_n3A_668, %sub3A_673 : vector<16xi32>
    %select_n3A_675 = arith.select %ge3A_671, %sub3A_674, %select_n3A_668 : vector<16xi1>, vector<16xi32>
    %ge3A_676 = arith.constant 1111111 : i32
    %ge3A_677 = vector.broadcast %ge3A_676 : i32 to vector<16xi32>
    %ge3A_678 = arith.cmpi sge, %get3A_641, %ge3A_677 : vector<16xi32>
    %select_n3A_679 = arith.select %ge3A_678, %select_n3A_675, %get3A_641 : vector<16xi1>, vector<16xi32>
    %jit3A_680 = arith.constant 1111111 : i32
    %jit3A_681 = arith.constant 1 : i32
    %broadcast_in_dim3A_682 = vector.broadcast %jit3A_680 : i32 to vector<16xi32>
    %broadcast_in_dim3A_683 = vector.broadcast %jit3A_681 : i32 to vector<16xi32>
    %select_n3A_684 = arith.select %ge3A_678, %broadcast_in_dim3A_682, %broadcast_in_dim3A_683 : vector<16xi1>, vector<16xi32>
    %mul3A_685 = arith.constant 10 : i32
    %mul3A_686 = vector.broadcast %mul3A_685 : i32 to vector<16xi32>
    %mul3A_687 = arith.muli %select_n3A_679, %mul3A_686 : vector<16xi32>
    %add3A_688 = arith.addi %mul3A_687, %get3A_644 : vector<16xi32>
    %add3A_689 = arith.addi %add3A_688, %select_n3A_684 : vector<16xi32>
    %swap3A_690 = arith.constant 176 : index
    %swap3A_691 = tpu.vector_load %arg7[%swap3A_690] {strides = array<i32>} : memref<1024xi32, #tpu.memory_space<vmem>>, vector<16xi32>,
    %swap3A_692 = vector.shape_cast %swap3A_691 : vector<16xi32> to vector<16xi32>
    %swap3A_693 = vector.shape_cast %add3A_689 : vector<16xi32> to vector<16xi32>
    tpu.vector_store %arg7[%swap3A_690], %swap3A_693 {strides = array<i32>} : memref<1024xi32, #tpu.memory_space<vmem>>, vector<16xi32>,
    %get3A_694 = arith.constant 192 : index
    %get3A_695 = tpu.vector_load %arg5[%get3A_694] {strides = array<i32>} : memref<1024xi32, #tpu.memory_space<vmem>>, vector<16xi32>,
    %get3A_696 = vector.shape_cast %get3A_695 : vector<16xi32> to vector<16xi32>
    %get3A_697 = arith.constant 192 : index
    %get3A_698 = tpu.vector_load %arg6[%get3A_697] {strides = array<i32>} : memref<1024xi32, #tpu.memory_space<vmem>>, vector<16xi32>,
    %get3A_699 = vector.shape_cast %get3A_698 : vector<16xi32> to vector<16xi32>
    %sub3A_700 = arith.constant 1111111 : i32
    %sub3A_701 = vector.broadcast %sub3A_700 : i32 to vector<16xi32>
    %sub3A_702 = arith.subi %get3A_696, %sub3A_701 : vector<16xi32>
    %ge3A_703 = arith.constant 8000000 : i32
    %ge3A_704 = vector.broadcast %ge3A_703 : i32 to vector<16xi32>
    %ge3A_705 = arith.cmpi sge, %sub3A_702, %ge3A_704 : vector<16xi32>
    %sub3A_706 = arith.constant 8000000 : i32
    %sub3A_707 = vector.broadcast %sub3A_706 : i32 to vector<16xi32>
    %sub3A_708 = arith.subi %sub3A_702, %sub3A_707 : vector<16xi32>
    %select_n3A_709 = arith.select %ge3A_705, %sub3A_708, %sub3A_702 : vector<16xi1>, vector<16xi32>
    %ge3A_710 = arith.constant 4000000 : i32
    %ge3A_711 = vector.broadcast %ge3A_710 : i32 to vector<16xi32>
    %ge3A_712 = arith.cmpi sge, %select_n3A_709, %ge3A_711 : vector<16xi32>
    %sub3A_713 = arith.constant 4000000 : i32
    %sub3A_714 = vector.broadcast %sub3A_713 : i32 to vector<16xi32>
    %sub3A_715 = arith.subi %select_n3A_709, %sub3A_714 : vector<16xi32>
    %select_n3A_716 = arith.select %ge3A_712, %sub3A_715, %select_n3A_709 : vector<16xi1>, vector<16xi32>
    %ge3A_717 = arith.constant 2000000 : i32
    %ge3A_718 = vector.broadcast %ge3A_717 : i32 to vector<16xi32>
    %ge3A_719 = arith.cmpi sge, %select_n3A_716, %ge3A_718 : vector<16xi32>
    %sub3A_720 = arith.constant 2000000 : i32
    %sub3A_721 = vector.broadcast %sub3A_720 : i32 to vector<16xi32>
    %sub3A_722 = arith.subi %select_n3A_716, %sub3A_721 : vector<16xi32>
    %select_n3A_723 = arith.select %ge3A_719, %sub3A_722, %select_n3A_716 : vector<16xi1>, vector<16xi32>
    %ge3A_724 = arith.constant 1000000 : i32
    %ge3A_725 = vector.broadcast %ge3A_724 : i32 to vector<16xi32>
    %ge3A_726 = arith.cmpi sge, %select_n3A_723, %ge3A_725 : vector<16xi32>
    %sub3A_727 = arith.constant 1000000 : i32
    %sub3A_728 = vector.broadcast %sub3A_727 : i32 to vector<16xi32>
    %sub3A_729 = arith.subi %select_n3A_723, %sub3A_728 : vector<16xi32>
    %select_n3A_730 = arith.select %ge3A_726, %sub3A_729, %select_n3A_723 : vector<16xi1>, vector<16xi32>
    %ge3A_731 = arith.constant 1111111 : i32
    %ge3A_732 = vector.broadcast %ge3A_731 : i32 to vector<16xi32>
    %ge3A_733 = arith.cmpi sge, %get3A_696, %ge3A_732 : vector<16xi32>
    %select_n3A_734 = arith.select %ge3A_733, %select_n3A_730, %get3A_696 : vector<16xi1>, vector<16xi32>
    %jit3A_735 = arith.constant 1111111 : i32
    %jit3A_736 = arith.constant 1 : i32
    %broadcast_in_dim3A_737 = vector.broadcast %jit3A_735 : i32 to vector<16xi32>
    %broadcast_in_dim3A_738 = vector.broadcast %jit3A_736 : i32 to vector<16xi32>
    %select_n3A_739 = arith.select %ge3A_733, %broadcast_in_dim3A_737, %broadcast_in_dim3A_738 : vector<16xi1>, vector<16xi32>
    %mul3A_740 = arith.constant 10 : i32
    %mul3A_741 = vector.broadcast %mul3A_740 : i32 to vector<16xi32>
    %mul3A_742 = arith.muli %select_n3A_734, %mul3A_741 : vector<16xi32>
    %add3A_743 = arith.addi %mul3A_742, %get3A_699 : vector<16xi32>
    %add3A_744 = arith.addi %add3A_743, %select_n3A_739 : vector<16xi32>
    %swap3A_745 = arith.constant 192 : index
    %swap3A_746 = tpu.vector_load %arg7[%swap3A_745] {strides = array<i32>} : memref<1024xi32, #tpu.memory_space<vmem>>, vector<16xi32>,
    %swap3A_747 = vector.shape_cast %swap3A_746 : vector<16xi32> to vector<16xi32>
    %swap3A_748 = vector.shape_cast %add3A_744 : vector<16xi32> to vector<16xi32>
    tpu.vector_store %arg7[%swap3A_745], %swap3A_748 {strides = array<i32>} : memref<1024xi32, #tpu.memory_space<vmem>>, vector<16xi32>,
    %get3A_749 = arith.constant 208 : index
    %get3A_750 = tpu.vector_load %arg5[%get3A_749] {strides = array<i32>} : memref<1024xi32, #tpu.memory_space<vmem>>, vector<16xi32>,
    %get3A_751 = vector.shape_cast %get3A_750 : vector<16xi32> to vector<16xi32>
    %get3A_752 = arith.constant 208 : index
    %get3A_753 = tpu.vector_load %arg6[%get3A_752] {strides = array<i32>} : memref<1024xi32, #tpu.memory_space<vmem>>, vector<16xi32>,
    %get3A_754 = vector.shape_cast %get3A_753 : vector<16xi32> to vector<16xi32>
    %sub3A_755 = arith.constant 1111111 : i32
    %sub3A_756 = vector.broadcast %sub3A_755 : i32 to vector<16xi32>
    %sub3A_757 = arith.subi %get3A_751, %sub3A_756 : vector<16xi32>
    %ge3A_758 = arith.constant 8000000 : i32
    %ge3A_759 = vector.broadcast %ge3A_758 : i32 to vector<16xi32>
    %ge3A_760 = arith.cmpi sge, %sub3A_757, %ge3A_759 : vector<16xi32>
    %sub3A_761 = arith.constant 8000000 : i32
    %sub3A_762 = vector.broadcast %sub3A_761 : i32 to vector<16xi32>
    %sub3A_763 = arith.subi %sub3A_757, %sub3A_762 : vector<16xi32>
    %select_n3A_764 = arith.select %ge3A_760, %sub3A_763, %sub3A_757 : vector<16xi1>, vector<16xi32>
    %ge3A_765 = arith.constant 4000000 : i32
    %ge3A_766 = vector.broadcast %ge3A_765 : i32 to vector<16xi32>
    %ge3A_767 = arith.cmpi sge, %select_n3A_764, %ge3A_766 : vector<16xi32>
    %sub3A_768 = arith.constant 4000000 : i32
    %sub3A_769 = vector.broadcast %sub3A_768 : i32 to vector<16xi32>
    %sub3A_770 = arith.subi %select_n3A_764, %sub3A_769 : vector<16xi32>
    %select_n3A_771 = arith.select %ge3A_767, %sub3A_770, %select_n3A_764 : vector<16xi1>, vector<16xi32>
    %ge3A_772 = arith.constant 2000000 : i32
    %ge3A_773 = vector.broadcast %ge3A_772 : i32 to vector<16xi32>
    %ge3A_774 = arith.cmpi sge, %select_n3A_771, %ge3A_773 : vector<16xi32>
    %sub3A_775 = arith.constant 2000000 : i32
    %sub3A_776 = vector.broadcast %sub3A_775 : i32 to vector<16xi32>
    %sub3A_777 = arith.subi %select_n3A_771, %sub3A_776 : vector<16xi32>
    %select_n3A_778 = arith.select %ge3A_774, %sub3A_777, %select_n3A_771 : vector<16xi1>, vector<16xi32>
    %ge3A_779 = arith.constant 1000000 : i32
    %ge3A_780 = vector.broadcast %ge3A_779 : i32 to vector<16xi32>
    %ge3A_781 = arith.cmpi sge, %select_n3A_778, %ge3A_780 : vector<16xi32>
    %sub3A_782 = arith.constant 1000000 : i32
    %sub3A_783 = vector.broadcast %sub3A_782 : i32 to vector<16xi32>
    %sub3A_784 = arith.subi %select_n3A_778, %sub3A_783 : vector<16xi32>
    %select_n3A_785 = arith.select %ge3A_781, %sub3A_784, %select_n3A_778 : vector<16xi1>, vector<16xi32>
    %ge3A_786 = arith.constant 1111111 : i32
    %ge3A_787 = vector.broadcast %ge3A_786 : i32 to vector<16xi32>
    %ge3A_788 = arith.cmpi sge, %get3A_751, %ge3A_787 : vector<16xi32>
    %select_n3A_789 = arith.select %ge3A_788, %select_n3A_785, %get3A_751 : vector<16xi1>, vector<16xi32>
    %jit3A_790 = arith.constant 1111111 : i32
    %jit3A_791 = arith.constant 1 : i32
    %broadcast_in_dim3A_792 = vector.broadcast %jit3A_790 : i32 to vector<16xi32>
    %broadcast_in_dim3A_793 = vector.broadcast %jit3A_791 : i32 to vector<16xi32>
    %select_n3A_794 = arith.select %ge3A_788, %broadcast_in_dim3A_792, %broadcast_in_dim3A_793 : vector<16xi1>, vector<16xi32>
    %mul3A_795 = arith.constant 10 : i32
    %mul3A_796 = vector.broadcast %mul3A_795 : i32 to vector<16xi32>
    %mul3A_797 = arith.muli %select_n3A_789, %mul3A_796 : vector<16xi32>
    %add3A_798 = arith.addi %mul3A_797, %get3A_754 : vector<16xi32>
    %add3A_799 = arith.addi %add3A_798, %select_n3A_794 : vector<16xi32>
    %swap3A_800 = arith.constant 208 : index
    %swap3A_801 = tpu.vector_load %arg7[%swap3A_800] {strides = array<i32>} : memref<1024xi32, #tpu.memory_space<vmem>>, vector<16xi32>,
    %swap3A_802 = vector.shape_cast %swap3A_801 : vector<16xi32> to vector<16xi32>
    %swap3A_803 = vector.shape_cast %add3A_799 : vector<16xi32> to vector<16xi32>
    tpu.vector_store %arg7[%swap3A_800], %swap3A_803 {strides = array<i32>} : memref<1024xi32, #tpu.memory_space<vmem>>, vector<16xi32>,
    %get3A_804 = arith.constant 224 : index
    %get3A_805 = tpu.vector_load %arg5[%get3A_804] {strides = array<i32>} : memref<1024xi32, #tpu.memory_space<vmem>>, vector<16xi32>,
    %get3A_806 = vector.shape_cast %get3A_805 : vector<16xi32> to vector<16xi32>
    %get3A_807 = arith.constant 224 : index
    %get3A_808 = tpu.vector_load %arg6[%get3A_807] {strides = array<i32>} : memref<1024xi32, #tpu.memory_space<vmem>>, vector<16xi32>,
    %get3A_809 = vector.shape_cast %get3A_808 : vector<16xi32> to vector<16xi32>
    %sub3A_810 = arith.constant 1111111 : i32
    %sub3A_811 = vector.broadcast %sub3A_810 : i32 to vector<16xi32>
    %sub3A_812 = arith.subi %get3A_806, %sub3A_811 : vector<16xi32>
    %ge3A_813 = arith.constant 8000000 : i32
    %ge3A_814 = vector.broadcast %ge3A_813 : i32 to vector<16xi32>
    %ge3A_815 = arith.cmpi sge, %sub3A_812, %ge3A_814 : vector<16xi32>
    %sub3A_816 = arith.constant 8000000 : i32
    %sub3A_817 = vector.broadcast %sub3A_816 : i32 to vector<16xi32>
    %sub3A_818 = arith.subi %sub3A_812, %sub3A_817 : vector<16xi32>
    %select_n3A_819 = arith.select %ge3A_815, %sub3A_818, %sub3A_812 : vector<16xi1>, vector<16xi32>
    %ge3A_820 = arith.constant 4000000 : i32
    %ge3A_821 = vector.broadcast %ge3A_820 : i32 to vector<16xi32>
    %ge3A_822 = arith.cmpi sge, %select_n3A_819, %ge3A_821 : vector<16xi32>
    %sub3A_823 = arith.constant 4000000 : i32
    %sub3A_824 = vector.broadcast %sub3A_823 : i32 to vector<16xi32>
    %sub3A_825 = arith.subi %select_n3A_819, %sub3A_824 : vector<16xi32>
    %select_n3A_826 = arith.select %ge3A_822, %sub3A_825, %select_n3A_819 : vector<16xi1>, vector<16xi32>
    %ge3A_827 = arith.constant 2000000 : i32
    %ge3A_828 = vector.broadcast %ge3A_827 : i32 to vector<16xi32>
    %ge3A_829 = arith.cmpi sge, %select_n3A_826, %ge3A_828 : vector<16xi32>
    %sub3A_830 = arith.constant 2000000 : i32
    %sub3A_831 = vector.broadcast %sub3A_830 : i32 to vector<16xi32>
    %sub3A_832 = arith.subi %select_n3A_826, %sub3A_831 : vector<16xi32>
    %select_n3A_833 = arith.select %ge3A_829, %sub3A_832, %select_n3A_826 : vector<16xi1>, vector<16xi32>
    %ge3A_834 = arith.constant 1000000 : i32
    %ge3A_835 = vector.broadcast %ge3A_834 : i32 to vector<16xi32>
    %ge3A_836 = arith.cmpi sge, %select_n3A_833, %ge3A_835 : vector<16xi32>
    %sub3A_837 = arith.constant 1000000 : i32
    %sub3A_838 = vector.broadcast %sub3A_837 : i32 to vector<16xi32>
    %sub3A_839 = arith.subi %select_n3A_833, %sub3A_838 : vector<16xi32>
    %select_n3A_840 = arith.select %ge3A_836, %sub3A_839, %select_n3A_833 : vector<16xi1>, vector<16xi32>
    %ge3A_841 = arith.constant 1111111 : i32
    %ge3A_842 = vector.broadcast %ge3A_841 : i32 to vector<16xi32>
    %ge3A_843 = arith.cmpi sge, %get3A_806, %ge3A_842 : vector<16xi32>
    %select_n3A_844 = arith.select %ge3A_843, %select_n3A_840, %get3A_806 : vector<16xi1>, vector<16xi32>
    %jit3A_845 = arith.constant 1111111 : i32
    %jit3A_846 = arith.constant 1 : i32
    %broadcast_in_dim3A_847 = vector.broadcast %jit3A_845 : i32 to vector<16xi32>
    %broadcast_in_dim3A_848 = vector.broadcast %jit3A_846 : i32 to vector<16xi32>
    %select_n3A_849 = arith.select %ge3A_843, %broadcast_in_dim3A_847, %broadcast_in_dim3A_848 : vector<16xi1>, vector<16xi32>
    %mul3A_850 = arith.constant 10 : i32
    %mul3A_851 = vector.broadcast %mul3A_850 : i32 to vector<16xi32>
    %mul3A_852 = arith.muli %select_n3A_844, %mul3A_851 : vector<16xi32>
    %add3A_853 = arith.addi %mul3A_852, %get3A_809 : vector<16xi32>
    %add3A_854 = arith.addi %add3A_853, %select_n3A_849 : vector<16xi32>
    %swap3A_855 = arith.constant 224 : index
    %swap3A_856 = tpu.vector_load %arg7[%swap3A_855] {strides = array<i32>} : memref<1024xi32, #tpu.memory_space<vmem>>, vector<16xi32>,
    %swap3A_857 = vector.shape_cast %swap3A_856 : vector<16xi32> to vector<16xi32>
    %swap3A_858 = vector.shape_cast %add3A_854 : vector<16xi32> to vector<16xi32>
    tpu.vector_store %arg7[%swap3A_855], %swap3A_858 {strides = array<i32>} : memref<1024xi32, #tpu.memory_space<vmem>>, vector<16xi32>,
    %get3A_859 = arith.constant 240 : index
    %get3A_860 = tpu.vector_load %arg5[%get3A_859] {strides = array<i32>} : memref<1024xi32, #tpu.memory_space<vmem>>, vector<16xi32>,
    %get3A_861 = vector.shape_cast %get3A_860 : vector<16xi32> to vector<16xi32>
    %get3A_862 = arith.constant 240 : index
    %get3A_863 = tpu.vector_load %arg6[%get3A_862] {strides = array<i32>} : memref<1024xi32, #tpu.memory_space<vmem>>, vector<16xi32>,
    %get3A_864 = vector.shape_cast %get3A_863 : vector<16xi32> to vector<16xi32>
    %sub3A_865 = arith.constant 1111111 : i32
    %sub3A_866 = vector.broadcast %sub3A_865 : i32 to vector<16xi32>
    %sub3A_867 = arith.subi %get3A_861, %sub3A_866 : vector<16xi32>
    %ge3A_868 = arith.constant 8000000 : i32
    %ge3A_869 = vector.broadcast %ge3A_868 : i32 to vector<16xi32>
    %ge3A_870 = arith.cmpi sge, %sub3A_867, %ge3A_869 : vector<16xi32>
    %sub3A_871 = arith.constant 8000000 : i32
    %sub3A_872 = vector.broadcast %sub3A_871 : i32 to vector<16xi32>
    %sub3A_873 = arith.subi %sub3A_867, %sub3A_872 : vector<16xi32>
    %select_n3A_874 = arith.select %ge3A_870, %sub3A_873, %sub3A_867 : vector<16xi1>, vector<16xi32>
    %ge3A_875 = arith.constant 4000000 : i32
    %ge3A_876 = vector.broadcast %ge3A_875 : i32 to vector<16xi32>
    %ge3A_877 = arith.cmpi sge, %select_n3A_874, %ge3A_876 : vector<16xi32>
    %sub3A_878 = arith.constant 4000000 : i32
    %sub3A_879 = vector.broadcast %sub3A_878 : i32 to vector<16xi32>
    %sub3A_880 = arith.subi %select_n3A_874, %sub3A_879 : vector<16xi32>
    %select_n3A_881 = arith.select %ge3A_877, %sub3A_880, %select_n3A_874 : vector<16xi1>, vector<16xi32>
    %ge3A_882 = arith.constant 2000000 : i32
    %ge3A_883 = vector.broadcast %ge3A_882 : i32 to vector<16xi32>
    %ge3A_884 = arith.cmpi sge, %select_n3A_881, %ge3A_883 : vector<16xi32>
    %sub3A_885 = arith.constant 2000000 : i32
    %sub3A_886 = vector.broadcast %sub3A_885 : i32 to vector<16xi32>
    %sub3A_887 = arith.subi %select_n3A_881, %sub3A_886 : vector<16xi32>
    %select_n3A_888 = arith.select %ge3A_884, %sub3A_887, %select_n3A_881 : vector<16xi1>, vector<16xi32>
    %ge3A_889 = arith.constant 1000000 : i32
    %ge3A_890 = vector.broadcast %ge3A_889 : i32 to vector<16xi32>
    %ge3A_891 = arith.cmpi sge, %select_n3A_888, %ge3A_890 : vector<16xi32>
    %sub3A_892 = arith.constant 1000000 : i32
    %sub3A_893 = vector.broadcast %sub3A_892 : i32 to vector<16xi32>
    %sub3A_894 = arith.subi %select_n3A_888, %sub3A_893 : vector<16xi32>
    %select_n3A_895 = arith.select %ge3A_891, %sub3A_894, %select_n3A_888 : vector<16xi1>, vector<16xi32>
    %ge3A_896 = arith.constant 1111111 : i32
    %ge3A_897 = vector.broadcast %ge3A_896 : i32 to vector<16xi32>
    %ge3A_898 = arith.cmpi sge, %get3A_861, %ge3A_897 : vector<16xi32>
    %select_n3A_899 = arith.select %ge3A_898, %select_n3A_895, %get3A_861 : vector<16xi1>, vector<16xi32>
    %jit3A_900 = arith.constant 1111111 : i32
    %jit3A_901 = arith.constant 1 : i32
    %broadcast_in_dim3A_902 = vector.broadcast %jit3A_900 : i32 to vector<16xi32>
    %broadcast_in_dim3A_903 = vector.broadcast %jit3A_901 : i32 to vector<16xi32>
    %select_n3A_904 = arith.select %ge3A_898, %broadcast_in_dim3A_902, %broadcast_in_dim3A_903 : vector<16xi1>, vector<16xi32>
    %mul3A_905 = arith.constant 10 : i32
    %mul3A_906 = vector.broadcast %mul3A_905 : i32 to vector<16xi32>
    %mul3A_907 = arith.muli %select_n3A_899, %mul3A_906 : vector<16xi32>
    %add3A_908 = arith.addi %mul3A_907, %get3A_864 : vector<16xi32>
    %add3A_909 = arith.addi %add3A_908, %select_n3A_904 : vector<16xi32>
    %swap3A_910 = arith.constant 240 : index
    %swap3A_911 = tpu.vector_load %arg7[%swap3A_910] {strides = array<i32>} : memref<1024xi32, #tpu.memory_space<vmem>>, vector<16xi32>,
    %swap3A_912 = vector.shape_cast %swap3A_911 : vector<16xi32> to vector<16xi32>
    %swap3A_913 = vector.shape_cast %add3A_909 : vector<16xi32> to vector<16xi32>
    tpu.vector_store %arg7[%swap3A_910], %swap3A_913 {strides = array<i32>} : memref<1024xi32, #tpu.memory_space<vmem>>, vector<16xi32>,
    %get3A_914 = arith.constant 256 : index
    %get3A_915 = tpu.vector_load %arg5[%get3A_914] {strides = array<i32>} : memref<1024xi32, #tpu.memory_space<vmem>>, vector<16xi32>,
    %get3A_916 = vector.shape_cast %get3A_915 : vector<16xi32> to vector<16xi32>
    %get3A_917 = arith.constant 256 : index
    %get3A_918 = tpu.vector_load %arg6[%get3A_917] {strides = array<i32>} : memref<1024xi32, #tpu.memory_space<vmem>>, vector<16xi32>,
    %get3A_919 = vector.shape_cast %get3A_918 : vector<16xi32> to vector<16xi32>
    %sub3A_920 = arith.constant 1111111 : i32
    %sub3A_921 = vector.broadcast %sub3A_920 : i32 to vector<16xi32>
    %sub3A_922 = arith.subi %get3A_916, %sub3A_921 : vector<16xi32>
    %ge3A_923 = arith.constant 8000000 : i32
    %ge3A_924 = vector.broadcast %ge3A_923 : i32 to vector<16xi32>
    %ge3A_925 = arith.cmpi sge, %sub3A_922, %ge3A_924 : vector<16xi32>
    %sub3A_926 = arith.constant 8000000 : i32
    %sub3A_927 = vector.broadcast %sub3A_926 : i32 to vector<16xi32>
    %sub3A_928 = arith.subi %sub3A_922, %sub3A_927 : vector<16xi32>
    %select_n3A_929 = arith.select %ge3A_925, %sub3A_928, %sub3A_922 : vector<16xi1>, vector<16xi32>
    %ge3A_930 = arith.constant 4000000 : i32
    %ge3A_931 = vector.broadcast %ge3A_930 : i32 to vector<16xi32>
    %ge3A_932 = arith.cmpi sge, %select_n3A_929, %ge3A_931 : vector<16xi32>
    %sub3A_933 = arith.constant 4000000 : i32
    %sub3A_934 = vector.broadcast %sub3A_933 : i32 to vector<16xi32>
    %sub3A_935 = arith.subi %select_n3A_929, %sub3A_934 : vector<16xi32>
    %select_n3A_936 = arith.select %ge3A_932, %sub3A_935, %select_n3A_929 : vector<16xi1>, vector<16xi32>
    %ge3A_937 = arith.constant 2000000 : i32
    %ge3A_938 = vector.broadcast %ge3A_937 : i32 to vector<16xi32>
    %ge3A_939 = arith.cmpi sge, %select_n3A_936, %ge3A_938 : vector<16xi32>
    %sub3A_940 = arith.constant 2000000 : i32
    %sub3A_941 = vector.broadcast %sub3A_940 : i32 to vector<16xi32>
    %sub3A_942 = arith.subi %select_n3A_936, %sub3A_941 : vector<16xi32>
    %select_n3A_943 = arith.select %ge3A_939, %sub3A_942, %select_n3A_936 : vector<16xi1>, vector<16xi32>
    %ge3A_944 = arith.constant 1000000 : i32
    %ge3A_945 = vector.broadcast %ge3A_944 : i32 to vector<16xi32>
    %ge3A_946 = arith.cmpi sge, %select_n3A_943, %ge3A_945 : vector<16xi32>
    %sub3A_947 = arith.constant 1000000 : i32
    %sub3A_948 = vector.broadcast %sub3A_947 : i32 to vector<16xi32>
    %sub3A_949 = arith.subi %select_n3A_943, %sub3A_948 : vector<16xi32>
    %select_n3A_950 = arith.select %ge3A_946, %sub3A_949, %select_n3A_943 : vector<16xi1>, vector<16xi32>
    %ge3A_951 = arith.constant 1111111 : i32
    %ge3A_952 = vector.broadcast %ge3A_951 : i32 to vector<16xi32>
    %ge3A_953 = arith.cmpi sge, %get3A_916, %ge3A_952 : vector<16xi32>
    %select_n3A_954 = arith.select %ge3A_953, %select_n3A_950, %get3A_916 : vector<16xi1>, vector<16xi32>
    %jit3A_955 = arith.constant 1111111 : i32
    %jit3A_956 = arith.constant 1 : i32
    %broadcast_in_dim3A_957 = vector.broadcast %jit3A_955 : i32 to vector<16xi32>
    %broadcast_in_dim3A_958 = vector.broadcast %jit3A_956 : i32 to vector<16xi32>
    %select_n3A_959 = arith.select %ge3A_953, %broadcast_in_dim3A_957, %broadcast_in_dim3A_958 : vector<16xi1>, vector<16xi32>
    %mul3A_960 = arith.constant 10 : i32
    %mul3A_961 = vector.broadcast %mul3A_960 : i32 to vector<16xi32>
    %mul3A_962 = arith.muli %select_n3A_954, %mul3A_961 : vector<16xi32>
    %add3A_963 = arith.addi %mul3A_962, %get3A_919 : vector<16xi32>
    %add3A_964 = arith.addi %add3A_963, %select_n3A_959 : vector<16xi32>
    %swap3A_965 = arith.constant 256 : index
    %swap3A_966 = tpu.vector_load %arg7[%swap3A_965] {strides = array<i32>} : memref<1024xi32, #tpu.memory_space<vmem>>, vector<16xi32>,
    %swap3A_967 = vector.shape_cast %swap3A_966 : vector<16xi32> to vector<16xi32>
    %swap3A_968 = vector.shape_cast %add3A_964 : vector<16xi32> to vector<16xi32>
    tpu.vector_store %arg7[%swap3A_965], %swap3A_968 {strides = array<i32>} : memref<1024xi32, #tpu.memory_space<vmem>>, vector<16xi32>,
    %get3A_969 = arith.constant 272 : index
    %get3A_970 = tpu.vector_load %arg5[%get3A_969] {strides = array<i32>} : memref<1024xi32, #tpu.memory_space<vmem>>, vector<16xi32>,
    %get3A_971 = vector.shape_cast %get3A_970 : vector<16xi32> to vector<16xi32>
    %get3A_972 = arith.constant 272 : index
    %get3A_973 = tpu.vector_load %arg6[%get3A_972] {strides = array<i32>} : memref<1024xi32, #tpu.memory_space<vmem>>, vector<16xi32>,
    %get3A_974 = vector.shape_cast %get3A_973 : vector<16xi32> to vector<16xi32>
    %sub3A_975 = arith.constant 1111111 : i32
    %sub3A_976 = vector.broadcast %sub3A_975 : i32 to vector<16xi32>
    %sub3A_977 = arith.subi %get3A_971, %sub3A_976 : vector<16xi32>
    %ge3A_978 = arith.constant 8000000 : i32
    %ge3A_979 = vector.broadcast %ge3A_978 : i32 to vector<16xi32>
    %ge3A_980 = arith.cmpi sge, %sub3A_977, %ge3A_979 : vector<16xi32>
    %sub3A_981 = arith.constant 8000000 : i32
    %sub3A_982 = vector.broadcast %sub3A_981 : i32 to vector<16xi32>
    %sub3A_983 = arith.subi %sub3A_977, %sub3A_982 : vector<16xi32>
    %select_n3A_984 = arith.select %ge3A_980, %sub3A_983, %sub3A_977 : vector<16xi1>, vector<16xi32>
    %ge3A_985 = arith.constant 4000000 : i32
    %ge3A_986 = vector.broadcast %ge3A_985 : i32 to vector<16xi32>
    %ge3A_987 = arith.cmpi sge, %select_n3A_984, %ge3A_986 : vector<16xi32>
    %sub3A_988 = arith.constant 4000000 : i32
    %sub3A_989 = vector.broadcast %sub3A_988 : i32 to vector<16xi32>
    %sub3A_990 = arith.subi %select_n3A_984, %sub3A_989 : vector<16xi32>
    %select_n3A_991 = arith.select %ge3A_987, %sub3A_990, %select_n3A_984 : vector<16xi1>, vector<16xi32>
    %ge3A_992 = arith.constant 2000000 : i32
    %ge3A_993 = vector.broadcast %ge3A_992 : i32 to vector<16xi32>
    %ge3A_994 = arith.cmpi sge, %select_n3A_991, %ge3A_993 : vector<16xi32>
    %sub3A_995 = arith.constant 2000000 : i32
    %sub3A_996 = vector.broadcast %sub3A_995 : i32 to vector<16xi32>
    %sub3A_997 = arith.subi %select_n3A_991, %sub3A_996 : vector<16xi32>
    %select_n3A_998 = arith.select %ge3A_994, %sub3A_997, %select_n3A_991 : vector<16xi1>, vector<16xi32>
    %ge3A_999 = arith.constant 1000000 : i32
    %ge3A_1000 = vector.broadcast %ge3A_999 : i32 to vector<16xi32>
    %ge3A_1001 = arith.cmpi sge, %select_n3A_998, %ge3A_1000 : vector<16xi32>
    %sub3A_1002 = arith.constant 1000000 : i32
    %sub3A_1003 = vector.broadcast %sub3A_1002 : i32 to vector<16xi32>
    %sub3A_1004 = arith.subi %select_n3A_998, %sub3A_1003 : vector<16xi32>
    %select_n3A_1005 = arith.select %ge3A_1001, %sub3A_1004, %select_n3A_998 : vector<16xi1>, vector<16xi32>
    %ge3A_1006 = arith.constant 1111111 : i32
    %ge3A_1007 = vector.broadcast %ge3A_1006 : i32 to vector<16xi32>
    %ge3A_1008 = arith.cmpi sge, %get3A_971, %ge3A_1007 : vector<16xi32>
    %select_n3A_1009 = arith.select %ge3A_1008, %select_n3A_1005, %get3A_971 : vector<16xi1>, vector<16xi32>
    %jit3A_1010 = arith.constant 1111111 : i32
    %jit3A_1011 = arith.constant 1 : i32
    %broadcast_in_dim3A_1012 = vector.broadcast %jit3A_1010 : i32 to vector<16xi32>
    %broadcast_in_dim3A_1013 = vector.broadcast %jit3A_1011 : i32 to vector<16xi32>
    %select_n3A_1014 = arith.select %ge3A_1008, %broadcast_in_dim3A_1012, %broadcast_in_dim3A_1013 : vector<16xi1>, vector<16xi32>
    %mul3A_1015 = arith.constant 10 : i32
    %mul3A_1016 = vector.broadcast %mul3A_1015 : i32 to vector<16xi32>
    %mul3A_1017 = arith.muli %select_n3A_1009, %mul3A_1016 : vector<16xi32>
    %add3A_1018 = arith.addi %mul3A_1017, %get3A_974 : vector<16xi32>
    %add3A_1019 = arith.addi %add3A_1018, %select_n3A_1014 : vector<16xi32>
    %swap3A_1020 = arith.constant 272 : index
    %swap3A_1021 = tpu.vector_load %arg7[%swap3A_1020] {strides = array<i32>} : memref<1024xi32, #tpu.memory_space<vmem>>, vector<16xi32>,
    %swap3A_1022 = vector.shape_cast %swap3A_1021 : vector<16xi32> to vector<16xi32>
    %swap3A_1023 = vector.shape_cast %add3A_1019 : vector<16xi32> to vector<16xi32>
    tpu.vector_store %arg7[%swap3A_1020], %swap3A_1023 {strides = array<i32>} : memref<1024xi32, #tpu.memory_space<vmem>>, vector<16xi32>,
    %get3A_1024 = arith.constant 288 : index
    %get3A_1025 = tpu.vector_load %arg5[%get3A_1024] {strides = array<i32>} : memref<1024xi32, #tpu.memory_space<vmem>>, vector<16xi32>,
    %get3A_1026 = vector.shape_cast %get3A_1025 : vector<16xi32> to vector<16xi32>
    %get3A_1027 = arith.constant 288 : index
    %get3A_1028 = tpu.vector_load %arg6[%get3A_1027] {strides = array<i32>} : memref<1024xi32, #tpu.memory_space<vmem>>, vector<16xi32>,
    %get3A_1029 = vector.shape_cast %get3A_1028 : vector<16xi32> to vector<16xi32>
    %sub3A_1030 = arith.constant 1111111 : i32
    %sub3A_1031 = vector.broadcast %sub3A_1030 : i32 to vector<16xi32>
    %sub3A_1032 = arith.subi %get3A_1026, %sub3A_1031 : vector<16xi32>
    %ge3A_1033 = arith.constant 8000000 : i32
    %ge3A_1034 = vector.broadcast %ge3A_1033 : i32 to vector<16xi32>
    %ge3A_1035 = arith.cmpi sge, %sub3A_1032, %ge3A_1034 : vector<16xi32>
    %sub3A_1036 = arith.constant 8000000 : i32
    %sub3A_1037 = vector.broadcast %sub3A_1036 : i32 to vector<16xi32>
    %sub3A_1038 = arith.subi %sub3A_1032, %sub3A_1037 : vector<16xi32>
    %select_n3A_1039 = arith.select %ge3A_1035, %sub3A_1038, %sub3A_1032 : vector<16xi1>, vector<16xi32>
    %ge3A_1040 = arith.constant 4000000 : i32
    %ge3A_1041 = vector.broadcast %ge3A_1040 : i32 to vector<16xi32>
    %ge3A_1042 = arith.cmpi sge, %select_n3A_1039, %ge3A_1041 : vector<16xi32>
    %sub3A_1043 = arith.constant 4000000 : i32
    %sub3A_1044 = vector.broadcast %sub3A_1043 : i32 to vector<16xi32>
    %sub3A_1045 = arith.subi %select_n3A_1039, %sub3A_1044 : vector<16xi32>
    %select_n3A_1046 = arith.select %ge3A_1042, %sub3A_1045, %select_n3A_1039 : vector<16xi1>, vector<16xi32>
    %ge3A_1047 = arith.constant 2000000 : i32
    %ge3A_1048 = vector.broadcast %ge3A_1047 : i32 to vector<16xi32>
    %ge3A_1049 = arith.cmpi sge, %select_n3A_1046, %ge3A_1048 : vector<16xi32>
    %sub3A_1050 = arith.constant 2000000 : i32
    %sub3A_1051 = vector.broadcast %sub3A_1050 : i32 to vector<16xi32>
    %sub3A_1052 = arith.subi %select_n3A_1046, %sub3A_1051 : vector<16xi32>
    %select_n3A_1053 = arith.select %ge3A_1049, %sub3A_1052, %select_n3A_1046 : vector<16xi1>, vector<16xi32>
    %ge3A_1054 = arith.constant 1000000 : i32
    %ge3A_1055 = vector.broadcast %ge3A_1054 : i32 to vector<16xi32>
    %ge3A_1056 = arith.cmpi sge, %select_n3A_1053, %ge3A_1055 : vector<16xi32>
    %sub3A_1057 = arith.constant 1000000 : i32
    %sub3A_1058 = vector.broadcast %sub3A_1057 : i32 to vector<16xi32>
    %sub3A_1059 = arith.subi %select_n3A_1053, %sub3A_1058 : vector<16xi32>
    %select_n3A_1060 = arith.select %ge3A_1056, %sub3A_1059, %select_n3A_1053 : vector<16xi1>, vector<16xi32>
    %ge3A_1061 = arith.constant 1111111 : i32
    %ge3A_1062 = vector.broadcast %ge3A_1061 : i32 to vector<16xi32>
    %ge3A_1063 = arith.cmpi sge, %get3A_1026, %ge3A_1062 : vector<16xi32>
    %select_n3A_1064 = arith.select %ge3A_1063, %select_n3A_1060, %get3A_1026 : vector<16xi1>, vector<16xi32>
    %jit3A_1065 = arith.constant 1111111 : i32
    %jit3A_1066 = arith.constant 1 : i32
    %broadcast_in_dim3A_1067 = vector.broadcast %jit3A_1065 : i32 to vector<16xi32>
    %broadcast_in_dim3A_1068 = vector.broadcast %jit3A_1066 : i32 to vector<16xi32>
    %select_n3A_1069 = arith.select %ge3A_1063, %broadcast_in_dim3A_1067, %broadcast_in_dim3A_1068 : vector<16xi1>, vector<16xi32>
    %mul3A_1070 = arith.constant 10 : i32
    %mul3A_1071 = vector.broadcast %mul3A_1070 : i32 to vector<16xi32>
    %mul3A_1072 = arith.muli %select_n3A_1064, %mul3A_1071 : vector<16xi32>
    %add3A_1073 = arith.addi %mul3A_1072, %get3A_1029 : vector<16xi32>
    %add3A_1074 = arith.addi %add3A_1073, %select_n3A_1069 : vector<16xi32>
    %swap3A_1075 = arith.constant 288 : index
    %swap3A_1076 = tpu.vector_load %arg7[%swap3A_1075] {strides = array<i32>} : memref<1024xi32, #tpu.memory_space<vmem>>, vector<16xi32>,
    %swap3A_1077 = vector.shape_cast %swap3A_1076 : vector<16xi32> to vector<16xi32>
    %swap3A_1078 = vector.shape_cast %add3A_1074 : vector<16xi32> to vector<16xi32>
    tpu.vector_store %arg7[%swap3A_1075], %swap3A_1078 {strides = array<i32>} : memref<1024xi32, #tpu.memory_space<vmem>>, vector<16xi32>,
    %get3A_1079 = arith.constant 304 : index
    %get3A_1080 = tpu.vector_load %arg5[%get3A_1079] {strides = array<i32>} : memref<1024xi32, #tpu.memory_space<vmem>>, vector<16xi32>,
    %get3A_1081 = vector.shape_cast %get3A_1080 : vector<16xi32> to vector<16xi32>
    %get3A_1082 = arith.constant 304 : index
    %get3A_1083 = tpu.vector_load %arg6[%get3A_1082] {strides = array<i32>} : memref<1024xi32, #tpu.memory_space<vmem>>, vector<16xi32>,
    %get3A_1084 = vector.shape_cast %get3A_1083 : vector<16xi32> to vector<16xi32>
    %sub3A_1085 = arith.constant 1111111 : i32
    %sub3A_1086 = vector.broadcast %sub3A_1085 : i32 to vector<16xi32>
    %sub3A_1087 = arith.subi %get3A_1081, %sub3A_1086 : vector<16xi32>
    %ge3A_1088 = arith.constant 8000000 : i32
    %ge3A_1089 = vector.broadcast %ge3A_1088 : i32 to vector<16xi32>
    %ge3A_1090 = arith.cmpi sge, %sub3A_1087, %ge3A_1089 : vector<16xi32>
    %sub3A_1091 = arith.constant 8000000 : i32
    %sub3A_1092 = vector.broadcast %sub3A_1091 : i32 to vector<16xi32>
    %sub3A_1093 = arith.subi %sub3A_1087, %sub3A_1092 : vector<16xi32>
    %select_n3A_1094 = arith.select %ge3A_1090, %sub3A_1093, %sub3A_1087 : vector<16xi1>, vector<16xi32>
    %ge3A_1095 = arith.constant 4000000 : i32
    %ge3A_1096 = vector.broadcast %ge3A_1095 : i32 to vector<16xi32>
    %ge3A_1097 = arith.cmpi sge, %select_n3A_1094, %ge3A_1096 : vector<16xi32>
    %sub3A_1098 = arith.constant 4000000 : i32
    %sub3A_1099 = vector.broadcast %sub3A_1098 : i32 to vector<16xi32>
    %sub3A_1100 = arith.subi %select_n3A_1094, %sub3A_1099 : vector<16xi32>
    %select_n3A_1101 = arith.select %ge3A_1097, %sub3A_1100, %select_n3A_1094 : vector<16xi1>, vector<16xi32>
    %ge3A_1102 = arith.constant 2000000 : i32
    %ge3A_1103 = vector.broadcast %ge3A_1102 : i32 to vector<16xi32>
    %ge3A_1104 = arith.cmpi sge, %select_n3A_1101, %ge3A_1103 : vector<16xi32>
    %sub3A_1105 = arith.constant 2000000 : i32
    %sub3A_1106 = vector.broadcast %sub3A_1105 : i32 to vector<16xi32>
    %sub3A_1107 = arith.subi %select_n3A_1101, %sub3A_1106 : vector<16xi32>
    %select_n3A_1108 = arith.select %ge3A_1104, %sub3A_1107, %select_n3A_1101 : vector<16xi1>, vector<16xi32>
    %ge3A_1109 = arith.constant 1000000 : i32
    %ge3A_1110 = vector.broadcast %ge3A_1109 : i32 to vector<16xi32>
    %ge3A_1111 = arith.cmpi sge, %select_n3A_1108, %ge3A_1110 : vector<16xi32>
    %sub3A_1112 = arith.constant 1000000 : i32
    %sub3A_1113 = vector.broadcast %sub3A_1112 : i32 to vector<16xi32>
    %sub3A_1114 = arith.subi %select_n3A_1108, %sub3A_1113 : vector<16xi32>
    %select_n3A_1115 = arith.select %ge3A_1111, %sub3A_1114, %select_n3A_1108 : vector<16xi1>, vector<16xi32>
    %ge3A_1116 = arith.constant 1111111 : i32
    %ge3A_1117 = vector.broadcast %ge3A_1116 : i32 to vector<16xi32>
    %ge3A_1118 = arith.cmpi sge, %get3A_1081, %ge3A_1117 : vector<16xi32>
    %select_n3A_1119 = arith.select %ge3A_1118, %select_n3A_1115, %get3A_1081 : vector<16xi1>, vector<16xi32>
    %jit3A_1120 = arith.constant 1111111 : i32
    %jit3A_1121 = arith.constant 1 : i32
    %broadcast_in_dim3A_1122 = vector.broadcast %jit3A_1120 : i32 to vector<16xi32>
    %broadcast_in_dim3A_1123 = vector.broadcast %jit3A_1121 : i32 to vector<16xi32>
    %select_n3A_1124 = arith.select %ge3A_1118, %broadcast_in_dim3A_1122, %broadcast_in_dim3A_1123 : vector<16xi1>, vector<16xi32>
    %mul3A_1125 = arith.constant 10 : i32
    %mul3A_1126 = vector.broadcast %mul3A_1125 : i32 to vector<16xi32>
    %mul3A_1127 = arith.muli %select_n3A_1119, %mul3A_1126 : vector<16xi32>
    %add3A_1128 = arith.addi %mul3A_1127, %get3A_1084 : vector<16xi32>
    %add3A_1129 = arith.addi %add3A_1128, %select_n3A_1124 : vector<16xi32>
    %swap3A_1130 = arith.constant 304 : index
    %swap3A_1131 = tpu.vector_load %arg7[%swap3A_1130] {strides = array<i32>} : memref<1024xi32, #tpu.memory_space<vmem>>, vector<16xi32>,
    %swap3A_1132 = vector.shape_cast %swap3A_1131 : vector<16xi32> to vector<16xi32>
    %swap3A_1133 = vector.shape_cast %add3A_1129 : vector<16xi32> to vector<16xi32>
    tpu.vector_store %arg7[%swap3A_1130], %swap3A_1133 {strides = array<i32>} : memref<1024xi32, #tpu.memory_space<vmem>>, vector<16xi32>,
    %get3A_1134 = arith.constant 320 : index
    %get3A_1135 = tpu.vector_load %arg5[%get3A_1134] {strides = array<i32>} : memref<1024xi32, #tpu.memory_space<vmem>>, vector<16xi32>,
    %get3A_1136 = vector.shape_cast %get3A_1135 : vector<16xi32> to vector<16xi32>
    %get3A_1137 = arith.constant 320 : index
    %get3A_1138 = tpu.vector_load %arg6[%get3A_1137] {strides = array<i32>} : memref<1024xi32, #tpu.memory_space<vmem>>, vector<16xi32>,
    %get3A_1139 = vector.shape_cast %get3A_1138 : vector<16xi32> to vector<16xi32>
    %sub3A_1140 = arith.constant 1111111 : i32
    %sub3A_1141 = vector.broadcast %sub3A_1140 : i32 to vector<16xi32>
    %sub3A_1142 = arith.subi %get3A_1136, %sub3A_1141 : vector<16xi32>
    %ge3A_1143 = arith.constant 8000000 : i32
    %ge3A_1144 = vector.broadcast %ge3A_1143 : i32 to vector<16xi32>
    %ge3A_1145 = arith.cmpi sge, %sub3A_1142, %ge3A_1144 : vector<16xi32>
    %sub3A_1146 = arith.constant 8000000 : i32
    %sub3A_1147 = vector.broadcast %sub3A_1146 : i32 to vector<16xi32>
    %sub3A_1148 = arith.subi %sub3A_1142, %sub3A_1147 : vector<16xi32>
    %select_n3A_1149 = arith.select %ge3A_1145, %sub3A_1148, %sub3A_1142 : vector<16xi1>, vector<16xi32>
    %ge3A_1150 = arith.constant 4000000 : i32
    %ge3A_1151 = vector.broadcast %ge3A_1150 : i32 to vector<16xi32>
    %ge3A_1152 = arith.cmpi sge, %select_n3A_1149, %ge3A_1151 : vector<16xi32>
    %sub3A_1153 = arith.constant 4000000 : i32
    %sub3A_1154 = vector.broadcast %sub3A_1153 : i32 to vector<16xi32>
    %sub3A_1155 = arith.subi %select_n3A_1149, %sub3A_1154 : vector<16xi32>
    %select_n3A_1156 = arith.select %ge3A_1152, %sub3A_1155, %select_n3A_1149 : vector<16xi1>, vector<16xi32>
    %ge3A_1157 = arith.constant 2000000 : i32
    %ge3A_1158 = vector.broadcast %ge3A_1157 : i32 to vector<16xi32>
    %ge3A_1159 = arith.cmpi sge, %select_n3A_1156, %ge3A_1158 : vector<16xi32>
    %sub3A_1160 = arith.constant 2000000 : i32
    %sub3A_1161 = vector.broadcast %sub3A_1160 : i32 to vector<16xi32>
    %sub3A_1162 = arith.subi %select_n3A_1156, %sub3A_1161 : vector<16xi32>
    %select_n3A_1163 = arith.select %ge3A_1159, %sub3A_1162, %select_n3A_1156 : vector<16xi1>, vector<16xi32>
    %ge3A_1164 = arith.constant 1000000 : i32
    %ge3A_1165 = vector.broadcast %ge3A_1164 : i32 to vector<16xi32>
    %ge3A_1166 = arith.cmpi sge, %select_n3A_1163, %ge3A_1165 : vector<16xi32>
    %sub3A_1167 = arith.constant 1000000 : i32
    %sub3A_1168 = vector.broadcast %sub3A_1167 : i32 to vector<16xi32>
    %sub3A_1169 = arith.subi %select_n3A_1163, %sub3A_1168 : vector<16xi32>
    %select_n3A_1170 = arith.select %ge3A_1166, %sub3A_1169, %select_n3A_1163 : vector<16xi1>, vector<16xi32>
    %ge3A_1171 = arith.constant 1111111 : i32
    %ge3A_1172 = vector.broadcast %ge3A_1171 : i32 to vector<16xi32>
    %ge3A_1173 = arith.cmpi sge, %get3A_1136, %ge3A_1172 : vector<16xi32>
    %select_n3A_1174 = arith.select %ge3A_1173, %select_n3A_1170, %get3A_1136 : vector<16xi1>, vector<16xi32>
    %jit3A_1175 = arith.constant 1111111 : i32
    %jit3A_1176 = arith.constant 1 : i32
    %broadcast_in_dim3A_1177 = vector.broadcast %jit3A_1175 : i32 to vector<16xi32>
    %broadcast_in_dim3A_1178 = vector.broadcast %jit3A_1176 : i32 to vector<16xi32>
    %select_n3A_1179 = arith.select %ge3A_1173, %broadcast_in_dim3A_1177, %broadcast_in_dim3A_1178 : vector<16xi1>, vector<16xi32>
    %mul3A_1180 = arith.constant 10 : i32
    %mul3A_1181 = vector.broadcast %mul3A_1180 : i32 to vector<16xi32>
    %mul3A_1182 = arith.muli %select_n3A_1174, %mul3A_1181 : vector<16xi32>
    %add3A_1183 = arith.addi %mul3A_1182, %get3A_1139 : vector<16xi32>
    %add3A_1184 = arith.addi %add3A_1183, %select_n3A_1179 : vector<16xi32>
    %swap3A_1185 = arith.constant 320 : index
    %swap3A_1186 = tpu.vector_load %arg7[%swap3A_1185] {strides = array<i32>} : memref<1024xi32, #tpu.memory_space<vmem>>, vector<16xi32>,
    %swap3A_1187 = vector.shape_cast %swap3A_1186 : vector<16xi32> to vector<16xi32>
    %swap3A_1188 = vector.shape_cast %add3A_1184 : vector<16xi32> to vector<16xi32>
    tpu.vector_store %arg7[%swap3A_1185], %swap3A_1188 {strides = array<i32>} : memref<1024xi32, #tpu.memory_space<vmem>>, vector<16xi32>,
    %get3A_1189 = arith.constant 336 : index
    %get3A_1190 = tpu.vector_load %arg5[%get3A_1189] {strides = array<i32>} : memref<1024xi32, #tpu.memory_space<vmem>>, vector<16xi32>,
    %get3A_1191 = vector.shape_cast %get3A_1190 : vector<16xi32> to vector<16xi32>
    %get3A_1192 = arith.constant 336 : index
    %get3A_1193 = tpu.vector_load %arg6[%get3A_1192] {strides = array<i32>} : memref<1024xi32, #tpu.memory_space<vmem>>, vector<16xi32>,
    %get3A_1194 = vector.shape_cast %get3A_1193 : vector<16xi32> to vector<16xi32>
    %sub3A_1195 = arith.constant 1111111 : i32
    %sub3A_1196 = vector.broadcast %sub3A_1195 : i32 to vector<16xi32>
    %sub3A_1197 = arith.subi %get3A_1191, %sub3A_1196 : vector<16xi32>
    %ge3A_1198 = arith.constant 8000000 : i32
    %ge3A_1199 = vector.broadcast %ge3A_1198 : i32 to vector<16xi32>
    %ge3A_1200 = arith.cmpi sge, %sub3A_1197, %ge3A_1199 : vector<16xi32>
    %sub3A_1201 = arith.constant 8000000 : i32
    %sub3A_1202 = vector.broadcast %sub3A_1201 : i32 to vector<16xi32>
    %sub3A_1203 = arith.subi %sub3A_1197, %sub3A_1202 : vector<16xi32>
    %select_n3A_1204 = arith.select %ge3A_1200, %sub3A_1203, %sub3A_1197 : vector<16xi1>, vector<16xi32>
    %ge3A_1205 = arith.constant 4000000 : i32
    %ge3A_1206 = vector.broadcast %ge3A_1205 : i32 to vector<16xi32>
    %ge3A_1207 = arith.cmpi sge, %select_n3A_1204, %ge3A_1206 : vector<16xi32>
    %sub3A_1208 = arith.constant 4000000 : i32
    %sub3A_1209 = vector.broadcast %sub3A_1208 : i32 to vector<16xi32>
    %sub3A_1210 = arith.subi %select_n3A_1204, %sub3A_1209 : vector<16xi32>
    %select_n3A_1211 = arith.select %ge3A_1207, %sub3A_1210, %select_n3A_1204 : vector<16xi1>, vector<16xi32>
    %ge3A_1212 = arith.constant 2000000 : i32
    %ge3A_1213 = vector.broadcast %ge3A_1212 : i32 to vector<16xi32>
    %ge3A_1214 = arith.cmpi sge, %select_n3A_1211, %ge3A_1213 : vector<16xi32>
    %sub3A_1215 = arith.constant 2000000 : i32
    %sub3A_1216 = vector.broadcast %sub3A_1215 : i32 to vector<16xi32>
    %sub3A_1217 = arith.subi %select_n3A_1211, %sub3A_1216 : vector<16xi32>
    %select_n3A_1218 = arith.select %ge3A_1214, %sub3A_1217, %select_n3A_1211 : vector<16xi1>, vector<16xi32>
    %ge3A_1219 = arith.constant 1000000 : i32
    %ge3A_1220 = vector.broadcast %ge3A_1219 : i32 to vector<16xi32>
    %ge3A_1221 = arith.cmpi sge, %select_n3A_1218, %ge3A_1220 : vector<16xi32>
    %sub3A_1222 = arith.constant 1000000 : i32
    %sub3A_1223 = vector.broadcast %sub3A_1222 : i32 to vector<16xi32>
    %sub3A_1224 = arith.subi %select_n3A_1218, %sub3A_1223 : vector<16xi32>
    %select_n3A_1225 = arith.select %ge3A_1221, %sub3A_1224, %select_n3A_1218 : vector<16xi1>, vector<16xi32>
    %ge3A_1226 = arith.constant 1111111 : i32
    %ge3A_1227 = vector.broadcast %ge3A_1226 : i32 to vector<16xi32>
    %ge3A_1228 = arith.cmpi sge, %get3A_1191, %ge3A_1227 : vector<16xi32>
    %select_n3A_1229 = arith.select %ge3A_1228, %select_n3A_1225, %get3A_1191 : vector<16xi1>, vector<16xi32>
    %jit3A_1230 = arith.constant 1111111 : i32
    %jit3A_1231 = arith.constant 1 : i32
    %broadcast_in_dim3A_1232 = vector.broadcast %jit3A_1230 : i32 to vector<16xi32>
    %broadcast_in_dim3A_1233 = vector.broadcast %jit3A_1231 : i32 to vector<16xi32>
    %select_n3A_1234 = arith.select %ge3A_1228, %broadcast_in_dim3A_1232, %broadcast_in_dim3A_1233 : vector<16xi1>, vector<16xi32>
    %mul3A_1235 = arith.constant 10 : i32
    %mul3A_1236 = vector.broadcast %mul3A_1235 : i32 to vector<16xi32>
    %mul3A_1237 = arith.muli %select_n3A_1229, %mul3A_1236 : vector<16xi32>
    %add3A_1238 = arith.addi %mul3A_1237, %get3A_1194 : vector<16xi32>
    %add3A_1239 = arith.addi %add3A_1238, %select_n3A_1234 : vector<16xi32>
    %swap3A_1240 = arith.constant 336 : index
    %swap3A_1241 = tpu.vector_load %arg7[%swap3A_1240] {strides = array<i32>} : memref<1024xi32, #tpu.memory_space<vmem>>, vector<16xi32>,
    %swap3A_1242 = vector.shape_cast %swap3A_1241 : vector<16xi32> to vector<16xi32>
    %swap3A_1243 = vector.shape_cast %add3A_1239 : vector<16xi32> to vector<16xi32>
    tpu.vector_store %arg7[%swap3A_1240], %swap3A_1243 {strides = array<i32>} : memref<1024xi32, #tpu.memory_space<vmem>>, vector<16xi32>,
    %get3A_1244 = arith.constant 352 : index
    %get3A_1245 = tpu.vector_load %arg5[%get3A_1244] {strides = array<i32>} : memref<1024xi32, #tpu.memory_space<vmem>>, vector<16xi32>,
    %get3A_1246 = vector.shape_cast %get3A_1245 : vector<16xi32> to vector<16xi32>
    %get3A_1247 = arith.constant 352 : index
    %get3A_1248 = tpu.vector_load %arg6[%get3A_1247] {strides = array<i32>} : memref<1024xi32, #tpu.memory_space<vmem>>, vector<16xi32>,
    %get3A_1249 = vector.shape_cast %get3A_1248 : vector<16xi32> to vector<16xi32>
    %sub3A_1250 = arith.constant 1111111 : i32
    %sub3A_1251 = vector.broadcast %sub3A_1250 : i32 to vector<16xi32>
    %sub3A_1252 = arith.subi %get3A_1246, %sub3A_1251 : vector<16xi32>
    %ge3A_1253 = arith.constant 8000000 : i32
    %ge3A_1254 = vector.broadcast %ge3A_1253 : i32 to vector<16xi32>
    %ge3A_1255 = arith.cmpi sge, %sub3A_1252, %ge3A_1254 : vector<16xi32>
    %sub3A_1256 = arith.constant 8000000 : i32
    %sub3A_1257 = vector.broadcast %sub3A_1256 : i32 to vector<16xi32>
    %sub3A_1258 = arith.subi %sub3A_1252, %sub3A_1257 : vector<16xi32>
    %select_n3A_1259 = arith.select %ge3A_1255, %sub3A_1258, %sub3A_1252 : vector<16xi1>, vector<16xi32>
    %ge3A_1260 = arith.constant 4000000 : i32
    %ge3A_1261 = vector.broadcast %ge3A_1260 : i32 to vector<16xi32>
    %ge3A_1262 = arith.cmpi sge, %select_n3A_1259, %ge3A_1261 : vector<16xi32>
    %sub3A_1263 = arith.constant 4000000 : i32
    %sub3A_1264 = vector.broadcast %sub3A_1263 : i32 to vector<16xi32>
    %sub3A_1265 = arith.subi %select_n3A_1259, %sub3A_1264 : vector<16xi32>
    %select_n3A_1266 = arith.select %ge3A_1262, %sub3A_1265, %select_n3A_1259 : vector<16xi1>, vector<16xi32>
    %ge3A_1267 = arith.constant 2000000 : i32
    %ge3A_1268 = vector.broadcast %ge3A_1267 : i32 to vector<16xi32>
    %ge3A_1269 = arith.cmpi sge, %select_n3A_1266, %ge3A_1268 : vector<16xi32>
    %sub3A_1270 = arith.constant 2000000 : i32
    %sub3A_1271 = vector.broadcast %sub3A_1270 : i32 to vector<16xi32>
    %sub3A_1272 = arith.subi %select_n3A_1266, %sub3A_1271 : vector<16xi32>
    %select_n3A_1273 = arith.select %ge3A_1269, %sub3A_1272, %select_n3A_1266 : vector<16xi1>, vector<16xi32>
    %ge3A_1274 = arith.constant 1000000 : i32
    %ge3A_1275 = vector.broadcast %ge3A_1274 : i32 to vector<16xi32>
    %ge3A_1276 = arith.cmpi sge, %select_n3A_1273, %ge3A_1275 : vector<16xi32>
    %sub3A_1277 = arith.constant 1000000 : i32
    %sub3A_1278 = vector.broadcast %sub3A_1277 : i32 to vector<16xi32>
    %sub3A_1279 = arith.subi %select_n3A_1273, %sub3A_1278 : vector<16xi32>
    %select_n3A_1280 = arith.select %ge3A_1276, %sub3A_1279, %select_n3A_1273 : vector<16xi1>, vector<16xi32>
    %ge3A_1281 = arith.constant 1111111 : i32
    %ge3A_1282 = vector.broadcast %ge3A_1281 : i32 to vector<16xi32>
    %ge3A_1283 = arith.cmpi sge, %get3A_1246, %ge3A_1282 : vector<16xi32>
    %select_n3A_1284 = arith.select %ge3A_1283, %select_n3A_1280, %get3A_1246 : vector<16xi1>, vector<16xi32>
    %jit3A_1285 = arith.constant 1111111 : i32
    %jit3A_1286 = arith.constant 1 : i32
    %broadcast_in_dim3A_1287 = vector.broadcast %jit3A_1285 : i32 to vector<16xi32>
    %broadcast_in_dim3A_1288 = vector.broadcast %jit3A_1286 : i32 to vector<16xi32>
    %select_n3A_1289 = arith.select %ge3A_1283, %broadcast_in_dim3A_1287, %broadcast_in_dim3A_1288 : vector<16xi1>, vector<16xi32>
    %mul3A_1290 = arith.constant 10 : i32
    %mul3A_1291 = vector.broadcast %mul3A_1290 : i32 to vector<16xi32>
    %mul3A_1292 = arith.muli %select_n3A_1284, %mul3A_1291 : vector<16xi32>
    %add3A_1293 = arith.addi %mul3A_1292, %get3A_1249 : vector<16xi32>
    %add3A_1294 = arith.addi %add3A_1293, %select_n3A_1289 : vector<16xi32>
    %swap3A_1295 = arith.constant 352 : index
    %swap3A_1296 = tpu.vector_load %arg7[%swap3A_1295] {strides = array<i32>} : memref<1024xi32, #tpu.memory_space<vmem>>, vector<16xi32>,
    %swap3A_1297 = vector.shape_cast %swap3A_1296 : vector<16xi32> to vector<16xi32>
    %swap3A_1298 = vector.shape_cast %add3A_1294 : vector<16xi32> to vector<16xi32>
    tpu.vector_store %arg7[%swap3A_1295], %swap3A_1298 {strides = array<i32>} : memref<1024xi32, #tpu.memory_space<vmem>>, vector<16xi32>,
    %get3A_1299 = arith.constant 368 : index
    %get3A_1300 = tpu.vector_load %arg5[%get3A_1299] {strides = array<i32>} : memref<1024xi32, #tpu.memory_space<vmem>>, vector<16xi32>,
    %get3A_1301 = vector.shape_cast %get3A_1300 : vector<16xi32> to vector<16xi32>
    %get3A_1302 = arith.constant 368 : index
    %get3A_1303 = tpu.vector_load %arg6[%get3A_1302] {strides = array<i32>} : memref<1024xi32, #tpu.memory_space<vmem>>, vector<16xi32>,
    %get3A_1304 = vector.shape_cast %get3A_1303 : vector<16xi32> to vector<16xi32>
    %sub3A_1305 = arith.constant 1111111 : i32
    %sub3A_1306 = vector.broadcast %sub3A_1305 : i32 to vector<16xi32>
    %sub3A_1307 = arith.subi %get3A_1301, %sub3A_1306 : vector<16xi32>
    %ge3A_1308 = arith.constant 8000000 : i32
    %ge3A_1309 = vector.broadcast %ge3A_1308 : i32 to vector<16xi32>
    %ge3A_1310 = arith.cmpi sge, %sub3A_1307, %ge3A_1309 : vector<16xi32>
    %sub3A_1311 = arith.constant 8000000 : i32
    %sub3A_1312 = vector.broadcast %sub3A_1311 : i32 to vector<16xi32>
    %sub3A_1313 = arith.subi %sub3A_1307, %sub3A_1312 : vector<16xi32>
    %select_n3A_1314 = arith.select %ge3A_1310, %sub3A_1313, %sub3A_1307 : vector<16xi1>, vector<16xi32>
    %ge3A_1315 = arith.constant 4000000 : i32
    %ge3A_1316 = vector.broadcast %ge3A_1315 : i32 to vector<16xi32>
    %ge3A_1317 = arith.cmpi sge, %select_n3A_1314, %ge3A_1316 : vector<16xi32>
    %sub3A_1318 = arith.constant 4000000 : i32
    %sub3A_1319 = vector.broadcast %sub3A_1318 : i32 to vector<16xi32>
    %sub3A_1320 = arith.subi %select_n3A_1314, %sub3A_1319 : vector<16xi32>
    %select_n3A_1321 = arith.select %ge3A_1317, %sub3A_1320, %select_n3A_1314 : vector<16xi1>, vector<16xi32>
    %ge3A_1322 = arith.constant 2000000 : i32
    %ge3A_1323 = vector.broadcast %ge3A_1322 : i32 to vector<16xi32>
    %ge3A_1324 = arith.cmpi sge, %select_n3A_1321, %ge3A_1323 : vector<16xi32>
    %sub3A_1325 = arith.constant 2000000 : i32
    %sub3A_1326 = vector.broadcast %sub3A_1325 : i32 to vector<16xi32>
    %sub3A_1327 = arith.subi %select_n3A_1321, %sub3A_1326 : vector<16xi32>
    %select_n3A_1328 = arith.select %ge3A_1324, %sub3A_1327, %select_n3A_1321 : vector<16xi1>, vector<16xi32>
    %ge3A_1329 = arith.constant 1000000 : i32
    %ge3A_1330 = vector.broadcast %ge3A_1329 : i32 to vector<16xi32>
    %ge3A_1331 = arith.cmpi sge, %select_n3A_1328, %ge3A_1330 : vector<16xi32>
    %sub3A_1332 = arith.constant 1000000 : i32
    %sub3A_1333 = vector.broadcast %sub3A_1332 : i32 to vector<16xi32>
    %sub3A_1334 = arith.subi %select_n3A_1328, %sub3A_1333 : vector<16xi32>
    %select_n3A_1335 = arith.select %ge3A_1331, %sub3A_1334, %select_n3A_1328 : vector<16xi1>, vector<16xi32>
    %ge3A_1336 = arith.constant 1111111 : i32
    %ge3A_1337 = vector.broadcast %ge3A_1336 : i32 to vector<16xi32>
    %ge3A_1338 = arith.cmpi sge, %get3A_1301, %ge3A_1337 : vector<16xi32>
    %select_n3A_1339 = arith.select %ge3A_1338, %select_n3A_1335, %get3A_1301 : vector<16xi1>, vector<16xi32>
    %jit3A_1340 = arith.constant 1111111 : i32
    %jit3A_1341 = arith.constant 1 : i32
    %broadcast_in_dim3A_1342 = vector.broadcast %jit3A_1340 : i32 to vector<16xi32>
    %broadcast_in_dim3A_1343 = vector.broadcast %jit3A_1341 : i32 to vector<16xi32>
    %select_n3A_1344 = arith.select %ge3A_1338, %broadcast_in_dim3A_1342, %broadcast_in_dim3A_1343 : vector<16xi1>, vector<16xi32>
    %mul3A_1345 = arith.constant 10 : i32
    %mul3A_1346 = vector.broadcast %mul3A_1345 : i32 to vector<16xi32>
    %mul3A_1347 = arith.muli %select_n3A_1339, %mul3A_1346 : vector<16xi32>
    %add3A_1348 = arith.addi %mul3A_1347, %get3A_1304 : vector<16xi32>
    %add3A_1349 = arith.addi %add3A_1348, %select_n3A_1344 : vector<16xi32>
    %swap3A_1350 = arith.constant 368 : index
    %swap3A_1351 = tpu.vector_load %arg7[%swap3A_1350] {strides = array<i32>} : memref<1024xi32, #tpu.memory_space<vmem>>, vector<16xi32>,
    %swap3A_1352 = vector.shape_cast %swap3A_1351 : vector<16xi32> to vector<16xi32>
    %swap3A_1353 = vector.shape_cast %add3A_1349 : vector<16xi32> to vector<16xi32>
    tpu.vector_store %arg7[%swap3A_1350], %swap3A_1353 {strides = array<i32>} : memref<1024xi32, #tpu.memory_space<vmem>>, vector<16xi32>,
    %get3A_1354 = arith.constant 384 : index
    %get3A_1355 = tpu.vector_load %arg5[%get3A_1354] {strides = array<i32>} : memref<1024xi32, #tpu.memory_space<vmem>>, vector<16xi32>,
    %get3A_1356 = vector.shape_cast %get3A_1355 : vector<16xi32> to vector<16xi32>
    %get3A_1357 = arith.constant 384 : index
    %get3A_1358 = tpu.vector_load %arg6[%get3A_1357] {strides = array<i32>} : memref<1024xi32, #tpu.memory_space<vmem>>, vector<16xi32>,
    %get3A_1359 = vector.shape_cast %get3A_1358 : vector<16xi32> to vector<16xi32>
    %sub3A_1360 = arith.constant 1111111 : i32
    %sub3A_1361 = vector.broadcast %sub3A_1360 : i32 to vector<16xi32>
    %sub3A_1362 = arith.subi %get3A_1356, %sub3A_1361 : vector<16xi32>
    %ge3A_1363 = arith.constant 8000000 : i32
    %ge3A_1364 = vector.broadcast %ge3A_1363 : i32 to vector<16xi32>
    %ge3A_1365 = arith.cmpi sge, %sub3A_1362, %ge3A_1364 : vector<16xi32>
    %sub3A_1366 = arith.constant 8000000 : i32
    %sub3A_1367 = vector.broadcast %sub3A_1366 : i32 to vector<16xi32>
    %sub3A_1368 = arith.subi %sub3A_1362, %sub3A_1367 : vector<16xi32>
    %select_n3A_1369 = arith.select %ge3A_1365, %sub3A_1368, %sub3A_1362 : vector<16xi1>, vector<16xi32>
    %ge3A_1370 = arith.constant 4000000 : i32
    %ge3A_1371 = vector.broadcast %ge3A_1370 : i32 to vector<16xi32>
    %ge3A_1372 = arith.cmpi sge, %select_n3A_1369, %ge3A_1371 : vector<16xi32>
    %sub3A_1373 = arith.constant 4000000 : i32
    %sub3A_1374 = vector.broadcast %sub3A_1373 : i32 to vector<16xi32>
    %sub3A_1375 = arith.subi %select_n3A_1369, %sub3A_1374 : vector<16xi32>
    %select_n3A_1376 = arith.select %ge3A_1372, %sub3A_1375, %select_n3A_1369 : vector<16xi1>, vector<16xi32>
    %ge3A_1377 = arith.constant 2000000 : i32
    %ge3A_1378 = vector.broadcast %ge3A_1377 : i32 to vector<16xi32>
    %ge3A_1379 = arith.cmpi sge, %select_n3A_1376, %ge3A_1378 : vector<16xi32>
    %sub3A_1380 = arith.constant 2000000 : i32
    %sub3A_1381 = vector.broadcast %sub3A_1380 : i32 to vector<16xi32>
    %sub3A_1382 = arith.subi %select_n3A_1376, %sub3A_1381 : vector<16xi32>
    %select_n3A_1383 = arith.select %ge3A_1379, %sub3A_1382, %select_n3A_1376 : vector<16xi1>, vector<16xi32>
    %ge3A_1384 = arith.constant 1000000 : i32
    %ge3A_1385 = vector.broadcast %ge3A_1384 : i32 to vector<16xi32>
    %ge3A_1386 = arith.cmpi sge, %select_n3A_1383, %ge3A_1385 : vector<16xi32>
    %sub3A_1387 = arith.constant 1000000 : i32
    %sub3A_1388 = vector.broadcast %sub3A_1387 : i32 to vector<16xi32>
    %sub3A_1389 = arith.subi %select_n3A_1383, %sub3A_1388 : vector<16xi32>
    %select_n3A_1390 = arith.select %ge3A_1386, %sub3A_1389, %select_n3A_1383 : vector<16xi1>, vector<16xi32>
    %ge3A_1391 = arith.constant 1111111 : i32
    %ge3A_1392 = vector.broadcast %ge3A_1391 : i32 to vector<16xi32>
    %ge3A_1393 = arith.cmpi sge, %get3A_1356, %ge3A_1392 : vector<16xi32>
    %select_n3A_1394 = arith.select %ge3A_1393, %select_n3A_1390, %get3A_1356 : vector<16xi1>, vector<16xi32>
    %jit3A_1395 = arith.constant 1111111 : i32
    %jit3A_1396 = arith.constant 1 : i32
    %broadcast_in_dim3A_1397 = vector.broadcast %jit3A_1395 : i32 to vector<16xi32>
    %broadcast_in_dim3A_1398 = vector.broadcast %jit3A_1396 : i32 to vector<16xi32>
    %select_n3A_1399 = arith.select %ge3A_1393, %broadcast_in_dim3A_1397, %broadcast_in_dim3A_1398 : vector<16xi1>, vector<16xi32>
    %mul3A_1400 = arith.constant 10 : i32
    %mul3A_1401 = vector.broadcast %mul3A_1400 : i32 to vector<16xi32>
    %mul3A_1402 = arith.muli %select_n3A_1394, %mul3A_1401 : vector<16xi32>
    %add3A_1403 = arith.addi %mul3A_1402, %get3A_1359 : vector<16xi32>
    %add3A_1404 = arith.addi %add3A_1403, %select_n3A_1399 : vector<16xi32>
    %swap3A_1405 = arith.constant 384 : index
    %swap3A_1406 = tpu.vector_load %arg7[%swap3A_1405] {strides = array<i32>} : memref<1024xi32, #tpu.memory_space<vmem>>, vector<16xi32>,
    %swap3A_1407 = vector.shape_cast %swap3A_1406 : vector<16xi32> to vector<16xi32>
    %swap3A_1408 = vector.shape_cast %add3A_1404 : vector<16xi32> to vector<16xi32>
    tpu.vector_store %arg7[%swap3A_1405], %swap3A_1408 {strides = array<i32>} : memref<1024xi32, #tpu.memory_space<vmem>>, vector<16xi32>,
    %get3A_1409 = arith.constant 400 : index
    %get3A_1410 = tpu.vector_load %arg5[%get3A_1409] {strides = array<i32>} : memref<1024xi32, #tpu.memory_space<vmem>>, vector<16xi32>,
    %get3A_1411 = vector.shape_cast %get3A_1410 : vector<16xi32> to vector<16xi32>
    %get3A_1412 = arith.constant 400 : index
    %get3A_1413 = tpu.vector_load %arg6[%get3A_1412] {strides = array<i32>} : memref<1024xi32, #tpu.memory_space<vmem>>, vector<16xi32>,
    %get3A_1414 = vector.shape_cast %get3A_1413 : vector<16xi32> to vector<16xi32>
    %sub3A_1415 = arith.constant 1111111 : i32
    %sub3A_1416 = vector.broadcast %sub3A_1415 : i32 to vector<16xi32>
    %sub3A_1417 = arith.subi %get3A_1411, %sub3A_1416 : vector<16xi32>
    %ge3A_1418 = arith.constant 8000000 : i32
    %ge3A_1419 = vector.broadcast %ge3A_1418 : i32 to vector<16xi32>
    %ge3A_1420 = arith.cmpi sge, %sub3A_1417, %ge3A_1419 : vector<16xi32>
    %sub3A_1421 = arith.constant 8000000 : i32
    %sub3A_1422 = vector.broadcast %sub3A_1421 : i32 to vector<16xi32>
    %sub3A_1423 = arith.subi %sub3A_1417, %sub3A_1422 : vector<16xi32>
    %select_n3A_1424 = arith.select %ge3A_1420, %sub3A_1423, %sub3A_1417 : vector<16xi1>, vector<16xi32>
    %ge3A_1425 = arith.constant 4000000 : i32
    %ge3A_1426 = vector.broadcast %ge3A_1425 : i32 to vector<16xi32>
    %ge3A_1427 = arith.cmpi sge, %select_n3A_1424, %ge3A_1426 : vector<16xi32>
    %sub3A_1428 = arith.constant 4000000 : i32
    %sub3A_1429 = vector.broadcast %sub3A_1428 : i32 to vector<16xi32>
    %sub3A_1430 = arith.subi %select_n3A_1424, %sub3A_1429 : vector<16xi32>
    %select_n3A_1431 = arith.select %ge3A_1427, %sub3A_1430, %select_n3A_1424 : vector<16xi1>, vector<16xi32>
    %ge3A_1432 = arith.constant 2000000 : i32
    %ge3A_1433 = vector.broadcast %ge3A_1432 : i32 to vector<16xi32>
    %ge3A_1434 = arith.cmpi sge, %select_n3A_1431, %ge3A_1433 : vector<16xi32>
    %sub3A_1435 = arith.constant 2000000 : i32
    %sub3A_1436 = vector.broadcast %sub3A_1435 : i32 to vector<16xi32>
    %sub3A_1437 = arith.subi %select_n3A_1431, %sub3A_1436 : vector<16xi32>
    %select_n3A_1438 = arith.select %ge3A_1434, %sub3A_1437, %select_n3A_1431 : vector<16xi1>, vector<16xi32>
    %ge3A_1439 = arith.constant 1000000 : i32
    %ge3A_1440 = vector.broadcast %ge3A_1439 : i32 to vector<16xi32>
    %ge3A_1441 = arith.cmpi sge, %select_n3A_1438, %ge3A_1440 : vector<16xi32>
    %sub3A_1442 = arith.constant 1000000 : i32
    %sub3A_1443 = vector.broadcast %sub3A_1442 : i32 to vector<16xi32>
    %sub3A_1444 = arith.subi %select_n3A_1438, %sub3A_1443 : vector<16xi32>
    %select_n3A_1445 = arith.select %ge3A_1441, %sub3A_1444, %select_n3A_1438 : vector<16xi1>, vector<16xi32>
    %ge3A_1446 = arith.constant 1111111 : i32
    %ge3A_1447 = vector.broadcast %ge3A_1446 : i32 to vector<16xi32>
    %ge3A_1448 = arith.cmpi sge, %get3A_1411, %ge3A_1447 : vector<16xi32>
    %select_n3A_1449 = arith.select %ge3A_1448, %select_n3A_1445, %get3A_1411 : vector<16xi1>, vector<16xi32>
    %jit3A_1450 = arith.constant 1111111 : i32
    %jit3A_1451 = arith.constant 1 : i32
    %broadcast_in_dim3A_1452 = vector.broadcast %jit3A_1450 : i32 to vector<16xi32>
    %broadcast_in_dim3A_1453 = vector.broadcast %jit3A_1451 : i32 to vector<16xi32>
    %select_n3A_1454 = arith.select %ge3A_1448, %broadcast_in_dim3A_1452, %broadcast_in_dim3A_1453 : vector<16xi1>, vector<16xi32>
    %mul3A_1455 = arith.constant 10 : i32
    %mul3A_1456 = vector.broadcast %mul3A_1455 : i32 to vector<16xi32>
    %mul3A_1457 = arith.muli %select_n3A_1449, %mul3A_1456 : vector<16xi32>
    %add3A_1458 = arith.addi %mul3A_1457, %get3A_1414 : vector<16xi32>
    %add3A_1459 = arith.addi %add3A_1458, %select_n3A_1454 : vector<16xi32>
    %swap3A_1460 = arith.constant 400 : index
    %swap3A_1461 = tpu.vector_load %arg7[%swap3A_1460] {strides = array<i32>} : memref<1024xi32, #tpu.memory_space<vmem>>, vector<16xi32>,
    %swap3A_1462 = vector.shape_cast %swap3A_1461 : vector<16xi32> to vector<16xi32>
    %swap3A_1463 = vector.shape_cast %add3A_1459 : vector<16xi32> to vector<16xi32>
    tpu.vector_store %arg7[%swap3A_1460], %swap3A_1463 {strides = array<i32>} : memref<1024xi32, #tpu.memory_space<vmem>>, vector<16xi32>,
    %get3A_1464 = arith.constant 416 : index
    %get3A_1465 = tpu.vector_load %arg5[%get3A_1464] {strides = array<i32>} : memref<1024xi32, #tpu.memory_space<vmem>>, vector<16xi32>,
    %get3A_1466 = vector.shape_cast %get3A_1465 : vector<16xi32> to vector<16xi32>
    %get3A_1467 = arith.constant 416 : index
    %get3A_1468 = tpu.vector_load %arg6[%get3A_1467] {strides = array<i32>} : memref<1024xi32, #tpu.memory_space<vmem>>, vector<16xi32>,
    %get3A_1469 = vector.shape_cast %get3A_1468 : vector<16xi32> to vector<16xi32>
    %sub3A_1470 = arith.constant 1111111 : i32
    %sub3A_1471 = vector.broadcast %sub3A_1470 : i32 to vector<16xi32>
    %sub3A_1472 = arith.subi %get3A_1466, %sub3A_1471 : vector<16xi32>
    %ge3A_1473 = arith.constant 8000000 : i32
    %ge3A_1474 = vector.broadcast %ge3A_1473 : i32 to vector<16xi32>
    %ge3A_1475 = arith.cmpi sge, %sub3A_1472, %ge3A_1474 : vector<16xi32>
    %sub3A_1476 = arith.constant 8000000 : i32
    %sub3A_1477 = vector.broadcast %sub3A_1476 : i32 to vector<16xi32>
    %sub3A_1478 = arith.subi %sub3A_1472, %sub3A_1477 : vector<16xi32>
    %select_n3A_1479 = arith.select %ge3A_1475, %sub3A_1478, %sub3A_1472 : vector<16xi1>, vector<16xi32>
    %ge3A_1480 = arith.constant 4000000 : i32
    %ge3A_1481 = vector.broadcast %ge3A_1480 : i32 to vector<16xi32>
    %ge3A_1482 = arith.cmpi sge, %select_n3A_1479, %ge3A_1481 : vector<16xi32>
    %sub3A_1483 = arith.constant 4000000 : i32
    %sub3A_1484 = vector.broadcast %sub3A_1483 : i32 to vector<16xi32>
    %sub3A_1485 = arith.subi %select_n3A_1479, %sub3A_1484 : vector<16xi32>
    %select_n3A_1486 = arith.select %ge3A_1482, %sub3A_1485, %select_n3A_1479 : vector<16xi1>, vector<16xi32>
    %ge3A_1487 = arith.constant 2000000 : i32
    %ge3A_1488 = vector.broadcast %ge3A_1487 : i32 to vector<16xi32>
    %ge3A_1489 = arith.cmpi sge, %select_n3A_1486, %ge3A_1488 : vector<16xi32>
    %sub3A_1490 = arith.constant 2000000 : i32
    %sub3A_1491 = vector.broadcast %sub3A_1490 : i32 to vector<16xi32>
    %sub3A_1492 = arith.subi %select_n3A_1486, %sub3A_1491 : vector<16xi32>
    %select_n3A_1493 = arith.select %ge3A_1489, %sub3A_1492, %select_n3A_1486 : vector<16xi1>, vector<16xi32>
    %ge3A_1494 = arith.constant 1000000 : i32
    %ge3A_1495 = vector.broadcast %ge3A_1494 : i32 to vector<16xi32>
    %ge3A_1496 = arith.cmpi sge, %select_n3A_1493, %ge3A_1495 : vector<16xi32>
    %sub3A_1497 = arith.constant 1000000 : i32
    %sub3A_1498 = vector.broadcast %sub3A_1497 : i32 to vector<16xi32>
    %sub3A_1499 = arith.subi %select_n3A_1493, %sub3A_1498 : vector<16xi32>
    %select_n3A_1500 = arith.select %ge3A_1496, %sub3A_1499, %select_n3A_1493 : vector<16xi1>, vector<16xi32>
    %ge3A_1501 = arith.constant 1111111 : i32
    %ge3A_1502 = vector.broadcast %ge3A_1501 : i32 to vector<16xi32>
    %ge3A_1503 = arith.cmpi sge, %get3A_1466, %ge3A_1502 : vector<16xi32>
    %select_n3A_1504 = arith.select %ge3A_1503, %select_n3A_1500, %get3A_1466 : vector<16xi1>, vector<16xi32>
    %jit3A_1505 = arith.constant 1111111 : i32
    %jit3A_1506 = arith.constant 1 : i32
    %broadcast_in_dim3A_1507 = vector.broadcast %jit3A_1505 : i32 to vector<16xi32>
    %broadcast_in_dim3A_1508 = vector.broadcast %jit3A_1506 : i32 to vector<16xi32>
    %select_n3A_1509 = arith.select %ge3A_1503, %broadcast_in_dim3A_1507, %broadcast_in_dim3A_1508 : vector<16xi1>, vector<16xi32>
    %mul3A_1510 = arith.constant 10 : i32
    %mul3A_1511 = vector.broadcast %mul3A_1510 : i32 to vector<16xi32>
    %mul3A_1512 = arith.muli %select_n3A_1504, %mul3A_1511 : vector<16xi32>
    %add3A_1513 = arith.addi %mul3A_1512, %get3A_1469 : vector<16xi32>
    %add3A_1514 = arith.addi %add3A_1513, %select_n3A_1509 : vector<16xi32>
    %swap3A_1515 = arith.constant 416 : index
    %swap3A_1516 = tpu.vector_load %arg7[%swap3A_1515] {strides = array<i32>} : memref<1024xi32, #tpu.memory_space<vmem>>, vector<16xi32>,
    %swap3A_1517 = vector.shape_cast %swap3A_1516 : vector<16xi32> to vector<16xi32>
    %swap3A_1518 = vector.shape_cast %add3A_1514 : vector<16xi32> to vector<16xi32>
    tpu.vector_store %arg7[%swap3A_1515], %swap3A_1518 {strides = array<i32>} : memref<1024xi32, #tpu.memory_space<vmem>>, vector<16xi32>,
    %get3A_1519 = arith.constant 432 : index
    %get3A_1520 = tpu.vector_load %arg5[%get3A_1519] {strides = array<i32>} : memref<1024xi32, #tpu.memory_space<vmem>>, vector<16xi32>,
    %get3A_1521 = vector.shape_cast %get3A_1520 : vector<16xi32> to vector<16xi32>
    %get3A_1522 = arith.constant 432 : index
    %get3A_1523 = tpu.vector_load %arg6[%get3A_1522] {strides = array<i32>} : memref<1024xi32, #tpu.memory_space<vmem>>, vector<16xi32>,
    %get3A_1524 = vector.shape_cast %get3A_1523 : vector<16xi32> to vector<16xi32>
    %sub3A_1525 = arith.constant 1111111 : i32
    %sub3A_1526 = vector.broadcast %sub3A_1525 : i32 to vector<16xi32>
    %sub3A_1527 = arith.subi %get3A_1521, %sub3A_1526 : vector<16xi32>
    %ge3A_1528 = arith.constant 8000000 : i32
    %ge3A_1529 = vector.broadcast %ge3A_1528 : i32 to vector<16xi32>
    %ge3A_1530 = arith.cmpi sge, %sub3A_1527, %ge3A_1529 : vector<16xi32>
    %sub3A_1531 = arith.constant 8000000 : i32
    %sub3A_1532 = vector.broadcast %sub3A_1531 : i32 to vector<16xi32>
    %sub3A_1533 = arith.subi %sub3A_1527, %sub3A_1532 : vector<16xi32>
    %select_n3A_1534 = arith.select %ge3A_1530, %sub3A_1533, %sub3A_1527 : vector<16xi1>, vector<16xi32>
    %ge3A_1535 = arith.constant 4000000 : i32
    %ge3A_1536 = vector.broadcast %ge3A_1535 : i32 to vector<16xi32>
    %ge3A_1537 = arith.cmpi sge, %select_n3A_1534, %ge3A_1536 : vector<16xi32>
    %sub3A_1538 = arith.constant 4000000 : i32
    %sub3A_1539 = vector.broadcast %sub3A_1538 : i32 to vector<16xi32>
    %sub3A_1540 = arith.subi %select_n3A_1534, %sub3A_1539 : vector<16xi32>
    %select_n3A_1541 = arith.select %ge3A_1537, %sub3A_1540, %select_n3A_1534 : vector<16xi1>, vector<16xi32>
    %ge3A_1542 = arith.constant 2000000 : i32
    %ge3A_1543 = vector.broadcast %ge3A_1542 : i32 to vector<16xi32>
    %ge3A_1544 = arith.cmpi sge, %select_n3A_1541, %ge3A_1543 : vector<16xi32>
    %sub3A_1545 = arith.constant 2000000 : i32
    %sub3A_1546 = vector.broadcast %sub3A_1545 : i32 to vector<16xi32>
    %sub3A_1547 = arith.subi %select_n3A_1541, %sub3A_1546 : vector<16xi32>
    %select_n3A_1548 = arith.select %ge3A_1544, %sub3A_1547, %select_n3A_1541 : vector<16xi1>, vector<16xi32>
    %ge3A_1549 = arith.constant 1000000 : i32
    %ge3A_1550 = vector.broadcast %ge3A_1549 : i32 to vector<16xi32>
    %ge3A_1551 = arith.cmpi sge, %select_n3A_1548, %ge3A_1550 : vector<16xi32>
    %sub3A_1552 = arith.constant 1000000 : i32
    %sub3A_1553 = vector.broadcast %sub3A_1552 : i32 to vector<16xi32>
    %sub3A_1554 = arith.subi %select_n3A_1548, %sub3A_1553 : vector<16xi32>
    %select_n3A_1555 = arith.select %ge3A_1551, %sub3A_1554, %select_n3A_1548 : vector<16xi1>, vector<16xi32>
    %ge3A_1556 = arith.constant 1111111 : i32
    %ge3A_1557 = vector.broadcast %ge3A_1556 : i32 to vector<16xi32>
    %ge3A_1558 = arith.cmpi sge, %get3A_1521, %ge3A_1557 : vector<16xi32>
    %select_n3A_1559 = arith.select %ge3A_1558, %select_n3A_1555, %get3A_1521 : vector<16xi1>, vector<16xi32>
    %jit3A_1560 = arith.constant 1111111 : i32
    %jit3A_1561 = arith.constant 1 : i32
    %broadcast_in_dim3A_1562 = vector.broadcast %jit3A_1560 : i32 to vector<16xi32>
    %broadcast_in_dim3A_1563 = vector.broadcast %jit3A_1561 : i32 to vector<16xi32>
    %select_n3A_1564 = arith.select %ge3A_1558, %broadcast_in_dim3A_1562, %broadcast_in_dim3A_1563 : vector<16xi1>, vector<16xi32>
    %mul3A_1565 = arith.constant 10 : i32
    %mul3A_1566 = vector.broadcast %mul3A_1565 : i32 to vector<16xi32>
    %mul3A_1567 = arith.muli %select_n3A_1559, %mul3A_1566 : vector<16xi32>
    %add3A_1568 = arith.addi %mul3A_1567, %get3A_1524 : vector<16xi32>
    %add3A_1569 = arith.addi %add3A_1568, %select_n3A_1564 : vector<16xi32>
    %swap3A_1570 = arith.constant 432 : index
    %swap3A_1571 = tpu.vector_load %arg7[%swap3A_1570] {strides = array<i32>} : memref<1024xi32, #tpu.memory_space<vmem>>, vector<16xi32>,
    %swap3A_1572 = vector.shape_cast %swap3A_1571 : vector<16xi32> to vector<16xi32>
    %swap3A_1573 = vector.shape_cast %add3A_1569 : vector<16xi32> to vector<16xi32>
    tpu.vector_store %arg7[%swap3A_1570], %swap3A_1573 {strides = array<i32>} : memref<1024xi32, #tpu.memory_space<vmem>>, vector<16xi32>,
    %get3A_1574 = arith.constant 448 : index
    %get3A_1575 = tpu.vector_load %arg5[%get3A_1574] {strides = array<i32>} : memref<1024xi32, #tpu.memory_space<vmem>>, vector<16xi32>,
    %get3A_1576 = vector.shape_cast %get3A_1575 : vector<16xi32> to vector<16xi32>
    %get3A_1577 = arith.constant 448 : index
    %get3A_1578 = tpu.vector_load %arg6[%get3A_1577] {strides = array<i32>} : memref<1024xi32, #tpu.memory_space<vmem>>, vector<16xi32>,
    %get3A_1579 = vector.shape_cast %get3A_1578 : vector<16xi32> to vector<16xi32>
    %sub3A_1580 = arith.constant 1111111 : i32
    %sub3A_1581 = vector.broadcast %sub3A_1580 : i32 to vector<16xi32>
    %sub3A_1582 = arith.subi %get3A_1576, %sub3A_1581 : vector<16xi32>
    %ge3A_1583 = arith.constant 8000000 : i32
    %ge3A_1584 = vector.broadcast %ge3A_1583 : i32 to vector<16xi32>
    %ge3A_1585 = arith.cmpi sge, %sub3A_1582, %ge3A_1584 : vector<16xi32>
    %sub3A_1586 = arith.constant 8000000 : i32
    %sub3A_1587 = vector.broadcast %sub3A_1586 : i32 to vector<16xi32>
    %sub3A_1588 = arith.subi %sub3A_1582, %sub3A_1587 : vector<16xi32>
    %select_n3A_1589 = arith.select %ge3A_1585, %sub3A_1588, %sub3A_1582 : vector<16xi1>, vector<16xi32>
    %ge3A_1590 = arith.constant 4000000 : i32
    %ge3A_1591 = vector.broadcast %ge3A_1590 : i32 to vector<16xi32>
    %ge3A_1592 = arith.cmpi sge, %select_n3A_1589, %ge3A_1591 : vector<16xi32>
    %sub3A_1593 = arith.constant 4000000 : i32
    %sub3A_1594 = vector.broadcast %sub3A_1593 : i32 to vector<16xi32>
    %sub3A_1595 = arith.subi %select_n3A_1589, %sub3A_1594 : vector<16xi32>
    %select_n3A_1596 = arith.select %ge3A_1592, %sub3A_1595, %select_n3A_1589 : vector<16xi1>, vector<16xi32>
    %ge3A_1597 = arith.constant 2000000 : i32
    %ge3A_1598 = vector.broadcast %ge3A_1597 : i32 to vector<16xi32>
    %ge3A_1599 = arith.cmpi sge, %select_n3A_1596, %ge3A_1598 : vector<16xi32>
    %sub3A_1600 = arith.constant 2000000 : i32
    %sub3A_1601 = vector.broadcast %sub3A_1600 : i32 to vector<16xi32>
    %sub3A_1602 = arith.subi %select_n3A_1596, %sub3A_1601 : vector<16xi32>
    %select_n3A_1603 = arith.select %ge3A_1599, %sub3A_1602, %select_n3A_1596 : vector<16xi1>, vector<16xi32>
    %ge3A_1604 = arith.constant 1000000 : i32
    %ge3A_1605 = vector.broadcast %ge3A_1604 : i32 to vector<16xi32>
    %ge3A_1606 = arith.cmpi sge, %select_n3A_1603, %ge3A_1605 : vector<16xi32>
    %sub3A_1607 = arith.constant 1000000 : i32
    %sub3A_1608 = vector.broadcast %sub3A_1607 : i32 to vector<16xi32>
    %sub3A_1609 = arith.subi %select_n3A_1603, %sub3A_1608 : vector<16xi32>
    %select_n3A_1610 = arith.select %ge3A_1606, %sub3A_1609, %select_n3A_1603 : vector<16xi1>, vector<16xi32>
    %ge3A_1611 = arith.constant 1111111 : i32
    %ge3A_1612 = vector.broadcast %ge3A_1611 : i32 to vector<16xi32>
    %ge3A_1613 = arith.cmpi sge, %get3A_1576, %ge3A_1612 : vector<16xi32>
    %select_n3A_1614 = arith.select %ge3A_1613, %select_n3A_1610, %get3A_1576 : vector<16xi1>, vector<16xi32>
    %jit3A_1615 = arith.constant 1111111 : i32
    %jit3A_1616 = arith.constant 1 : i32
    %broadcast_in_dim3A_1617 = vector.broadcast %jit3A_1615 : i32 to vector<16xi32>
    %broadcast_in_dim3A_1618 = vector.broadcast %jit3A_1616 : i32 to vector<16xi32>
    %select_n3A_1619 = arith.select %ge3A_1613, %broadcast_in_dim3A_1617, %broadcast_in_dim3A_1618 : vector<16xi1>, vector<16xi32>
    %mul3A_1620 = arith.constant 10 : i32
    %mul3A_1621 = vector.broadcast %mul3A_1620 : i32 to vector<16xi32>
    %mul3A_1622 = arith.muli %select_n3A_1614, %mul3A_1621 : vector<16xi32>
    %add3A_1623 = arith.addi %mul3A_1622, %get3A_1579 : vector<16xi32>
    %add3A_1624 = arith.addi %add3A_1623, %select_n3A_1619 : vector<16xi32>
    %swap3A_1625 = arith.constant 448 : index
    %swap3A_1626 = tpu.vector_load %arg7[%swap3A_1625] {strides = array<i32>} : memref<1024xi32, #tpu.memory_space<vmem>>, vector<16xi32>,
    %swap3A_1627 = vector.shape_cast %swap3A_1626 : vector<16xi32> to vector<16xi32>
    %swap3A_1628 = vector.shape_cast %add3A_1624 : vector<16xi32> to vector<16xi32>
    tpu.vector_store %arg7[%swap3A_1625], %swap3A_1628 {strides = array<i32>} : memref<1024xi32, #tpu.memory_space<vmem>>, vector<16xi32>,
    %get3A_1629 = arith.constant 464 : index
    %get3A_1630 = tpu.vector_load %arg5[%get3A_1629] {strides = array<i32>} : memref<1024xi32, #tpu.memory_space<vmem>>, vector<16xi32>,
    %get3A_1631 = vector.shape_cast %get3A_1630 : vector<16xi32> to vector<16xi32>
    %get3A_1632 = arith.constant 464 : index
    %get3A_1633 = tpu.vector_load %arg6[%get3A_1632] {strides = array<i32>} : memref<1024xi32, #tpu.memory_space<vmem>>, vector<16xi32>,
    %get3A_1634 = vector.shape_cast %get3A_1633 : vector<16xi32> to vector<16xi32>
    %sub3A_1635 = arith.constant 1111111 : i32
    %sub3A_1636 = vector.broadcast %sub3A_1635 : i32 to vector<16xi32>
    %sub3A_1637 = arith.subi %get3A_1631, %sub3A_1636 : vector<16xi32>
    %ge3A_1638 = arith.constant 8000000 : i32
    %ge3A_1639 = vector.broadcast %ge3A_1638 : i32 to vector<16xi32>
    %ge3A_1640 = arith.cmpi sge, %sub3A_1637, %ge3A_1639 : vector<16xi32>
    %sub3A_1641 = arith.constant 8000000 : i32
    %sub3A_1642 = vector.broadcast %sub3A_1641 : i32 to vector<16xi32>
    %sub3A_1643 = arith.subi %sub3A_1637, %sub3A_1642 : vector<16xi32>
    %select_n3A_1644 = arith.select %ge3A_1640, %sub3A_1643, %sub3A_1637 : vector<16xi1>, vector<16xi32>
    %ge3A_1645 = arith.constant 4000000 : i32
    %ge3A_1646 = vector.broadcast %ge3A_1645 : i32 to vector<16xi32>
    %ge3A_1647 = arith.cmpi sge, %select_n3A_1644, %ge3A_1646 : vector<16xi32>
    %sub3A_1648 = arith.constant 4000000 : i32
    %sub3A_1649 = vector.broadcast %sub3A_1648 : i32 to vector<16xi32>
    %sub3A_1650 = arith.subi %select_n3A_1644, %sub3A_1649 : vector<16xi32>
    %select_n3A_1651 = arith.select %ge3A_1647, %sub3A_1650, %select_n3A_1644 : vector<16xi1>, vector<16xi32>
    %ge3A_1652 = arith.constant 2000000 : i32
    %ge3A_1653 = vector.broadcast %ge3A_1652 : i32 to vector<16xi32>
    %ge3A_1654 = arith.cmpi sge, %select_n3A_1651, %ge3A_1653 : vector<16xi32>
    %sub3A_1655 = arith.constant 2000000 : i32
    %sub3A_1656 = vector.broadcast %sub3A_1655 : i32 to vector<16xi32>
    %sub3A_1657 = arith.subi %select_n3A_1651, %sub3A_1656 : vector<16xi32>
    %select_n3A_1658 = arith.select %ge3A_1654, %sub3A_1657, %select_n3A_1651 : vector<16xi1>, vector<16xi32>
    %ge3A_1659 = arith.constant 1000000 : i32
    %ge3A_1660 = vector.broadcast %ge3A_1659 : i32 to vector<16xi32>
    %ge3A_1661 = arith.cmpi sge, %select_n3A_1658, %ge3A_1660 : vector<16xi32>
    %sub3A_1662 = arith.constant 1000000 : i32
    %sub3A_1663 = vector.broadcast %sub3A_1662 : i32 to vector<16xi32>
    %sub3A_1664 = arith.subi %select_n3A_1658, %sub3A_1663 : vector<16xi32>
    %select_n3A_1665 = arith.select %ge3A_1661, %sub3A_1664, %select_n3A_1658 : vector<16xi1>, vector<16xi32>
    %ge3A_1666 = arith.constant 1111111 : i32
    %ge3A_1667 = vector.broadcast %ge3A_1666 : i32 to vector<16xi32>
    %ge3A_1668 = arith.cmpi sge, %get3A_1631, %ge3A_1667 : vector<16xi32>
    %select_n3A_1669 = arith.select %ge3A_1668, %select_n3A_1665, %get3A_1631 : vector<16xi1>, vector<16xi32>
    %jit3A_1670 = arith.constant 1111111 : i32
    %jit3A_1671 = arith.constant 1 : i32
    %broadcast_in_dim3A_1672 = vector.broadcast %jit3A_1670 : i32 to vector<16xi32>
    %broadcast_in_dim3A_1673 = vector.broadcast %jit3A_1671 : i32 to vector<16xi32>
    %select_n3A_1674 = arith.select %ge3A_1668, %broadcast_in_dim3A_1672, %broadcast_in_dim3A_1673 : vector<16xi1>, vector<16xi32>
    %mul3A_1675 = arith.constant 10 : i32
    %mul3A_1676 = vector.broadcast %mul3A_1675 : i32 to vector<16xi32>
    %mul3A_1677 = arith.muli %select_n3A_1669, %mul3A_1676 : vector<16xi32>
    %add3A_1678 = arith.addi %mul3A_1677, %get3A_1634 : vector<16xi32>
    %add3A_1679 = arith.addi %add3A_1678, %select_n3A_1674 : vector<16xi32>
    %swap3A_1680 = arith.constant 464 : index
    %swap3A_1681 = tpu.vector_load %arg7[%swap3A_1680] {strides = array<i32>} : memref<1024xi32, #tpu.memory_space<vmem>>, vector<16xi32>,
    %swap3A_1682 = vector.shape_cast %swap3A_1681 : vector<16xi32> to vector<16xi32>
    %swap3A_1683 = vector.shape_cast %add3A_1679 : vector<16xi32> to vector<16xi32>
    tpu.vector_store %arg7[%swap3A_1680], %swap3A_1683 {strides = array<i32>} : memref<1024xi32, #tpu.memory_space<vmem>>, vector<16xi32>,
    %get3A_1684 = arith.constant 480 : index
    %get3A_1685 = tpu.vector_load %arg5[%get3A_1684] {strides = array<i32>} : memref<1024xi32, #tpu.memory_space<vmem>>, vector<16xi32>,
    %get3A_1686 = vector.shape_cast %get3A_1685 : vector<16xi32> to vector<16xi32>
    %get3A_1687 = arith.constant 480 : index
    %get3A_1688 = tpu.vector_load %arg6[%get3A_1687] {strides = array<i32>} : memref<1024xi32, #tpu.memory_space<vmem>>, vector<16xi32>,
    %get3A_1689 = vector.shape_cast %get3A_1688 : vector<16xi32> to vector<16xi32>
    %sub3A_1690 = arith.constant 1111111 : i32
    %sub3A_1691 = vector.broadcast %sub3A_1690 : i32 to vector<16xi32>
    %sub3A_1692 = arith.subi %get3A_1686, %sub3A_1691 : vector<16xi32>
    %ge3A_1693 = arith.constant 8000000 : i32
    %ge3A_1694 = vector.broadcast %ge3A_1693 : i32 to vector<16xi32>
    %ge3A_1695 = arith.cmpi sge, %sub3A_1692, %ge3A_1694 : vector<16xi32>
    %sub3A_1696 = arith.constant 8000000 : i32
    %sub3A_1697 = vector.broadcast %sub3A_1696 : i32 to vector<16xi32>
    %sub3A_1698 = arith.subi %sub3A_1692, %sub3A_1697 : vector<16xi32>
    %select_n3A_1699 = arith.select %ge3A_1695, %sub3A_1698, %sub3A_1692 : vector<16xi1>, vector<16xi32>
    %ge3A_1700 = arith.constant 4000000 : i32
    %ge3A_1701 = vector.broadcast %ge3A_1700 : i32 to vector<16xi32>
    %ge3A_1702 = arith.cmpi sge, %select_n3A_1699, %ge3A_1701 : vector<16xi32>
    %sub3A_1703 = arith.constant 4000000 : i32
    %sub3A_1704 = vector.broadcast %sub3A_1703 : i32 to vector<16xi32>
    %sub3A_1705 = arith.subi %select_n3A_1699, %sub3A_1704 : vector<16xi32>
    %select_n3A_1706 = arith.select %ge3A_1702, %sub3A_1705, %select_n3A_1699 : vector<16xi1>, vector<16xi32>
    %ge3A_1707 = arith.constant 2000000 : i32
    %ge3A_1708 = vector.broadcast %ge3A_1707 : i32 to vector<16xi32>
    %ge3A_1709 = arith.cmpi sge, %select_n3A_1706, %ge3A_1708 : vector<16xi32>
    %sub3A_1710 = arith.constant 2000000 : i32
    %sub3A_1711 = vector.broadcast %sub3A_1710 : i32 to vector<16xi32>
    %sub3A_1712 = arith.subi %select_n3A_1706, %sub3A_1711 : vector<16xi32>
    %select_n3A_1713 = arith.select %ge3A_1709, %sub3A_1712, %select_n3A_1706 : vector<16xi1>, vector<16xi32>
    %ge3A_1714 = arith.constant 1000000 : i32
    %ge3A_1715 = vector.broadcast %ge3A_1714 : i32 to vector<16xi32>
    %ge3A_1716 = arith.cmpi sge, %select_n3A_1713, %ge3A_1715 : vector<16xi32>
    %sub3A_1717 = arith.constant 1000000 : i32
    %sub3A_1718 = vector.broadcast %sub3A_1717 : i32 to vector<16xi32>
    %sub3A_1719 = arith.subi %select_n3A_1713, %sub3A_1718 : vector<16xi32>
    %select_n3A_1720 = arith.select %ge3A_1716, %sub3A_1719, %select_n3A_1713 : vector<16xi1>, vector<16xi32>
    %ge3A_1721 = arith.constant 1111111 : i32
    %ge3A_1722 = vector.broadcast %ge3A_1721 : i32 to vector<16xi32>
    %ge3A_1723 = arith.cmpi sge, %get3A_1686, %ge3A_1722 : vector<16xi32>
    %select_n3A_1724 = arith.select %ge3A_1723, %select_n3A_1720, %get3A_1686 : vector<16xi1>, vector<16xi32>
    %jit3A_1725 = arith.constant 1111111 : i32
    %jit3A_1726 = arith.constant 1 : i32
    %broadcast_in_dim3A_1727 = vector.broadcast %jit3A_1725 : i32 to vector<16xi32>
    %broadcast_in_dim3A_1728 = vector.broadcast %jit3A_1726 : i32 to vector<16xi32>
    %select_n3A_1729 = arith.select %ge3A_1723, %broadcast_in_dim3A_1727, %broadcast_in_dim3A_1728 : vector<16xi1>, vector<16xi32>
    %mul3A_1730 = arith.constant 10 : i32
    %mul3A_1731 = vector.broadcast %mul3A_1730 : i32 to vector<16xi32>
    %mul3A_1732 = arith.muli %select_n3A_1724, %mul3A_1731 : vector<16xi32>
    %add3A_1733 = arith.addi %mul3A_1732, %get3A_1689 : vector<16xi32>
    %add3A_1734 = arith.addi %add3A_1733, %select_n3A_1729 : vector<16xi32>
    %swap3A_1735 = arith.constant 480 : index
    %swap3A_1736 = tpu.vector_load %arg7[%swap3A_1735] {strides = array<i32>} : memref<1024xi32, #tpu.memory_space<vmem>>, vector<16xi32>,
    %swap3A_1737 = vector.shape_cast %swap3A_1736 : vector<16xi32> to vector<16xi32>
    %swap3A_1738 = vector.shape_cast %add3A_1734 : vector<16xi32> to vector<16xi32>
    tpu.vector_store %arg7[%swap3A_1735], %swap3A_1738 {strides = array<i32>} : memref<1024xi32, #tpu.memory_space<vmem>>, vector<16xi32>,
    %get3A_1739 = arith.constant 496 : index
    %get3A_1740 = tpu.vector_load %arg5[%get3A_1739] {strides = array<i32>} : memref<1024xi32, #tpu.memory_space<vmem>>, vector<16xi32>,
    %get3A_1741 = vector.shape_cast %get3A_1740 : vector<16xi32> to vector<16xi32>
    %get3A_1742 = arith.constant 496 : index
    %get3A_1743 = tpu.vector_load %arg6[%get3A_1742] {strides = array<i32>} : memref<1024xi32, #tpu.memory_space<vmem>>, vector<16xi32>,
    %get3A_1744 = vector.shape_cast %get3A_1743 : vector<16xi32> to vector<16xi32>
    %sub3A_1745 = arith.constant 1111111 : i32
    %sub3A_1746 = vector.broadcast %sub3A_1745 : i32 to vector<16xi32>
    %sub3A_1747 = arith.subi %get3A_1741, %sub3A_1746 : vector<16xi32>
    %ge3A_1748 = arith.constant 8000000 : i32
    %ge3A_1749 = vector.broadcast %ge3A_1748 : i32 to vector<16xi32>
    %ge3A_1750 = arith.cmpi sge, %sub3A_1747, %ge3A_1749 : vector<16xi32>
    %sub3A_1751 = arith.constant 8000000 : i32
    %sub3A_1752 = vector.broadcast %sub3A_1751 : i32 to vector<16xi32>
    %sub3A_1753 = arith.subi %sub3A_1747, %sub3A_1752 : vector<16xi32>
    %select_n3A_1754 = arith.select %ge3A_1750, %sub3A_1753, %sub3A_1747 : vector<16xi1>, vector<16xi32>
    %ge3A_1755 = arith.constant 4000000 : i32
    %ge3A_1756 = vector.broadcast %ge3A_1755 : i32 to vector<16xi32>
    %ge3A_1757 = arith.cmpi sge, %select_n3A_1754, %ge3A_1756 : vector<16xi32>
    %sub3A_1758 = arith.constant 4000000 : i32
    %sub3A_1759 = vector.broadcast %sub3A_1758 : i32 to vector<16xi32>
    %sub3A_1760 = arith.subi %select_n3A_1754, %sub3A_1759 : vector<16xi32>
    %select_n3A_1761 = arith.select %ge3A_1757, %sub3A_1760, %select_n3A_1754 : vector<16xi1>, vector<16xi32>
    %ge3A_1762 = arith.constant 2000000 : i32
    %ge3A_1763 = vector.broadcast %ge3A_1762 : i32 to vector<16xi32>
    %ge3A_1764 = arith.cmpi sge, %select_n3A_1761, %ge3A_1763 : vector<16xi32>
    %sub3A_1765 = arith.constant 2000000 : i32
    %sub3A_1766 = vector.broadcast %sub3A_1765 : i32 to vector<16xi32>
    %sub3A_1767 = arith.subi %select_n3A_1761, %sub3A_1766 : vector<16xi32>
    %select_n3A_1768 = arith.select %ge3A_1764, %sub3A_1767, %select_n3A_1761 : vector<16xi1>, vector<16xi32>
    %ge3A_1769 = arith.constant 1000000 : i32
    %ge3A_1770 = vector.broadcast %ge3A_1769 : i32 to vector<16xi32>
    %ge3A_1771 = arith.cmpi sge, %select_n3A_1768, %ge3A_1770 : vector<16xi32>
    %sub3A_1772 = arith.constant 1000000 : i32
    %sub3A_1773 = vector.broadcast %sub3A_1772 : i32 to vector<16xi32>
    %sub3A_1774 = arith.subi %select_n3A_1768, %sub3A_1773 : vector<16xi32>
    %select_n3A_1775 = arith.select %ge3A_1771, %sub3A_1774, %select_n3A_1768 : vector<16xi1>, vector<16xi32>
    %ge3A_1776 = arith.constant 1111111 : i32
    %ge3A_1777 = vector.broadcast %ge3A_1776 : i32 to vector<16xi32>
    %ge3A_1778 = arith.cmpi sge, %get3A_1741, %ge3A_1777 : vector<16xi32>
    %select_n3A_1779 = arith.select %ge3A_1778, %select_n3A_1775, %get3A_1741 : vector<16xi1>, vector<16xi32>
    %jit3A_1780 = arith.constant 1111111 : i32
    %jit3A_1781 = arith.constant 1 : i32
    %broadcast_in_dim3A_1782 = vector.broadcast %jit3A_1780 : i32 to vector<16xi32>
    %broadcast_in_dim3A_1783 = vector.broadcast %jit3A_1781 : i32 to vector<16xi32>
    %select_n3A_1784 = arith.select %ge3A_1778, %broadcast_in_dim3A_1782, %broadcast_in_dim3A_1783 : vector<16xi1>, vector<16xi32>
    %mul3A_1785 = arith.constant 10 : i32
    %mul3A_1786 = vector.broadcast %mul3A_1785 : i32 to vector<16xi32>
    %mul3A_1787 = arith.muli %select_n3A_1779, %mul3A_1786 : vector<16xi32>
    %add3A_1788 = arith.addi %mul3A_1787, %get3A_1744 : vector<16xi32>
    %add3A_1789 = arith.addi %add3A_1788, %select_n3A_1784 : vector<16xi32>
    %swap3A_1790 = arith.constant 496 : index
    %swap3A_1791 = tpu.vector_load %arg7[%swap3A_1790] {strides = array<i32>} : memref<1024xi32, #tpu.memory_space<vmem>>, vector<16xi32>,
    %swap3A_1792 = vector.shape_cast %swap3A_1791 : vector<16xi32> to vector<16xi32>
    %swap3A_1793 = vector.shape_cast %add3A_1789 : vector<16xi32> to vector<16xi32>
    tpu.vector_store %arg7[%swap3A_1790], %swap3A_1793 {strides = array<i32>} : memref<1024xi32, #tpu.memory_space<vmem>>, vector<16xi32>,
    %dma_start3A_1794 = arith.constant 0 : i32
    %dma_start3A_1795 = tpu.memref_slice %arg7[%dma_start3A_1794] : memref<1024xi32, #tpu.memory_space<vmem>> -> memref<512xi32, #tpu.memory_space<vmem>>
    %dma_start3A_1796 = tpu.memref_slice %arg4[%mul3A_2] : memref<16384xi32, #tpu.memory_space<hbm>> -> memref<512xi32, #tpu.memory_space<hbm>>
    %dma_start3A_1797 = tpu.memref_slice %arg4[%mul3A_2] : memref<16384xi32, #tpu.memory_space<hbm>> -> memref<512xi32, #tpu.memory_space<hbm>>
    %dma_start3A_1798 = arith.constant 0 : i32
    %dma_start3A_1799 = tpu.memref_slice %arg7[%dma_start3A_1798] : memref<1024xi32, #tpu.memory_space<vmem>> -> memref<512xi32, #tpu.memory_space<vmem>>
    tpu.enqueue_dma source(%dma_start3A_1799 : memref<512xi32, #tpu.memory_space<vmem>>) target(%dma_start3A_1797 : memref<512xi32, #tpu.memory_space<hbm>>) target_semaphore(%arg12 : memref<!tpu.dma_semaphore, #tpu.memory_space<semaphore_mem>>)
    %dma_wait3A_1800 = arith.constant 512 : i32
    %dma_wait3A_1801 = tpu.memref_slice %arg5[%dma_wait3A_1800] : memref<1024xi32, #tpu.memory_space<vmem>> -> memref<512xi32, #tpu.memory_space<vmem>>
    %dma_wait3A_1802 = tpu.memref_slice %arg2[%add3A_15] : memref<16384xi32, #tpu.memory_space<hbm>> -> memref<512xi32, #tpu.memory_space<hbm>>
    %dma_wait3A_1803 = arith.constant 512 : i32
    %dma_wait3A_1804 = tpu.memref_slice %arg5[%dma_wait3A_1803] : memref<1024xi32, #tpu.memory_space<vmem>> -> memref<512xi32, #tpu.memory_space<vmem>>
    %dma_wait3A_1805 = tpu.memref_slice %arg2[%add3A_15] : memref<16384xi32, #tpu.memory_space<hbm>> -> memref<512xi32, #tpu.memory_space<hbm>>
    tpu.wait_dma2 semaphore(%arg10 : memref<!tpu.dma_semaphore, #tpu.memory_space<semaphore_mem>>) src(%dma_wait3A_1805 : memref<512xi32, #tpu.memory_space<hbm>>) dst(%dma_wait3A_1804 : memref<512xi32, #tpu.memory_space<vmem>>)
    %dma_wait3A_1806 = arith.constant 512 : i32
    %dma_wait3A_1807 = tpu.memref_slice %arg6[%dma_wait3A_1806] : memref<1024xi32, #tpu.memory_space<vmem>> -> memref<512xi32, #tpu.memory_space<vmem>>
    %dma_wait3A_1808 = tpu.memref_slice %arg3[%add3A_23] : memref<16384xi32, #tpu.memory_space<hbm>> -> memref<512xi32, #tpu.memory_space<hbm>>
    %dma_wait3A_1809 = arith.constant 512 : i32
    %dma_wait3A_1810 = tpu.memref_slice %arg6[%dma_wait3A_1809] : memref<1024xi32, #tpu.memory_space<vmem>> -> memref<512xi32, #tpu.memory_space<vmem>>
    %dma_wait3A_1811 = tpu.memref_slice %arg3[%add3A_23] : memref<16384xi32, #tpu.memory_space<hbm>> -> memref<512xi32, #tpu.memory_space<hbm>>
    tpu.wait_dma2 semaphore(%arg11 : memref<!tpu.dma_semaphore, #tpu.memory_space<semaphore_mem>>) src(%dma_wait3A_1811 : memref<512xi32, #tpu.memory_space<hbm>>) dst(%dma_wait3A_1810 : memref<512xi32, #tpu.memory_space<vmem>>)
    %get3A_1812 = arith.constant 512 : index
    %get3A_1813 = tpu.vector_load %arg5[%get3A_1812] {strides = array<i32>} : memref<1024xi32, #tpu.memory_space<vmem>>, vector<16xi32>,
    %get3A_1814 = vector.shape_cast %get3A_1813 : vector<16xi32> to vector<16xi32>
    %get3A_1815 = arith.constant 512 : index
    %get3A_1816 = tpu.vector_load %arg6[%get3A_1815] {strides = array<i32>} : memref<1024xi32, #tpu.memory_space<vmem>>, vector<16xi32>,
    %get3A_1817 = vector.shape_cast %get3A_1816 : vector<16xi32> to vector<16xi32>
    %sub3A_1818 = arith.constant 1111111 : i32
    %sub3A_1819 = vector.broadcast %sub3A_1818 : i32 to vector<16xi32>
    %sub3A_1820 = arith.subi %get3A_1814, %sub3A_1819 : vector<16xi32>
    %ge3A_1821 = arith.constant 8000000 : i32
    %ge3A_1822 = vector.broadcast %ge3A_1821 : i32 to vector<16xi32>
    %ge3A_1823 = arith.cmpi sge, %sub3A_1820, %ge3A_1822 : vector<16xi32>
    %sub3A_1824 = arith.constant 8000000 : i32
    %sub3A_1825 = vector.broadcast %sub3A_1824 : i32 to vector<16xi32>
    %sub3A_1826 = arith.subi %sub3A_1820, %sub3A_1825 : vector<16xi32>
    %select_n3A_1827 = arith.select %ge3A_1823, %sub3A_1826, %sub3A_1820 : vector<16xi1>, vector<16xi32>
    %ge3A_1828 = arith.constant 4000000 : i32
    %ge3A_1829 = vector.broadcast %ge3A_1828 : i32 to vector<16xi32>
    %ge3A_1830 = arith.cmpi sge, %select_n3A_1827, %ge3A_1829 : vector<16xi32>
    %sub3A_1831 = arith.constant 4000000 : i32
    %sub3A_1832 = vector.broadcast %sub3A_1831 : i32 to vector<16xi32>
    %sub3A_1833 = arith.subi %select_n3A_1827, %sub3A_1832 : vector<16xi32>
    %select_n3A_1834 = arith.select %ge3A_1830, %sub3A_1833, %select_n3A_1827 : vector<16xi1>, vector<16xi32>
    %ge3A_1835 = arith.constant 2000000 : i32
    %ge3A_1836 = vector.broadcast %ge3A_1835 : i32 to vector<16xi32>
    %ge3A_1837 = arith.cmpi sge, %select_n3A_1834, %ge3A_1836 : vector<16xi32>
    %sub3A_1838 = arith.constant 2000000 : i32
    %sub3A_1839 = vector.broadcast %sub3A_1838 : i32 to vector<16xi32>
    %sub3A_1840 = arith.subi %select_n3A_1834, %sub3A_1839 : vector<16xi32>
    %select_n3A_1841 = arith.select %ge3A_1837, %sub3A_1840, %select_n3A_1834 : vector<16xi1>, vector<16xi32>
    %ge3A_1842 = arith.constant 1000000 : i32
    %ge3A_1843 = vector.broadcast %ge3A_1842 : i32 to vector<16xi32>
    %ge3A_1844 = arith.cmpi sge, %select_n3A_1841, %ge3A_1843 : vector<16xi32>
    %sub3A_1845 = arith.constant 1000000 : i32
    %sub3A_1846 = vector.broadcast %sub3A_1845 : i32 to vector<16xi32>
    %sub3A_1847 = arith.subi %select_n3A_1841, %sub3A_1846 : vector<16xi32>
    %select_n3A_1848 = arith.select %ge3A_1844, %sub3A_1847, %select_n3A_1841 : vector<16xi1>, vector<16xi32>
    %ge3A_1849 = arith.constant 1111111 : i32
    %ge3A_1850 = vector.broadcast %ge3A_1849 : i32 to vector<16xi32>
    %ge3A_1851 = arith.cmpi sge, %get3A_1814, %ge3A_1850 : vector<16xi32>
    %select_n3A_1852 = arith.select %ge3A_1851, %select_n3A_1848, %get3A_1814 : vector<16xi1>, vector<16xi32>
    %jit3A_1853 = arith.constant 1111111 : i32
    %jit3A_1854 = arith.constant 1 : i32
    %broadcast_in_dim3A_1855 = vector.broadcast %jit3A_1853 : i32 to vector<16xi32>
    %broadcast_in_dim3A_1856 = vector.broadcast %jit3A_1854 : i32 to vector<16xi32>
    %select_n3A_1857 = arith.select %ge3A_1851, %broadcast_in_dim3A_1855, %broadcast_in_dim3A_1856 : vector<16xi1>, vector<16xi32>
    %mul3A_1858 = arith.constant 10 : i32
    %mul3A_1859 = vector.broadcast %mul3A_1858 : i32 to vector<16xi32>
    %mul3A_1860 = arith.muli %select_n3A_1852, %mul3A_1859 : vector<16xi32>
    %add3A_1861 = arith.addi %mul3A_1860, %get3A_1817 : vector<16xi32>
    %add3A_1862 = arith.addi %add3A_1861, %select_n3A_1857 : vector<16xi32>
    %swap3A_1863 = arith.constant 512 : index
    %swap3A_1864 = tpu.vector_load %arg7[%swap3A_1863] {strides = array<i32>} : memref<1024xi32, #tpu.memory_space<vmem>>, vector<16xi32>,
    %swap3A_1865 = vector.shape_cast %swap3A_1864 : vector<16xi32> to vector<16xi32>
    %swap3A_1866 = vector.shape_cast %add3A_1862 : vector<16xi32> to vector<16xi32>
    tpu.vector_store %arg7[%swap3A_1863], %swap3A_1866 {strides = array<i32>} : memref<1024xi32, #tpu.memory_space<vmem>>, vector<16xi32>,
    %get3A_1867 = arith.constant 528 : index
    %get3A_1868 = tpu.vector_load %arg5[%get3A_1867] {strides = array<i32>} : memref<1024xi32, #tpu.memory_space<vmem>>, vector<16xi32>,
    %get3A_1869 = vector.shape_cast %get3A_1868 : vector<16xi32> to vector<16xi32>
    %get3A_1870 = arith.constant 528 : index
    %get3A_1871 = tpu.vector_load %arg6[%get3A_1870] {strides = array<i32>} : memref<1024xi32, #tpu.memory_space<vmem>>, vector<16xi32>,
    %get3A_1872 = vector.shape_cast %get3A_1871 : vector<16xi32> to vector<16xi32>
    %sub3A_1873 = arith.constant 1111111 : i32
    %sub3A_1874 = vector.broadcast %sub3A_1873 : i32 to vector<16xi32>
    %sub3A_1875 = arith.subi %get3A_1869, %sub3A_1874 : vector<16xi32>
    %ge3A_1876 = arith.constant 8000000 : i32
    %ge3A_1877 = vector.broadcast %ge3A_1876 : i32 to vector<16xi32>
    %ge3A_1878 = arith.cmpi sge, %sub3A_1875, %ge3A_1877 : vector<16xi32>
    %sub3A_1879 = arith.constant 8000000 : i32
    %sub3A_1880 = vector.broadcast %sub3A_1879 : i32 to vector<16xi32>
    %sub3A_1881 = arith.subi %sub3A_1875, %sub3A_1880 : vector<16xi32>
    %select_n3A_1882 = arith.select %ge3A_1878, %sub3A_1881, %sub3A_1875 : vector<16xi1>, vector<16xi32>
    %ge3A_1883 = arith.constant 4000000 : i32
    %ge3A_1884 = vector.broadcast %ge3A_1883 : i32 to vector<16xi32>
    %ge3A_1885 = arith.cmpi sge, %select_n3A_1882, %ge3A_1884 : vector<16xi32>
    %sub3A_1886 = arith.constant 4000000 : i32
    %sub3A_1887 = vector.broadcast %sub3A_1886 : i32 to vector<16xi32>
    %sub3A_1888 = arith.subi %select_n3A_1882, %sub3A_1887 : vector<16xi32>
    %select_n3A_1889 = arith.select %ge3A_1885, %sub3A_1888, %select_n3A_1882 : vector<16xi1>, vector<16xi32>
    %ge3A_1890 = arith.constant 2000000 : i32
    %ge3A_1891 = vector.broadcast %ge3A_1890 : i32 to vector<16xi32>
    %ge3A_1892 = arith.cmpi sge, %select_n3A_1889, %ge3A_1891 : vector<16xi32>
    %sub3A_1893 = arith.constant 2000000 : i32
    %sub3A_1894 = vector.broadcast %sub3A_1893 : i32 to vector<16xi32>
    %sub3A_1895 = arith.subi %select_n3A_1889, %sub3A_1894 : vector<16xi32>
    %select_n3A_1896 = arith.select %ge3A_1892, %sub3A_1895, %select_n3A_1889 : vector<16xi1>, vector<16xi32>
    %ge3A_1897 = arith.constant 1000000 : i32
    %ge3A_1898 = vector.broadcast %ge3A_1897 : i32 to vector<16xi32>
    %ge3A_1899 = arith.cmpi sge, %select_n3A_1896, %ge3A_1898 : vector<16xi32>
    %sub3A_1900 = arith.constant 1000000 : i32
    %sub3A_1901 = vector.broadcast %sub3A_1900 : i32 to vector<16xi32>
    %sub3A_1902 = arith.subi %select_n3A_1896, %sub3A_1901 : vector<16xi32>
    %select_n3A_1903 = arith.select %ge3A_1899, %sub3A_1902, %select_n3A_1896 : vector<16xi1>, vector<16xi32>
    %ge3A_1904 = arith.constant 1111111 : i32
    %ge3A_1905 = vector.broadcast %ge3A_1904 : i32 to vector<16xi32>
    %ge3A_1906 = arith.cmpi sge, %get3A_1869, %ge3A_1905 : vector<16xi32>
    %select_n3A_1907 = arith.select %ge3A_1906, %select_n3A_1903, %get3A_1869 : vector<16xi1>, vector<16xi32>
    %jit3A_1908 = arith.constant 1111111 : i32
    %jit3A_1909 = arith.constant 1 : i32
    %broadcast_in_dim3A_1910 = vector.broadcast %jit3A_1908 : i32 to vector<16xi32>
    %broadcast_in_dim3A_1911 = vector.broadcast %jit3A_1909 : i32 to vector<16xi32>
    %select_n3A_1912 = arith.select %ge3A_1906, %broadcast_in_dim3A_1910, %broadcast_in_dim3A_1911 : vector<16xi1>, vector<16xi32>
    %mul3A_1913 = arith.constant 10 : i32
    %mul3A_1914 = vector.broadcast %mul3A_1913 : i32 to vector<16xi32>
    %mul3A_1915 = arith.muli %select_n3A_1907, %mul3A_1914 : vector<16xi32>
    %add3A_1916 = arith.addi %mul3A_1915, %get3A_1872 : vector<16xi32>
    %add3A_1917 = arith.addi %add3A_1916, %select_n3A_1912 : vector<16xi32>
    %swap3A_1918 = arith.constant 528 : index
    %swap3A_1919 = tpu.vector_load %arg7[%swap3A_1918] {strides = array<i32>} : memref<1024xi32, #tpu.memory_space<vmem>>, vector<16xi32>,
    %swap3A_1920 = vector.shape_cast %swap3A_1919 : vector<16xi32> to vector<16xi32>
    %swap3A_1921 = vector.shape_cast %add3A_1917 : vector<16xi32> to vector<16xi32>
    tpu.vector_store %arg7[%swap3A_1918], %swap3A_1921 {strides = array<i32>} : memref<1024xi32, #tpu.memory_space<vmem>>, vector<16xi32>,
    %get3A_1922 = arith.constant 544 : index
    %get3A_1923 = tpu.vector_load %arg5[%get3A_1922] {strides = array<i32>} : memref<1024xi32, #tpu.memory_space<vmem>>, vector<16xi32>,
    %get3A_1924 = vector.shape_cast %get3A_1923 : vector<16xi32> to vector<16xi32>
    %get3A_1925 = arith.constant 544 : index
    %get3A_1926 = tpu.vector_load %arg6[%get3A_1925] {strides = array<i32>} : memref<1024xi32, #tpu.memory_space<vmem>>, vector<16xi32>,
    %get3A_1927 = vector.shape_cast %get3A_1926 : vector<16xi32> to vector<16xi32>
    %sub3A_1928 = arith.constant 1111111 : i32
    %sub3A_1929 = vector.broadcast %sub3A_1928 : i32 to vector<16xi32>
    %sub3A_1930 = arith.subi %get3A_1924, %sub3A_1929 : vector<16xi32>
    %ge3A_1931 = arith.constant 8000000 : i32
    %ge3A_1932 = vector.broadcast %ge3A_1931 : i32 to vector<16xi32>
    %ge3A_1933 = arith.cmpi sge, %sub3A_1930, %ge3A_1932 : vector<16xi32>
    %sub3A_1934 = arith.constant 8000000 : i32
    %sub3A_1935 = vector.broadcast %sub3A_1934 : i32 to vector<16xi32>
    %sub3A_1936 = arith.subi %sub3A_1930, %sub3A_1935 : vector<16xi32>
    %select_n3A_1937 = arith.select %ge3A_1933, %sub3A_1936, %sub3A_1930 : vector<16xi1>, vector<16xi32>
    %ge3A_1938 = arith.constant 4000000 : i32
    %ge3A_1939 = vector.broadcast %ge3A_1938 : i32 to vector<16xi32>
    %ge3A_1940 = arith.cmpi sge, %select_n3A_1937, %ge3A_1939 : vector<16xi32>
    %sub3A_1941 = arith.constant 4000000 : i32
    %sub3A_1942 = vector.broadcast %sub3A_1941 : i32 to vector<16xi32>
    %sub3A_1943 = arith.subi %select_n3A_1937, %sub3A_1942 : vector<16xi32>
    %select_n3A_1944 = arith.select %ge3A_1940, %sub3A_1943, %select_n3A_1937 : vector<16xi1>, vector<16xi32>
    %ge3A_1945 = arith.constant 2000000 : i32
    %ge3A_1946 = vector.broadcast %ge3A_1945 : i32 to vector<16xi32>
    %ge3A_1947 = arith.cmpi sge, %select_n3A_1944, %ge3A_1946 : vector<16xi32>
    %sub3A_1948 = arith.constant 2000000 : i32
    %sub3A_1949 = vector.broadcast %sub3A_1948 : i32 to vector<16xi32>
    %sub3A_1950 = arith.subi %select_n3A_1944, %sub3A_1949 : vector<16xi32>
    %select_n3A_1951 = arith.select %ge3A_1947, %sub3A_1950, %select_n3A_1944 : vector<16xi1>, vector<16xi32>
    %ge3A_1952 = arith.constant 1000000 : i32
    %ge3A_1953 = vector.broadcast %ge3A_1952 : i32 to vector<16xi32>
    %ge3A_1954 = arith.cmpi sge, %select_n3A_1951, %ge3A_1953 : vector<16xi32>
    %sub3A_1955 = arith.constant 1000000 : i32
    %sub3A_1956 = vector.broadcast %sub3A_1955 : i32 to vector<16xi32>
    %sub3A_1957 = arith.subi %select_n3A_1951, %sub3A_1956 : vector<16xi32>
    %select_n3A_1958 = arith.select %ge3A_1954, %sub3A_1957, %select_n3A_1951 : vector<16xi1>, vector<16xi32>
    %ge3A_1959 = arith.constant 1111111 : i32
    %ge3A_1960 = vector.broadcast %ge3A_1959 : i32 to vector<16xi32>
    %ge3A_1961 = arith.cmpi sge, %get3A_1924, %ge3A_1960 : vector<16xi32>
    %select_n3A_1962 = arith.select %ge3A_1961, %select_n3A_1958, %get3A_1924 : vector<16xi1>, vector<16xi32>
    %jit3A_1963 = arith.constant 1111111 : i32
    %jit3A_1964 = arith.constant 1 : i32
    %broadcast_in_dim3A_1965 = vector.broadcast %jit3A_1963 : i32 to vector<16xi32>
    %broadcast_in_dim3A_1966 = vector.broadcast %jit3A_1964 : i32 to vector<16xi32>
    %select_n3A_1967 = arith.select %ge3A_1961, %broadcast_in_dim3A_1965, %broadcast_in_dim3A_1966 : vector<16xi1>, vector<16xi32>
    %mul3A_1968 = arith.constant 10 : i32
    %mul3A_1969 = vector.broadcast %mul3A_1968 : i32 to vector<16xi32>
    %mul3A_1970 = arith.muli %select_n3A_1962, %mul3A_1969 : vector<16xi32>
    %add3A_1971 = arith.addi %mul3A_1970, %get3A_1927 : vector<16xi32>
    %add3A_1972 = arith.addi %add3A_1971, %select_n3A_1967 : vector<16xi32>
    %swap3A_1973 = arith.constant 544 : index
    %swap3A_1974 = tpu.vector_load %arg7[%swap3A_1973] {strides = array<i32>} : memref<1024xi32, #tpu.memory_space<vmem>>, vector<16xi32>,
    %swap3A_1975 = vector.shape_cast %swap3A_1974 : vector<16xi32> to vector<16xi32>
    %swap3A_1976 = vector.shape_cast %add3A_1972 : vector<16xi32> to vector<16xi32>
    tpu.vector_store %arg7[%swap3A_1973], %swap3A_1976 {strides = array<i32>} : memref<1024xi32, #tpu.memory_space<vmem>>, vector<16xi32>,
    %get3A_1977 = arith.constant 560 : index
    %get3A_1978 = tpu.vector_load %arg5[%get3A_1977] {strides = array<i32>} : memref<1024xi32, #tpu.memory_space<vmem>>, vector<16xi32>,
    %get3A_1979 = vector.shape_cast %get3A_1978 : vector<16xi32> to vector<16xi32>
    %get3A_1980 = arith.constant 560 : index
    %get3A_1981 = tpu.vector_load %arg6[%get3A_1980] {strides = array<i32>} : memref<1024xi32, #tpu.memory_space<vmem>>, vector<16xi32>,
    %get3A_1982 = vector.shape_cast %get3A_1981 : vector<16xi32> to vector<16xi32>
    %sub3A_1983 = arith.constant 1111111 : i32
    %sub3A_1984 = vector.broadcast %sub3A_1983 : i32 to vector<16xi32>
    %sub3A_1985 = arith.subi %get3A_1979, %sub3A_1984 : vector<16xi32>
    %ge3A_1986 = arith.constant 8000000 : i32
    %ge3A_1987 = vector.broadcast %ge3A_1986 : i32 to vector<16xi32>
    %ge3A_1988 = arith.cmpi sge, %sub3A_1985, %ge3A_1987 : vector<16xi32>
    %sub3A_1989 = arith.constant 8000000 : i32
    %sub3A_1990 = vector.broadcast %sub3A_1989 : i32 to vector<16xi32>
    %sub3A_1991 = arith.subi %sub3A_1985, %sub3A_1990 : vector<16xi32>
    %select_n3A_1992 = arith.select %ge3A_1988, %sub3A_1991, %sub3A_1985 : vector<16xi1>, vector<16xi32>
    %ge3A_1993 = arith.constant 4000000 : i32
    %ge3A_1994 = vector.broadcast %ge3A_1993 : i32 to vector<16xi32>
    %ge3A_1995 = arith.cmpi sge, %select_n3A_1992, %ge3A_1994 : vector<16xi32>
    %sub3A_1996 = arith.constant 4000000 : i32
    %sub3A_1997 = vector.broadcast %sub3A_1996 : i32 to vector<16xi32>
    %sub3A_1998 = arith.subi %select_n3A_1992, %sub3A_1997 : vector<16xi32>
    %select_n3A_1999 = arith.select %ge3A_1995, %sub3A_1998, %select_n3A_1992 : vector<16xi1>, vector<16xi32>
    %ge3A_2000 = arith.constant 2000000 : i32
    %ge3A_2001 = vector.broadcast %ge3A_2000 : i32 to vector<16xi32>
    %ge3A_2002 = arith.cmpi sge, %select_n3A_1999, %ge3A_2001 : vector<16xi32>
    %sub3A_2003 = arith.constant 2000000 : i32
    %sub3A_2004 = vector.broadcast %sub3A_2003 : i32 to vector<16xi32>
    %sub3A_2005 = arith.subi %select_n3A_1999, %sub3A_2004 : vector<16xi32>
    %select_n3A_2006 = arith.select %ge3A_2002, %sub3A_2005, %select_n3A_1999 : vector<16xi1>, vector<16xi32>
    %ge3A_2007 = arith.constant 1000000 : i32
    %ge3A_2008 = vector.broadcast %ge3A_2007 : i32 to vector<16xi32>
    %ge3A_2009 = arith.cmpi sge, %select_n3A_2006, %ge3A_2008 : vector<16xi32>
    %sub3A_2010 = arith.constant 1000000 : i32
    %sub3A_2011 = vector.broadcast %sub3A_2010 : i32 to vector<16xi32>
    %sub3A_2012 = arith.subi %select_n3A_2006, %sub3A_2011 : vector<16xi32>
    %select_n3A_2013 = arith.select %ge3A_2009, %sub3A_2012, %select_n3A_2006 : vector<16xi1>, vector<16xi32>
    %ge3A_2014 = arith.constant 1111111 : i32
    %ge3A_2015 = vector.broadcast %ge3A_2014 : i32 to vector<16xi32>
    %ge3A_2016 = arith.cmpi sge, %get3A_1979, %ge3A_2015 : vector<16xi32>
    %select_n3A_2017 = arith.select %ge3A_2016, %select_n3A_2013, %get3A_1979 : vector<16xi1>, vector<16xi32>
    %jit3A_2018 = arith.constant 1111111 : i32
    %jit3A_2019 = arith.constant 1 : i32
    %broadcast_in_dim3A_2020 = vector.broadcast %jit3A_2018 : i32 to vector<16xi32>
    %broadcast_in_dim3A_2021 = vector.broadcast %jit3A_2019 : i32 to vector<16xi32>
    %select_n3A_2022 = arith.select %ge3A_2016, %broadcast_in_dim3A_2020, %broadcast_in_dim3A_2021 : vector<16xi1>, vector<16xi32>
    %mul3A_2023 = arith.constant 10 : i32
    %mul3A_2024 = vector.broadcast %mul3A_2023 : i32 to vector<16xi32>
    %mul3A_2025 = arith.muli %select_n3A_2017, %mul3A_2024 : vector<16xi32>
    %add3A_2026 = arith.addi %mul3A_2025, %get3A_1982 : vector<16xi32>
    %add3A_2027 = arith.addi %add3A_2026, %select_n3A_2022 : vector<16xi32>
    %swap3A_2028 = arith.constant 560 : index
    %swap3A_2029 = tpu.vector_load %arg7[%swap3A_2028] {strides = array<i32>} : memref<1024xi32, #tpu.memory_space<vmem>>, vector<16xi32>,
    %swap3A_2030 = vector.shape_cast %swap3A_2029 : vector<16xi32> to vector<16xi32>
    %swap3A_2031 = vector.shape_cast %add3A_2027 : vector<16xi32> to vector<16xi32>
    tpu.vector_store %arg7[%swap3A_2028], %swap3A_2031 {strides = array<i32>} : memref<1024xi32, #tpu.memory_space<vmem>>, vector<16xi32>,
    %get3A_2032 = arith.constant 576 : index
    %get3A_2033 = tpu.vector_load %arg5[%get3A_2032] {strides = array<i32>} : memref<1024xi32, #tpu.memory_space<vmem>>, vector<16xi32>,
    %get3A_2034 = vector.shape_cast %get3A_2033 : vector<16xi32> to vector<16xi32>
    %get3A_2035 = arith.constant 576 : index
    %get3A_2036 = tpu.vector_load %arg6[%get3A_2035] {strides = array<i32>} : memref<1024xi32, #tpu.memory_space<vmem>>, vector<16xi32>,
    %get3A_2037 = vector.shape_cast %get3A_2036 : vector<16xi32> to vector<16xi32>
    %sub3A_2038 = arith.constant 1111111 : i32
    %sub3A_2039 = vector.broadcast %sub3A_2038 : i32 to vector<16xi32>
    %sub3A_2040 = arith.subi %get3A_2034, %sub3A_2039 : vector<16xi32>
    %ge3A_2041 = arith.constant 8000000 : i32
    %ge3A_2042 = vector.broadcast %ge3A_2041 : i32 to vector<16xi32>
    %ge3A_2043 = arith.cmpi sge, %sub3A_2040, %ge3A_2042 : vector<16xi32>
    %sub3A_2044 = arith.constant 8000000 : i32
    %sub3A_2045 = vector.broadcast %sub3A_2044 : i32 to vector<16xi32>
    %sub3A_2046 = arith.subi %sub3A_2040, %sub3A_2045 : vector<16xi32>
    %select_n3A_2047 = arith.select %ge3A_2043, %sub3A_2046, %sub3A_2040 : vector<16xi1>, vector<16xi32>
    %ge3A_2048 = arith.constant 4000000 : i32
    %ge3A_2049 = vector.broadcast %ge3A_2048 : i32 to vector<16xi32>
    %ge3A_2050 = arith.cmpi sge, %select_n3A_2047, %ge3A_2049 : vector<16xi32>
    %sub3A_2051 = arith.constant 4000000 : i32
    %sub3A_2052 = vector.broadcast %sub3A_2051 : i32 to vector<16xi32>
    %sub3A_2053 = arith.subi %select_n3A_2047, %sub3A_2052 : vector<16xi32>
    %select_n3A_2054 = arith.select %ge3A_2050, %sub3A_2053, %select_n3A_2047 : vector<16xi1>, vector<16xi32>
    %ge3A_2055 = arith.constant 2000000 : i32
    %ge3A_2056 = vector.broadcast %ge3A_2055 : i32 to vector<16xi32>
    %ge3A_2057 = arith.cmpi sge, %select_n3A_2054, %ge3A_2056 : vector<16xi32>
    %sub3A_2058 = arith.constant 2000000 : i32
    %sub3A_2059 = vector.broadcast %sub3A_2058 : i32 to vector<16xi32>
    %sub3A_2060 = arith.subi %select_n3A_2054, %sub3A_2059 : vector<16xi32>
    %select_n3A_2061 = arith.select %ge3A_2057, %sub3A_2060, %select_n3A_2054 : vector<16xi1>, vector<16xi32>
    %ge3A_2062 = arith.constant 1000000 : i32
    %ge3A_2063 = vector.broadcast %ge3A_2062 : i32 to vector<16xi32>
    %ge3A_2064 = arith.cmpi sge, %select_n3A_2061, %ge3A_2063 : vector<16xi32>
    %sub3A_2065 = arith.constant 1000000 : i32
    %sub3A_2066 = vector.broadcast %sub3A_2065 : i32 to vector<16xi32>
    %sub3A_2067 = arith.subi %select_n3A_2061, %sub3A_2066 : vector<16xi32>
    %select_n3A_2068 = arith.select %ge3A_2064, %sub3A_2067, %select_n3A_2061 : vector<16xi1>, vector<16xi32>
    %ge3A_2069 = arith.constant 1111111 : i32
    %ge3A_2070 = vector.broadcast %ge3A_2069 : i32 to vector<16xi32>
    %ge3A_2071 = arith.cmpi sge, %get3A_2034, %ge3A_2070 : vector<16xi32>
    %select_n3A_2072 = arith.select %ge3A_2071, %select_n3A_2068, %get3A_2034 : vector<16xi1>, vector<16xi32>
    %jit3A_2073 = arith.constant 1111111 : i32
    %jit3A_2074 = arith.constant 1 : i32
    %broadcast_in_dim3A_2075 = vector.broadcast %jit3A_2073 : i32 to vector<16xi32>
    %broadcast_in_dim3A_2076 = vector.broadcast %jit3A_2074 : i32 to vector<16xi32>
    %select_n3A_2077 = arith.select %ge3A_2071, %broadcast_in_dim3A_2075, %broadcast_in_dim3A_2076 : vector<16xi1>, vector<16xi32>
    %mul3A_2078 = arith.constant 10 : i32
    %mul3A_2079 = vector.broadcast %mul3A_2078 : i32 to vector<16xi32>
    %mul3A_2080 = arith.muli %select_n3A_2072, %mul3A_2079 : vector<16xi32>
    %add3A_2081 = arith.addi %mul3A_2080, %get3A_2037 : vector<16xi32>
    %add3A_2082 = arith.addi %add3A_2081, %select_n3A_2077 : vector<16xi32>
    %swap3A_2083 = arith.constant 576 : index
    %swap3A_2084 = tpu.vector_load %arg7[%swap3A_2083] {strides = array<i32>} : memref<1024xi32, #tpu.memory_space<vmem>>, vector<16xi32>,
    %swap3A_2085 = vector.shape_cast %swap3A_2084 : vector<16xi32> to vector<16xi32>
    %swap3A_2086 = vector.shape_cast %add3A_2082 : vector<16xi32> to vector<16xi32>
    tpu.vector_store %arg7[%swap3A_2083], %swap3A_2086 {strides = array<i32>} : memref<1024xi32, #tpu.memory_space<vmem>>, vector<16xi32>,
    %get3A_2087 = arith.constant 592 : index
    %get3A_2088 = tpu.vector_load %arg5[%get3A_2087] {strides = array<i32>} : memref<1024xi32, #tpu.memory_space<vmem>>, vector<16xi32>,
    %get3A_2089 = vector.shape_cast %get3A_2088 : vector<16xi32> to vector<16xi32>
    %get3A_2090 = arith.constant 592 : index
    %get3A_2091 = tpu.vector_load %arg6[%get3A_2090] {strides = array<i32>} : memref<1024xi32, #tpu.memory_space<vmem>>, vector<16xi32>,
    %get3A_2092 = vector.shape_cast %get3A_2091 : vector<16xi32> to vector<16xi32>
    %sub3A_2093 = arith.constant 1111111 : i32
    %sub3A_2094 = vector.broadcast %sub3A_2093 : i32 to vector<16xi32>
    %sub3A_2095 = arith.subi %get3A_2089, %sub3A_2094 : vector<16xi32>
    %ge3A_2096 = arith.constant 8000000 : i32
    %ge3A_2097 = vector.broadcast %ge3A_2096 : i32 to vector<16xi32>
    %ge3A_2098 = arith.cmpi sge, %sub3A_2095, %ge3A_2097 : vector<16xi32>
    %sub3A_2099 = arith.constant 8000000 : i32
    %sub3A_2100 = vector.broadcast %sub3A_2099 : i32 to vector<16xi32>
    %sub3A_2101 = arith.subi %sub3A_2095, %sub3A_2100 : vector<16xi32>
    %select_n3A_2102 = arith.select %ge3A_2098, %sub3A_2101, %sub3A_2095 : vector<16xi1>, vector<16xi32>
    %ge3A_2103 = arith.constant 4000000 : i32
    %ge3A_2104 = vector.broadcast %ge3A_2103 : i32 to vector<16xi32>
    %ge3A_2105 = arith.cmpi sge, %select_n3A_2102, %ge3A_2104 : vector<16xi32>
    %sub3A_2106 = arith.constant 4000000 : i32
    %sub3A_2107 = vector.broadcast %sub3A_2106 : i32 to vector<16xi32>
    %sub3A_2108 = arith.subi %select_n3A_2102, %sub3A_2107 : vector<16xi32>
    %select_n3A_2109 = arith.select %ge3A_2105, %sub3A_2108, %select_n3A_2102 : vector<16xi1>, vector<16xi32>
    %ge3A_2110 = arith.constant 2000000 : i32
    %ge3A_2111 = vector.broadcast %ge3A_2110 : i32 to vector<16xi32>
    %ge3A_2112 = arith.cmpi sge, %select_n3A_2109, %ge3A_2111 : vector<16xi32>
    %sub3A_2113 = arith.constant 2000000 : i32
    %sub3A_2114 = vector.broadcast %sub3A_2113 : i32 to vector<16xi32>
    %sub3A_2115 = arith.subi %select_n3A_2109, %sub3A_2114 : vector<16xi32>
    %select_n3A_2116 = arith.select %ge3A_2112, %sub3A_2115, %select_n3A_2109 : vector<16xi1>, vector<16xi32>
    %ge3A_2117 = arith.constant 1000000 : i32
    %ge3A_2118 = vector.broadcast %ge3A_2117 : i32 to vector<16xi32>
    %ge3A_2119 = arith.cmpi sge, %select_n3A_2116, %ge3A_2118 : vector<16xi32>
    %sub3A_2120 = arith.constant 1000000 : i32
    %sub3A_2121 = vector.broadcast %sub3A_2120 : i32 to vector<16xi32>
    %sub3A_2122 = arith.subi %select_n3A_2116, %sub3A_2121 : vector<16xi32>
    %select_n3A_2123 = arith.select %ge3A_2119, %sub3A_2122, %select_n3A_2116 : vector<16xi1>, vector<16xi32>
    %ge3A_2124 = arith.constant 1111111 : i32
    %ge3A_2125 = vector.broadcast %ge3A_2124 : i32 to vector<16xi32>
    %ge3A_2126 = arith.cmpi sge, %get3A_2089, %ge3A_2125 : vector<16xi32>
    %select_n3A_2127 = arith.select %ge3A_2126, %select_n3A_2123, %get3A_2089 : vector<16xi1>, vector<16xi32>
    %jit3A_2128 = arith.constant 1111111 : i32
    %jit3A_2129 = arith.constant 1 : i32
    %broadcast_in_dim3A_2130 = vector.broadcast %jit3A_2128 : i32 to vector<16xi32>
    %broadcast_in_dim3A_2131 = vector.broadcast %jit3A_2129 : i32 to vector<16xi32>
    %select_n3A_2132 = arith.select %ge3A_2126, %broadcast_in_dim3A_2130, %broadcast_in_dim3A_2131 : vector<16xi1>, vector<16xi32>
    %mul3A_2133 = arith.constant 10 : i32
    %mul3A_2134 = vector.broadcast %mul3A_2133 : i32 to vector<16xi32>
    %mul3A_2135 = arith.muli %select_n3A_2127, %mul3A_2134 : vector<16xi32>
    %add3A_2136 = arith.addi %mul3A_2135, %get3A_2092 : vector<16xi32>
    %add3A_2137 = arith.addi %add3A_2136, %select_n3A_2132 : vector<16xi32>
    %swap3A_2138 = arith.constant 592 : index
    %swap3A_2139 = tpu.vector_load %arg7[%swap3A_2138] {strides = array<i32>} : memref<1024xi32, #tpu.memory_space<vmem>>, vector<16xi32>,
    %swap3A_2140 = vector.shape_cast %swap3A_2139 : vector<16xi32> to vector<16xi32>
    %swap3A_2141 = vector.shape_cast %add3A_2137 : vector<16xi32> to vector<16xi32>
    tpu.vector_store %arg7[%swap3A_2138], %swap3A_2141 {strides = array<i32>} : memref<1024xi32, #tpu.memory_space<vmem>>, vector<16xi32>,
    %get3A_2142 = arith.constant 608 : index
    %get3A_2143 = tpu.vector_load %arg5[%get3A_2142] {strides = array<i32>} : memref<1024xi32, #tpu.memory_space<vmem>>, vector<16xi32>,
    %get3A_2144 = vector.shape_cast %get3A_2143 : vector<16xi32> to vector<16xi32>
    %get3A_2145 = arith.constant 608 : index
    %get3A_2146 = tpu.vector_load %arg6[%get3A_2145] {strides = array<i32>} : memref<1024xi32, #tpu.memory_space<vmem>>, vector<16xi32>,
    %get3A_2147 = vector.shape_cast %get3A_2146 : vector<16xi32> to vector<16xi32>
    %sub3A_2148 = arith.constant 1111111 : i32
    %sub3A_2149 = vector.broadcast %sub3A_2148 : i32 to vector<16xi32>
    %sub3A_2150 = arith.subi %get3A_2144, %sub3A_2149 : vector<16xi32>
    %ge3A_2151 = arith.constant 8000000 : i32
    %ge3A_2152 = vector.broadcast %ge3A_2151 : i32 to vector<16xi32>
    %ge3A_2153 = arith.cmpi sge, %sub3A_2150, %ge3A_2152 : vector<16xi32>
    %sub3A_2154 = arith.constant 8000000 : i32
    %sub3A_2155 = vector.broadcast %sub3A_2154 : i32 to vector<16xi32>
    %sub3A_2156 = arith.subi %sub3A_2150, %sub3A_2155 : vector<16xi32>
    %select_n3A_2157 = arith.select %ge3A_2153, %sub3A_2156, %sub3A_2150 : vector<16xi1>, vector<16xi32>
    %ge3A_2158 = arith.constant 4000000 : i32
    %ge3A_2159 = vector.broadcast %ge3A_2158 : i32 to vector<16xi32>
    %ge3A_2160 = arith.cmpi sge, %select_n3A_2157, %ge3A_2159 : vector<16xi32>
    %sub3A_2161 = arith.constant 4000000 : i32
    %sub3A_2162 = vector.broadcast %sub3A_2161 : i32 to vector<16xi32>
    %sub3A_2163 = arith.subi %select_n3A_2157, %sub3A_2162 : vector<16xi32>
    %select_n3A_2164 = arith.select %ge3A_2160, %sub3A_2163, %select_n3A_2157 : vector<16xi1>, vector<16xi32>
    %ge3A_2165 = arith.constant 2000000 : i32
    %ge3A_2166 = vector.broadcast %ge3A_2165 : i32 to vector<16xi32>
    %ge3A_2167 = arith.cmpi sge, %select_n3A_2164, %ge3A_2166 : vector<16xi32>
    %sub3A_2168 = arith.constant 2000000 : i32
    %sub3A_2169 = vector.broadcast %sub3A_2168 : i32 to vector<16xi32>
    %sub3A_2170 = arith.subi %select_n3A_2164, %sub3A_2169 : vector<16xi32>
    %select_n3A_2171 = arith.select %ge3A_2167, %sub3A_2170, %select_n3A_2164 : vector<16xi1>, vector<16xi32>
    %ge3A_2172 = arith.constant 1000000 : i32
    %ge3A_2173 = vector.broadcast %ge3A_2172 : i32 to vector<16xi32>
    %ge3A_2174 = arith.cmpi sge, %select_n3A_2171, %ge3A_2173 : vector<16xi32>
    %sub3A_2175 = arith.constant 1000000 : i32
    %sub3A_2176 = vector.broadcast %sub3A_2175 : i32 to vector<16xi32>
    %sub3A_2177 = arith.subi %select_n3A_2171, %sub3A_2176 : vector<16xi32>
    %select_n3A_2178 = arith.select %ge3A_2174, %sub3A_2177, %select_n3A_2171 : vector<16xi1>, vector<16xi32>
    %ge3A_2179 = arith.constant 1111111 : i32
    %ge3A_2180 = vector.broadcast %ge3A_2179 : i32 to vector<16xi32>
    %ge3A_2181 = arith.cmpi sge, %get3A_2144, %ge3A_2180 : vector<16xi32>
    %select_n3A_2182 = arith.select %ge3A_2181, %select_n3A_2178, %get3A_2144 : vector<16xi1>, vector<16xi32>
    %jit3A_2183 = arith.constant 1111111 : i32
    %jit3A_2184 = arith.constant 1 : i32
    %broadcast_in_dim3A_2185 = vector.broadcast %jit3A_2183 : i32 to vector<16xi32>
    %broadcast_in_dim3A_2186 = vector.broadcast %jit3A_2184 : i32 to vector<16xi32>
    %select_n3A_2187 = arith.select %ge3A_2181, %broadcast_in_dim3A_2185, %broadcast_in_dim3A_2186 : vector<16xi1>, vector<16xi32>
    %mul3A_2188 = arith.constant 10 : i32
    %mul3A_2189 = vector.broadcast %mul3A_2188 : i32 to vector<16xi32>
    %mul3A_2190 = arith.muli %select_n3A_2182, %mul3A_2189 : vector<16xi32>
    %add3A_2191 = arith.addi %mul3A_2190, %get3A_2147 : vector<16xi32>
    %add3A_2192 = arith.addi %add3A_2191, %select_n3A_2187 : vector<16xi32>
    %swap3A_2193 = arith.constant 608 : index
    %swap3A_2194 = tpu.vector_load %arg7[%swap3A_2193] {strides = array<i32>} : memref<1024xi32, #tpu.memory_space<vmem>>, vector<16xi32>,
    %swap3A_2195 = vector.shape_cast %swap3A_2194 : vector<16xi32> to vector<16xi32>
    %swap3A_2196 = vector.shape_cast %add3A_2192 : vector<16xi32> to vector<16xi32>
    tpu.vector_store %arg7[%swap3A_2193], %swap3A_2196 {strides = array<i32>} : memref<1024xi32, #tpu.memory_space<vmem>>, vector<16xi32>,
    %get3A_2197 = arith.constant 624 : index
    %get3A_2198 = tpu.vector_load %arg5[%get3A_2197] {strides = array<i32>} : memref<1024xi32, #tpu.memory_space<vmem>>, vector<16xi32>,
    %get3A_2199 = vector.shape_cast %get3A_2198 : vector<16xi32> to vector<16xi32>
    %get3A_2200 = arith.constant 624 : index
    %get3A_2201 = tpu.vector_load %arg6[%get3A_2200] {strides = array<i32>} : memref<1024xi32, #tpu.memory_space<vmem>>, vector<16xi32>,
    %get3A_2202 = vector.shape_cast %get3A_2201 : vector<16xi32> to vector<16xi32>
    %sub3A_2203 = arith.constant 1111111 : i32
    %sub3A_2204 = vector.broadcast %sub3A_2203 : i32 to vector<16xi32>
    %sub3A_2205 = arith.subi %get3A_2199, %sub3A_2204 : vector<16xi32>
    %ge3A_2206 = arith.constant 8000000 : i32
    %ge3A_2207 = vector.broadcast %ge3A_2206 : i32 to vector<16xi32>
    %ge3A_2208 = arith.cmpi sge, %sub3A_2205, %ge3A_2207 : vector<16xi32>
    %sub3A_2209 = arith.constant 8000000 : i32
    %sub3A_2210 = vector.broadcast %sub3A_2209 : i32 to vector<16xi32>
    %sub3A_2211 = arith.subi %sub3A_2205, %sub3A_2210 : vector<16xi32>
    %select_n3A_2212 = arith.select %ge3A_2208, %sub3A_2211, %sub3A_2205 : vector<16xi1>, vector<16xi32>
    %ge3A_2213 = arith.constant 4000000 : i32
    %ge3A_2214 = vector.broadcast %ge3A_2213 : i32 to vector<16xi32>
    %ge3A_2215 = arith.cmpi sge, %select_n3A_2212, %ge3A_2214 : vector<16xi32>
    %sub3A_2216 = arith.constant 4000000 : i32
    %sub3A_2217 = vector.broadcast %sub3A_2216 : i32 to vector<16xi32>
    %sub3A_2218 = arith.subi %select_n3A_2212, %sub3A_2217 : vector<16xi32>
    %select_n3A_2219 = arith.select %ge3A_2215, %sub3A_2218, %select_n3A_2212 : vector<16xi1>, vector<16xi32>
    %ge3A_2220 = arith.constant 2000000 : i32
    %ge3A_2221 = vector.broadcast %ge3A_2220 : i32 to vector<16xi32>
    %ge3A_2222 = arith.cmpi sge, %select_n3A_2219, %ge3A_2221 : vector<16xi32>
    %sub3A_2223 = arith.constant 2000000 : i32
    %sub3A_2224 = vector.broadcast %sub3A_2223 : i32 to vector<16xi32>
    %sub3A_2225 = arith.subi %select_n3A_2219, %sub3A_2224 : vector<16xi32>
    %select_n3A_2226 = arith.select %ge3A_2222, %sub3A_2225, %select_n3A_2219 : vector<16xi1>, vector<16xi32>
    %ge3A_2227 = arith.constant 1000000 : i32
    %ge3A_2228 = vector.broadcast %ge3A_2227 : i32 to vector<16xi32>
    %ge3A_2229 = arith.cmpi sge, %select_n3A_2226, %ge3A_2228 : vector<16xi32>
    %sub3A_2230 = arith.constant 1000000 : i32
    %sub3A_2231 = vector.broadcast %sub3A_2230 : i32 to vector<16xi32>
    %sub3A_2232 = arith.subi %select_n3A_2226, %sub3A_2231 : vector<16xi32>
    %select_n3A_2233 = arith.select %ge3A_2229, %sub3A_2232, %select_n3A_2226 : vector<16xi1>, vector<16xi32>
    %ge3A_2234 = arith.constant 1111111 : i32
    %ge3A_2235 = vector.broadcast %ge3A_2234 : i32 to vector<16xi32>
    %ge3A_2236 = arith.cmpi sge, %get3A_2199, %ge3A_2235 : vector<16xi32>
    %select_n3A_2237 = arith.select %ge3A_2236, %select_n3A_2233, %get3A_2199 : vector<16xi1>, vector<16xi32>
    %jit3A_2238 = arith.constant 1111111 : i32
    %jit3A_2239 = arith.constant 1 : i32
    %broadcast_in_dim3A_2240 = vector.broadcast %jit3A_2238 : i32 to vector<16xi32>
    %broadcast_in_dim3A_2241 = vector.broadcast %jit3A_2239 : i32 to vector<16xi32>
    %select_n3A_2242 = arith.select %ge3A_2236, %broadcast_in_dim3A_2240, %broadcast_in_dim3A_2241 : vector<16xi1>, vector<16xi32>
    %mul3A_2243 = arith.constant 10 : i32
    %mul3A_2244 = vector.broadcast %mul3A_2243 : i32 to vector<16xi32>
    %mul3A_2245 = arith.muli %select_n3A_2237, %mul3A_2244 : vector<16xi32>
    %add3A_2246 = arith.addi %mul3A_2245, %get3A_2202 : vector<16xi32>
    %add3A_2247 = arith.addi %add3A_2246, %select_n3A_2242 : vector<16xi32>
    %swap3A_2248 = arith.constant 624 : index
    %swap3A_2249 = tpu.vector_load %arg7[%swap3A_2248] {strides = array<i32>} : memref<1024xi32, #tpu.memory_space<vmem>>, vector<16xi32>,
    %swap3A_2250 = vector.shape_cast %swap3A_2249 : vector<16xi32> to vector<16xi32>
    %swap3A_2251 = vector.shape_cast %add3A_2247 : vector<16xi32> to vector<16xi32>
    tpu.vector_store %arg7[%swap3A_2248], %swap3A_2251 {strides = array<i32>} : memref<1024xi32, #tpu.memory_space<vmem>>, vector<16xi32>,
    %get3A_2252 = arith.constant 640 : index
    %get3A_2253 = tpu.vector_load %arg5[%get3A_2252] {strides = array<i32>} : memref<1024xi32, #tpu.memory_space<vmem>>, vector<16xi32>,
    %get3A_2254 = vector.shape_cast %get3A_2253 : vector<16xi32> to vector<16xi32>
    %get3A_2255 = arith.constant 640 : index
    %get3A_2256 = tpu.vector_load %arg6[%get3A_2255] {strides = array<i32>} : memref<1024xi32, #tpu.memory_space<vmem>>, vector<16xi32>,
    %get3A_2257 = vector.shape_cast %get3A_2256 : vector<16xi32> to vector<16xi32>
    %sub3A_2258 = arith.constant 1111111 : i32
    %sub3A_2259 = vector.broadcast %sub3A_2258 : i32 to vector<16xi32>
    %sub3A_2260 = arith.subi %get3A_2254, %sub3A_2259 : vector<16xi32>
    %ge3A_2261 = arith.constant 8000000 : i32
    %ge3A_2262 = vector.broadcast %ge3A_2261 : i32 to vector<16xi32>
    %ge3A_2263 = arith.cmpi sge, %sub3A_2260, %ge3A_2262 : vector<16xi32>
    %sub3A_2264 = arith.constant 8000000 : i32
    %sub3A_2265 = vector.broadcast %sub3A_2264 : i32 to vector<16xi32>
    %sub3A_2266 = arith.subi %sub3A_2260, %sub3A_2265 : vector<16xi32>
    %select_n3A_2267 = arith.select %ge3A_2263, %sub3A_2266, %sub3A_2260 : vector<16xi1>, vector<16xi32>
    %ge3A_2268 = arith.constant 4000000 : i32
    %ge3A_2269 = vector.broadcast %ge3A_2268 : i32 to vector<16xi32>
    %ge3A_2270 = arith.cmpi sge, %select_n3A_2267, %ge3A_2269 : vector<16xi32>
    %sub3A_2271 = arith.constant 4000000 : i32
    %sub3A_2272 = vector.broadcast %sub3A_2271 : i32 to vector<16xi32>
    %sub3A_2273 = arith.subi %select_n3A_2267, %sub3A_2272 : vector<16xi32>
    %select_n3A_2274 = arith.select %ge3A_2270, %sub3A_2273, %select_n3A_2267 : vector<16xi1>, vector<16xi32>
    %ge3A_2275 = arith.constant 2000000 : i32
    %ge3A_2276 = vector.broadcast %ge3A_2275 : i32 to vector<16xi32>
    %ge3A_2277 = arith.cmpi sge, %select_n3A_2274, %ge3A_2276 : vector<16xi32>
    %sub3A_2278 = arith.constant 2000000 : i32
    %sub3A_2279 = vector.broadcast %sub3A_2278 : i32 to vector<16xi32>
    %sub3A_2280 = arith.subi %select_n3A_2274, %sub3A_2279 : vector<16xi32>
    %select_n3A_2281 = arith.select %ge3A_2277, %sub3A_2280, %select_n3A_2274 : vector<16xi1>, vector<16xi32>
    %ge3A_2282 = arith.constant 1000000 : i32
    %ge3A_2283 = vector.broadcast %ge3A_2282 : i32 to vector<16xi32>
    %ge3A_2284 = arith.cmpi sge, %select_n3A_2281, %ge3A_2283 : vector<16xi32>
    %sub3A_2285 = arith.constant 1000000 : i32
    %sub3A_2286 = vector.broadcast %sub3A_2285 : i32 to vector<16xi32>
    %sub3A_2287 = arith.subi %select_n3A_2281, %sub3A_2286 : vector<16xi32>
    %select_n3A_2288 = arith.select %ge3A_2284, %sub3A_2287, %select_n3A_2281 : vector<16xi1>, vector<16xi32>
    %ge3A_2289 = arith.constant 1111111 : i32
    %ge3A_2290 = vector.broadcast %ge3A_2289 : i32 to vector<16xi32>
    %ge3A_2291 = arith.cmpi sge, %get3A_2254, %ge3A_2290 : vector<16xi32>
    %select_n3A_2292 = arith.select %ge3A_2291, %select_n3A_2288, %get3A_2254 : vector<16xi1>, vector<16xi32>
    %jit3A_2293 = arith.constant 1111111 : i32
    %jit3A_2294 = arith.constant 1 : i32
    %broadcast_in_dim3A_2295 = vector.broadcast %jit3A_2293 : i32 to vector<16xi32>
    %broadcast_in_dim3A_2296 = vector.broadcast %jit3A_2294 : i32 to vector<16xi32>
    %select_n3A_2297 = arith.select %ge3A_2291, %broadcast_in_dim3A_2295, %broadcast_in_dim3A_2296 : vector<16xi1>, vector<16xi32>
    %mul3A_2298 = arith.constant 10 : i32
    %mul3A_2299 = vector.broadcast %mul3A_2298 : i32 to vector<16xi32>
    %mul3A_2300 = arith.muli %select_n3A_2292, %mul3A_2299 : vector<16xi32>
    %add3A_2301 = arith.addi %mul3A_2300, %get3A_2257 : vector<16xi32>
    %add3A_2302 = arith.addi %add3A_2301, %select_n3A_2297 : vector<16xi32>
    %swap3A_2303 = arith.constant 640 : index
    %swap3A_2304 = tpu.vector_load %arg7[%swap3A_2303] {strides = array<i32>} : memref<1024xi32, #tpu.memory_space<vmem>>, vector<16xi32>,
    %swap3A_2305 = vector.shape_cast %swap3A_2304 : vector<16xi32> to vector<16xi32>
    %swap3A_2306 = vector.shape_cast %add3A_2302 : vector<16xi32> to vector<16xi32>
    tpu.vector_store %arg7[%swap3A_2303], %swap3A_2306 {strides = array<i32>} : memref<1024xi32, #tpu.memory_space<vmem>>, vector<16xi32>,
    %get3A_2307 = arith.constant 656 : index
    %get3A_2308 = tpu.vector_load %arg5[%get3A_2307] {strides = array<i32>} : memref<1024xi32, #tpu.memory_space<vmem>>, vector<16xi32>,
    %get3A_2309 = vector.shape_cast %get3A_2308 : vector<16xi32> to vector<16xi32>
    %get3A_2310 = arith.constant 656 : index
    %get3A_2311 = tpu.vector_load %arg6[%get3A_2310] {strides = array<i32>} : memref<1024xi32, #tpu.memory_space<vmem>>, vector<16xi32>,
    %get3A_2312 = vector.shape_cast %get3A_2311 : vector<16xi32> to vector<16xi32>
    %sub3A_2313 = arith.constant 1111111 : i32
    %sub3A_2314 = vector.broadcast %sub3A_2313 : i32 to vector<16xi32>
    %sub3A_2315 = arith.subi %get3A_2309, %sub3A_2314 : vector<16xi32>
    %ge3A_2316 = arith.constant 8000000 : i32
    %ge3A_2317 = vector.broadcast %ge3A_2316 : i32 to vector<16xi32>
    %ge3A_2318 = arith.cmpi sge, %sub3A_2315, %ge3A_2317 : vector<16xi32>
    %sub3A_2319 = arith.constant 8000000 : i32
    %sub3A_2320 = vector.broadcast %sub3A_2319 : i32 to vector<16xi32>
    %sub3A_2321 = arith.subi %sub3A_2315, %sub3A_2320 : vector<16xi32>
    %select_n3A_2322 = arith.select %ge3A_2318, %sub3A_2321, %sub3A_2315 : vector<16xi1>, vector<16xi32>
    %ge3A_2323 = arith.constant 4000000 : i32
    %ge3A_2324 = vector.broadcast %ge3A_2323 : i32 to vector<16xi32>
    %ge3A_2325 = arith.cmpi sge, %select_n3A_2322, %ge3A_2324 : vector<16xi32>
    %sub3A_2326 = arith.constant 4000000 : i32
    %sub3A_2327 = vector.broadcast %sub3A_2326 : i32 to vector<16xi32>
    %sub3A_2328 = arith.subi %select_n3A_2322, %sub3A_2327 : vector<16xi32>
    %select_n3A_2329 = arith.select %ge3A_2325, %sub3A_2328, %select_n3A_2322 : vector<16xi1>, vector<16xi32>
    %ge3A_2330 = arith.constant 2000000 : i32
    %ge3A_2331 = vector.broadcast %ge3A_2330 : i32 to vector<16xi32>
    %ge3A_2332 = arith.cmpi sge, %select_n3A_2329, %ge3A_2331 : vector<16xi32>
    %sub3A_2333 = arith.constant 2000000 : i32
    %sub3A_2334 = vector.broadcast %sub3A_2333 : i32 to vector<16xi32>
    %sub3A_2335 = arith.subi %select_n3A_2329, %sub3A_2334 : vector<16xi32>
    %select_n3A_2336 = arith.select %ge3A_2332, %sub3A_2335, %select_n3A_2329 : vector<16xi1>, vector<16xi32>
    %ge3A_2337 = arith.constant 1000000 : i32
    %ge3A_2338 = vector.broadcast %ge3A_2337 : i32 to vector<16xi32>
    %ge3A_2339 = arith.cmpi sge, %select_n3A_2336, %ge3A_2338 : vector<16xi32>
    %sub3A_2340 = arith.constant 1000000 : i32
    %sub3A_2341 = vector.broadcast %sub3A_2340 : i32 to vector<16xi32>
    %sub3A_2342 = arith.subi %select_n3A_2336, %sub3A_2341 : vector<16xi32>
    %select_n3A_2343 = arith.select %ge3A_2339, %sub3A_2342, %select_n3A_2336 : vector<16xi1>, vector<16xi32>
    %ge3A_2344 = arith.constant 1111111 : i32
    %ge3A_2345 = vector.broadcast %ge3A_2344 : i32 to vector<16xi32>
    %ge3A_2346 = arith.cmpi sge, %get3A_2309, %ge3A_2345 : vector<16xi32>
    %select_n3A_2347 = arith.select %ge3A_2346, %select_n3A_2343, %get3A_2309 : vector<16xi1>, vector<16xi32>
    %jit3A_2348 = arith.constant 1111111 : i32
    %jit3A_2349 = arith.constant 1 : i32
    %broadcast_in_dim3A_2350 = vector.broadcast %jit3A_2348 : i32 to vector<16xi32>
    %broadcast_in_dim3A_2351 = vector.broadcast %jit3A_2349 : i32 to vector<16xi32>
    %select_n3A_2352 = arith.select %ge3A_2346, %broadcast_in_dim3A_2350, %broadcast_in_dim3A_2351 : vector<16xi1>, vector<16xi32>
    %mul3A_2353 = arith.constant 10 : i32
    %mul3A_2354 = vector.broadcast %mul3A_2353 : i32 to vector<16xi32>
    %mul3A_2355 = arith.muli %select_n3A_2347, %mul3A_2354 : vector<16xi32>
    %add3A_2356 = arith.addi %mul3A_2355, %get3A_2312 : vector<16xi32>
    %add3A_2357 = arith.addi %add3A_2356, %select_n3A_2352 : vector<16xi32>
    %swap3A_2358 = arith.constant 656 : index
    %swap3A_2359 = tpu.vector_load %arg7[%swap3A_2358] {strides = array<i32>} : memref<1024xi32, #tpu.memory_space<vmem>>, vector<16xi32>,
    %swap3A_2360 = vector.shape_cast %swap3A_2359 : vector<16xi32> to vector<16xi32>
    %swap3A_2361 = vector.shape_cast %add3A_2357 : vector<16xi32> to vector<16xi32>
    tpu.vector_store %arg7[%swap3A_2358], %swap3A_2361 {strides = array<i32>} : memref<1024xi32, #tpu.memory_space<vmem>>, vector<16xi32>,
    %get3A_2362 = arith.constant 672 : index
    %get3A_2363 = tpu.vector_load %arg5[%get3A_2362] {strides = array<i32>} : memref<1024xi32, #tpu.memory_space<vmem>>, vector<16xi32>,
    %get3A_2364 = vector.shape_cast %get3A_2363 : vector<16xi32> to vector<16xi32>
    %get3A_2365 = arith.constant 672 : index
    %get3A_2366 = tpu.vector_load %arg6[%get3A_2365] {strides = array<i32>} : memref<1024xi32, #tpu.memory_space<vmem>>, vector<16xi32>,
    %get3A_2367 = vector.shape_cast %get3A_2366 : vector<16xi32> to vector<16xi32>
    %sub3A_2368 = arith.constant 1111111 : i32
    %sub3A_2369 = vector.broadcast %sub3A_2368 : i32 to vector<16xi32>
    %sub3A_2370 = arith.subi %get3A_2364, %sub3A_2369 : vector<16xi32>
    %ge3A_2371 = arith.constant 8000000 : i32
    %ge3A_2372 = vector.broadcast %ge3A_2371 : i32 to vector<16xi32>
    %ge3A_2373 = arith.cmpi sge, %sub3A_2370, %ge3A_2372 : vector<16xi32>
    %sub3A_2374 = arith.constant 8000000 : i32
    %sub3A_2375 = vector.broadcast %sub3A_2374 : i32 to vector<16xi32>
    %sub3A_2376 = arith.subi %sub3A_2370, %sub3A_2375 : vector<16xi32>
    %select_n3A_2377 = arith.select %ge3A_2373, %sub3A_2376, %sub3A_2370 : vector<16xi1>, vector<16xi32>
    %ge3A_2378 = arith.constant 4000000 : i32
    %ge3A_2379 = vector.broadcast %ge3A_2378 : i32 to vector<16xi32>
    %ge3A_2380 = arith.cmpi sge, %select_n3A_2377, %ge3A_2379 : vector<16xi32>
    %sub3A_2381 = arith.constant 4000000 : i32
    %sub3A_2382 = vector.broadcast %sub3A_2381 : i32 to vector<16xi32>
    %sub3A_2383 = arith.subi %select_n3A_2377, %sub3A_2382 : vector<16xi32>
    %select_n3A_2384 = arith.select %ge3A_2380, %sub3A_2383, %select_n3A_2377 : vector<16xi1>, vector<16xi32>
    %ge3A_2385 = arith.constant 2000000 : i32
    %ge3A_2386 = vector.broadcast %ge3A_2385 : i32 to vector<16xi32>
    %ge3A_2387 = arith.cmpi sge, %select_n3A_2384, %ge3A_2386 : vector<16xi32>
    %sub3A_2388 = arith.constant 2000000 : i32
    %sub3A_2389 = vector.broadcast %sub3A_2388 : i32 to vector<16xi32>
    %sub3A_2390 = arith.subi %select_n3A_2384, %sub3A_2389 : vector<16xi32>
    %select_n3A_2391 = arith.select %ge3A_2387, %sub3A_2390, %select_n3A_2384 : vector<16xi1>, vector<16xi32>
    %ge3A_2392 = arith.constant 1000000 : i32
    %ge3A_2393 = vector.broadcast %ge3A_2392 : i32 to vector<16xi32>
    %ge3A_2394 = arith.cmpi sge, %select_n3A_2391, %ge3A_2393 : vector<16xi32>
    %sub3A_2395 = arith.constant 1000000 : i32
    %sub3A_2396 = vector.broadcast %sub3A_2395 : i32 to vector<16xi32>
    %sub3A_2397 = arith.subi %select_n3A_2391, %sub3A_2396 : vector<16xi32>
    %select_n3A_2398 = arith.select %ge3A_2394, %sub3A_2397, %select_n3A_2391 : vector<16xi1>, vector<16xi32>
    %ge3A_2399 = arith.constant 1111111 : i32
    %ge3A_2400 = vector.broadcast %ge3A_2399 : i32 to vector<16xi32>
    %ge3A_2401 = arith.cmpi sge, %get3A_2364, %ge3A_2400 : vector<16xi32>
    %select_n3A_2402 = arith.select %ge3A_2401, %select_n3A_2398, %get3A_2364 : vector<16xi1>, vector<16xi32>
    %jit3A_2403 = arith.constant 1111111 : i32
    %jit3A_2404 = arith.constant 1 : i32
    %broadcast_in_dim3A_2405 = vector.broadcast %jit3A_2403 : i32 to vector<16xi32>
    %broadcast_in_dim3A_2406 = vector.broadcast %jit3A_2404 : i32 to vector<16xi32>
    %select_n3A_2407 = arith.select %ge3A_2401, %broadcast_in_dim3A_2405, %broadcast_in_dim3A_2406 : vector<16xi1>, vector<16xi32>
    %mul3A_2408 = arith.constant 10 : i32
    %mul3A_2409 = vector.broadcast %mul3A_2408 : i32 to vector<16xi32>
    %mul3A_2410 = arith.muli %select_n3A_2402, %mul3A_2409 : vector<16xi32>
    %add3A_2411 = arith.addi %mul3A_2410, %get3A_2367 : vector<16xi32>
    %add3A_2412 = arith.addi %add3A_2411, %select_n3A_2407 : vector<16xi32>
    %swap3A_2413 = arith.constant 672 : index
    %swap3A_2414 = tpu.vector_load %arg7[%swap3A_2413] {strides = array<i32>} : memref<1024xi32, #tpu.memory_space<vmem>>, vector<16xi32>,
    %swap3A_2415 = vector.shape_cast %swap3A_2414 : vector<16xi32> to vector<16xi32>
    %swap3A_2416 = vector.shape_cast %add3A_2412 : vector<16xi32> to vector<16xi32>
    tpu.vector_store %arg7[%swap3A_2413], %swap3A_2416 {strides = array<i32>} : memref<1024xi32, #tpu.memory_space<vmem>>, vector<16xi32>,
    %get3A_2417 = arith.constant 688 : index
    %get3A_2418 = tpu.vector_load %arg5[%get3A_2417] {strides = array<i32>} : memref<1024xi32, #tpu.memory_space<vmem>>, vector<16xi32>,
    %get3A_2419 = vector.shape_cast %get3A_2418 : vector<16xi32> to vector<16xi32>
    %get3A_2420 = arith.constant 688 : index
    %get3A_2421 = tpu.vector_load %arg6[%get3A_2420] {strides = array<i32>} : memref<1024xi32, #tpu.memory_space<vmem>>, vector<16xi32>,
    %get3A_2422 = vector.shape_cast %get3A_2421 : vector<16xi32> to vector<16xi32>
    %sub3A_2423 = arith.constant 1111111 : i32
    %sub3A_2424 = vector.broadcast %sub3A_2423 : i32 to vector<16xi32>
    %sub3A_2425 = arith.subi %get3A_2419, %sub3A_2424 : vector<16xi32>
    %ge3A_2426 = arith.constant 8000000 : i32
    %ge3A_2427 = vector.broadcast %ge3A_2426 : i32 to vector<16xi32>
    %ge3A_2428 = arith.cmpi sge, %sub3A_2425, %ge3A_2427 : vector<16xi32>
    %sub3A_2429 = arith.constant 8000000 : i32
    %sub3A_2430 = vector.broadcast %sub3A_2429 : i32 to vector<16xi32>
    %sub3A_2431 = arith.subi %sub3A_2425, %sub3A_2430 : vector<16xi32>
    %select_n3A_2432 = arith.select %ge3A_2428, %sub3A_2431, %sub3A_2425 : vector<16xi1>, vector<16xi32>
    %ge3A_2433 = arith.constant 4000000 : i32
    %ge3A_2434 = vector.broadcast %ge3A_2433 : i32 to vector<16xi32>
    %ge3A_2435 = arith.cmpi sge, %select_n3A_2432, %ge3A_2434 : vector<16xi32>
    %sub3A_2436 = arith.constant 4000000 : i32
    %sub3A_2437 = vector.broadcast %sub3A_2436 : i32 to vector<16xi32>
    %sub3A_2438 = arith.subi %select_n3A_2432, %sub3A_2437 : vector<16xi32>
    %select_n3A_2439 = arith.select %ge3A_2435, %sub3A_2438, %select_n3A_2432 : vector<16xi1>, vector<16xi32>
    %ge3A_2440 = arith.constant 2000000 : i32
    %ge3A_2441 = vector.broadcast %ge3A_2440 : i32 to vector<16xi32>
    %ge3A_2442 = arith.cmpi sge, %select_n3A_2439, %ge3A_2441 : vector<16xi32>
    %sub3A_2443 = arith.constant 2000000 : i32
    %sub3A_2444 = vector.broadcast %sub3A_2443 : i32 to vector<16xi32>
    %sub3A_2445 = arith.subi %select_n3A_2439, %sub3A_2444 : vector<16xi32>
    %select_n3A_2446 = arith.select %ge3A_2442, %sub3A_2445, %select_n3A_2439 : vector<16xi1>, vector<16xi32>
    %ge3A_2447 = arith.constant 1000000 : i32
    %ge3A_2448 = vector.broadcast %ge3A_2447 : i32 to vector<16xi32>
    %ge3A_2449 = arith.cmpi sge, %select_n3A_2446, %ge3A_2448 : vector<16xi32>
    %sub3A_2450 = arith.constant 1000000 : i32
    %sub3A_2451 = vector.broadcast %sub3A_2450 : i32 to vector<16xi32>
    %sub3A_2452 = arith.subi %select_n3A_2446, %sub3A_2451 : vector<16xi32>
    %select_n3A_2453 = arith.select %ge3A_2449, %sub3A_2452, %select_n3A_2446 : vector<16xi1>, vector<16xi32>
    %ge3A_2454 = arith.constant 1111111 : i32
    %ge3A_2455 = vector.broadcast %ge3A_2454 : i32 to vector<16xi32>
    %ge3A_2456 = arith.cmpi sge, %get3A_2419, %ge3A_2455 : vector<16xi32>
    %select_n3A_2457 = arith.select %ge3A_2456, %select_n3A_2453, %get3A_2419 : vector<16xi1>, vector<16xi32>
    %jit3A_2458 = arith.constant 1111111 : i32
    %jit3A_2459 = arith.constant 1 : i32
    %broadcast_in_dim3A_2460 = vector.broadcast %jit3A_2458 : i32 to vector<16xi32>
    %broadcast_in_dim3A_2461 = vector.broadcast %jit3A_2459 : i32 to vector<16xi32>
    %select_n3A_2462 = arith.select %ge3A_2456, %broadcast_in_dim3A_2460, %broadcast_in_dim3A_2461 : vector<16xi1>, vector<16xi32>
    %mul3A_2463 = arith.constant 10 : i32
    %mul3A_2464 = vector.broadcast %mul3A_2463 : i32 to vector<16xi32>
    %mul3A_2465 = arith.muli %select_n3A_2457, %mul3A_2464 : vector<16xi32>
    %add3A_2466 = arith.addi %mul3A_2465, %get3A_2422 : vector<16xi32>
    %add3A_2467 = arith.addi %add3A_2466, %select_n3A_2462 : vector<16xi32>
    %swap3A_2468 = arith.constant 688 : index
    %swap3A_2469 = tpu.vector_load %arg7[%swap3A_2468] {strides = array<i32>} : memref<1024xi32, #tpu.memory_space<vmem>>, vector<16xi32>,
    %swap3A_2470 = vector.shape_cast %swap3A_2469 : vector<16xi32> to vector<16xi32>
    %swap3A_2471 = vector.shape_cast %add3A_2467 : vector<16xi32> to vector<16xi32>
    tpu.vector_store %arg7[%swap3A_2468], %swap3A_2471 {strides = array<i32>} : memref<1024xi32, #tpu.memory_space<vmem>>, vector<16xi32>,
    %get3A_2472 = arith.constant 704 : index
    %get3A_2473 = tpu.vector_load %arg5[%get3A_2472] {strides = array<i32>} : memref<1024xi32, #tpu.memory_space<vmem>>, vector<16xi32>,
    %get3A_2474 = vector.shape_cast %get3A_2473 : vector<16xi32> to vector<16xi32>
    %get3A_2475 = arith.constant 704 : index
    %get3A_2476 = tpu.vector_load %arg6[%get3A_2475] {strides = array<i32>} : memref<1024xi32, #tpu.memory_space<vmem>>, vector<16xi32>,
    %get3A_2477 = vector.shape_cast %get3A_2476 : vector<16xi32> to vector<16xi32>
    %sub3A_2478 = arith.constant 1111111 : i32
    %sub3A_2479 = vector.broadcast %sub3A_2478 : i32 to vector<16xi32>
    %sub3A_2480 = arith.subi %get3A_2474, %sub3A_2479 : vector<16xi32>
    %ge3A_2481 = arith.constant 8000000 : i32
    %ge3A_2482 = vector.broadcast %ge3A_2481 : i32 to vector<16xi32>
    %ge3A_2483 = arith.cmpi sge, %sub3A_2480, %ge3A_2482 : vector<16xi32>
    %sub3A_2484 = arith.constant 8000000 : i32
    %sub3A_2485 = vector.broadcast %sub3A_2484 : i32 to vector<16xi32>
    %sub3A_2486 = arith.subi %sub3A_2480, %sub3A_2485 : vector<16xi32>
    %select_n3A_2487 = arith.select %ge3A_2483, %sub3A_2486, %sub3A_2480 : vector<16xi1>, vector<16xi32>
    %ge3A_2488 = arith.constant 4000000 : i32
    %ge3A_2489 = vector.broadcast %ge3A_2488 : i32 to vector<16xi32>
    %ge3A_2490 = arith.cmpi sge, %select_n3A_2487, %ge3A_2489 : vector<16xi32>
    %sub3A_2491 = arith.constant 4000000 : i32
    %sub3A_2492 = vector.broadcast %sub3A_2491 : i32 to vector<16xi32>
    %sub3A_2493 = arith.subi %select_n3A_2487, %sub3A_2492 : vector<16xi32>
    %select_n3A_2494 = arith.select %ge3A_2490, %sub3A_2493, %select_n3A_2487 : vector<16xi1>, vector<16xi32>
    %ge3A_2495 = arith.constant 2000000 : i32
    %ge3A_2496 = vector.broadcast %ge3A_2495 : i32 to vector<16xi32>
    %ge3A_2497 = arith.cmpi sge, %select_n3A_2494, %ge3A_2496 : vector<16xi32>
    %sub3A_2498 = arith.constant 2000000 : i32
    %sub3A_2499 = vector.broadcast %sub3A_2498 : i32 to vector<16xi32>
    %sub3A_2500 = arith.subi %select_n3A_2494, %sub3A_2499 : vector<16xi32>
    %select_n3A_2501 = arith.select %ge3A_2497, %sub3A_2500, %select_n3A_2494 : vector<16xi1>, vector<16xi32>
    %ge3A_2502 = arith.constant 1000000 : i32
    %ge3A_2503 = vector.broadcast %ge3A_2502 : i32 to vector<16xi32>
    %ge3A_2504 = arith.cmpi sge, %select_n3A_2501, %ge3A_2503 : vector<16xi32>
    %sub3A_2505 = arith.constant 1000000 : i32
    %sub3A_2506 = vector.broadcast %sub3A_2505 : i32 to vector<16xi32>
    %sub3A_2507 = arith.subi %select_n3A_2501, %sub3A_2506 : vector<16xi32>
    %select_n3A_2508 = arith.select %ge3A_2504, %sub3A_2507, %select_n3A_2501 : vector<16xi1>, vector<16xi32>
    %ge3A_2509 = arith.constant 1111111 : i32
    %ge3A_2510 = vector.broadcast %ge3A_2509 : i32 to vector<16xi32>
    %ge3A_2511 = arith.cmpi sge, %get3A_2474, %ge3A_2510 : vector<16xi32>
    %select_n3A_2512 = arith.select %ge3A_2511, %select_n3A_2508, %get3A_2474 : vector<16xi1>, vector<16xi32>
    %jit3A_2513 = arith.constant 1111111 : i32
    %jit3A_2514 = arith.constant 1 : i32
    %broadcast_in_dim3A_2515 = vector.broadcast %jit3A_2513 : i32 to vector<16xi32>
    %broadcast_in_dim3A_2516 = vector.broadcast %jit3A_2514 : i32 to vector<16xi32>
    %select_n3A_2517 = arith.select %ge3A_2511, %broadcast_in_dim3A_2515, %broadcast_in_dim3A_2516 : vector<16xi1>, vector<16xi32>
    %mul3A_2518 = arith.constant 10 : i32
    %mul3A_2519 = vector.broadcast %mul3A_2518 : i32 to vector<16xi32>
    %mul3A_2520 = arith.muli %select_n3A_2512, %mul3A_2519 : vector<16xi32>
    %add3A_2521 = arith.addi %mul3A_2520, %get3A_2477 : vector<16xi32>
    %add3A_2522 = arith.addi %add3A_2521, %select_n3A_2517 : vector<16xi32>
    %swap3A_2523 = arith.constant 704 : index
    %swap3A_2524 = tpu.vector_load %arg7[%swap3A_2523] {strides = array<i32>} : memref<1024xi32, #tpu.memory_space<vmem>>, vector<16xi32>,
    %swap3A_2525 = vector.shape_cast %swap3A_2524 : vector<16xi32> to vector<16xi32>
    %swap3A_2526 = vector.shape_cast %add3A_2522 : vector<16xi32> to vector<16xi32>
    tpu.vector_store %arg7[%swap3A_2523], %swap3A_2526 {strides = array<i32>} : memref<1024xi32, #tpu.memory_space<vmem>>, vector<16xi32>,
    %get3A_2527 = arith.constant 720 : index
    %get3A_2528 = tpu.vector_load %arg5[%get3A_2527] {strides = array<i32>} : memref<1024xi32, #tpu.memory_space<vmem>>, vector<16xi32>,
    %get3A_2529 = vector.shape_cast %get3A_2528 : vector<16xi32> to vector<16xi32>
    %get3A_2530 = arith.constant 720 : index
    %get3A_2531 = tpu.vector_load %arg6[%get3A_2530] {strides = array<i32>} : memref<1024xi32, #tpu.memory_space<vmem>>, vector<16xi32>,
    %get3A_2532 = vector.shape_cast %get3A_2531 : vector<16xi32> to vector<16xi32>
    %sub3A_2533 = arith.constant 1111111 : i32
    %sub3A_2534 = vector.broadcast %sub3A_2533 : i32 to vector<16xi32>
    %sub3A_2535 = arith.subi %get3A_2529, %sub3A_2534 : vector<16xi32>
    %ge3A_2536 = arith.constant 8000000 : i32
    %ge3A_2537 = vector.broadcast %ge3A_2536 : i32 to vector<16xi32>
    %ge3A_2538 = arith.cmpi sge, %sub3A_2535, %ge3A_2537 : vector<16xi32>
    %sub3A_2539 = arith.constant 8000000 : i32
    %sub3A_2540 = vector.broadcast %sub3A_2539 : i32 to vector<16xi32>
    %sub3A_2541 = arith.subi %sub3A_2535, %sub3A_2540 : vector<16xi32>
    %select_n3A_2542 = arith.select %ge3A_2538, %sub3A_2541, %sub3A_2535 : vector<16xi1>, vector<16xi32>
    %ge3A_2543 = arith.constant 4000000 : i32
    %ge3A_2544 = vector.broadcast %ge3A_2543 : i32 to vector<16xi32>
    %ge3A_2545 = arith.cmpi sge, %select_n3A_2542, %ge3A_2544 : vector<16xi32>
    %sub3A_2546 = arith.constant 4000000 : i32
    %sub3A_2547 = vector.broadcast %sub3A_2546 : i32 to vector<16xi32>
    %sub3A_2548 = arith.subi %select_n3A_2542, %sub3A_2547 : vector<16xi32>
    %select_n3A_2549 = arith.select %ge3A_2545, %sub3A_2548, %select_n3A_2542 : vector<16xi1>, vector<16xi32>
    %ge3A_2550 = arith.constant 2000000 : i32
    %ge3A_2551 = vector.broadcast %ge3A_2550 : i32 to vector<16xi32>
    %ge3A_2552 = arith.cmpi sge, %select_n3A_2549, %ge3A_2551 : vector<16xi32>
    %sub3A_2553 = arith.constant 2000000 : i32
    %sub3A_2554 = vector.broadcast %sub3A_2553 : i32 to vector<16xi32>
    %sub3A_2555 = arith.subi %select_n3A_2549, %sub3A_2554 : vector<16xi32>
    %select_n3A_2556 = arith.select %ge3A_2552, %sub3A_2555, %select_n3A_2549 : vector<16xi1>, vector<16xi32>
    %ge3A_2557 = arith.constant 1000000 : i32
    %ge3A_2558 = vector.broadcast %ge3A_2557 : i32 to vector<16xi32>
    %ge3A_2559 = arith.cmpi sge, %select_n3A_2556, %ge3A_2558 : vector<16xi32>
    %sub3A_2560 = arith.constant 1000000 : i32
    %sub3A_2561 = vector.broadcast %sub3A_2560 : i32 to vector<16xi32>
    %sub3A_2562 = arith.subi %select_n3A_2556, %sub3A_2561 : vector<16xi32>
    %select_n3A_2563 = arith.select %ge3A_2559, %sub3A_2562, %select_n3A_2556 : vector<16xi1>, vector<16xi32>
    %ge3A_2564 = arith.constant 1111111 : i32
    %ge3A_2565 = vector.broadcast %ge3A_2564 : i32 to vector<16xi32>
    %ge3A_2566 = arith.cmpi sge, %get3A_2529, %ge3A_2565 : vector<16xi32>
    %select_n3A_2567 = arith.select %ge3A_2566, %select_n3A_2563, %get3A_2529 : vector<16xi1>, vector<16xi32>
    %jit3A_2568 = arith.constant 1111111 : i32
    %jit3A_2569 = arith.constant 1 : i32
    %broadcast_in_dim3A_2570 = vector.broadcast %jit3A_2568 : i32 to vector<16xi32>
    %broadcast_in_dim3A_2571 = vector.broadcast %jit3A_2569 : i32 to vector<16xi32>
    %select_n3A_2572 = arith.select %ge3A_2566, %broadcast_in_dim3A_2570, %broadcast_in_dim3A_2571 : vector<16xi1>, vector<16xi32>
    %mul3A_2573 = arith.constant 10 : i32
    %mul3A_2574 = vector.broadcast %mul3A_2573 : i32 to vector<16xi32>
    %mul3A_2575 = arith.muli %select_n3A_2567, %mul3A_2574 : vector<16xi32>
    %add3A_2576 = arith.addi %mul3A_2575, %get3A_2532 : vector<16xi32>
    %add3A_2577 = arith.addi %add3A_2576, %select_n3A_2572 : vector<16xi32>
    %swap3A_2578 = arith.constant 720 : index
    %swap3A_2579 = tpu.vector_load %arg7[%swap3A_2578] {strides = array<i32>} : memref<1024xi32, #tpu.memory_space<vmem>>, vector<16xi32>,
    %swap3A_2580 = vector.shape_cast %swap3A_2579 : vector<16xi32> to vector<16xi32>
    %swap3A_2581 = vector.shape_cast %add3A_2577 : vector<16xi32> to vector<16xi32>
    tpu.vector_store %arg7[%swap3A_2578], %swap3A_2581 {strides = array<i32>} : memref<1024xi32, #tpu.memory_space<vmem>>, vector<16xi32>,
    %get3A_2582 = arith.constant 736 : index
    %get3A_2583 = tpu.vector_load %arg5[%get3A_2582] {strides = array<i32>} : memref<1024xi32, #tpu.memory_space<vmem>>, vector<16xi32>,
    %get3A_2584 = vector.shape_cast %get3A_2583 : vector<16xi32> to vector<16xi32>
    %get3A_2585 = arith.constant 736 : index
    %get3A_2586 = tpu.vector_load %arg6[%get3A_2585] {strides = array<i32>} : memref<1024xi32, #tpu.memory_space<vmem>>, vector<16xi32>,
    %get3A_2587 = vector.shape_cast %get3A_2586 : vector<16xi32> to vector<16xi32>
    %sub3A_2588 = arith.constant 1111111 : i32
    %sub3A_2589 = vector.broadcast %sub3A_2588 : i32 to vector<16xi32>
    %sub3A_2590 = arith.subi %get3A_2584, %sub3A_2589 : vector<16xi32>
    %ge3A_2591 = arith.constant 8000000 : i32
    %ge3A_2592 = vector.broadcast %ge3A_2591 : i32 to vector<16xi32>
    %ge3A_2593 = arith.cmpi sge, %sub3A_2590, %ge3A_2592 : vector<16xi32>
    %sub3A_2594 = arith.constant 8000000 : i32
    %sub3A_2595 = vector.broadcast %sub3A_2594 : i32 to vector<16xi32>
    %sub3A_2596 = arith.subi %sub3A_2590, %sub3A_2595 : vector<16xi32>
    %select_n3A_2597 = arith.select %ge3A_2593, %sub3A_2596, %sub3A_2590 : vector<16xi1>, vector<16xi32>
    %ge3A_2598 = arith.constant 4000000 : i32
    %ge3A_2599 = vector.broadcast %ge3A_2598 : i32 to vector<16xi32>
    %ge3A_2600 = arith.cmpi sge, %select_n3A_2597, %ge3A_2599 : vector<16xi32>
    %sub3A_2601 = arith.constant 4000000 : i32
    %sub3A_2602 = vector.broadcast %sub3A_2601 : i32 to vector<16xi32>
    %sub3A_2603 = arith.subi %select_n3A_2597, %sub3A_2602 : vector<16xi32>
    %select_n3A_2604 = arith.select %ge3A_2600, %sub3A_2603, %select_n3A_2597 : vector<16xi1>, vector<16xi32>
    %ge3A_2605 = arith.constant 2000000 : i32
    %ge3A_2606 = vector.broadcast %ge3A_2605 : i32 to vector<16xi32>
    %ge3A_2607 = arith.cmpi sge, %select_n3A_2604, %ge3A_2606 : vector<16xi32>
    %sub3A_2608 = arith.constant 2000000 : i32
    %sub3A_2609 = vector.broadcast %sub3A_2608 : i32 to vector<16xi32>
    %sub3A_2610 = arith.subi %select_n3A_2604, %sub3A_2609 : vector<16xi32>
    %select_n3A_2611 = arith.select %ge3A_2607, %sub3A_2610, %select_n3A_2604 : vector<16xi1>, vector<16xi32>
    %ge3A_2612 = arith.constant 1000000 : i32
    %ge3A_2613 = vector.broadcast %ge3A_2612 : i32 to vector<16xi32>
    %ge3A_2614 = arith.cmpi sge, %select_n3A_2611, %ge3A_2613 : vector<16xi32>
    %sub3A_2615 = arith.constant 1000000 : i32
    %sub3A_2616 = vector.broadcast %sub3A_2615 : i32 to vector<16xi32>
    %sub3A_2617 = arith.subi %select_n3A_2611, %sub3A_2616 : vector<16xi32>
    %select_n3A_2618 = arith.select %ge3A_2614, %sub3A_2617, %select_n3A_2611 : vector<16xi1>, vector<16xi32>
    %ge3A_2619 = arith.constant 1111111 : i32
    %ge3A_2620 = vector.broadcast %ge3A_2619 : i32 to vector<16xi32>
    %ge3A_2621 = arith.cmpi sge, %get3A_2584, %ge3A_2620 : vector<16xi32>
    %select_n3A_2622 = arith.select %ge3A_2621, %select_n3A_2618, %get3A_2584 : vector<16xi1>, vector<16xi32>
    %jit3A_2623 = arith.constant 1111111 : i32
    %jit3A_2624 = arith.constant 1 : i32
    %broadcast_in_dim3A_2625 = vector.broadcast %jit3A_2623 : i32 to vector<16xi32>
    %broadcast_in_dim3A_2626 = vector.broadcast %jit3A_2624 : i32 to vector<16xi32>
    %select_n3A_2627 = arith.select %ge3A_2621, %broadcast_in_dim3A_2625, %broadcast_in_dim3A_2626 : vector<16xi1>, vector<16xi32>
    %mul3A_2628 = arith.constant 10 : i32
    %mul3A_2629 = vector.broadcast %mul3A_2628 : i32 to vector<16xi32>
    %mul3A_2630 = arith.muli %select_n3A_2622, %mul3A_2629 : vector<16xi32>
    %add3A_2631 = arith.addi %mul3A_2630, %get3A_2587 : vector<16xi32>
    %add3A_2632 = arith.addi %add3A_2631, %select_n3A_2627 : vector<16xi32>
    %swap3A_2633 = arith.constant 736 : index
    %swap3A_2634 = tpu.vector_load %arg7[%swap3A_2633] {strides = array<i32>} : memref<1024xi32, #tpu.memory_space<vmem>>, vector<16xi32>,
    %swap3A_2635 = vector.shape_cast %swap3A_2634 : vector<16xi32> to vector<16xi32>
    %swap3A_2636 = vector.shape_cast %add3A_2632 : vector<16xi32> to vector<16xi32>
    tpu.vector_store %arg7[%swap3A_2633], %swap3A_2636 {strides = array<i32>} : memref<1024xi32, #tpu.memory_space<vmem>>, vector<16xi32>,
    %get3A_2637 = arith.constant 752 : index
    %get3A_2638 = tpu.vector_load %arg5[%get3A_2637] {strides = array<i32>} : memref<1024xi32, #tpu.memory_space<vmem>>, vector<16xi32>,
    %get3A_2639 = vector.shape_cast %get3A_2638 : vector<16xi32> to vector<16xi32>
    %get3A_2640 = arith.constant 752 : index
    %get3A_2641 = tpu.vector_load %arg6[%get3A_2640] {strides = array<i32>} : memref<1024xi32, #tpu.memory_space<vmem>>, vector<16xi32>,
    %get3A_2642 = vector.shape_cast %get3A_2641 : vector<16xi32> to vector<16xi32>
    %sub3A_2643 = arith.constant 1111111 : i32
    %sub3A_2644 = vector.broadcast %sub3A_2643 : i32 to vector<16xi32>
    %sub3A_2645 = arith.subi %get3A_2639, %sub3A_2644 : vector<16xi32>
    %ge3A_2646 = arith.constant 8000000 : i32
    %ge3A_2647 = vector.broadcast %ge3A_2646 : i32 to vector<16xi32>
    %ge3A_2648 = arith.cmpi sge, %sub3A_2645, %ge3A_2647 : vector<16xi32>
    %sub3A_2649 = arith.constant 8000000 : i32
    %sub3A_2650 = vector.broadcast %sub3A_2649 : i32 to vector<16xi32>
    %sub3A_2651 = arith.subi %sub3A_2645, %sub3A_2650 : vector<16xi32>
    %select_n3A_2652 = arith.select %ge3A_2648, %sub3A_2651, %sub3A_2645 : vector<16xi1>, vector<16xi32>
    %ge3A_2653 = arith.constant 4000000 : i32
    %ge3A_2654 = vector.broadcast %ge3A_2653 : i32 to vector<16xi32>
    %ge3A_2655 = arith.cmpi sge, %select_n3A_2652, %ge3A_2654 : vector<16xi32>
    %sub3A_2656 = arith.constant 4000000 : i32
    %sub3A_2657 = vector.broadcast %sub3A_2656 : i32 to vector<16xi32>
    %sub3A_2658 = arith.subi %select_n3A_2652, %sub3A_2657 : vector<16xi32>
    %select_n3A_2659 = arith.select %ge3A_2655, %sub3A_2658, %select_n3A_2652 : vector<16xi1>, vector<16xi32>
    %ge3A_2660 = arith.constant 2000000 : i32
    %ge3A_2661 = vector.broadcast %ge3A_2660 : i32 to vector<16xi32>
    %ge3A_2662 = arith.cmpi sge, %select_n3A_2659, %ge3A_2661 : vector<16xi32>
    %sub3A_2663 = arith.constant 2000000 : i32
    %sub3A_2664 = vector.broadcast %sub3A_2663 : i32 to vector<16xi32>
    %sub3A_2665 = arith.subi %select_n3A_2659, %sub3A_2664 : vector<16xi32>
    %select_n3A_2666 = arith.select %ge3A_2662, %sub3A_2665, %select_n3A_2659 : vector<16xi1>, vector<16xi32>
    %ge3A_2667 = arith.constant 1000000 : i32
    %ge3A_2668 = vector.broadcast %ge3A_2667 : i32 to vector<16xi32>
    %ge3A_2669 = arith.cmpi sge, %select_n3A_2666, %ge3A_2668 : vector<16xi32>
    %sub3A_2670 = arith.constant 1000000 : i32
    %sub3A_2671 = vector.broadcast %sub3A_2670 : i32 to vector<16xi32>
    %sub3A_2672 = arith.subi %select_n3A_2666, %sub3A_2671 : vector<16xi32>
    %select_n3A_2673 = arith.select %ge3A_2669, %sub3A_2672, %select_n3A_2666 : vector<16xi1>, vector<16xi32>
    %ge3A_2674 = arith.constant 1111111 : i32
    %ge3A_2675 = vector.broadcast %ge3A_2674 : i32 to vector<16xi32>
    %ge3A_2676 = arith.cmpi sge, %get3A_2639, %ge3A_2675 : vector<16xi32>
    %select_n3A_2677 = arith.select %ge3A_2676, %select_n3A_2673, %get3A_2639 : vector<16xi1>, vector<16xi32>
    %jit3A_2678 = arith.constant 1111111 : i32
    %jit3A_2679 = arith.constant 1 : i32
    %broadcast_in_dim3A_2680 = vector.broadcast %jit3A_2678 : i32 to vector<16xi32>
    %broadcast_in_dim3A_2681 = vector.broadcast %jit3A_2679 : i32 to vector<16xi32>
    %select_n3A_2682 = arith.select %ge3A_2676, %broadcast_in_dim3A_2680, %broadcast_in_dim3A_2681 : vector<16xi1>, vector<16xi32>
    %mul3A_2683 = arith.constant 10 : i32
    %mul3A_2684 = vector.broadcast %mul3A_2683 : i32 to vector<16xi32>
    %mul3A_2685 = arith.muli %select_n3A_2677, %mul3A_2684 : vector<16xi32>
    %add3A_2686 = arith.addi %mul3A_2685, %get3A_2642 : vector<16xi32>
    %add3A_2687 = arith.addi %add3A_2686, %select_n3A_2682 : vector<16xi32>
    %swap3A_2688 = arith.constant 752 : index
    %swap3A_2689 = tpu.vector_load %arg7[%swap3A_2688] {strides = array<i32>} : memref<1024xi32, #tpu.memory_space<vmem>>, vector<16xi32>,
    %swap3A_2690 = vector.shape_cast %swap3A_2689 : vector<16xi32> to vector<16xi32>
    %swap3A_2691 = vector.shape_cast %add3A_2687 : vector<16xi32> to vector<16xi32>
    tpu.vector_store %arg7[%swap3A_2688], %swap3A_2691 {strides = array<i32>} : memref<1024xi32, #tpu.memory_space<vmem>>, vector<16xi32>,
    %get3A_2692 = arith.constant 768 : index
    %get3A_2693 = tpu.vector_load %arg5[%get3A_2692] {strides = array<i32>} : memref<1024xi32, #tpu.memory_space<vmem>>, vector<16xi32>,
    %get3A_2694 = vector.shape_cast %get3A_2693 : vector<16xi32> to vector<16xi32>
    %get3A_2695 = arith.constant 768 : index
    %get3A_2696 = tpu.vector_load %arg6[%get3A_2695] {strides = array<i32>} : memref<1024xi32, #tpu.memory_space<vmem>>, vector<16xi32>,
    %get3A_2697 = vector.shape_cast %get3A_2696 : vector<16xi32> to vector<16xi32>
    %sub3A_2698 = arith.constant 1111111 : i32
    %sub3A_2699 = vector.broadcast %sub3A_2698 : i32 to vector<16xi32>
    %sub3A_2700 = arith.subi %get3A_2694, %sub3A_2699 : vector<16xi32>
    %ge3A_2701 = arith.constant 8000000 : i32
    %ge3A_2702 = vector.broadcast %ge3A_2701 : i32 to vector<16xi32>
    %ge3A_2703 = arith.cmpi sge, %sub3A_2700, %ge3A_2702 : vector<16xi32>
    %sub3A_2704 = arith.constant 8000000 : i32
    %sub3A_2705 = vector.broadcast %sub3A_2704 : i32 to vector<16xi32>
    %sub3A_2706 = arith.subi %sub3A_2700, %sub3A_2705 : vector<16xi32>
    %select_n3A_2707 = arith.select %ge3A_2703, %sub3A_2706, %sub3A_2700 : vector<16xi1>, vector<16xi32>
    %ge3A_2708 = arith.constant 4000000 : i32
    %ge3A_2709 = vector.broadcast %ge3A_2708 : i32 to vector<16xi32>
    %ge3A_2710 = arith.cmpi sge, %select_n3A_2707, %ge3A_2709 : vector<16xi32>
    %sub3A_2711 = arith.constant 4000000 : i32
    %sub3A_2712 = vector.broadcast %sub3A_2711 : i32 to vector<16xi32>
    %sub3A_2713 = arith.subi %select_n3A_2707, %sub3A_2712 : vector<16xi32>
    %select_n3A_2714 = arith.select %ge3A_2710, %sub3A_2713, %select_n3A_2707 : vector<16xi1>, vector<16xi32>
    %ge3A_2715 = arith.constant 2000000 : i32
    %ge3A_2716 = vector.broadcast %ge3A_2715 : i32 to vector<16xi32>
    %ge3A_2717 = arith.cmpi sge, %select_n3A_2714, %ge3A_2716 : vector<16xi32>
    %sub3A_2718 = arith.constant 2000000 : i32
    %sub3A_2719 = vector.broadcast %sub3A_2718 : i32 to vector<16xi32>
    %sub3A_2720 = arith.subi %select_n3A_2714, %sub3A_2719 : vector<16xi32>
    %select_n3A_2721 = arith.select %ge3A_2717, %sub3A_2720, %select_n3A_2714 : vector<16xi1>, vector<16xi32>
    %ge3A_2722 = arith.constant 1000000 : i32
    %ge3A_2723 = vector.broadcast %ge3A_2722 : i32 to vector<16xi32>
    %ge3A_2724 = arith.cmpi sge, %select_n3A_2721, %ge3A_2723 : vector<16xi32>
    %sub3A_2725 = arith.constant 1000000 : i32
    %sub3A_2726 = vector.broadcast %sub3A_2725 : i32 to vector<16xi32>
    %sub3A_2727 = arith.subi %select_n3A_2721, %sub3A_2726 : vector<16xi32>
    %select_n3A_2728 = arith.select %ge3A_2724, %sub3A_2727, %select_n3A_2721 : vector<16xi1>, vector<16xi32>
    %ge3A_2729 = arith.constant 1111111 : i32
    %ge3A_2730 = vector.broadcast %ge3A_2729 : i32 to vector<16xi32>
    %ge3A_2731 = arith.cmpi sge, %get3A_2694, %ge3A_2730 : vector<16xi32>
    %select_n3A_2732 = arith.select %ge3A_2731, %select_n3A_2728, %get3A_2694 : vector<16xi1>, vector<16xi32>
    %jit3A_2733 = arith.constant 1111111 : i32
    %jit3A_2734 = arith.constant 1 : i32
    %broadcast_in_dim3A_2735 = vector.broadcast %jit3A_2733 : i32 to vector<16xi32>
    %broadcast_in_dim3A_2736 = vector.broadcast %jit3A_2734 : i32 to vector<16xi32>
    %select_n3A_2737 = arith.select %ge3A_2731, %broadcast_in_dim3A_2735, %broadcast_in_dim3A_2736 : vector<16xi1>, vector<16xi32>
    %mul3A_2738 = arith.constant 10 : i32
    %mul3A_2739 = vector.broadcast %mul3A_2738 : i32 to vector<16xi32>
    %mul3A_2740 = arith.muli %select_n3A_2732, %mul3A_2739 : vector<16xi32>
    %add3A_2741 = arith.addi %mul3A_2740, %get3A_2697 : vector<16xi32>
    %add3A_2742 = arith.addi %add3A_2741, %select_n3A_2737 : vector<16xi32>
    %swap3A_2743 = arith.constant 768 : index
    %swap3A_2744 = tpu.vector_load %arg7[%swap3A_2743] {strides = array<i32>} : memref<1024xi32, #tpu.memory_space<vmem>>, vector<16xi32>,
    %swap3A_2745 = vector.shape_cast %swap3A_2744 : vector<16xi32> to vector<16xi32>
    %swap3A_2746 = vector.shape_cast %add3A_2742 : vector<16xi32> to vector<16xi32>
    tpu.vector_store %arg7[%swap3A_2743], %swap3A_2746 {strides = array<i32>} : memref<1024xi32, #tpu.memory_space<vmem>>, vector<16xi32>,
    %get3A_2747 = arith.constant 784 : index
    %get3A_2748 = tpu.vector_load %arg5[%get3A_2747] {strides = array<i32>} : memref<1024xi32, #tpu.memory_space<vmem>>, vector<16xi32>,
    %get3A_2749 = vector.shape_cast %get3A_2748 : vector<16xi32> to vector<16xi32>
    %get3A_2750 = arith.constant 784 : index
    %get3A_2751 = tpu.vector_load %arg6[%get3A_2750] {strides = array<i32>} : memref<1024xi32, #tpu.memory_space<vmem>>, vector<16xi32>,
    %get3A_2752 = vector.shape_cast %get3A_2751 : vector<16xi32> to vector<16xi32>
    %sub3A_2753 = arith.constant 1111111 : i32
    %sub3A_2754 = vector.broadcast %sub3A_2753 : i32 to vector<16xi32>
    %sub3A_2755 = arith.subi %get3A_2749, %sub3A_2754 : vector<16xi32>
    %ge3A_2756 = arith.constant 8000000 : i32
    %ge3A_2757 = vector.broadcast %ge3A_2756 : i32 to vector<16xi32>
    %ge3A_2758 = arith.cmpi sge, %sub3A_2755, %ge3A_2757 : vector<16xi32>
    %sub3A_2759 = arith.constant 8000000 : i32
    %sub3A_2760 = vector.broadcast %sub3A_2759 : i32 to vector<16xi32>
    %sub3A_2761 = arith.subi %sub3A_2755, %sub3A_2760 : vector<16xi32>
    %select_n3A_2762 = arith.select %ge3A_2758, %sub3A_2761, %sub3A_2755 : vector<16xi1>, vector<16xi32>
    %ge3A_2763 = arith.constant 4000000 : i32
    %ge3A_2764 = vector.broadcast %ge3A_2763 : i32 to vector<16xi32>
    %ge3A_2765 = arith.cmpi sge, %select_n3A_2762, %ge3A_2764 : vector<16xi32>
    %sub3A_2766 = arith.constant 4000000 : i32
    %sub3A_2767 = vector.broadcast %sub3A_2766 : i32 to vector<16xi32>
    %sub3A_2768 = arith.subi %select_n3A_2762, %sub3A_2767 : vector<16xi32>
    %select_n3A_2769 = arith.select %ge3A_2765, %sub3A_2768, %select_n3A_2762 : vector<16xi1>, vector<16xi32>
    %ge3A_2770 = arith.constant 2000000 : i32
    %ge3A_2771 = vector.broadcast %ge3A_2770 : i32 to vector<16xi32>
    %ge3A_2772 = arith.cmpi sge, %select_n3A_2769, %ge3A_2771 : vector<16xi32>
    %sub3A_2773 = arith.constant 2000000 : i32
    %sub3A_2774 = vector.broadcast %sub3A_2773 : i32 to vector<16xi32>
    %sub3A_2775 = arith.subi %select_n3A_2769, %sub3A_2774 : vector<16xi32>
    %select_n3A_2776 = arith.select %ge3A_2772, %sub3A_2775, %select_n3A_2769 : vector<16xi1>, vector<16xi32>
    %ge3A_2777 = arith.constant 1000000 : i32
    %ge3A_2778 = vector.broadcast %ge3A_2777 : i32 to vector<16xi32>
    %ge3A_2779 = arith.cmpi sge, %select_n3A_2776, %ge3A_2778 : vector<16xi32>
    %sub3A_2780 = arith.constant 1000000 : i32
    %sub3A_2781 = vector.broadcast %sub3A_2780 : i32 to vector<16xi32>
    %sub3A_2782 = arith.subi %select_n3A_2776, %sub3A_2781 : vector<16xi32>
    %select_n3A_2783 = arith.select %ge3A_2779, %sub3A_2782, %select_n3A_2776 : vector<16xi1>, vector<16xi32>
    %ge3A_2784 = arith.constant 1111111 : i32
    %ge3A_2785 = vector.broadcast %ge3A_2784 : i32 to vector<16xi32>
    %ge3A_2786 = arith.cmpi sge, %get3A_2749, %ge3A_2785 : vector<16xi32>
    %select_n3A_2787 = arith.select %ge3A_2786, %select_n3A_2783, %get3A_2749 : vector<16xi1>, vector<16xi32>
    %jit3A_2788 = arith.constant 1111111 : i32
    %jit3A_2789 = arith.constant 1 : i32
    %broadcast_in_dim3A_2790 = vector.broadcast %jit3A_2788 : i32 to vector<16xi32>
    %broadcast_in_dim3A_2791 = vector.broadcast %jit3A_2789 : i32 to vector<16xi32>
    %select_n3A_2792 = arith.select %ge3A_2786, %broadcast_in_dim3A_2790, %broadcast_in_dim3A_2791 : vector<16xi1>, vector<16xi32>
    %mul3A_2793 = arith.constant 10 : i32
    %mul3A_2794 = vector.broadcast %mul3A_2793 : i32 to vector<16xi32>
    %mul3A_2795 = arith.muli %select_n3A_2787, %mul3A_2794 : vector<16xi32>
    %add3A_2796 = arith.addi %mul3A_2795, %get3A_2752 : vector<16xi32>
    %add3A_2797 = arith.addi %add3A_2796, %select_n3A_2792 : vector<16xi32>
    %swap3A_2798 = arith.constant 784 : index
    %swap3A_2799 = tpu.vector_load %arg7[%swap3A_2798] {strides = array<i32>} : memref<1024xi32, #tpu.memory_space<vmem>>, vector<16xi32>,
    %swap3A_2800 = vector.shape_cast %swap3A_2799 : vector<16xi32> to vector<16xi32>
    %swap3A_2801 = vector.shape_cast %add3A_2797 : vector<16xi32> to vector<16xi32>
    tpu.vector_store %arg7[%swap3A_2798], %swap3A_2801 {strides = array<i32>} : memref<1024xi32, #tpu.memory_space<vmem>>, vector<16xi32>,
    %get3A_2802 = arith.constant 800 : index
    %get3A_2803 = tpu.vector_load %arg5[%get3A_2802] {strides = array<i32>} : memref<1024xi32, #tpu.memory_space<vmem>>, vector<16xi32>,
    %get3A_2804 = vector.shape_cast %get3A_2803 : vector<16xi32> to vector<16xi32>
    %get3A_2805 = arith.constant 800 : index
    %get3A_2806 = tpu.vector_load %arg6[%get3A_2805] {strides = array<i32>} : memref<1024xi32, #tpu.memory_space<vmem>>, vector<16xi32>,
    %get3A_2807 = vector.shape_cast %get3A_2806 : vector<16xi32> to vector<16xi32>
    %sub3A_2808 = arith.constant 1111111 : i32
    %sub3A_2809 = vector.broadcast %sub3A_2808 : i32 to vector<16xi32>
    %sub3A_2810 = arith.subi %get3A_2804, %sub3A_2809 : vector<16xi32>
    %ge3A_2811 = arith.constant 8000000 : i32
    %ge3A_2812 = vector.broadcast %ge3A_2811 : i32 to vector<16xi32>
    %ge3A_2813 = arith.cmpi sge, %sub3A_2810, %ge3A_2812 : vector<16xi32>
    %sub3A_2814 = arith.constant 8000000 : i32
    %sub3A_2815 = vector.broadcast %sub3A_2814 : i32 to vector<16xi32>
    %sub3A_2816 = arith.subi %sub3A_2810, %sub3A_2815 : vector<16xi32>
    %select_n3A_2817 = arith.select %ge3A_2813, %sub3A_2816, %sub3A_2810 : vector<16xi1>, vector<16xi32>
    %ge3A_2818 = arith.constant 4000000 : i32
    %ge3A_2819 = vector.broadcast %ge3A_2818 : i32 to vector<16xi32>
    %ge3A_2820 = arith.cmpi sge, %select_n3A_2817, %ge3A_2819 : vector<16xi32>
    %sub3A_2821 = arith.constant 4000000 : i32
    %sub3A_2822 = vector.broadcast %sub3A_2821 : i32 to vector<16xi32>
    %sub3A_2823 = arith.subi %select_n3A_2817, %sub3A_2822 : vector<16xi32>
    %select_n3A_2824 = arith.select %ge3A_2820, %sub3A_2823, %select_n3A_2817 : vector<16xi1>, vector<16xi32>
    %ge3A_2825 = arith.constant 2000000 : i32
    %ge3A_2826 = vector.broadcast %ge3A_2825 : i32 to vector<16xi32>
    %ge3A_2827 = arith.cmpi sge, %select_n3A_2824, %ge3A_2826 : vector<16xi32>
    %sub3A_2828 = arith.constant 2000000 : i32
    %sub3A_2829 = vector.broadcast %sub3A_2828 : i32 to vector<16xi32>
    %sub3A_2830 = arith.subi %select_n3A_2824, %sub3A_2829 : vector<16xi32>
    %select_n3A_2831 = arith.select %ge3A_2827, %sub3A_2830, %select_n3A_2824 : vector<16xi1>, vector<16xi32>
    %ge3A_2832 = arith.constant 1000000 : i32
    %ge3A_2833 = vector.broadcast %ge3A_2832 : i32 to vector<16xi32>
    %ge3A_2834 = arith.cmpi sge, %select_n3A_2831, %ge3A_2833 : vector<16xi32>
    %sub3A_2835 = arith.constant 1000000 : i32
    %sub3A_2836 = vector.broadcast %sub3A_2835 : i32 to vector<16xi32>
    %sub3A_2837 = arith.subi %select_n3A_2831, %sub3A_2836 : vector<16xi32>
    %select_n3A_2838 = arith.select %ge3A_2834, %sub3A_2837, %select_n3A_2831 : vector<16xi1>, vector<16xi32>
    %ge3A_2839 = arith.constant 1111111 : i32
    %ge3A_2840 = vector.broadcast %ge3A_2839 : i32 to vector<16xi32>
    %ge3A_2841 = arith.cmpi sge, %get3A_2804, %ge3A_2840 : vector<16xi32>
    %select_n3A_2842 = arith.select %ge3A_2841, %select_n3A_2838, %get3A_2804 : vector<16xi1>, vector<16xi32>
    %jit3A_2843 = arith.constant 1111111 : i32
    %jit3A_2844 = arith.constant 1 : i32
    %broadcast_in_dim3A_2845 = vector.broadcast %jit3A_2843 : i32 to vector<16xi32>
    %broadcast_in_dim3A_2846 = vector.broadcast %jit3A_2844 : i32 to vector<16xi32>
    %select_n3A_2847 = arith.select %ge3A_2841, %broadcast_in_dim3A_2845, %broadcast_in_dim3A_2846 : vector<16xi1>, vector<16xi32>
    %mul3A_2848 = arith.constant 10 : i32
    %mul3A_2849 = vector.broadcast %mul3A_2848 : i32 to vector<16xi32>
    %mul3A_2850 = arith.muli %select_n3A_2842, %mul3A_2849 : vector<16xi32>
    %add3A_2851 = arith.addi %mul3A_2850, %get3A_2807 : vector<16xi32>
    %add3A_2852 = arith.addi %add3A_2851, %select_n3A_2847 : vector<16xi32>
    %swap3A_2853 = arith.constant 800 : index
    %swap3A_2854 = tpu.vector_load %arg7[%swap3A_2853] {strides = array<i32>} : memref<1024xi32, #tpu.memory_space<vmem>>, vector<16xi32>,
    %swap3A_2855 = vector.shape_cast %swap3A_2854 : vector<16xi32> to vector<16xi32>
    %swap3A_2856 = vector.shape_cast %add3A_2852 : vector<16xi32> to vector<16xi32>
    tpu.vector_store %arg7[%swap3A_2853], %swap3A_2856 {strides = array<i32>} : memref<1024xi32, #tpu.memory_space<vmem>>, vector<16xi32>,
    %get3A_2857 = arith.constant 816 : index
    %get3A_2858 = tpu.vector_load %arg5[%get3A_2857] {strides = array<i32>} : memref<1024xi32, #tpu.memory_space<vmem>>, vector<16xi32>,
    %get3A_2859 = vector.shape_cast %get3A_2858 : vector<16xi32> to vector<16xi32>
    %get3A_2860 = arith.constant 816 : index
    %get3A_2861 = tpu.vector_load %arg6[%get3A_2860] {strides = array<i32>} : memref<1024xi32, #tpu.memory_space<vmem>>, vector<16xi32>,
    %get3A_2862 = vector.shape_cast %get3A_2861 : vector<16xi32> to vector<16xi32>
    %sub3A_2863 = arith.constant 1111111 : i32
    %sub3A_2864 = vector.broadcast %sub3A_2863 : i32 to vector<16xi32>
    %sub3A_2865 = arith.subi %get3A_2859, %sub3A_2864 : vector<16xi32>
    %ge3A_2866 = arith.constant 8000000 : i32
    %ge3A_2867 = vector.broadcast %ge3A_2866 : i32 to vector<16xi32>
    %ge3A_2868 = arith.cmpi sge, %sub3A_2865, %ge3A_2867 : vector<16xi32>
    %sub3A_2869 = arith.constant 8000000 : i32
    %sub3A_2870 = vector.broadcast %sub3A_2869 : i32 to vector<16xi32>
    %sub3A_2871 = arith.subi %sub3A_2865, %sub3A_2870 : vector<16xi32>
    %select_n3A_2872 = arith.select %ge3A_2868, %sub3A_2871, %sub3A_2865 : vector<16xi1>, vector<16xi32>
    %ge3A_2873 = arith.constant 4000000 : i32
    %ge3A_2874 = vector.broadcast %ge3A_2873 : i32 to vector<16xi32>
    %ge3A_2875 = arith.cmpi sge, %select_n3A_2872, %ge3A_2874 : vector<16xi32>
    %sub3A_2876 = arith.constant 4000000 : i32
    %sub3A_2877 = vector.broadcast %sub3A_2876 : i32 to vector<16xi32>
    %sub3A_2878 = arith.subi %select_n3A_2872, %sub3A_2877 : vector<16xi32>
    %select_n3A_2879 = arith.select %ge3A_2875, %sub3A_2878, %select_n3A_2872 : vector<16xi1>, vector<16xi32>
    %ge3A_2880 = arith.constant 2000000 : i32
    %ge3A_2881 = vector.broadcast %ge3A_2880 : i32 to vector<16xi32>
    %ge3A_2882 = arith.cmpi sge, %select_n3A_2879, %ge3A_2881 : vector<16xi32>
    %sub3A_2883 = arith.constant 2000000 : i32
    %sub3A_2884 = vector.broadcast %sub3A_2883 : i32 to vector<16xi32>
    %sub3A_2885 = arith.subi %select_n3A_2879, %sub3A_2884 : vector<16xi32>
    %select_n3A_2886 = arith.select %ge3A_2882, %sub3A_2885, %select_n3A_2879 : vector<16xi1>, vector<16xi32>
    %ge3A_2887 = arith.constant 1000000 : i32
    %ge3A_2888 = vector.broadcast %ge3A_2887 : i32 to vector<16xi32>
    %ge3A_2889 = arith.cmpi sge, %select_n3A_2886, %ge3A_2888 : vector<16xi32>
    %sub3A_2890 = arith.constant 1000000 : i32
    %sub3A_2891 = vector.broadcast %sub3A_2890 : i32 to vector<16xi32>
    %sub3A_2892 = arith.subi %select_n3A_2886, %sub3A_2891 : vector<16xi32>
    %select_n3A_2893 = arith.select %ge3A_2889, %sub3A_2892, %select_n3A_2886 : vector<16xi1>, vector<16xi32>
    %ge3A_2894 = arith.constant 1111111 : i32
    %ge3A_2895 = vector.broadcast %ge3A_2894 : i32 to vector<16xi32>
    %ge3A_2896 = arith.cmpi sge, %get3A_2859, %ge3A_2895 : vector<16xi32>
    %select_n3A_2897 = arith.select %ge3A_2896, %select_n3A_2893, %get3A_2859 : vector<16xi1>, vector<16xi32>
    %jit3A_2898 = arith.constant 1111111 : i32
    %jit3A_2899 = arith.constant 1 : i32
    %broadcast_in_dim3A_2900 = vector.broadcast %jit3A_2898 : i32 to vector<16xi32>
    %broadcast_in_dim3A_2901 = vector.broadcast %jit3A_2899 : i32 to vector<16xi32>
    %select_n3A_2902 = arith.select %ge3A_2896, %broadcast_in_dim3A_2900, %broadcast_in_dim3A_2901 : vector<16xi1>, vector<16xi32>
    %mul3A_2903 = arith.constant 10 : i32
    %mul3A_2904 = vector.broadcast %mul3A_2903 : i32 to vector<16xi32>
    %mul3A_2905 = arith.muli %select_n3A_2897, %mul3A_2904 : vector<16xi32>
    %add3A_2906 = arith.addi %mul3A_2905, %get3A_2862 : vector<16xi32>
    %add3A_2907 = arith.addi %add3A_2906, %select_n3A_2902 : vector<16xi32>
    %swap3A_2908 = arith.constant 816 : index
    %swap3A_2909 = tpu.vector_load %arg7[%swap3A_2908] {strides = array<i32>} : memref<1024xi32, #tpu.memory_space<vmem>>, vector<16xi32>,
    %swap3A_2910 = vector.shape_cast %swap3A_2909 : vector<16xi32> to vector<16xi32>
    %swap3A_2911 = vector.shape_cast %add3A_2907 : vector<16xi32> to vector<16xi32>
    tpu.vector_store %arg7[%swap3A_2908], %swap3A_2911 {strides = array<i32>} : memref<1024xi32, #tpu.memory_space<vmem>>, vector<16xi32>,
    %get3A_2912 = arith.constant 832 : index
    %get3A_2913 = tpu.vector_load %arg5[%get3A_2912] {strides = array<i32>} : memref<1024xi32, #tpu.memory_space<vmem>>, vector<16xi32>,
    %get3A_2914 = vector.shape_cast %get3A_2913 : vector<16xi32> to vector<16xi32>
    %get3A_2915 = arith.constant 832 : index
    %get3A_2916 = tpu.vector_load %arg6[%get3A_2915] {strides = array<i32>} : memref<1024xi32, #tpu.memory_space<vmem>>, vector<16xi32>,
    %get3A_2917 = vector.shape_cast %get3A_2916 : vector<16xi32> to vector<16xi32>
    %sub3A_2918 = arith.constant 1111111 : i32
    %sub3A_2919 = vector.broadcast %sub3A_2918 : i32 to vector<16xi32>
    %sub3A_2920 = arith.subi %get3A_2914, %sub3A_2919 : vector<16xi32>
    %ge3A_2921 = arith.constant 8000000 : i32
    %ge3A_2922 = vector.broadcast %ge3A_2921 : i32 to vector<16xi32>
    %ge3A_2923 = arith.cmpi sge, %sub3A_2920, %ge3A_2922 : vector<16xi32>
    %sub3A_2924 = arith.constant 8000000 : i32
    %sub3A_2925 = vector.broadcast %sub3A_2924 : i32 to vector<16xi32>
    %sub3A_2926 = arith.subi %sub3A_2920, %sub3A_2925 : vector<16xi32>
    %select_n3A_2927 = arith.select %ge3A_2923, %sub3A_2926, %sub3A_2920 : vector<16xi1>, vector<16xi32>
    %ge3A_2928 = arith.constant 4000000 : i32
    %ge3A_2929 = vector.broadcast %ge3A_2928 : i32 to vector<16xi32>
    %ge3A_2930 = arith.cmpi sge, %select_n3A_2927, %ge3A_2929 : vector<16xi32>
    %sub3A_2931 = arith.constant 4000000 : i32
    %sub3A_2932 = vector.broadcast %sub3A_2931 : i32 to vector<16xi32>
    %sub3A_2933 = arith.subi %select_n3A_2927, %sub3A_2932 : vector<16xi32>
    %select_n3A_2934 = arith.select %ge3A_2930, %sub3A_2933, %select_n3A_2927 : vector<16xi1>, vector<16xi32>
    %ge3A_2935 = arith.constant 2000000 : i32
    %ge3A_2936 = vector.broadcast %ge3A_2935 : i32 to vector<16xi32>
    %ge3A_2937 = arith.cmpi sge, %select_n3A_2934, %ge3A_2936 : vector<16xi32>
    %sub3A_2938 = arith.constant 2000000 : i32
    %sub3A_2939 = vector.broadcast %sub3A_2938 : i32 to vector<16xi32>
    %sub3A_2940 = arith.subi %select_n3A_2934, %sub3A_2939 : vector<16xi32>
    %select_n3A_2941 = arith.select %ge3A_2937, %sub3A_2940, %select_n3A_2934 : vector<16xi1>, vector<16xi32>
    %ge3A_2942 = arith.constant 1000000 : i32
    %ge3A_2943 = vector.broadcast %ge3A_2942 : i32 to vector<16xi32>
    %ge3A_2944 = arith.cmpi sge, %select_n3A_2941, %ge3A_2943 : vector<16xi32>
    %sub3A_2945 = arith.constant 1000000 : i32
    %sub3A_2946 = vector.broadcast %sub3A_2945 : i32 to vector<16xi32>
    %sub3A_2947 = arith.subi %select_n3A_2941, %sub3A_2946 : vector<16xi32>
    %select_n3A_2948 = arith.select %ge3A_2944, %sub3A_2947, %select_n3A_2941 : vector<16xi1>, vector<16xi32>
    %ge3A_2949 = arith.constant 1111111 : i32
    %ge3A_2950 = vector.broadcast %ge3A_2949 : i32 to vector<16xi32>
    %ge3A_2951 = arith.cmpi sge, %get3A_2914, %ge3A_2950 : vector<16xi32>
    %select_n3A_2952 = arith.select %ge3A_2951, %select_n3A_2948, %get3A_2914 : vector<16xi1>, vector<16xi32>
    %jit3A_2953 = arith.constant 1111111 : i32
    %jit3A_2954 = arith.constant 1 : i32
    %broadcast_in_dim3A_2955 = vector.broadcast %jit3A_2953 : i32 to vector<16xi32>
    %broadcast_in_dim3A_2956 = vector.broadcast %jit3A_2954 : i32 to vector<16xi32>
    %select_n3A_2957 = arith.select %ge3A_2951, %broadcast_in_dim3A_2955, %broadcast_in_dim3A_2956 : vector<16xi1>, vector<16xi32>
    %mul3A_2958 = arith.constant 10 : i32
    %mul3A_2959 = vector.broadcast %mul3A_2958 : i32 to vector<16xi32>
    %mul3A_2960 = arith.muli %select_n3A_2952, %mul3A_2959 : vector<16xi32>
    %add3A_2961 = arith.addi %mul3A_2960, %get3A_2917 : vector<16xi32>
    %add3A_2962 = arith.addi %add3A_2961, %select_n3A_2957 : vector<16xi32>
    %swap3A_2963 = arith.constant 832 : index
    %swap3A_2964 = tpu.vector_load %arg7[%swap3A_2963] {strides = array<i32>} : memref<1024xi32, #tpu.memory_space<vmem>>, vector<16xi32>,
    %swap3A_2965 = vector.shape_cast %swap3A_2964 : vector<16xi32> to vector<16xi32>
    %swap3A_2966 = vector.shape_cast %add3A_2962 : vector<16xi32> to vector<16xi32>
    tpu.vector_store %arg7[%swap3A_2963], %swap3A_2966 {strides = array<i32>} : memref<1024xi32, #tpu.memory_space<vmem>>, vector<16xi32>,
    %get3A_2967 = arith.constant 848 : index
    %get3A_2968 = tpu.vector_load %arg5[%get3A_2967] {strides = array<i32>} : memref<1024xi32, #tpu.memory_space<vmem>>, vector<16xi32>,
    %get3A_2969 = vector.shape_cast %get3A_2968 : vector<16xi32> to vector<16xi32>
    %get3A_2970 = arith.constant 848 : index
    %get3A_2971 = tpu.vector_load %arg6[%get3A_2970] {strides = array<i32>} : memref<1024xi32, #tpu.memory_space<vmem>>, vector<16xi32>,
    %get3A_2972 = vector.shape_cast %get3A_2971 : vector<16xi32> to vector<16xi32>
    %sub3A_2973 = arith.constant 1111111 : i32
    %sub3A_2974 = vector.broadcast %sub3A_2973 : i32 to vector<16xi32>
    %sub3A_2975 = arith.subi %get3A_2969, %sub3A_2974 : vector<16xi32>
    %ge3A_2976 = arith.constant 8000000 : i32
    %ge3A_2977 = vector.broadcast %ge3A_2976 : i32 to vector<16xi32>
    %ge3A_2978 = arith.cmpi sge, %sub3A_2975, %ge3A_2977 : vector<16xi32>
    %sub3A_2979 = arith.constant 8000000 : i32
    %sub3A_2980 = vector.broadcast %sub3A_2979 : i32 to vector<16xi32>
    %sub3A_2981 = arith.subi %sub3A_2975, %sub3A_2980 : vector<16xi32>
    %select_n3A_2982 = arith.select %ge3A_2978, %sub3A_2981, %sub3A_2975 : vector<16xi1>, vector<16xi32>
    %ge3A_2983 = arith.constant 4000000 : i32
    %ge3A_2984 = vector.broadcast %ge3A_2983 : i32 to vector<16xi32>
    %ge3A_2985 = arith.cmpi sge, %select_n3A_2982, %ge3A_2984 : vector<16xi32>
    %sub3A_2986 = arith.constant 4000000 : i32
    %sub3A_2987 = vector.broadcast %sub3A_2986 : i32 to vector<16xi32>
    %sub3A_2988 = arith.subi %select_n3A_2982, %sub3A_2987 : vector<16xi32>
    %select_n3A_2989 = arith.select %ge3A_2985, %sub3A_2988, %select_n3A_2982 : vector<16xi1>, vector<16xi32>
    %ge3A_2990 = arith.constant 2000000 : i32
    %ge3A_2991 = vector.broadcast %ge3A_2990 : i32 to vector<16xi32>
    %ge3A_2992 = arith.cmpi sge, %select_n3A_2989, %ge3A_2991 : vector<16xi32>
    %sub3A_2993 = arith.constant 2000000 : i32
    %sub3A_2994 = vector.broadcast %sub3A_2993 : i32 to vector<16xi32>
    %sub3A_2995 = arith.subi %select_n3A_2989, %sub3A_2994 : vector<16xi32>
    %select_n3A_2996 = arith.select %ge3A_2992, %sub3A_2995, %select_n3A_2989 : vector<16xi1>, vector<16xi32>
    %ge3A_2997 = arith.constant 1000000 : i32
    %ge3A_2998 = vector.broadcast %ge3A_2997 : i32 to vector<16xi32>
    %ge3A_2999 = arith.cmpi sge, %select_n3A_2996, %ge3A_2998 : vector<16xi32>
    %sub3A_3000 = arith.constant 1000000 : i32
    %sub3A_3001 = vector.broadcast %sub3A_3000 : i32 to vector<16xi32>
    %sub3A_3002 = arith.subi %select_n3A_2996, %sub3A_3001 : vector<16xi32>
    %select_n3A_3003 = arith.select %ge3A_2999, %sub3A_3002, %select_n3A_2996 : vector<16xi1>, vector<16xi32>
    %ge3A_3004 = arith.constant 1111111 : i32
    %ge3A_3005 = vector.broadcast %ge3A_3004 : i32 to vector<16xi32>
    %ge3A_3006 = arith.cmpi sge, %get3A_2969, %ge3A_3005 : vector<16xi32>
    %select_n3A_3007 = arith.select %ge3A_3006, %select_n3A_3003, %get3A_2969 : vector<16xi1>, vector<16xi32>
    %jit3A_3008 = arith.constant 1111111 : i32
    %jit3A_3009 = arith.constant 1 : i32
    %broadcast_in_dim3A_3010 = vector.broadcast %jit3A_3008 : i32 to vector<16xi32>
    %broadcast_in_dim3A_3011 = vector.broadcast %jit3A_3009 : i32 to vector<16xi32>
    %select_n3A_3012 = arith.select %ge3A_3006, %broadcast_in_dim3A_3010, %broadcast_in_dim3A_3011 : vector<16xi1>, vector<16xi32>
    %mul3A_3013 = arith.constant 10 : i32
    %mul3A_3014 = vector.broadcast %mul3A_3013 : i32 to vector<16xi32>
    %mul3A_3015 = arith.muli %select_n3A_3007, %mul3A_3014 : vector<16xi32>
    %add3A_3016 = arith.addi %mul3A_3015, %get3A_2972 : vector<16xi32>
    %add3A_3017 = arith.addi %add3A_3016, %select_n3A_3012 : vector<16xi32>
    %swap3A_3018 = arith.constant 848 : index
    %swap3A_3019 = tpu.vector_load %arg7[%swap3A_3018] {strides = array<i32>} : memref<1024xi32, #tpu.memory_space<vmem>>, vector<16xi32>,
    %swap3A_3020 = vector.shape_cast %swap3A_3019 : vector<16xi32> to vector<16xi32>
    %swap3A_3021 = vector.shape_cast %add3A_3017 : vector<16xi32> to vector<16xi32>
    tpu.vector_store %arg7[%swap3A_3018], %swap3A_3021 {strides = array<i32>} : memref<1024xi32, #tpu.memory_space<vmem>>, vector<16xi32>,
    %get3A_3022 = arith.constant 864 : index
    %get3A_3023 = tpu.vector_load %arg5[%get3A_3022] {strides = array<i32>} : memref<1024xi32, #tpu.memory_space<vmem>>, vector<16xi32>,
    %get3A_3024 = vector.shape_cast %get3A_3023 : vector<16xi32> to vector<16xi32>
    %get3A_3025 = arith.constant 864 : index
    %get3A_3026 = tpu.vector_load %arg6[%get3A_3025] {strides = array<i32>} : memref<1024xi32, #tpu.memory_space<vmem>>, vector<16xi32>,
    %get3A_3027 = vector.shape_cast %get3A_3026 : vector<16xi32> to vector<16xi32>
    %sub3A_3028 = arith.constant 1111111 : i32
    %sub3A_3029 = vector.broadcast %sub3A_3028 : i32 to vector<16xi32>
    %sub3A_3030 = arith.subi %get3A_3024, %sub3A_3029 : vector<16xi32>
    %ge3A_3031 = arith.constant 8000000 : i32
    %ge3A_3032 = vector.broadcast %ge3A_3031 : i32 to vector<16xi32>
    %ge3A_3033 = arith.cmpi sge, %sub3A_3030, %ge3A_3032 : vector<16xi32>
    %sub3A_3034 = arith.constant 8000000 : i32
    %sub3A_3035 = vector.broadcast %sub3A_3034 : i32 to vector<16xi32>
    %sub3A_3036 = arith.subi %sub3A_3030, %sub3A_3035 : vector<16xi32>
    %select_n3A_3037 = arith.select %ge3A_3033, %sub3A_3036, %sub3A_3030 : vector<16xi1>, vector<16xi32>
    %ge3A_3038 = arith.constant 4000000 : i32
    %ge3A_3039 = vector.broadcast %ge3A_3038 : i32 to vector<16xi32>
    %ge3A_3040 = arith.cmpi sge, %select_n3A_3037, %ge3A_3039 : vector<16xi32>
    %sub3A_3041 = arith.constant 4000000 : i32
    %sub3A_3042 = vector.broadcast %sub3A_3041 : i32 to vector<16xi32>
    %sub3A_3043 = arith.subi %select_n3A_3037, %sub3A_3042 : vector<16xi32>
    %select_n3A_3044 = arith.select %ge3A_3040, %sub3A_3043, %select_n3A_3037 : vector<16xi1>, vector<16xi32>
    %ge3A_3045 = arith.constant 2000000 : i32
    %ge3A_3046 = vector.broadcast %ge3A_3045 : i32 to vector<16xi32>
    %ge3A_3047 = arith.cmpi sge, %select_n3A_3044, %ge3A_3046 : vector<16xi32>
    %sub3A_3048 = arith.constant 2000000 : i32
    %sub3A_3049 = vector.broadcast %sub3A_3048 : i32 to vector<16xi32>
    %sub3A_3050 = arith.subi %select_n3A_3044, %sub3A_3049 : vector<16xi32>
    %select_n3A_3051 = arith.select %ge3A_3047, %sub3A_3050, %select_n3A_3044 : vector<16xi1>, vector<16xi32>
    %ge3A_3052 = arith.constant 1000000 : i32
    %ge3A_3053 = vector.broadcast %ge3A_3052 : i32 to vector<16xi32>
    %ge3A_3054 = arith.cmpi sge, %select_n3A_3051, %ge3A_3053 : vector<16xi32>
    %sub3A_3055 = arith.constant 1000000 : i32
    %sub3A_3056 = vector.broadcast %sub3A_3055 : i32 to vector<16xi32>
    %sub3A_3057 = arith.subi %select_n3A_3051, %sub3A_3056 : vector<16xi32>
    %select_n3A_3058 = arith.select %ge3A_3054, %sub3A_3057, %select_n3A_3051 : vector<16xi1>, vector<16xi32>
    %ge3A_3059 = arith.constant 1111111 : i32
    %ge3A_3060 = vector.broadcast %ge3A_3059 : i32 to vector<16xi32>
    %ge3A_3061 = arith.cmpi sge, %get3A_3024, %ge3A_3060 : vector<16xi32>
    %select_n3A_3062 = arith.select %ge3A_3061, %select_n3A_3058, %get3A_3024 : vector<16xi1>, vector<16xi32>
    %jit3A_3063 = arith.constant 1111111 : i32
    %jit3A_3064 = arith.constant 1 : i32
    %broadcast_in_dim3A_3065 = vector.broadcast %jit3A_3063 : i32 to vector<16xi32>
    %broadcast_in_dim3A_3066 = vector.broadcast %jit3A_3064 : i32 to vector<16xi32>
    %select_n3A_3067 = arith.select %ge3A_3061, %broadcast_in_dim3A_3065, %broadcast_in_dim3A_3066 : vector<16xi1>, vector<16xi32>
    %mul3A_3068 = arith.constant 10 : i32
    %mul3A_3069 = vector.broadcast %mul3A_3068 : i32 to vector<16xi32>
    %mul3A_3070 = arith.muli %select_n3A_3062, %mul3A_3069 : vector<16xi32>
    %add3A_3071 = arith.addi %mul3A_3070, %get3A_3027 : vector<16xi32>
    %add3A_3072 = arith.addi %add3A_3071, %select_n3A_3067 : vector<16xi32>
    %swap3A_3073 = arith.constant 864 : index
    %swap3A_3074 = tpu.vector_load %arg7[%swap3A_3073] {strides = array<i32>} : memref<1024xi32, #tpu.memory_space<vmem>>, vector<16xi32>,
    %swap3A_3075 = vector.shape_cast %swap3A_3074 : vector<16xi32> to vector<16xi32>
    %swap3A_3076 = vector.shape_cast %add3A_3072 : vector<16xi32> to vector<16xi32>
    tpu.vector_store %arg7[%swap3A_3073], %swap3A_3076 {strides = array<i32>} : memref<1024xi32, #tpu.memory_space<vmem>>, vector<16xi32>,
    %get3A_3077 = arith.constant 880 : index
    %get3A_3078 = tpu.vector_load %arg5[%get3A_3077] {strides = array<i32>} : memref<1024xi32, #tpu.memory_space<vmem>>, vector<16xi32>,
    %get3A_3079 = vector.shape_cast %get3A_3078 : vector<16xi32> to vector<16xi32>
    %get3A_3080 = arith.constant 880 : index
    %get3A_3081 = tpu.vector_load %arg6[%get3A_3080] {strides = array<i32>} : memref<1024xi32, #tpu.memory_space<vmem>>, vector<16xi32>,
    %get3A_3082 = vector.shape_cast %get3A_3081 : vector<16xi32> to vector<16xi32>
    %sub3A_3083 = arith.constant 1111111 : i32
    %sub3A_3084 = vector.broadcast %sub3A_3083 : i32 to vector<16xi32>
    %sub3A_3085 = arith.subi %get3A_3079, %sub3A_3084 : vector<16xi32>
    %ge3A_3086 = arith.constant 8000000 : i32
    %ge3A_3087 = vector.broadcast %ge3A_3086 : i32 to vector<16xi32>
    %ge3A_3088 = arith.cmpi sge, %sub3A_3085, %ge3A_3087 : vector<16xi32>
    %sub3A_3089 = arith.constant 8000000 : i32
    %sub3A_3090 = vector.broadcast %sub3A_3089 : i32 to vector<16xi32>
    %sub3A_3091 = arith.subi %sub3A_3085, %sub3A_3090 : vector<16xi32>
    %select_n3A_3092 = arith.select %ge3A_3088, %sub3A_3091, %sub3A_3085 : vector<16xi1>, vector<16xi32>
    %ge3A_3093 = arith.constant 4000000 : i32
    %ge3A_3094 = vector.broadcast %ge3A_3093 : i32 to vector<16xi32>
    %ge3A_3095 = arith.cmpi sge, %select_n3A_3092, %ge3A_3094 : vector<16xi32>
    %sub3A_3096 = arith.constant 4000000 : i32
    %sub3A_3097 = vector.broadcast %sub3A_3096 : i32 to vector<16xi32>
    %sub3A_3098 = arith.subi %select_n3A_3092, %sub3A_3097 : vector<16xi32>
    %select_n3A_3099 = arith.select %ge3A_3095, %sub3A_3098, %select_n3A_3092 : vector<16xi1>, vector<16xi32>
    %ge3A_3100 = arith.constant 2000000 : i32
    %ge3A_3101 = vector.broadcast %ge3A_3100 : i32 to vector<16xi32>
    %ge3A_3102 = arith.cmpi sge, %select_n3A_3099, %ge3A_3101 : vector<16xi32>
    %sub3A_3103 = arith.constant 2000000 : i32
    %sub3A_3104 = vector.broadcast %sub3A_3103 : i32 to vector<16xi32>
    %sub3A_3105 = arith.subi %select_n3A_3099, %sub3A_3104 : vector<16xi32>
    %select_n3A_3106 = arith.select %ge3A_3102, %sub3A_3105, %select_n3A_3099 : vector<16xi1>, vector<16xi32>
    %ge3A_3107 = arith.constant 1000000 : i32
    %ge3A_3108 = vector.broadcast %ge3A_3107 : i32 to vector<16xi32>
    %ge3A_3109 = arith.cmpi sge, %select_n3A_3106, %ge3A_3108 : vector<16xi32>
    %sub3A_3110 = arith.constant 1000000 : i32
    %sub3A_3111 = vector.broadcast %sub3A_3110 : i32 to vector<16xi32>
    %sub3A_3112 = arith.subi %select_n3A_3106, %sub3A_3111 : vector<16xi32>
    %select_n3A_3113 = arith.select %ge3A_3109, %sub3A_3112, %select_n3A_3106 : vector<16xi1>, vector<16xi32>
    %ge3A_3114 = arith.constant 1111111 : i32
    %ge3A_3115 = vector.broadcast %ge3A_3114 : i32 to vector<16xi32>
    %ge3A_3116 = arith.cmpi sge, %get3A_3079, %ge3A_3115 : vector<16xi32>
    %select_n3A_3117 = arith.select %ge3A_3116, %select_n3A_3113, %get3A_3079 : vector<16xi1>, vector<16xi32>
    %jit3A_3118 = arith.constant 1111111 : i32
    %jit3A_3119 = arith.constant 1 : i32
    %broadcast_in_dim3A_3120 = vector.broadcast %jit3A_3118 : i32 to vector<16xi32>
    %broadcast_in_dim3A_3121 = vector.broadcast %jit3A_3119 : i32 to vector<16xi32>
    %select_n3A_3122 = arith.select %ge3A_3116, %broadcast_in_dim3A_3120, %broadcast_in_dim3A_3121 : vector<16xi1>, vector<16xi32>
    %mul3A_3123 = arith.constant 10 : i32
    %mul3A_3124 = vector.broadcast %mul3A_3123 : i32 to vector<16xi32>
    %mul3A_3125 = arith.muli %select_n3A_3117, %mul3A_3124 : vector<16xi32>
    %add3A_3126 = arith.addi %mul3A_3125, %get3A_3082 : vector<16xi32>
    %add3A_3127 = arith.addi %add3A_3126, %select_n3A_3122 : vector<16xi32>
    %swap3A_3128 = arith.constant 880 : index
    %swap3A_3129 = tpu.vector_load %arg7[%swap3A_3128] {strides = array<i32>} : memref<1024xi32, #tpu.memory_space<vmem>>, vector<16xi32>,
    %swap3A_3130 = vector.shape_cast %swap3A_3129 : vector<16xi32> to vector<16xi32>
    %swap3A_3131 = vector.shape_cast %add3A_3127 : vector<16xi32> to vector<16xi32>
    tpu.vector_store %arg7[%swap3A_3128], %swap3A_3131 {strides = array<i32>} : memref<1024xi32, #tpu.memory_space<vmem>>, vector<16xi32>,
    %get3A_3132 = arith.constant 896 : index
    %get3A_3133 = tpu.vector_load %arg5[%get3A_3132] {strides = array<i32>} : memref<1024xi32, #tpu.memory_space<vmem>>, vector<16xi32>,
    %get3A_3134 = vector.shape_cast %get3A_3133 : vector<16xi32> to vector<16xi32>
    %get3A_3135 = arith.constant 896 : index
    %get3A_3136 = tpu.vector_load %arg6[%get3A_3135] {strides = array<i32>} : memref<1024xi32, #tpu.memory_space<vmem>>, vector<16xi32>,
    %get3A_3137 = vector.shape_cast %get3A_3136 : vector<16xi32> to vector<16xi32>
    %sub3A_3138 = arith.constant 1111111 : i32
    %sub3A_3139 = vector.broadcast %sub3A_3138 : i32 to vector<16xi32>
    %sub3A_3140 = arith.subi %get3A_3134, %sub3A_3139 : vector<16xi32>
    %ge3A_3141 = arith.constant 8000000 : i32
    %ge3A_3142 = vector.broadcast %ge3A_3141 : i32 to vector<16xi32>
    %ge3A_3143 = arith.cmpi sge, %sub3A_3140, %ge3A_3142 : vector<16xi32>
    %sub3A_3144 = arith.constant 8000000 : i32
    %sub3A_3145 = vector.broadcast %sub3A_3144 : i32 to vector<16xi32>
    %sub3A_3146 = arith.subi %sub3A_3140, %sub3A_3145 : vector<16xi32>
    %select_n3A_3147 = arith.select %ge3A_3143, %sub3A_3146, %sub3A_3140 : vector<16xi1>, vector<16xi32>
    %ge3A_3148 = arith.constant 4000000 : i32
    %ge3A_3149 = vector.broadcast %ge3A_3148 : i32 to vector<16xi32>
    %ge3A_3150 = arith.cmpi sge, %select_n3A_3147, %ge3A_3149 : vector<16xi32>
    %sub3A_3151 = arith.constant 4000000 : i32
    %sub3A_3152 = vector.broadcast %sub3A_3151 : i32 to vector<16xi32>
    %sub3A_3153 = arith.subi %select_n3A_3147, %sub3A_3152 : vector<16xi32>
    %select_n3A_3154 = arith.select %ge3A_3150, %sub3A_3153, %select_n3A_3147 : vector<16xi1>, vector<16xi32>
    %ge3A_3155 = arith.constant 2000000 : i32
    %ge3A_3156 = vector.broadcast %ge3A_3155 : i32 to vector<16xi32>
    %ge3A_3157 = arith.cmpi sge, %select_n3A_3154, %ge3A_3156 : vector<16xi32>
    %sub3A_3158 = arith.constant 2000000 : i32
    %sub3A_3159 = vector.broadcast %sub3A_3158 : i32 to vector<16xi32>
    %sub3A_3160 = arith.subi %select_n3A_3154, %sub3A_3159 : vector<16xi32>
    %select_n3A_3161 = arith.select %ge3A_3157, %sub3A_3160, %select_n3A_3154 : vector<16xi1>, vector<16xi32>
    %ge3A_3162 = arith.constant 1000000 : i32
    %ge3A_3163 = vector.broadcast %ge3A_3162 : i32 to vector<16xi32>
    %ge3A_3164 = arith.cmpi sge, %select_n3A_3161, %ge3A_3163 : vector<16xi32>
    %sub3A_3165 = arith.constant 1000000 : i32
    %sub3A_3166 = vector.broadcast %sub3A_3165 : i32 to vector<16xi32>
    %sub3A_3167 = arith.subi %select_n3A_3161, %sub3A_3166 : vector<16xi32>
    %select_n3A_3168 = arith.select %ge3A_3164, %sub3A_3167, %select_n3A_3161 : vector<16xi1>, vector<16xi32>
    %ge3A_3169 = arith.constant 1111111 : i32
    %ge3A_3170 = vector.broadcast %ge3A_3169 : i32 to vector<16xi32>
    %ge3A_3171 = arith.cmpi sge, %get3A_3134, %ge3A_3170 : vector<16xi32>
    %select_n3A_3172 = arith.select %ge3A_3171, %select_n3A_3168, %get3A_3134 : vector<16xi1>, vector<16xi32>
    %jit3A_3173 = arith.constant 1111111 : i32
    %jit3A_3174 = arith.constant 1 : i32
    %broadcast_in_dim3A_3175 = vector.broadcast %jit3A_3173 : i32 to vector<16xi32>
    %broadcast_in_dim3A_3176 = vector.broadcast %jit3A_3174 : i32 to vector<16xi32>
    %select_n3A_3177 = arith.select %ge3A_3171, %broadcast_in_dim3A_3175, %broadcast_in_dim3A_3176 : vector<16xi1>, vector<16xi32>
    %mul3A_3178 = arith.constant 10 : i32
    %mul3A_3179 = vector.broadcast %mul3A_3178 : i32 to vector<16xi32>
    %mul3A_3180 = arith.muli %select_n3A_3172, %mul3A_3179 : vector<16xi32>
    %add3A_3181 = arith.addi %mul3A_3180, %get3A_3137 : vector<16xi32>
    %add3A_3182 = arith.addi %add3A_3181, %select_n3A_3177 : vector<16xi32>
    %swap3A_3183 = arith.constant 896 : index
    %swap3A_3184 = tpu.vector_load %arg7[%swap3A_3183] {strides = array<i32>} : memref<1024xi32, #tpu.memory_space<vmem>>, vector<16xi32>,
    %swap3A_3185 = vector.shape_cast %swap3A_3184 : vector<16xi32> to vector<16xi32>
    %swap3A_3186 = vector.shape_cast %add3A_3182 : vector<16xi32> to vector<16xi32>
    tpu.vector_store %arg7[%swap3A_3183], %swap3A_3186 {strides = array<i32>} : memref<1024xi32, #tpu.memory_space<vmem>>, vector<16xi32>,
    %get3A_3187 = arith.constant 912 : index
    %get3A_3188 = tpu.vector_load %arg5[%get3A_3187] {strides = array<i32>} : memref<1024xi32, #tpu.memory_space<vmem>>, vector<16xi32>,
    %get3A_3189 = vector.shape_cast %get3A_3188 : vector<16xi32> to vector<16xi32>
    %get3A_3190 = arith.constant 912 : index
    %get3A_3191 = tpu.vector_load %arg6[%get3A_3190] {strides = array<i32>} : memref<1024xi32, #tpu.memory_space<vmem>>, vector<16xi32>,
    %get3A_3192 = vector.shape_cast %get3A_3191 : vector<16xi32> to vector<16xi32>
    %sub3A_3193 = arith.constant 1111111 : i32
    %sub3A_3194 = vector.broadcast %sub3A_3193 : i32 to vector<16xi32>
    %sub3A_3195 = arith.subi %get3A_3189, %sub3A_3194 : vector<16xi32>
    %ge3A_3196 = arith.constant 8000000 : i32
    %ge3A_3197 = vector.broadcast %ge3A_3196 : i32 to vector<16xi32>
    %ge3A_3198 = arith.cmpi sge, %sub3A_3195, %ge3A_3197 : vector<16xi32>
    %sub3A_3199 = arith.constant 8000000 : i32
    %sub3A_3200 = vector.broadcast %sub3A_3199 : i32 to vector<16xi32>
    %sub3A_3201 = arith.subi %sub3A_3195, %sub3A_3200 : vector<16xi32>
    %select_n3A_3202 = arith.select %ge3A_3198, %sub3A_3201, %sub3A_3195 : vector<16xi1>, vector<16xi32>
    %ge3A_3203 = arith.constant 4000000 : i32
    %ge3A_3204 = vector.broadcast %ge3A_3203 : i32 to vector<16xi32>
    %ge3A_3205 = arith.cmpi sge, %select_n3A_3202, %ge3A_3204 : vector<16xi32>
    %sub3A_3206 = arith.constant 4000000 : i32
    %sub3A_3207 = vector.broadcast %sub3A_3206 : i32 to vector<16xi32>
    %sub3A_3208 = arith.subi %select_n3A_3202, %sub3A_3207 : vector<16xi32>
    %select_n3A_3209 = arith.select %ge3A_3205, %sub3A_3208, %select_n3A_3202 : vector<16xi1>, vector<16xi32>
    %ge3A_3210 = arith.constant 2000000 : i32
    %ge3A_3211 = vector.broadcast %ge3A_3210 : i32 to vector<16xi32>
    %ge3A_3212 = arith.cmpi sge, %select_n3A_3209, %ge3A_3211 : vector<16xi32>
    %sub3A_3213 = arith.constant 2000000 : i32
    %sub3A_3214 = vector.broadcast %sub3A_3213 : i32 to vector<16xi32>
    %sub3A_3215 = arith.subi %select_n3A_3209, %sub3A_3214 : vector<16xi32>
    %select_n3A_3216 = arith.select %ge3A_3212, %sub3A_3215, %select_n3A_3209 : vector<16xi1>, vector<16xi32>
    %ge3A_3217 = arith.constant 1000000 : i32
    %ge3A_3218 = vector.broadcast %ge3A_3217 : i32 to vector<16xi32>
    %ge3A_3219 = arith.cmpi sge, %select_n3A_3216, %ge3A_3218 : vector<16xi32>
    %sub3A_3220 = arith.constant 1000000 : i32
    %sub3A_3221 = vector.broadcast %sub3A_3220 : i32 to vector<16xi32>
    %sub3A_3222 = arith.subi %select_n3A_3216, %sub3A_3221 : vector<16xi32>
    %select_n3A_3223 = arith.select %ge3A_3219, %sub3A_3222, %select_n3A_3216 : vector<16xi1>, vector<16xi32>
    %ge3A_3224 = arith.constant 1111111 : i32
    %ge3A_3225 = vector.broadcast %ge3A_3224 : i32 to vector<16xi32>
    %ge3A_3226 = arith.cmpi sge, %get3A_3189, %ge3A_3225 : vector<16xi32>
    %select_n3A_3227 = arith.select %ge3A_3226, %select_n3A_3223, %get3A_3189 : vector<16xi1>, vector<16xi32>
    %jit3A_3228 = arith.constant 1111111 : i32
    %jit3A_3229 = arith.constant 1 : i32
    %broadcast_in_dim3A_3230 = vector.broadcast %jit3A_3228 : i32 to vector<16xi32>
    %broadcast_in_dim3A_3231 = vector.broadcast %jit3A_3229 : i32 to vector<16xi32>
    %select_n3A_3232 = arith.select %ge3A_3226, %broadcast_in_dim3A_3230, %broadcast_in_dim3A_3231 : vector<16xi1>, vector<16xi32>
    %mul3A_3233 = arith.constant 10 : i32
    %mul3A_3234 = vector.broadcast %mul3A_3233 : i32 to vector<16xi32>
    %mul3A_3235 = arith.muli %select_n3A_3227, %mul3A_3234 : vector<16xi32>
    %add3A_3236 = arith.addi %mul3A_3235, %get3A_3192 : vector<16xi32>
    %add3A_3237 = arith.addi %add3A_3236, %select_n3A_3232 : vector<16xi32>
    %swap3A_3238 = arith.constant 912 : index
    %swap3A_3239 = tpu.vector_load %arg7[%swap3A_3238] {strides = array<i32>} : memref<1024xi32, #tpu.memory_space<vmem>>, vector<16xi32>,
    %swap3A_3240 = vector.shape_cast %swap3A_3239 : vector<16xi32> to vector<16xi32>
    %swap3A_3241 = vector.shape_cast %add3A_3237 : vector<16xi32> to vector<16xi32>
    tpu.vector_store %arg7[%swap3A_3238], %swap3A_3241 {strides = array<i32>} : memref<1024xi32, #tpu.memory_space<vmem>>, vector<16xi32>,
    %get3A_3242 = arith.constant 928 : index
    %get3A_3243 = tpu.vector_load %arg5[%get3A_3242] {strides = array<i32>} : memref<1024xi32, #tpu.memory_space<vmem>>, vector<16xi32>,
    %get3A_3244 = vector.shape_cast %get3A_3243 : vector<16xi32> to vector<16xi32>
    %get3A_3245 = arith.constant 928 : index
    %get3A_3246 = tpu.vector_load %arg6[%get3A_3245] {strides = array<i32>} : memref<1024xi32, #tpu.memory_space<vmem>>, vector<16xi32>,
    %get3A_3247 = vector.shape_cast %get3A_3246 : vector<16xi32> to vector<16xi32>
    %sub3A_3248 = arith.constant 1111111 : i32
    %sub3A_3249 = vector.broadcast %sub3A_3248 : i32 to vector<16xi32>
    %sub3A_3250 = arith.subi %get3A_3244, %sub3A_3249 : vector<16xi32>
    %ge3A_3251 = arith.constant 8000000 : i32
    %ge3A_3252 = vector.broadcast %ge3A_3251 : i32 to vector<16xi32>
    %ge3A_3253 = arith.cmpi sge, %sub3A_3250, %ge3A_3252 : vector<16xi32>
    %sub3A_3254 = arith.constant 8000000 : i32
    %sub3A_3255 = vector.broadcast %sub3A_3254 : i32 to vector<16xi32>
    %sub3A_3256 = arith.subi %sub3A_3250, %sub3A_3255 : vector<16xi32>
    %select_n3A_3257 = arith.select %ge3A_3253, %sub3A_3256, %sub3A_3250 : vector<16xi1>, vector<16xi32>
    %ge3A_3258 = arith.constant 4000000 : i32
    %ge3A_3259 = vector.broadcast %ge3A_3258 : i32 to vector<16xi32>
    %ge3A_3260 = arith.cmpi sge, %select_n3A_3257, %ge3A_3259 : vector<16xi32>
    %sub3A_3261 = arith.constant 4000000 : i32
    %sub3A_3262 = vector.broadcast %sub3A_3261 : i32 to vector<16xi32>
    %sub3A_3263 = arith.subi %select_n3A_3257, %sub3A_3262 : vector<16xi32>
    %select_n3A_3264 = arith.select %ge3A_3260, %sub3A_3263, %select_n3A_3257 : vector<16xi1>, vector<16xi32>
    %ge3A_3265 = arith.constant 2000000 : i32
    %ge3A_3266 = vector.broadcast %ge3A_3265 : i32 to vector<16xi32>
    %ge3A_3267 = arith.cmpi sge, %select_n3A_3264, %ge3A_3266 : vector<16xi32>
    %sub3A_3268 = arith.constant 2000000 : i32
    %sub3A_3269 = vector.broadcast %sub3A_3268 : i32 to vector<16xi32>
    %sub3A_3270 = arith.subi %select_n3A_3264, %sub3A_3269 : vector<16xi32>
    %select_n3A_3271 = arith.select %ge3A_3267, %sub3A_3270, %select_n3A_3264 : vector<16xi1>, vector<16xi32>
    %ge3A_3272 = arith.constant 1000000 : i32
    %ge3A_3273 = vector.broadcast %ge3A_3272 : i32 to vector<16xi32>
    %ge3A_3274 = arith.cmpi sge, %select_n3A_3271, %ge3A_3273 : vector<16xi32>
    %sub3A_3275 = arith.constant 1000000 : i32
    %sub3A_3276 = vector.broadcast %sub3A_3275 : i32 to vector<16xi32>
    %sub3A_3277 = arith.subi %select_n3A_3271, %sub3A_3276 : vector<16xi32>
    %select_n3A_3278 = arith.select %ge3A_3274, %sub3A_3277, %select_n3A_3271 : vector<16xi1>, vector<16xi32>
    %ge3A_3279 = arith.constant 1111111 : i32
    %ge3A_3280 = vector.broadcast %ge3A_3279 : i32 to vector<16xi32>
    %ge3A_3281 = arith.cmpi sge, %get3A_3244, %ge3A_3280 : vector<16xi32>
    %select_n3A_3282 = arith.select %ge3A_3281, %select_n3A_3278, %get3A_3244 : vector<16xi1>, vector<16xi32>
    %jit3A_3283 = arith.constant 1111111 : i32
    %jit3A_3284 = arith.constant 1 : i32
    %broadcast_in_dim3A_3285 = vector.broadcast %jit3A_3283 : i32 to vector<16xi32>
    %broadcast_in_dim3A_3286 = vector.broadcast %jit3A_3284 : i32 to vector<16xi32>
    %select_n3A_3287 = arith.select %ge3A_3281, %broadcast_in_dim3A_3285, %broadcast_in_dim3A_3286 : vector<16xi1>, vector<16xi32>
    %mul3A_3288 = arith.constant 10 : i32
    %mul3A_3289 = vector.broadcast %mul3A_3288 : i32 to vector<16xi32>
    %mul3A_3290 = arith.muli %select_n3A_3282, %mul3A_3289 : vector<16xi32>
    %add3A_3291 = arith.addi %mul3A_3290, %get3A_3247 : vector<16xi32>
    %add3A_3292 = arith.addi %add3A_3291, %select_n3A_3287 : vector<16xi32>
    %swap3A_3293 = arith.constant 928 : index
    %swap3A_3294 = tpu.vector_load %arg7[%swap3A_3293] {strides = array<i32>} : memref<1024xi32, #tpu.memory_space<vmem>>, vector<16xi32>,
    %swap3A_3295 = vector.shape_cast %swap3A_3294 : vector<16xi32> to vector<16xi32>
    %swap3A_3296 = vector.shape_cast %add3A_3292 : vector<16xi32> to vector<16xi32>
    tpu.vector_store %arg7[%swap3A_3293], %swap3A_3296 {strides = array<i32>} : memref<1024xi32, #tpu.memory_space<vmem>>, vector<16xi32>,
    %get3A_3297 = arith.constant 944 : index
    %get3A_3298 = tpu.vector_load %arg5[%get3A_3297] {strides = array<i32>} : memref<1024xi32, #tpu.memory_space<vmem>>, vector<16xi32>,
    %get3A_3299 = vector.shape_cast %get3A_3298 : vector<16xi32> to vector<16xi32>
    %get3A_3300 = arith.constant 944 : index
    %get3A_3301 = tpu.vector_load %arg6[%get3A_3300] {strides = array<i32>} : memref<1024xi32, #tpu.memory_space<vmem>>, vector<16xi32>,
    %get3A_3302 = vector.shape_cast %get3A_3301 : vector<16xi32> to vector<16xi32>
    %sub3A_3303 = arith.constant 1111111 : i32
    %sub3A_3304 = vector.broadcast %sub3A_3303 : i32 to vector<16xi32>
    %sub3A_3305 = arith.subi %get3A_3299, %sub3A_3304 : vector<16xi32>
    %ge3A_3306 = arith.constant 8000000 : i32
    %ge3A_3307 = vector.broadcast %ge3A_3306 : i32 to vector<16xi32>
    %ge3A_3308 = arith.cmpi sge, %sub3A_3305, %ge3A_3307 : vector<16xi32>
    %sub3A_3309 = arith.constant 8000000 : i32
    %sub3A_3310 = vector.broadcast %sub3A_3309 : i32 to vector<16xi32>
    %sub3A_3311 = arith.subi %sub3A_3305, %sub3A_3310 : vector<16xi32>
    %select_n3A_3312 = arith.select %ge3A_3308, %sub3A_3311, %sub3A_3305 : vector<16xi1>, vector<16xi32>
    %ge3A_3313 = arith.constant 4000000 : i32
    %ge3A_3314 = vector.broadcast %ge3A_3313 : i32 to vector<16xi32>
    %ge3A_3315 = arith.cmpi sge, %select_n3A_3312, %ge3A_3314 : vector<16xi32>
    %sub3A_3316 = arith.constant 4000000 : i32
    %sub3A_3317 = vector.broadcast %sub3A_3316 : i32 to vector<16xi32>
    %sub3A_3318 = arith.subi %select_n3A_3312, %sub3A_3317 : vector<16xi32>
    %select_n3A_3319 = arith.select %ge3A_3315, %sub3A_3318, %select_n3A_3312 : vector<16xi1>, vector<16xi32>
    %ge3A_3320 = arith.constant 2000000 : i32
    %ge3A_3321 = vector.broadcast %ge3A_3320 : i32 to vector<16xi32>
    %ge3A_3322 = arith.cmpi sge, %select_n3A_3319, %ge3A_3321 : vector<16xi32>
    %sub3A_3323 = arith.constant 2000000 : i32
    %sub3A_3324 = vector.broadcast %sub3A_3323 : i32 to vector<16xi32>
    %sub3A_3325 = arith.subi %select_n3A_3319, %sub3A_3324 : vector<16xi32>
    %select_n3A_3326 = arith.select %ge3A_3322, %sub3A_3325, %select_n3A_3319 : vector<16xi1>, vector<16xi32>
    %ge3A_3327 = arith.constant 1000000 : i32
    %ge3A_3328 = vector.broadcast %ge3A_3327 : i32 to vector<16xi32>
    %ge3A_3329 = arith.cmpi sge, %select_n3A_3326, %ge3A_3328 : vector<16xi32>
    %sub3A_3330 = arith.constant 1000000 : i32
    %sub3A_3331 = vector.broadcast %sub3A_3330 : i32 to vector<16xi32>
    %sub3A_3332 = arith.subi %select_n3A_3326, %sub3A_3331 : vector<16xi32>
    %select_n3A_3333 = arith.select %ge3A_3329, %sub3A_3332, %select_n3A_3326 : vector<16xi1>, vector<16xi32>
    %ge3A_3334 = arith.constant 1111111 : i32
    %ge3A_3335 = vector.broadcast %ge3A_3334 : i32 to vector<16xi32>
    %ge3A_3336 = arith.cmpi sge, %get3A_3299, %ge3A_3335 : vector<16xi32>
    %select_n3A_3337 = arith.select %ge3A_3336, %select_n3A_3333, %get3A_3299 : vector<16xi1>, vector<16xi32>
    %jit3A_3338 = arith.constant 1111111 : i32
    %jit3A_3339 = arith.constant 1 : i32
    %broadcast_in_dim3A_3340 = vector.broadcast %jit3A_3338 : i32 to vector<16xi32>
    %broadcast_in_dim3A_3341 = vector.broadcast %jit3A_3339 : i32 to vector<16xi32>
    %select_n3A_3342 = arith.select %ge3A_3336, %broadcast_in_dim3A_3340, %broadcast_in_dim3A_3341 : vector<16xi1>, vector<16xi32>
    %mul3A_3343 = arith.constant 10 : i32
    %mul3A_3344 = vector.broadcast %mul3A_3343 : i32 to vector<16xi32>
    %mul3A_3345 = arith.muli %select_n3A_3337, %mul3A_3344 : vector<16xi32>
    %add3A_3346 = arith.addi %mul3A_3345, %get3A_3302 : vector<16xi32>
    %add3A_3347 = arith.addi %add3A_3346, %select_n3A_3342 : vector<16xi32>
    %swap3A_3348 = arith.constant 944 : index
    %swap3A_3349 = tpu.vector_load %arg7[%swap3A_3348] {strides = array<i32>} : memref<1024xi32, #tpu.memory_space<vmem>>, vector<16xi32>,
    %swap3A_3350 = vector.shape_cast %swap3A_3349 : vector<16xi32> to vector<16xi32>
    %swap3A_3351 = vector.shape_cast %add3A_3347 : vector<16xi32> to vector<16xi32>
    tpu.vector_store %arg7[%swap3A_3348], %swap3A_3351 {strides = array<i32>} : memref<1024xi32, #tpu.memory_space<vmem>>, vector<16xi32>,
    %get3A_3352 = arith.constant 960 : index
    %get3A_3353 = tpu.vector_load %arg5[%get3A_3352] {strides = array<i32>} : memref<1024xi32, #tpu.memory_space<vmem>>, vector<16xi32>,
    %get3A_3354 = vector.shape_cast %get3A_3353 : vector<16xi32> to vector<16xi32>
    %get3A_3355 = arith.constant 960 : index
    %get3A_3356 = tpu.vector_load %arg6[%get3A_3355] {strides = array<i32>} : memref<1024xi32, #tpu.memory_space<vmem>>, vector<16xi32>,
    %get3A_3357 = vector.shape_cast %get3A_3356 : vector<16xi32> to vector<16xi32>
    %sub3A_3358 = arith.constant 1111111 : i32
    %sub3A_3359 = vector.broadcast %sub3A_3358 : i32 to vector<16xi32>
    %sub3A_3360 = arith.subi %get3A_3354, %sub3A_3359 : vector<16xi32>
    %ge3A_3361 = arith.constant 8000000 : i32
    %ge3A_3362 = vector.broadcast %ge3A_3361 : i32 to vector<16xi32>
    %ge3A_3363 = arith.cmpi sge, %sub3A_3360, %ge3A_3362 : vector<16xi32>
    %sub3A_3364 = arith.constant 8000000 : i32
    %sub3A_3365 = vector.broadcast %sub3A_3364 : i32 to vector<16xi32>
    %sub3A_3366 = arith.subi %sub3A_3360, %sub3A_3365 : vector<16xi32>
    %select_n3A_3367 = arith.select %ge3A_3363, %sub3A_3366, %sub3A_3360 : vector<16xi1>, vector<16xi32>
    %ge3A_3368 = arith.constant 4000000 : i32
    %ge3A_3369 = vector.broadcast %ge3A_3368 : i32 to vector<16xi32>
    %ge3A_3370 = arith.cmpi sge, %select_n3A_3367, %ge3A_3369 : vector<16xi32>
    %sub3A_3371 = arith.constant 4000000 : i32
    %sub3A_3372 = vector.broadcast %sub3A_3371 : i32 to vector<16xi32>
    %sub3A_3373 = arith.subi %select_n3A_3367, %sub3A_3372 : vector<16xi32>
    %select_n3A_3374 = arith.select %ge3A_3370, %sub3A_3373, %select_n3A_3367 : vector<16xi1>, vector<16xi32>
    %ge3A_3375 = arith.constant 2000000 : i32
    %ge3A_3376 = vector.broadcast %ge3A_3375 : i32 to vector<16xi32>
    %ge3A_3377 = arith.cmpi sge, %select_n3A_3374, %ge3A_3376 : vector<16xi32>
    %sub3A_3378 = arith.constant 2000000 : i32
    %sub3A_3379 = vector.broadcast %sub3A_3378 : i32 to vector<16xi32>
    %sub3A_3380 = arith.subi %select_n3A_3374, %sub3A_3379 : vector<16xi32>
    %select_n3A_3381 = arith.select %ge3A_3377, %sub3A_3380, %select_n3A_3374 : vector<16xi1>, vector<16xi32>
    %ge3A_3382 = arith.constant 1000000 : i32
    %ge3A_3383 = vector.broadcast %ge3A_3382 : i32 to vector<16xi32>
    %ge3A_3384 = arith.cmpi sge, %select_n3A_3381, %ge3A_3383 : vector<16xi32>
    %sub3A_3385 = arith.constant 1000000 : i32
    %sub3A_3386 = vector.broadcast %sub3A_3385 : i32 to vector<16xi32>
    %sub3A_3387 = arith.subi %select_n3A_3381, %sub3A_3386 : vector<16xi32>
    %select_n3A_3388 = arith.select %ge3A_3384, %sub3A_3387, %select_n3A_3381 : vector<16xi1>, vector<16xi32>
    %ge3A_3389 = arith.constant 1111111 : i32
    %ge3A_3390 = vector.broadcast %ge3A_3389 : i32 to vector<16xi32>
    %ge3A_3391 = arith.cmpi sge, %get3A_3354, %ge3A_3390 : vector<16xi32>
    %select_n3A_3392 = arith.select %ge3A_3391, %select_n3A_3388, %get3A_3354 : vector<16xi1>, vector<16xi32>
    %jit3A_3393 = arith.constant 1111111 : i32
    %jit3A_3394 = arith.constant 1 : i32
    %broadcast_in_dim3A_3395 = vector.broadcast %jit3A_3393 : i32 to vector<16xi32>
    %broadcast_in_dim3A_3396 = vector.broadcast %jit3A_3394 : i32 to vector<16xi32>
    %select_n3A_3397 = arith.select %ge3A_3391, %broadcast_in_dim3A_3395, %broadcast_in_dim3A_3396 : vector<16xi1>, vector<16xi32>
    %mul3A_3398 = arith.constant 10 : i32
    %mul3A_3399 = vector.broadcast %mul3A_3398 : i32 to vector<16xi32>
    %mul3A_3400 = arith.muli %select_n3A_3392, %mul3A_3399 : vector<16xi32>
    %add3A_3401 = arith.addi %mul3A_3400, %get3A_3357 : vector<16xi32>
    %add3A_3402 = arith.addi %add3A_3401, %select_n3A_3397 : vector<16xi32>
    %swap3A_3403 = arith.constant 960 : index
    %swap3A_3404 = tpu.vector_load %arg7[%swap3A_3403] {strides = array<i32>} : memref<1024xi32, #tpu.memory_space<vmem>>, vector<16xi32>,
    %swap3A_3405 = vector.shape_cast %swap3A_3404 : vector<16xi32> to vector<16xi32>
    %swap3A_3406 = vector.shape_cast %add3A_3402 : vector<16xi32> to vector<16xi32>
    tpu.vector_store %arg7[%swap3A_3403], %swap3A_3406 {strides = array<i32>} : memref<1024xi32, #tpu.memory_space<vmem>>, vector<16xi32>,
    %get3A_3407 = arith.constant 976 : index
    %get3A_3408 = tpu.vector_load %arg5[%get3A_3407] {strides = array<i32>} : memref<1024xi32, #tpu.memory_space<vmem>>, vector<16xi32>,
    %get3A_3409 = vector.shape_cast %get3A_3408 : vector<16xi32> to vector<16xi32>
    %get3A_3410 = arith.constant 976 : index
    %get3A_3411 = tpu.vector_load %arg6[%get3A_3410] {strides = array<i32>} : memref<1024xi32, #tpu.memory_space<vmem>>, vector<16xi32>,
    %get3A_3412 = vector.shape_cast %get3A_3411 : vector<16xi32> to vector<16xi32>
    %sub3A_3413 = arith.constant 1111111 : i32
    %sub3A_3414 = vector.broadcast %sub3A_3413 : i32 to vector<16xi32>
    %sub3A_3415 = arith.subi %get3A_3409, %sub3A_3414 : vector<16xi32>
    %ge3A_3416 = arith.constant 8000000 : i32
    %ge3A_3417 = vector.broadcast %ge3A_3416 : i32 to vector<16xi32>
    %ge3A_3418 = arith.cmpi sge, %sub3A_3415, %ge3A_3417 : vector<16xi32>
    %sub3A_3419 = arith.constant 8000000 : i32
    %sub3A_3420 = vector.broadcast %sub3A_3419 : i32 to vector<16xi32>
    %sub3A_3421 = arith.subi %sub3A_3415, %sub3A_3420 : vector<16xi32>
    %select_n3A_3422 = arith.select %ge3A_3418, %sub3A_3421, %sub3A_3415 : vector<16xi1>, vector<16xi32>
    %ge3A_3423 = arith.constant 4000000 : i32
    %ge3A_3424 = vector.broadcast %ge3A_3423 : i32 to vector<16xi32>
    %ge3A_3425 = arith.cmpi sge, %select_n3A_3422, %ge3A_3424 : vector<16xi32>
    %sub3A_3426 = arith.constant 4000000 : i32
    %sub3A_3427 = vector.broadcast %sub3A_3426 : i32 to vector<16xi32>
    %sub3A_3428 = arith.subi %select_n3A_3422, %sub3A_3427 : vector<16xi32>
    %select_n3A_3429 = arith.select %ge3A_3425, %sub3A_3428, %select_n3A_3422 : vector<16xi1>, vector<16xi32>
    %ge3A_3430 = arith.constant 2000000 : i32
    %ge3A_3431 = vector.broadcast %ge3A_3430 : i32 to vector<16xi32>
    %ge3A_3432 = arith.cmpi sge, %select_n3A_3429, %ge3A_3431 : vector<16xi32>
    %sub3A_3433 = arith.constant 2000000 : i32
    %sub3A_3434 = vector.broadcast %sub3A_3433 : i32 to vector<16xi32>
    %sub3A_3435 = arith.subi %select_n3A_3429, %sub3A_3434 : vector<16xi32>
    %select_n3A_3436 = arith.select %ge3A_3432, %sub3A_3435, %select_n3A_3429 : vector<16xi1>, vector<16xi32>
    %ge3A_3437 = arith.constant 1000000 : i32
    %ge3A_3438 = vector.broadcast %ge3A_3437 : i32 to vector<16xi32>
    %ge3A_3439 = arith.cmpi sge, %select_n3A_3436, %ge3A_3438 : vector<16xi32>
    %sub3A_3440 = arith.constant 1000000 : i32
    %sub3A_3441 = vector.broadcast %sub3A_3440 : i32 to vector<16xi32>
    %sub3A_3442 = arith.subi %select_n3A_3436, %sub3A_3441 : vector<16xi32>
    %select_n3A_3443 = arith.select %ge3A_3439, %sub3A_3442, %select_n3A_3436 : vector<16xi1>, vector<16xi32>
    %ge3A_3444 = arith.constant 1111111 : i32
    %ge3A_3445 = vector.broadcast %ge3A_3444 : i32 to vector<16xi32>
    %ge3A_3446 = arith.cmpi sge, %get3A_3409, %ge3A_3445 : vector<16xi32>
    %select_n3A_3447 = arith.select %ge3A_3446, %select_n3A_3443, %get3A_3409 : vector<16xi1>, vector<16xi32>
    %jit3A_3448 = arith.constant 1111111 : i32
    %jit3A_3449 = arith.constant 1 : i32
    %broadcast_in_dim3A_3450 = vector.broadcast %jit3A_3448 : i32 to vector<16xi32>
    %broadcast_in_dim3A_3451 = vector.broadcast %jit3A_3449 : i32 to vector<16xi32>
    %select_n3A_3452 = arith.select %ge3A_3446, %broadcast_in_dim3A_3450, %broadcast_in_dim3A_3451 : vector<16xi1>, vector<16xi32>
    %mul3A_3453 = arith.constant 10 : i32
    %mul3A_3454 = vector.broadcast %mul3A_3453 : i32 to vector<16xi32>
    %mul3A_3455 = arith.muli %select_n3A_3447, %mul3A_3454 : vector<16xi32>
    %add3A_3456 = arith.addi %mul3A_3455, %get3A_3412 : vector<16xi32>
    %add3A_3457 = arith.addi %add3A_3456, %select_n3A_3452 : vector<16xi32>
    %swap3A_3458 = arith.constant 976 : index
    %swap3A_3459 = tpu.vector_load %arg7[%swap3A_3458] {strides = array<i32>} : memref<1024xi32, #tpu.memory_space<vmem>>, vector<16xi32>,
    %swap3A_3460 = vector.shape_cast %swap3A_3459 : vector<16xi32> to vector<16xi32>
    %swap3A_3461 = vector.shape_cast %add3A_3457 : vector<16xi32> to vector<16xi32>
    tpu.vector_store %arg7[%swap3A_3458], %swap3A_3461 {strides = array<i32>} : memref<1024xi32, #tpu.memory_space<vmem>>, vector<16xi32>,
    %get3A_3462 = arith.constant 992 : index
    %get3A_3463 = tpu.vector_load %arg5[%get3A_3462] {strides = array<i32>} : memref<1024xi32, #tpu.memory_space<vmem>>, vector<16xi32>,
    %get3A_3464 = vector.shape_cast %get3A_3463 : vector<16xi32> to vector<16xi32>
    %get3A_3465 = arith.constant 992 : index
    %get3A_3466 = tpu.vector_load %arg6[%get3A_3465] {strides = array<i32>} : memref<1024xi32, #tpu.memory_space<vmem>>, vector<16xi32>,
    %get3A_3467 = vector.shape_cast %get3A_3466 : vector<16xi32> to vector<16xi32>
    %sub3A_3468 = arith.constant 1111111 : i32
    %sub3A_3469 = vector.broadcast %sub3A_3468 : i32 to vector<16xi32>
    %sub3A_3470 = arith.subi %get3A_3464, %sub3A_3469 : vector<16xi32>
    %ge3A_3471 = arith.constant 8000000 : i32
    %ge3A_3472 = vector.broadcast %ge3A_3471 : i32 to vector<16xi32>
    %ge3A_3473 = arith.cmpi sge, %sub3A_3470, %ge3A_3472 : vector<16xi32>
    %sub3A_3474 = arith.constant 8000000 : i32
    %sub3A_3475 = vector.broadcast %sub3A_3474 : i32 to vector<16xi32>
    %sub3A_3476 = arith.subi %sub3A_3470, %sub3A_3475 : vector<16xi32>
    %select_n3A_3477 = arith.select %ge3A_3473, %sub3A_3476, %sub3A_3470 : vector<16xi1>, vector<16xi32>
    %ge3A_3478 = arith.constant 4000000 : i32
    %ge3A_3479 = vector.broadcast %ge3A_3478 : i32 to vector<16xi32>
    %ge3A_3480 = arith.cmpi sge, %select_n3A_3477, %ge3A_3479 : vector<16xi32>
    %sub3A_3481 = arith.constant 4000000 : i32
    %sub3A_3482 = vector.broadcast %sub3A_3481 : i32 to vector<16xi32>
    %sub3A_3483 = arith.subi %select_n3A_3477, %sub3A_3482 : vector<16xi32>
    %select_n3A_3484 = arith.select %ge3A_3480, %sub3A_3483, %select_n3A_3477 : vector<16xi1>, vector<16xi32>
    %ge3A_3485 = arith.constant 2000000 : i32
    %ge3A_3486 = vector.broadcast %ge3A_3485 : i32 to vector<16xi32>
    %ge3A_3487 = arith.cmpi sge, %select_n3A_3484, %ge3A_3486 : vector<16xi32>
    %sub3A_3488 = arith.constant 2000000 : i32
    %sub3A_3489 = vector.broadcast %sub3A_3488 : i32 to vector<16xi32>
    %sub3A_3490 = arith.subi %select_n3A_3484, %sub3A_3489 : vector<16xi32>
    %select_n3A_3491 = arith.select %ge3A_3487, %sub3A_3490, %select_n3A_3484 : vector<16xi1>, vector<16xi32>
    %ge3A_3492 = arith.constant 1000000 : i32
    %ge3A_3493 = vector.broadcast %ge3A_3492 : i32 to vector<16xi32>
    %ge3A_3494 = arith.cmpi sge, %select_n3A_3491, %ge3A_3493 : vector<16xi32>
    %sub3A_3495 = arith.constant 1000000 : i32
    %sub3A_3496 = vector.broadcast %sub3A_3495 : i32 to vector<16xi32>
    %sub3A_3497 = arith.subi %select_n3A_3491, %sub3A_3496 : vector<16xi32>
    %select_n3A_3498 = arith.select %ge3A_3494, %sub3A_3497, %select_n3A_3491 : vector<16xi1>, vector<16xi32>
    %ge3A_3499 = arith.constant 1111111 : i32
    %ge3A_3500 = vector.broadcast %ge3A_3499 : i32 to vector<16xi32>
    %ge3A_3501 = arith.cmpi sge, %get3A_3464, %ge3A_3500 : vector<16xi32>
    %select_n3A_3502 = arith.select %ge3A_3501, %select_n3A_3498, %get3A_3464 : vector<16xi1>, vector<16xi32>
    %jit3A_3503 = arith.constant 1111111 : i32
    %jit3A_3504 = arith.constant 1 : i32
    %broadcast_in_dim3A_3505 = vector.broadcast %jit3A_3503 : i32 to vector<16xi32>
    %broadcast_in_dim3A_3506 = vector.broadcast %jit3A_3504 : i32 to vector<16xi32>
    %select_n3A_3507 = arith.select %ge3A_3501, %broadcast_in_dim3A_3505, %broadcast_in_dim3A_3506 : vector<16xi1>, vector<16xi32>
    %mul3A_3508 = arith.constant 10 : i32
    %mul3A_3509 = vector.broadcast %mul3A_3508 : i32 to vector<16xi32>
    %mul3A_3510 = arith.muli %select_n3A_3502, %mul3A_3509 : vector<16xi32>
    %add3A_3511 = arith.addi %mul3A_3510, %get3A_3467 : vector<16xi32>
    %add3A_3512 = arith.addi %add3A_3511, %select_n3A_3507 : vector<16xi32>
    %swap3A_3513 = arith.constant 992 : index
    %swap3A_3514 = tpu.vector_load %arg7[%swap3A_3513] {strides = array<i32>} : memref<1024xi32, #tpu.memory_space<vmem>>, vector<16xi32>,
    %swap3A_3515 = vector.shape_cast %swap3A_3514 : vector<16xi32> to vector<16xi32>
    %swap3A_3516 = vector.shape_cast %add3A_3512 : vector<16xi32> to vector<16xi32>
    tpu.vector_store %arg7[%swap3A_3513], %swap3A_3516 {strides = array<i32>} : memref<1024xi32, #tpu.memory_space<vmem>>, vector<16xi32>,
    %get3A_3517 = arith.constant 1008 : index
    %get3A_3518 = tpu.vector_load %arg5[%get3A_3517] {strides = array<i32>} : memref<1024xi32, #tpu.memory_space<vmem>>, vector<16xi32>,
    %get3A_3519 = vector.shape_cast %get3A_3518 : vector<16xi32> to vector<16xi32>
    %get3A_3520 = arith.constant 1008 : index
    %get3A_3521 = tpu.vector_load %arg6[%get3A_3520] {strides = array<i32>} : memref<1024xi32, #tpu.memory_space<vmem>>, vector<16xi32>,
    %get3A_3522 = vector.shape_cast %get3A_3521 : vector<16xi32> to vector<16xi32>
    %sub3A_3523 = arith.constant 1111111 : i32
    %sub3A_3524 = vector.broadcast %sub3A_3523 : i32 to vector<16xi32>
    %sub3A_3525 = arith.subi %get3A_3519, %sub3A_3524 : vector<16xi32>
    %ge3A_3526 = arith.constant 8000000 : i32
    %ge3A_3527 = vector.broadcast %ge3A_3526 : i32 to vector<16xi32>
    %ge3A_3528 = arith.cmpi sge, %sub3A_3525, %ge3A_3527 : vector<16xi32>
    %sub3A_3529 = arith.constant 8000000 : i32
    %sub3A_3530 = vector.broadcast %sub3A_3529 : i32 to vector<16xi32>
    %sub3A_3531 = arith.subi %sub3A_3525, %sub3A_3530 : vector<16xi32>
    %select_n3A_3532 = arith.select %ge3A_3528, %sub3A_3531, %sub3A_3525 : vector<16xi1>, vector<16xi32>
    %ge3A_3533 = arith.constant 4000000 : i32
    %ge3A_3534 = vector.broadcast %ge3A_3533 : i32 to vector<16xi32>
    %ge3A_3535 = arith.cmpi sge, %select_n3A_3532, %ge3A_3534 : vector<16xi32>
    %sub3A_3536 = arith.constant 4000000 : i32
    %sub3A_3537 = vector.broadcast %sub3A_3536 : i32 to vector<16xi32>
    %sub3A_3538 = arith.subi %select_n3A_3532, %sub3A_3537 : vector<16xi32>
    %select_n3A_3539 = arith.select %ge3A_3535, %sub3A_3538, %select_n3A_3532 : vector<16xi1>, vector<16xi32>
    %ge3A_3540 = arith.constant 2000000 : i32
    %ge3A_3541 = vector.broadcast %ge3A_3540 : i32 to vector<16xi32>
    %ge3A_3542 = arith.cmpi sge, %select_n3A_3539, %ge3A_3541 : vector<16xi32>
    %sub3A_3543 = arith.constant 2000000 : i32
    %sub3A_3544 = vector.broadcast %sub3A_3543 : i32 to vector<16xi32>
    %sub3A_3545 = arith.subi %select_n3A_3539, %sub3A_3544 : vector<16xi32>
    %select_n3A_3546 = arith.select %ge3A_3542, %sub3A_3545, %select_n3A_3539 : vector<16xi1>, vector<16xi32>
    %ge3A_3547 = arith.constant 1000000 : i32
    %ge3A_3548 = vector.broadcast %ge3A_3547 : i32 to vector<16xi32>
    %ge3A_3549 = arith.cmpi sge, %select_n3A_3546, %ge3A_3548 : vector<16xi32>
    %sub3A_3550 = arith.constant 1000000 : i32
    %sub3A_3551 = vector.broadcast %sub3A_3550 : i32 to vector<16xi32>
    %sub3A_3552 = arith.subi %select_n3A_3546, %sub3A_3551 : vector<16xi32>
    %select_n3A_3553 = arith.select %ge3A_3549, %sub3A_3552, %select_n3A_3546 : vector<16xi1>, vector<16xi32>
    %ge3A_3554 = arith.constant 1111111 : i32
    %ge3A_3555 = vector.broadcast %ge3A_3554 : i32 to vector<16xi32>
    %ge3A_3556 = arith.cmpi sge, %get3A_3519, %ge3A_3555 : vector<16xi32>
    %select_n3A_3557 = arith.select %ge3A_3556, %select_n3A_3553, %get3A_3519 : vector<16xi1>, vector<16xi32>
    %jit3A_3558 = arith.constant 1111111 : i32
    %jit3A_3559 = arith.constant 1 : i32
    %broadcast_in_dim3A_3560 = vector.broadcast %jit3A_3558 : i32 to vector<16xi32>
    %broadcast_in_dim3A_3561 = vector.broadcast %jit3A_3559 : i32 to vector<16xi32>
    %select_n3A_3562 = arith.select %ge3A_3556, %broadcast_in_dim3A_3560, %broadcast_in_dim3A_3561 : vector<16xi1>, vector<16xi32>
    %mul3A_3563 = arith.constant 10 : i32
    %mul3A_3564 = vector.broadcast %mul3A_3563 : i32 to vector<16xi32>
    %mul3A_3565 = arith.muli %select_n3A_3557, %mul3A_3564 : vector<16xi32>
    %add3A_3566 = arith.addi %mul3A_3565, %get3A_3522 : vector<16xi32>
    %add3A_3567 = arith.addi %add3A_3566, %select_n3A_3562 : vector<16xi32>
    %swap3A_3568 = arith.constant 1008 : index
    %swap3A_3569 = tpu.vector_load %arg7[%swap3A_3568] {strides = array<i32>} : memref<1024xi32, #tpu.memory_space<vmem>>, vector<16xi32>,
    %swap3A_3570 = vector.shape_cast %swap3A_3569 : vector<16xi32> to vector<16xi32>
    %swap3A_3571 = vector.shape_cast %add3A_3567 : vector<16xi32> to vector<16xi32>
    tpu.vector_store %arg7[%swap3A_3568], %swap3A_3571 {strides = array<i32>} : memref<1024xi32, #tpu.memory_space<vmem>>, vector<16xi32>,
    %dma_wait3A_3572 = arith.constant 0 : i32
    %dma_wait3A_3573 = tpu.memref_slice %arg7[%dma_wait3A_3572] : memref<1024xi32, #tpu.memory_space<vmem>> -> memref<512xi32, #tpu.memory_space<vmem>>
    %dma_wait3A_3574 = tpu.memref_slice %arg4[%mul3A_2] : memref<16384xi32, #tpu.memory_space<hbm>> -> memref<512xi32, #tpu.memory_space<hbm>>
    %dma_wait3A_3575 = tpu.memref_slice %arg4[%mul3A_2] : memref<16384xi32, #tpu.memory_space<hbm>> -> memref<512xi32, #tpu.memory_space<hbm>>
    %dma_wait3A_3576 = arith.constant 0 : i32
    %dma_wait3A_3577 = tpu.memref_slice %arg7[%dma_wait3A_3576] : memref<1024xi32, #tpu.memory_space<vmem>> -> memref<512xi32, #tpu.memory_space<vmem>>
    tpu.wait_dma2 semaphore(%arg12 : memref<!tpu.dma_semaphore, #tpu.memory_space<semaphore_mem>>) src(%dma_wait3A_3577 : memref<512xi32, #tpu.memory_space<vmem>>) dst(%dma_wait3A_3575 : memref<512xi32, #tpu.memory_space<hbm>>)
    %add3A_3578 = arith.constant 512 : i32
    %add3A_3579 = arith.addi %mul3A_2, %add3A_3578 : i32
    "tpu.region"() ({
      %run_scoped3A = tpu.sem_alloc : memref<!tpu.dma_semaphore, #tpu.memory_space<semaphore_mem>>
      %dma_start3A_3580 = arith.constant 512 : i32
      %dma_start3A_3581 = tpu.memref_slice %arg7[%dma_start3A_3580] : memref<1024xi32, #tpu.memory_space<vmem>> -> memref<512xi32, #tpu.memory_space<vmem>>
      %dma_start3A_3582 = tpu.memref_slice %arg4[%add3A_3579] : memref<16384xi32, #tpu.memory_space<hbm>> -> memref<512xi32, #tpu.memory_space<hbm>>
      %dma_start3A_3583 = tpu.memref_slice %arg4[%add3A_3579] : memref<16384xi32, #tpu.memory_space<hbm>> -> memref<512xi32, #tpu.memory_space<hbm>>
      %dma_start3A_3584 = arith.constant 512 : i32
      %dma_start3A_3585 = tpu.memref_slice %arg7[%dma_start3A_3584] : memref<1024xi32, #tpu.memory_space<vmem>> -> memref<512xi32, #tpu.memory_space<vmem>>
      tpu.enqueue_dma source(%dma_start3A_3585 : memref<512xi32, #tpu.memory_space<vmem>>) target(%dma_start3A_3583 : memref<512xi32, #tpu.memory_space<hbm>>) target_semaphore(%run_scoped3A : memref<!tpu.dma_semaphore, #tpu.memory_space<semaphore_mem>>)
      %dma_wait3A_3586 = arith.constant 512 : i32
      %dma_wait3A_3587 = tpu.memref_slice %arg7[%dma_wait3A_3586] : memref<1024xi32, #tpu.memory_space<vmem>> -> memref<512xi32, #tpu.memory_space<vmem>>
      %dma_wait3A_3588 = tpu.memref_slice %arg4[%add3A_3579] : memref<16384xi32, #tpu.memory_space<hbm>> -> memref<512xi32, #tpu.memory_space<hbm>>
      %dma_wait3A_3589 = tpu.memref_slice %arg4[%add3A_3579] : memref<16384xi32, #tpu.memory_space<hbm>> -> memref<512xi32, #tpu.memory_space<hbm>>
      %dma_wait3A_3590 = arith.constant 512 : i32
      %dma_wait3A_3591 = tpu.memref_slice %arg7[%dma_wait3A_3590] : memref<1024xi32, #tpu.memory_space<vmem>> -> memref<512xi32, #tpu.memory_space<vmem>>
      tpu.wait_dma2 semaphore(%run_scoped3A : memref<!tpu.dma_semaphore, #tpu.memory_space<semaphore_mem>>) src(%dma_wait3A_3591 : memref<512xi32, #tpu.memory_space<vmem>>) dst(%dma_wait3A_3589 : memref<512xi32, #tpu.memory_space<hbm>>)
      tpu.yield
    }) : () -> ()
    return
  }
}

</mosaic_0001>

<sc_bundles>
// kernel: kernel.3.cloned.1.call-start
scs
__scs_entry_jumppad:
0x0: {  	(pc) =	sbr.rel $0x88, $3  }
0x1: {  	(tag) =	ssettag $0x0;
	lr =	simm.s32 $0x1  }
0x2: {  	[smem:$0x3F9F] =	sst lr;
	_ =	strace $0xD0000000  }
0x3: {  	_ = 	snop  }
0x4: {  	_ = 	snop  }
0x5: {  	_ = 	snop  }
0x6: {  	_ = 	snop  }
0x7: {  	_ = 	snop  }
__scs_overlays_trampoline_lowered:
0x8: {  	[smem:$0x3FAE] =	sst s0  }
0x9: {  	[smem:$0x3FAF] =	sst s1  }
0xa: {  	[smem:$0x3FB0] =	sst s2  }
0xb: {  	[smem:$0x3FB1] =	sst s3  }
0xc: {  	[smem:$0x3FB2] =	sst s4  }
0xd: {  	[smem:$0x3FB3] =	sst s5  }
0xe: {  	[smem:$0x3FB4] =	sst s6  }
0xf: {  	[smem:$0x3FB5] =	sst s7  }
0x10: {  	[smem:$0x3FB6] =	sst s8  }
0x11: {  	[smem:$0x3FB7] =	sst s9;
	s0 =	simm.s32 @!p0 $0x0  }
0x12: {  	s1 =	sld [smem:$0x3F9D];
	s0 =	simm.s32 @p0 $0x1  }
0x13: {  	[smem:$0x3FB8] =	sst s0;
	s0 =	simm.s32 @!p1 $0x0  }
0x14: {  	s2 =	sld [smem:$0x3F9C];
	s0 =	simm.s32 @p1 $0x1  }
0x15: {  	[smem:$0x3FB9] =	sst s0;
	s0 =	simm.s32 @!p2 $0x0  }
0x16: {  	s3 =	sld [smem:$0x3FDB];
	s0 =	simm.s32 @p2 $0x1  }
0x17: {  	s4 =	simm.s32 $0x1BF5;
	[smem:$0x3FBB] =	sst s0  }
0x18: {  	s0 =	sld [smem:$0x3F9E];
	_ =	swait.ge [sflag:s4], $0x0  }
0x19: {  	s7 =	sld [smem:$0x3F9F]  }
0x1a: {  	s8 =	sadd.s32 $0xFFFFE003, lr  }
0x1b: {  	s9 =	sadd.s32 $0xFFFFFEF7, lr;
	s5 =	simm.s32 $0xFFFFFFFF;
	p2 =	slt.u32 s8, $0xFFFFF086  }
0x1c: {  	p1 =	slt.u32 s9, $0xF7A;
	s5 =	simm.s32 @!p2 $0x0  }
0x1d: {  	s5 =	simm.s32 @p1 $0x1;
	p0 =	seq.s32 s7, s2  }
0x1e: {  	s7 =	smul.u32 @!p0 $0xF7A, s2;
	p2 =	seq.s32 @!p0 s5, $0x0  }
0x1f: {  	s9 =	smul.u32 $0xF7A, s1;
	s8 =	simm.s32 @!p0 $0x1BF5;
	p2 =	por !p2, p0  }
0x20: {  	[sflag:s8] =	ssyncset.s32 @!p0 $0xFFFFF086;
	s6 =	sadd.s32 @!p0 s3, s7;
	s7 =	simm.s32 @!p0 $0x108  }
0x21: {  	s3 =	sadd.s32 s3, s9;
	s6 =	sadd.s32 @!p0 $0x88, s6;
	s7 =	simm.s32 @p2 $0x1082  }
0x22: {  	[simem:s7], [sflag:s8] =	dma.local @!p0 [hbm:s6], $0xF7A  }
0x23: {  	s9 =	sor.u32 $0xD0000000, s2;
	s6 =	simm.s32 $0x108;
	_ =	swait.ge @!p0 [sflag:s8], $0x0  }
0x24: {  	s3 =	sadd.s32 $0x88, s3;
	s6 =	simm.s32 @!p1 $0x1082;
	[sflag:s4] =	ssyncset.s32 $0xFFFFF086  }
0x25: {  	[simem:s6], [sflag:s4] =	dma.local [hbm:s3], $0xF7A  }
0x26: {  	[smem:$0x3F9F] =	sst s1;
	(tag) =	ssettag s2;
	_ =	strace s9  }
0x27: {  	s1 =	sld [smem:$0x3FAF]  }
0x28: {  	s2 =	sld [smem:$0x3FB0]  }
0x29: {  	s4 =	sld [smem:$0x3FB2]  }
0x2a: {  	p0 =	seq.s32 s5, $0x0;
	s5 =	sld [smem:$0x3FB3]  }
0x2b: {  	s6 =	sld [smem:$0x3FB4]  }
0x2c: {  	s7 =	sld [smem:$0x3FB5]  }
0x2d: {  	s3 =	simm.s32 $0x108;
	s8 =	sld [smem:$0x3FB6]  }
0x2e: {  	s3 =	simm.s32 @!p0 $0x1082;
	s9 =	sld [smem:$0x3FB7]  }
0x2f: {  	lr =	sadd.s32 s0, s3;
	s0 =	sld [smem:$0x3FAE]  }
0x30: {  	s3 =	sld [smem:$0x3FB1]  }
0x31: {  	[smem:$0x3FBA] =	sst s10  }
0x32: {  	s10 =	sld [smem:$0x3FB8];
	_ =	sdelay $0x3  }
0x33: {  	p0 =	seq.s32 s10, $0x1;
	s10 =	sld [smem:$0x3FBA];
	_ =	sdelay $0x3  }
0x34: {  	[smem:$0x3FBA] =	sst s10  }
0x35: {  	s10 =	sld [smem:$0x3FB9];
	_ =	sdelay $0x3  }
0x36: {  	p1 =	seq.s32 s10, $0x1;
	s10 =	sld [smem:$0x3FBA];
	_ =	sdelay $0x3  }
0x37: {  	[smem:$0x3FBA] =	sst s10  }
0x38: {  	s10 =	sld [smem:$0x3FBB]  }
0x39: {  	_ = 	snop;
	(pc) =	sbr.ind lr, $3  }
0x3a: {  	_ = 	snop  }
0x3b: {  	_ = 	snop  }
0x3c: {  	p2 =	seq.s32 s10, $0x1;
	s10 =	sld [smem:$0x3FBA]  }
0x3d: {  	_ =	shalt  }
0x3e: {  	_ =	shalt  }
0x3f: {  	_ =	shalt  }
0x40: {  	_ =	shalt  }
0x41: {  	_ =	shalt  }
0x42: {  	_ =	shalt  }
0x43: {  	_ =	shalt  }
0x44: {  	_ =	shalt  }
0x45: {  	_ =	shalt  }
0x46: {  	_ =	shalt  }
0x47: {  	_ =	shalt  }
0x48: {  	_ =	shalt  }
0x49: {  	_ =	shalt  }
0x4a: {  	_ =	shalt  }
0x4b: {  	_ =	shalt  }
0x4c: {  	_ =	shalt  }
0x4d: {  	_ =	shalt  }
0x4e: {  	_ =	shalt  }
0x4f: {  	_ =	shalt  }
0x50: {  	_ =	shalt  }
0x51: {  	_ =	shalt  }
0x52: {  	_ =	shalt  }
0x53: {  	_ =	shalt  }
0x54: {  	_ =	shalt  }
0x55: {  	_ =	shalt  }
0x56: {  	_ =	shalt  }
0x57: {  	_ =	shalt  }
0x58: {  	_ =	shalt  }
0x59: {  	_ =	shalt  }
0x5a: {  	_ =	shalt  }
0x5b: {  	_ =	shalt  }
0x5c: {  	_ =	shalt  }
0x5d: {  	_ =	shalt  }
0x5e: {  	_ =	shalt  }
0x5f: {  	_ =	shalt  }
0x60: {  	_ =	shalt  }
0x61: {  	_ =	shalt  }
0x62: {  	_ =	shalt  }
0x63: {  	_ =	shalt  }
0x64: {  	_ =	shalt  }
0x65: {  	_ =	shalt  }
0x66: {  	_ =	shalt  }
0x67: {  	_ =	shalt  }
0x68: {  	_ =	shalt  }
0x69: {  	_ =	shalt  }
0x6a: {  	_ =	shalt  }
0x6b: {  	_ =	shalt  }
0x6c: {  	_ =	shalt  }
0x6d: {  	_ =	shalt  }
0x6e: {  	_ =	shalt  }
0x6f: {  	_ =	shalt  }
0x70: {  	_ =	shalt  }
0x71: {  	_ =	shalt  }
0x72: {  	_ =	shalt  }
0x73: {  	_ =	shalt  }
0x74: {  	_ =	shalt  }
0x75: {  	_ =	shalt  }
0x76: {  	_ =	shalt  }
0x77: {  	_ =	shalt  }
0x78: {  	_ =	shalt  }
0x79: {  	_ =	shalt  }
0x7a: {  	_ =	shalt  }
0x7b: {  	_ =	shalt  }
0x7c: {  	_ =	shalt  }
0x7d: {  	_ =	shalt  }
0x7e: {  	_ =	shalt  }
0x7f: {  	_ =	shalt  }
0x80: {  	_ =	shalt  }
0x81: {  	_ =	shalt  }
0x82: {  	_ =	shalt  }
0x83: {  	_ =	shalt  }
0x84: {  	_ =	shalt  }
0x85: {  	_ =	shalt  }
0x86: {  	_ =	shalt  }
0x87: {  	_ =	shalt  }
.Lfunc_end0:
.L_simem_size_0:
called_computation_lowered:
.L_overlay_start_0:
0x88: {  	s0 =	sld [smem:$0x3FD9]  }
0x89: {  	s1 =	sld [smem:$0x3FFE];
	_ =	sdelay $0x3  }
0x8a: {  	s0 =	sadd.s32 s1, s0  }
0x8b: {  	[smem:$0x3FC6] =	sst s0  }
0x8c: {  	_ = 	snop  }
0x8d: {  	s0 =	sld [smem:$0x3FD0];
	_ =	sdelay $0x1  }
0x8e: {  	s14 =	sld [smem:$0x3FC9]  }
0x8f: {  	s3 =	simm.s32 $0xA;
	s4 =	simm.s32 $0x10;
	s2 =	sld [smem:$0x3FC8]  }
0x90: {  	[smem:s4], [sflag:s3] =	dma.local [hbm:s0], $0x1  }
0x91: {  	_ =	swait.eq [sflag:s3], $0x1  }
0x92: {  	[sflag:s3] =	ssyncset.done $0x0  }
0x93: {  	[sflag:s3] =	ssyncadd.s32 $0xFFFFFFFF  }
0x94: {  	s15 =	sld [smem:$0x10];
	(tm) =	ssettm $0x1  }
0x95: {  	s16 =	sld [smem:$0x3FFB];
	_ =	sdelay $0x3  }
0x96: {  	_ =	strace s16  }
0x97: {  	s3 =	sld [smem:$0x3FFC];
	_ =	sdelay $0x3  }
0x98: {  	_ =	strace s3  }
0x99: {  	s3 =	sld [smem:$0x3FFD];
	_ =	sdelay $0x3  }
0x9a: {  	_ =	strace s3  }
0x9b: {  	_ =	strace $0x8FFFFFFF  }
0x9c: {  	s17 =	sld [smem:$0x3FDB];
	_ =	sdelay $0x1  }
0x9d: {  	s18 =	simm.s32 $_scs_section_size  }
0x9e: {  	s5 =	simm.s32 $_size__tile_overlayer_lowered;
	s6 =	simm.s32 $_tile_overlayer_lowered  }
0x9f: {  	s21 =	simm.s32 $0x1BFF;
	s20 =	sshll.u32 s6, $0x1;
	s3 =	sadd.s32 s18, s17  }
0xa0: {  	s7 =	simm.s32 $0x0;
	s19 =	sshll.u32 s5, $0x1;
	s5 =	sadd.s32 s20, s3  }
0xa1: {  	[timem:s7], [sflag:s21] =	dma.local [hbm:s5], s19  }
0xa2: {  	_ =	swait.ge [sflag:s21], s19  }
0xa3: {  	s4 =	ssub.s32 $0x0, s19;
	[sflag:s21] =	ssyncset.done $0x0  }
0xa4: {  	[sflag:s21] =	ssyncadd.s32 s4;
	_ =	sdelay $0x1  }
0xa5: {  	s22 =	simm.s32 $0x1B8B  }
0xa6: {  	_ =	swait.ge [sflag:s22], $0x1  }
0xa7: {  	[sflag:s22] =	ssyncset.done $0x0  }
0xa8: {  	s23 =	simm.s32 $0x1B8E;
	[sflag:s22] =	ssyncadd.s32 $0xFFFFFFFF  }
0xa9: {  	s24 =	simm.s32 $execute0_lowered;
	[smem:$0x3FD2] =	sst s23  }
0xaa: {  	s4 =	sshll.u32 s24, $0x1;
	_ =	strace $0x80000046;
	[dreg:$0x1] =	wrdreg $0xFFFFFFFF  }
0xab: {  	s25 =	simm.s32 $_size_execute0_lowered;
	s3 =	sadd.s32 s3, s4;
	[dreg:$0x0] =	wrdreg $0x0  }
0xac: {  	s4 =	sshll.u32 s25, $0x1;
	[dreg:$0x2] =	wrdreg s3  }
0xad: {  	[dreg:$0x3] =	wrdreg s4  }
0xae: {  	[dreg:$0x4] =	wrdreg $0xC0  }
0xaf: {  	_ =	task [dreg:s7], $0x5FFFF  }
0xb0: {  	[dreg:$0x1] =	wrdreg $0xFFFFFFFF  }
0xb1: {  	[dreg:$0x0] =	wrdreg $0x60  }
0xb2: {  	[dreg:$0x2] =	wrdreg s14  }
0xb3: {  	[dreg:$0x3] =	wrdreg s2  }
0xb4: {  	[dreg:$0x4] =	wrdreg s15  }
0xb5: {  	[dreg:$0x5] =	wrdreg $0x9  }
0xb6: {  	_ =	task.clear_ibuf [dreg:s7], $0x6FFFF;
	_ =	strace $0x90000046  }
0xb7: {  	s26 =	simm.s32 $0x9;
	_ =	strace $0x80000048  }
0xb8: {  	_ =	swait.ge [sflag:s26], $0x1  }
0xb9: {  	[sflag:s26] =	ssyncadd.s32 $0xFFFFFFFF  }
0xba: {  	_ =	strace $0x90000048  }
0xbb: {  	_ =	sfence  }
0xbc: {  	s28 =	sld [smem:$0x0];
	_ =	sdelay $0x1  }
0xbd: {  	s29 =	srdreg.scid  }
0xbe: {  	s30 =	sshll.u32 s29, $0xD;
	s31 =	sshrl.u32 s29, $0x2  }
0xbf: {  	s1 =	sand.u32 $0x1, s29;
	s2 =	sand.u32 $0x4000, s30;
	s0 =	sadd.s32 s31, s28  }
0xc0: {  	s1 =	sor.u32 s2, s1;
	s0 =	sshll.u32 s0, $0x11  }
0xc1: {  	s0 =	sor.u32 s0, s1  }
0xc2: {  	s0 =	sadd.s32 $0x8F2B, s0  }
0xc3: {  	[sflag:s0] =	ssyncadd.remote.s32 $0x1  }
0xc4: {  	_ =	sfence.sel $0xFFFF  }
0xc5: {  	[dreg:$0x0] =	wrdreg $0xFFFFFFFF;
	(pc) =	sbr.abs _section_cstart, $3  }
0xc6: {  	[dreg:$0x1] =	wrdreg $0xFFFFFFFF  }
0xc7: {  	_ =	task.clear_ibuf [dreg:s7], $0x2FFFF;
	_ =	strace $0x9FFFFFFF  }
0xc8: {  	(tm) =	ssettm $0x7FFFFFFF  }
0xc9: {  	_ =	shalt  }
tec
execute0_lowered:
.L_overlay_start_1:
0x0: {  	(tag) =	ssettag $0x1  }
0x1: {  	s6 =	rddreg [dreg:$0x0]  }
0x2: {  	s7 =	rddreg [dreg:$0x1]  }
0x3: {  	s3 =	rddreg [dreg:$0x2];
	s2 =	simm.s32 $0x0;
	s1 =	stileid.u32  }
0x4: {  	[smem:$0x7FF] =	sst s2;
	s5 =	sshll.u32 s1, $0x7  }
0x5: {  	s0 =	rddreg [dreg:$0x3];
	_ =	strace $0x80000047;
	s4 =	sadd.s32 s6, s5  }
0x6: {  	[tilespmem:s2], [sflag:$0x1] =	stream.linear.gather [hbm4b:s4+s2], $0x200, $0x38;
	[tilespmem:$0xC00] =	vst v63  }
0x7: {  	s9 =	simm.s32 $0x400;
	s8 =	sadd.s32 s7, s5;
	s19 =	sor.u32 $0x40, s5  }
0x8: {  	[tilespmem:s9], [sflag:$0x2] =	stream.linear.gather [hbm4b:s8+s2], $0x200, $0x38;
	[tilespmem:$0xC00] =	vst v63  }
0x9: {  	s20 =	simm.s32 $0x200;
	s6 =	sadd.s32 s6, s19  }
0xa: {  	[tilespmem:s20], [sflag:$0x3] =	stream.linear.gather [hbm4b:s6+s2], $0x200, $0x38;
	[tilespmem:$0xC00] =	vst v63  }
0xb: {  	s22 =	simm.s32 $0x600;
	s23 =	simm.s32 $0x1;
	s21 =	sadd.s32 s7, s19  }
0xc: {  	[tilespmem:s22], [sflag:$0x4] =	stream.linear.gather [hbm4b:s21+s2], $0x200, $0x38;
	[tilespmem:$0xC00] =	vst v63  }
0xd: {  	_ =	swait.ge [sflag:s23], $0x200  }
0xe: {  	[sflag:s23] =	ssyncset.done $0x0  }
0xf: {  	s24 =	simm.s32 $0x2;
	[sflag:s23] =	ssyncadd.s32 $0xFFFFFE00  }
0x10: {  	_ =	swait.ge [sflag:s24], $0x200  }
0x11: {  	[sflag:s24] =	ssyncset.done $0x0  }
0x12: {  	[sflag:s24] =	ssyncadd.s32 $0xFFFFFE00  }
0x13: {  	v1 =	vld [tilespmem:$0x0]  }
0x14: {  	v2 =	vld [tilespmem:$0x10]  }
0x15: {  	v28 =	vld [tilespmem:$0x20]  }
0x16: {  	v31 =	vld [tilespmem:$0x30]  }
0x17: {  	v39 =	vld [tilespmem:$0x40]  }
0x18: {  	v47 =	vld [tilespmem:$0x50]  }
0x19: {  	v55 =	vld [tilespmem:$0x60]  }
0x1a: {  	v63 =	vld [tilespmem:$0x70];
	v0 =	vadd.s32 $0xFFEF0BB9, v1;
	v3 =	vadd.s32 $0xFF74F9B9, v1;
	v4 =	vadd.s32 $0xFFEF0BB9, v2  }
0x1b: {  	v27 =	vadd.s32 $0xFF74F9B9, v2;
	vm9 =	vgt.s32 v1, $0x10F446;
	v30 =	vadd.s32 $0xFFEF0BB9, v28  }
0x1c: {  	v10 =	vadd.s32 $0xFF74F9B9, v28;
	vm11 =	vgt.s32 v2, $0x10F446;
	v38 =	vadd.s32 $0xFFEF0BB9, v31  }
0x1d: {  	v41 =	vadd.s32 $0xFF74F9B9, v31;
	vm14 =	vgt.s32 v28, $0x10F446;
	v45 =	vadd.s32 $0xFFEF0BB9, v39  }
0x1e: {  	v46 =	vadd.s32 $0xFF74F9B9, v39;
	vm6 =	vgt.s32 v31, $0x10F446;
	vm0 =	vgt.s32 v0, $0x7A11FF  }
0x1f: {  	v52 =	vadd.s32 $0xFFEF0BB9, v47;
	v13 =	vadd.s32 $0xFF74F9B9, v47;
	v0 =	vsel vm0, v3, v0  }
0x20: {  	v62 =	vadd.s32 $0xFFEF0BB9, v55;
	vm0 =	vgt.s32 v0, $0x3D08FF;
	v3 =	vadd.s32 $0xFFC2F700, v0  }
0x21: {  	v21 =	vadd.s32 $0xFF74F9B9, v55;
	v25 =	vadd.s32 $0xFFEF0BB9, v63;
	v0 =	vsel vm0, v3, v0  }
0x22: {  	v26 =	vadd.s32 $0xFF74F9B9, v63;
	vm0 =	vgt.s32 v0, $0x1E847F;
	v3 =	vadd.s32 $0xFFE17B80, v0  }
0x23: {  	vm8 =	vgt.s32 v4, $0x7A11FF;
	vm10 =	vgt.s32 v30, $0x7A11FF;
	v0 =	vsel vm0, v3, v0  }
0x24: {  	v7 =	vld [tilespmem:$0x400];
	vm13 =	vgt.s32 v38, $0x7A11FF;
	v3 =	vsel vm8, v27, v4;
	vm1 =	vgt.s32 v0, $0xF423F  }
0x25: {  	v8 =	vld [tilespmem:$0x410];
	v5 =	vadd.s32 $0xFFF0BDC0, v0;
	vm0 =	vgt.s32 v3, $0x3D08FF;
	v6 =	vadd.s32 $0xFFC2F700, v3  }
0x26: {  	v42 =	vld [tilespmem:$0x420];
	vm4 =	vgt.s32 v45, $0x7A11FF;
	v5 =	vsel vm1, v5, v0;
	v3 =	vsel vm0, v6, v3  }
0x27: {  	v49 =	vld [tilespmem:$0x430];
	v0 =	vimm.s32 $0x1;
	vm0 =	vgt.s32 v3, $0x1E847F;
	v6 =	vadd.s32 $0xFFE17B80, v3  }
0x28: {  	v1 =	vsel vm9, v5, v1;
	v29 =	vsel vm9, $0x10F447, v0;
	v33 =	vsel vm11, $0x10F447, v0  }
0x29: {  	v44 =	vsel vm14, $0x10F447, v0;
	v51 =	vsel vm6, $0x10F447, v0;
	vm9 =	vgt.s32 v52, $0x7A11FF  }
0x2a: {  	v27 =	vld [tilespmem:$0x80];
	v3 =	vsel vm0, v6, v3;
	v1 =	vmul.u32 $0xA, v1;
	v5 =	vadd.s32 v7, v29  }
0x2b: {  	v53 =	vld [tilespmem:$0x440];
	v6 =	vsel vm10, v10, v30;
	v36 =	vadd.s32 v8, v33;
	v8 =	vadd.s32 v42, v44  }
0x2c: {  	v7 =	vadd.s32 v49, v51;
	v54 =	vsel vm9, v13, v52;
	vm10 =	vgt.s32 v39, $0x10F446  }
0x2d: {  	vm9 =	vgt.s32 v63, $0x10F446;
	vm0 =	vgt.s32 v3, $0xF423F;
	v9 =	vadd.s32 $0xFFF0BDC0, v3  }
0x2e: {  	vm1 =	vgt.s32 v6, $0x3D08FF;
	v32 =	vadd.s32 $0xFFC2F700, v6;
	v56 =	vadd.s32 $0xFFC2F700, v54  }
0x2f: {  	v57 =	vsel vm10, $0x10F447, v0;
	v16 =	vadd.s32 $0xFF74F9B9, v27;
	v3 =	vsel vm0, v9, v3  }
0x30: {  	v51 =	vld [tilespmem:$0xB0];
	v6 =	vsel vm1, v32, v6;
	v60 =	vadd.s32 v53, v57;
	v32 =	vadd.s32 $0xFFEF0BB9, v27  }
0x31: {  	v2 =	vsel vm11, v3, v2;
	vm12 =	vgt.s32 v6, $0x1E847F;
	v35 =	vadd.s32 $0xFFE17B80, v6  }
0x32: {  	v34 =	vmul.u32 $0xA, v2;
	v2 =	vadd.s32 v1, v5;
	v37 =	vsel vm12, v35, v6  }
0x33: {  	v33 =	vld [tilespmem:$0x470];
	v5 =	vsel vm13, v41, v38;
	vm12 =	vgt.s32 v62, $0x7A11FF;
	vm13 =	vgt.s32 v47, $0x10F446  }
0x34: {  	vm0 =	vgt.s32 v37, $0xF423F;
	v40 =	vadd.s32 $0xFFF0BDC0, v37;
	vm1 =	vgt.s32 v5, $0x3D08FF  }
0x35: {  	v43 =	vadd.s32 $0xFFC2F700, v5;
	v24 =	vsel vm13, $0x10F447, v0;
	v19 =	vadd.s32 $0xFF74F9B9, v51  }
0x36: {  	v35 =	vld [tilespmem:$0x90];
	v1 =	vadd.s32 v34, v36;
	v3 =	vsel vm0, v40, v37;
	v4 =	vsel vm1, v43, v5  }
0x37: {  	vm1 =	vgt.s32 v54, $0x3D08FF;
	v37 =	vsel vm9, $0x10F447, v0;
	v3 =	vsel vm14, v3, v28  }
0x38: {  	v22 =	vld [tilespmem:$0x450];
	vm15 =	vgt.s32 v4, $0x1E847F;
	v5 =	vadd.s32 $0xFFE17B80, v4;
	v40 =	vadd.s32 v33, v37  }
0x39: {  	v3 =	vmul.u32 $0xA, v3;
	v4 =	vsel vm15, v5, v4;
	v5 =	vsel vm4, v46, v45  }
0x3a: {  	v43 =	vld [tilespmem:$0xA0];
	vm15 =	vgt.s32 v25, $0x7A11FF;
	vm5 =	vgt.s32 v4, $0xF423F;
	v48 =	vadd.s32 $0xFFF0BDC0, v4  }
0x3b: {  	vm0 =	vgt.s32 v5, $0x3D08FF;
	v11 =	vadd.s32 $0xFFC2F700, v5;
	v42 =	vadd.s32 $0xFFEF0BB9, v35  }
0x3c: {  	v45 =	vadd.s32 $0xFF74F9B9, v35;
	v3 =	vadd.s32 v3, v8;
	v4 =	vsel vm5, v48, v4  }
0x3d: {  	v29 =	vld [tilespmem:$0x460];
	v5 =	vsel vm0, v11, v5;
	v8 =	vsel vm1, v56, v54;
	v11 =	vadd.s32 v22, v24  }
0x3e: {  	vm5 =	vgt.s32 v55, $0x10F446;
	v56 =	vadd.s32 $0xFFEF0BB9, v51;
	vm7 =	vgt.s32 v5, $0x1E847F  }
0x3f: {  	v50 =	vadd.s32 $0xFFE17B80, v5;
	v4 =	vsel vm6, v4, v31;
	vm11 =	vgt.s32 v8, $0x1E847F  }
0x40: {  	v59 =	vadd.s32 $0xFFE17B80, v8;
	v31 =	vsel vm5, $0x10F447, v0;
	v49 =	vadd.s32 $0xFFEF0BB9, v43  }
0x41: {  	v24 =	vld [tilespmem:$0xD0];
	v5 =	vsel vm7, v50, v5;
	v4 =	vmul.u32 $0xA, v4;
	v61 =	vsel vm11, v59, v8  }
0x42: {  	v10 =	vadd.s32 v29, v31;
	vm11 =	vgt.s32 v42, $0x7A11FF;
	vm8 =	vgt.s32 v5, $0xF423F  }
0x43: {  	v12 =	vadd.s32 $0xFFF0BDC0, v5;
	vm0 =	vgt.s32 v61, $0xF423F;
	v20 =	vadd.s32 $0xFFF0BDC0, v61  }
0x44: {  	v50 =	vadd.s32 $0xFF74F9B9, v43;
	v5 =	vsel vm8, v12, v5;
	v6 =	vsel vm0, v20, v61  }
0x45: {  	v57 =	vld [tilespmem:$0x4A0];
	vm8 =	vgt.s32 v32, $0x7A11FF;
	v5 =	vsel vm10, v5, v39;
	v6 =	vsel vm13, v6, v47  }
0x46: {  	v34 =	vsel vm8, v16, v32;
	vm8 =	vgt.s32 v43, $0x10F446;
	v31 =	vadd.s32 $0xFF74F9B9, v24  }
0x47: {  	v59 =	vld [tilespmem:$0xC0];
	v58 =	vmul.u32 $0xA, v5;
	v5 =	vadd.s32 v4, v7;
	v7 =	vsel vm12, v21, v62  }
0x48: {  	v6 =	vmul.u32 $0xA, v6;
	v36 =	vadd.s32 $0xFFC2F700, v34;
	vm12 =	vgt.s32 v27, $0x10F446  }
0x49: {  	v61 =	vsel vm8, $0x10F447, v0;
	vm1 =	vgt.s32 v7, $0x3D08FF;
	v23 =	vadd.s32 $0xFFC2F700, v7  }
0x4a: {  	v32 =	vld [tilespmem:$0xE0];
	v48 =	vsel vm12, $0x10F447, v0;
	v21 =	vadd.s32 v57, v61;
	v4 =	vadd.s32 v58, v60  }
0x4b: {  	v7 =	vsel vm1, v23, v7;
	v6 =	vadd.s32 v6, v11;
	vm1 =	vgt.s32 v34, $0x3D08FF  }
0x4c: {  	v23 =	vadd.s32 $0xFFEF0BB9, v59;
	vm14 =	vgt.s32 v7, $0x1E847F;
	v9 =	vadd.s32 $0xFFE17B80, v7  }
0x4d: {  	v46 =	vld [tilespmem:$0x480];
	v11 =	vsel vm1, v36, v34;
	v7 =	vsel vm14, v9, v7;
	v9 =	vsel vm15, v26, v25  }
0x4e: {  	vm10 =	vgt.s32 v11, $0x1E847F;
	v39 =	vadd.s32 $0xFFE17B80, v11;
	vm14 =	vgt.s32 v49, $0x7A11FF  }
0x4f: {  	v26 =	vadd.s32 $0xFF74F9B9, v59;
	v37 =	vadd.s32 $0xFFEF0BB9, v32;
	vm4 =	vgt.s32 v7, $0xF423F  }
0x50: {  	v28 =	vadd.s32 $0xFFF0BDC0, v7;
	vm0 =	vgt.s32 v9, $0x3D08FF;
	v14 =	vadd.s32 $0xFFC2F700, v9  }
0x51: {  	v53 =	vld [tilespmem:$0x490];
	v41 =	vsel vm10, v39, v11;
	vm10 =	vgt.s32 v23, $0x7A11FF;
	v7 =	vsel vm4, v28, v7  }
0x52: {  	v9 =	vsel vm0, v14, v9;
	vm0 =	vgt.s32 v41, $0xF423F;
	v44 =	vadd.s32 $0xFFF0BDC0, v41  }
0x53: {  	v14 =	vadd.s32 v46, v48;
	vm6 =	vgt.s32 v9, $0x1E847F;
	v30 =	vadd.s32 $0xFFE17B80, v9  }
0x54: {  	vm4 =	vgt.s32 v35, $0x10F446;
	v48 =	vld [tilespmem:$0x100];
	v7 =	vsel vm5, v7, v55;
	v9 =	vsel vm6, v30, v9  }
0x55: {  	v55 =	vsel vm4, $0x10F447, v0;
	vm7 =	vgt.s32 v9, $0xF423F;
	v15 =	vadd.s32 $0xFFF0BDC0, v9  }
0x56: {  	v7 =	vmul.u32 $0xA, v7;
	v13 =	vadd.s32 v53, v55;
	v9 =	vsel vm7, v15, v9  }
0x57: {  	v30 =	vadd.s32 $0xFFEF0BB9, v24;
	vm7 =	vgt.s32 v56, $0x7A11FF;
	v8 =	vsel vm9, v9, v63  }
0x58: {  	v9 =	vsel vm0, v44, v41;
	v58 =	vsel vm7, v19, v56;
	vm7 =	vgt.s32 v24, $0x10F446  }
0x59: {  	v55 =	vadd.s32 $0xFF74F9B9, v48;
	v38 =	vmul.u32 $0xA, v8;
	v8 =	vadd.s32 v7, v10  }
0x5a: {  	v10 =	vsel vm11, v45, v42;
	v9 =	vsel vm12, v9, v27;
	v60 =	vadd.s32 $0xFFC2F700, v58  }
0x5b: {  	vm11 =	vgt.s32 v51, $0x10F446;
	v42 =	vsel vm7, $0x10F447, v0;
	vm1 =	vgt.s32 v10, $0x3D08FF  }
0x5c: {  	v56 =	vld [tilespmem:$0x110];
	v47 =	vadd.s32 $0xFFC2F700, v10;
	v9 =	vmul.u32 $0xA, v9;
	v29 =	vsel vm11, $0x10F447, v0  }
0x5d: {  	v7 =	vadd.s32 v38, v40;
	v10 =	vsel vm1, v47, v10;
	vm1 =	vgt.s32 v58, $0x3D08FF  }
0x5e: {  	v27 =	vld [tilespmem:$0x4B0];
	vm13 =	vgt.s32 v10, $0x1E847F;
	v12 =	vadd.s32 $0xFFE17B80, v10;
	v9 =	vadd.s32 v9, v14  }
0x5f: {  	v38 =	vld [tilespmem:$0x4D0];
	v14 =	vsel vm1, v60, v58;
	v10 =	vsel vm13, v12, v10;
	v12 =	vsel vm14, v50, v49  }
0x60: {  	vm9 =	vgt.s32 v14, $0x1E847F;
	v63 =	vadd.s32 $0xFFE17B80, v14;
	vm13 =	vgt.s32 v30, $0x7A11FF  }
0x61: {  	v40 =	vld [tilespmem:$0xF0];
	v61 =	vadd.s32 $0xFFEF0BB9, v56;
	vm15 =	vgt.s32 v10, $0xF423F;
	v52 =	vadd.s32 $0xFFF0BDC0, v10  }
0x62: {  	vm0 =	vgt.s32 v12, $0x3D08FF;
	v17 =	vadd.s32 $0xFFC2F700, v12;
	v22 =	vsel vm9, v63, v14  }
0x63: {  	v34 =	vld [tilespmem:$0x4C0];
	v10 =	vsel vm15, v52, v10;
	v12 =	vsel vm0, v17, v12;
	vm0 =	vgt.s32 v22, $0xF423F  }
0x64: {  	v25 =	vadd.s32 $0xFFF0BDC0, v22;
	v17 =	vadd.s32 v27, v29;
	vm15 =	vgt.s32 v59, $0x10F446  }
0x65: {  	vm5 =	vgt.s32 v12, $0x1E847F;
	v54 =	vadd.s32 $0xFFE17B80, v12;
	v10 =	vsel vm4, v10, v35  }
0x66: {  	v36 =	vsel vm15, $0x10F447, v0;
	v45 =	vadd.s32 v38, v42;
	v47 =	vadd.s32 $0xFFEF0BB9, v40  }
0x67: {  	v50 =	vadd.s32 $0xFF74F9B9, v40;
	v12 =	vsel vm5, v54, v12;
	v10 =	vmul.u32 $0xA, v10  }
0x68: {  	v16 =	vadd.s32 v34, v36;
	vm6 =	vgt.s32 v12, $0xF423F;
	v18 =	vadd.s32 $0xFFF0BDC0, v12  }
0x69: {  	vm9 =	vgt.s32 v47, $0x7A11FF;
	v54 =	vadd.s32 $0xFFEF0BB9, v48;
	v12 =	vsel vm6, v18, v12  }
0x6a: {  	v36 =	vld [tilespmem:$0x130];
	vm6 =	vgt.s32 v37, $0x7A11FF;
	v11 =	vsel vm8, v12, v43;
	v12 =	vsel vm0, v25, v22  }
0x6b: {  	v22 =	vadd.s32 $0xFF74F9B9, v32;
	v25 =	vadd.s32 $0xFF74F9B9, v56;
	v62 =	vmul.u32 $0xA, v11  }
0x6c: {  	v11 =	vadd.s32 v10, v13;
	v13 =	vsel vm10, v26, v23;
	v12 =	vsel vm11, v12, v51  }
0x6d: {  	v39 =	vsel vm6, v22, v37;
	vm10 =	vgt.s32 v32, $0x10F446;
	vm6 =	vgt.s32 v48, $0x10F446  }
0x6e: {  	vm1 =	vgt.s32 v13, $0x3D08FF;
	v28 =	vadd.s32 $0xFFC2F700, v13;
	v12 =	vmul.u32 $0xA, v12  }
0x6f: {  	v41 =	vadd.s32 $0xFFC2F700, v39;
	v53 =	vsel vm10, $0x10F447, v0;
	v42 =	vadd.s32 $0xFFEF0BB9, v36  }
0x70: {  	v10 =	vadd.s32 v62, v21;
	v13 =	vsel vm1, v28, v13;
	vm1 =	vgt.s32 v39, $0x3D08FF  }
0x71: {  	v51 =	vld [tilespmem:$0x4E0];
	vm12 =	vgt.s32 v13, $0x1E847F;
	v15 =	vadd.s32 $0xFFE17B80, v13;
	v12 =	vadd.s32 v12, v17  }
0x72: {  	v62 =	vld [tilespmem:$0x500];
	v17 =	vsel vm1, v41, v39;
	v13 =	vsel vm12, v15, v13;
	v15 =	vsel vm13, v31, v30  }
0x73: {  	vm8 =	vgt.s32 v17, $0x1E847F;
	v44 =	vadd.s32 $0xFFE17B80, v17;
	vm12 =	vgt.s32 v54, $0x7A11FF  }
0x74: {  	v28 =	vld [tilespmem:$0x120];
	v30 =	vsel vm6, $0x10F447, v0;
	vm14 =	vgt.s32 v13, $0xF423F;
	v33 =	vadd.s32 $0xFFF0BDC0, v13  }
0x75: {  	v58 =	vld [tilespmem:$0x4F0];
	vm0 =	vgt.s32 v15, $0x3D08FF;
	v20 =	vadd.s32 $0xFFC2F700, v15;
	v46 =	vsel vm8, v44, v17  }
0x76: {  	v13 =	vsel vm14, v33, v13;
	v15 =	vsel vm0, v20, v15;
	vm0 =	vgt.s32 v46, $0xF423F  }
0x77: {  	v49 =	vadd.s32 $0xFFF0BDC0, v46;
	v20 =	vadd.s32 v51, v53;
	vm14 =	vgt.s32 v40, $0x10F446  }
0x78: {  	vm4 =	vgt.s32 v15, $0x1E847F;
	v35 =	vadd.s32 $0xFFE17B80, v15;
	v13 =	vsel vm15, v13, v59  }
0x79: {  	v44 =	vld [tilespmem:$0x140];
	v60 =	vsel vm14, $0x10F447, v0;
	v33 =	vadd.s32 v62, v30;
	v38 =	vadd.s32 $0xFF74F9B9, v28  }
0x7a: {  	v15 =	vsel vm4, v35, v15;
	v13 =	vmul.u32 $0xA, v13;
	v19 =	vadd.s32 v58, v60  }
0x7b: {  	v35 =	vadd.s32 $0xFFEF0BB9, v28;
	vm5 =	vgt.s32 v15, $0xF423F;
	v21 =	vadd.s32 $0xFFF0BDC0, v15  }
0x7c: {  	vm8 =	vgt.s32 v35, $0x7A11FF;
	v15 =	vsel vm5, v21, v15;
	vm5 =	vgt.s32 v61, $0x7A11FF  }
0x7d: {  	v14 =	vsel vm7, v15, v24;
	v15 =	vsel vm0, v49, v46;
	v63 =	vsel vm5, v25, v61  }
0x7e: {  	v49 =	vadd.s32 $0xFFEF0BB9, v44;
	vm5 =	vgt.s32 v36, $0x10F446;
	v43 =	vmul.u32 $0xA, v14  }
0x7f: {  	v14 =	vadd.s32 v13, v16;
	v16 =	vsel vm9, v50, v47;
	v15 =	vsel vm10, v15, v32  }
0x80: {  	v29 =	vadd.s32 $0xFFC2F700, v63;
	vm9 =	vgt.s32 v56, $0x10F446;
	vm1 =	vgt.s32 v16, $0x3D08FF  }
0x81: {  	v52 =	vadd.s32 $0xFFC2F700, v16;
	v15 =	vmul.u32 $0xA, v15;
	v41 =	vsel vm9, $0x10F447, v0  }
0x82: {  	v13 =	vadd.s32 v43, v45;
	v16 =	vsel vm1, v52, v16;
	vm1 =	vgt.s32 v63, $0x3D08FF  }
0x83: {  	v43 =	vadd.s32 $0xFF74F9B9, v36;
	vm11 =	vgt.s32 v16, $0x1E847F;
	v18 =	vadd.s32 $0xFFE17B80, v16  }
0x84: {  	v39 =	vld [tilespmem:$0x510];
	v15 =	vadd.s32 v15, v20;
	v20 =	vsel vm1, v29, v63;
	v16 =	vsel vm11, v18, v16  }
0x85: {  	v18 =	vsel vm12, v55, v54;
	vm7 =	vgt.s32 v20, $0x1E847F;
	v32 =	vadd.s32 $0xFFE17B80, v20  }
0x86: {  	v50 =	vld [tilespmem:$0x530];
	vm11 =	vgt.s32 v42, $0x7A11FF;
	v54 =	vsel vm5, $0x10F447, v0;
	vm13 =	vgt.s32 v16, $0xF423F  }
0x87: {  	v52 =	vld [tilespmem:$0x150];
	v57 =	vadd.s32 $0xFFF0BDC0, v16;
	vm0 =	vgt.s32 v18, $0x3D08FF;
	v23 =	vadd.s32 $0xFFC2F700, v18  }
0x88: {  	v34 =	vsel vm7, v32, v20;
	v16 =	vsel vm13, v57, v16;
	v18 =	vsel vm0, v23, v18  }
0x89: {  	v60 =	vld [tilespmem:$0x160];
	vm0 =	vgt.s32 v34, $0xF423F;
	v37 =	vadd.s32 $0xFFF0BDC0, v34;
	v23 =	vadd.s32 v39, v41  }
0x8a: {  	vm13 =	vgt.s32 v28, $0x10F446;
	vm15 =	vgt.s32 v18, $0x1E847F;
	v59 =	vadd.s32 $0xFFE17B80, v18  }
0x8b: {  	v57 =	vadd.s32 v50, v54;
	v16 =	vsel vm14, v16, v40;
	v18 =	vsel vm15, v59, v18  }
0x8c: {  	v46 =	vld [tilespmem:$0x520];
	v62 =	vadd.s32 $0xFF74F9B9, v52;
	vm4 =	vgt.s32 v18, $0xF423F;
	v24 =	vadd.s32 $0xFFF0BDC0, v18  }
0x8d: {  	v16 =	vmul.u32 $0xA, v16;
	v59 =	vadd.s32 $0xFFEF0BB9, v52;
	v18 =	vsel vm4, v24, v18  }
0x8e: {  	vm7 =	vgt.s32 v59, $0x7A11FF;
	vm4 =	vgt.s32 v49, $0x7A11FF;
	v17 =	vsel vm6, v18, v48  }
0x8f: {  	v18 =	vsel vm0, v37, v34;
	v48 =	vsel vm13, $0x10F447, v0;
	v34 =	vadd.s32 $0xFF74F9B9, v60  }
0x90: {  	v31 =	vmul.u32 $0xA, v17;
	v17 =	vadd.s32 v16, v19;
	v19 =	vsel vm8, v38, v35  }
0x91: {  	v18 =	vsel vm9, v18, v56;
	v22 =	vadd.s32 v46, v48;
	vm8 =	vgt.s32 v44, $0x10F446  }
0x92: {  	v35 =	vld [tilespmem:$0x170];
	vm1 =	vgt.s32 v19, $0x3D08FF;
	v40 =	vadd.s32 $0xFFC2F700, v19;
	v18 =	vmul.u32 $0xA, v18  }
0x93: {  	v63 =	vld [tilespmem:$0x540];
	v32 =	vsel vm8, $0x10F447, v0;
	v16 =	vadd.s32 v31, v33;
	v19 =	vsel vm1, v40, v19  }
0x94: {  	v33 =	vadd.s32 $0xFFEF0BB9, v60;
	vm10 =	vgt.s32 v19, $0x1E847F;
	v21 =	vadd.s32 $0xFFE17B80, v19  }
0x95: {  	v18 =	vadd.s32 v18, v23;
	v19 =	vsel vm10, v21, v19;
	v21 =	vsel vm11, v43, v42  }
0x96: {  	v37 =	vld [tilespmem:$0x550];
	vm10 =	vgt.s32 v33, $0x7A11FF;
	vm12 =	vgt.s32 v19, $0xF423F;
	v45 =	vadd.s32 $0xFFF0BDC0, v19  }
0x97: {  	vm0 =	vgt.s32 v21, $0x3D08FF;
	v26 =	vadd.s32 $0xFFC2F700, v21;
	v40 =	vadd.s32 $0xFFEF0BB9, v35  }
0x98: {  	v43 =	vld [tilespmem:$0x180];
	v19 =	vsel vm12, v45, v19;
	v21 =	vsel vm0, v26, v21;
	v26 =	vadd.s32 v63, v32  }
0x99: {  	vm12 =	vgt.s32 v52, $0x10F446;
	vm14 =	vgt.s32 v21, $0x1E847F;
	v47 =	vadd.s32 $0xFFE17B80, v21  }
0x9a: {  	v41 =	vld [tilespmem:$0x560];
	v19 =	vsel vm13, v19, v28;
	v28 =	vadd.s32 $0xFF74F9B9, v44;
	v39 =	vsel vm12, $0x10F447, v0  }
0x9b: {  	v21 =	vsel vm14, v47, v21;
	v19 =	vmul.u32 $0xA, v19;
	v51 =	vsel vm4, v28, v49  }
0x9c: {  	v25 =	vadd.s32 v37, v39;
	vm4 =	vgt.s32 v60, $0x10F446;
	vm15 =	vgt.s32 v21, $0xF423F  }
0x9d: {  	v27 =	vadd.s32 $0xFFF0BDC0, v21;
	vm1 =	vgt.s32 v51, $0x3D08FF;
	v53 =	vadd.s32 $0xFFC2F700, v51  }
0x9e: {  	v45 =	vsel vm4, $0x10F447, v0;
	v50 =	vadd.s32 $0xFFEF0BB9, v43;
	v21 =	vsel vm15, v27, v21  }
0x9f: {  	v23 =	vsel vm1, v53, v51;
	vm15 =	vgt.s32 v40, $0x7A11FF;
	v48 =	vadd.s32 v41, v45  }
0xa0: {  	v53 =	vadd.s32 $0xFF74F9B9, v43;
	v20 =	vsel vm5, v21, v36;
	vm6 =	vgt.s32 v23, $0x1E847F  }
0xa1: {  	v56 =	vadd.s32 $0xFFE17B80, v23;
	v55 =	vmul.u32 $0xA, v20;
	v20 =	vadd.s32 v19, v22  }
0xa2: {  	v51 =	vld [tilespmem:$0x190];
	v58 =	vsel vm6, v56, v23;
	v22 =	vsel vm7, v62, v59;
	vm6 =	vgt.s32 v50, $0x7A11FF  }
0xa3: {  	vm7 =	vgt.s32 v35, $0x10F446;
	vm0 =	vgt.s32 v58, $0xF423F;
	v61 =	vadd.s32 $0xFFF0BDC0, v58  }
0xa4: {  	vm1 =	vgt.s32 v22, $0x3D08FF;
	v31 =	vadd.s32 $0xFFC2F700, v22;
	v56 =	vsel vm7, $0x10F447, v0  }
0xa5: {  	v19 =	vadd.s32 v55, v57;
	v21 =	vsel vm0, v61, v58;
	v22 =	vsel vm1, v31, v22  }
0xa6: {  	v31 =	vadd.s32 $0xFF74F9B9, v35;
	v21 =	vsel vm8, v21, v44;
	vm9 =	vgt.s32 v22, $0x1E847F  }
0xa7: {  	v24 =	vadd.s32 $0xFFE17B80, v22;
	v42 =	vsel vm15, v31, v40;
	v57 =	vadd.s32 $0xFFEF0BB9, v51  }
0xa8: {  	v54 =	vld [tilespmem:$0x570];
	v58 =	vadd.s32 $0xFF74F9B9, v51;
	v21 =	vmul.u32 $0xA, v21;
	v22 =	vsel vm9, v24, v22  }
0xa9: {  	v24 =	vsel vm10, v34, v33;
	vm1 =	vgt.s32 v42, $0x3D08FF;
	v44 =	vadd.s32 $0xFFC2F700, v42  }
0xaa: {  	vm9 =	vgt.s32 v57, $0x7A11FF;
	vm11 =	vgt.s32 v22, $0xF423F;
	v36 =	vadd.s32 $0xFFF0BDC0, v22  }
0xab: {  	v59 =	vld [tilespmem:$0x580];
	vm0 =	vgt.s32 v24, $0x3D08FF;
	v29 =	vadd.s32 $0xFFC2F700, v24;
	v21 =	vadd.s32 v21, v26  }
0xac: {  	v22 =	vsel vm11, v36, v22;
	v24 =	vsel vm0, v29, v24;
	v26 =	vsel vm1, v44, v42  }
0xad: {  	v33 =	vld [tilespmem:$0x1A0];
	v29 =	vadd.s32 v54, v56;
	vm11 =	vgt.s32 v43, $0x10F446;
	vm13 =	vgt.s32 v24, $0x1E847F  }
0xae: {  	v38 =	vadd.s32 $0xFFE17B80, v24;
	v22 =	vsel vm12, v22, v52;
	vm5 =	vgt.s32 v26, $0x1E847F  }
0xaf: {  	v47 =	vadd.s32 $0xFFE17B80, v26;
	v62 =	vsel vm11, $0x10F447, v0;
	v24 =	vsel vm13, v38, v24  }
0xb0: {  	v31 =	vld [tilespmem:$0x1F0];
	v22 =	vmul.u32 $0xA, v22;
	v49 =	vsel vm5, v47, v26;
	v28 =	vadd.s32 v59, v62  }
0xb1: {  	vm14 =	vgt.s32 v24, $0xF423F;
	v30 =	vadd.s32 $0xFFF0BDC0, v24;
	vm0 =	vgt.s32 v49, $0xF423F  }
0xb2: {  	v52 =	vadd.s32 $0xFFF0BDC0, v49;
	v37 =	vadd.s32 $0xFFEF0BB9, v33;
	v39 =	vadd.s32 $0xFF74F9B9, v33  }
0xb3: {  	v24 =	vsel vm14, v30, v24;
	vm14 =	vgt.s32 v51, $0x10F446;
	vm15 =	vgt.s32 v37, $0x7A11FF  }
0xb4: {  	v38 =	vld [tilespmem:$0x1B0];
	v23 =	vsel vm4, v24, v60;
	v24 =	vsel vm0, v52, v49;
	v40 =	vsel vm15, v39, v37  }
0xb5: {  	v41 =	vsel vm14, $0x10F447, v0;
	v37 =	vadd.s32 $0xFFEF0BB9, v31;
	v46 =	vmul.u32 $0xA, v23  }
0xb6: {  	v44 =	vld [tilespmem:$0x5A0];
	v23 =	vadd.s32 v22, v25;
	v25 =	vsel vm6, v53, v50;
	v24 =	vsel vm7, v24, v35  }
0xb7: {  	vm4 =	vgt.s32 v40, $0x3D08FF;
	v30 =	vadd.s32 $0xFFC2F700, v40;
	vm7 =	vgt.s32 v33, $0x10F446  }
0xb8: {  	vm1 =	vgt.s32 v25, $0x3D08FF;
	v55 =	vadd.s32 $0xFFC2F700, v25;
	v24 =	vmul.u32 $0xA, v24  }
0xb9: {  	v45 =	vadd.s32 $0xFF74F9B9, v38;
	v52 =	vsel vm7, $0x10F447, v0;
	v25 =	vsel vm1, v55, v25  }
0xba: {  	v22 =	vadd.s32 v46, v48;
	vm8 =	vgt.s32 v25, $0x1E847F;
	v27 =	vadd.s32 $0xFFE17B80, v25  }
0xbb: {  	[tilespmem:$0x800] =	vst v2;
	v48 =	vld [tilespmem:$0x1C0];
	v2 =	vadd.s32 v44, v52;
	v24 =	vadd.s32 v24, v29;
	v25 =	vsel vm8, v27, v25  }
0xbc: {  	v53 =	vld [tilespmem:$0x5B0];
	v27 =	vsel vm9, v58, v57;
	vm9 =	vgt.s32 v38, $0x10F446;
	vm10 =	vgt.s32 v25, $0xF423F  }
0xbd: {  	v60 =	vadd.s32 $0xFFF0BDC0, v25;
	vm0 =	vgt.s32 v27, $0x3D08FF;
	v32 =	vadd.s32 $0xFFC2F700, v27  }
0xbe: {  	v25 =	vsel vm10, v60, v25;
	v27 =	vsel vm0, v32, v27;
	v60 =	vsel vm9, $0x10F447, v0  }
0xbf: {  	v57 =	vld [tilespmem:$0x1D0];
	vm12 =	vgt.s32 v27, $0x1E847F;
	v61 =	vadd.s32 $0xFFE17B80, v27;
	v25 =	vsel vm11, v25, v43  }
0xc0: {  	v63 =	vld [tilespmem:$0x590];
	v43 =	vadd.s32 $0xFFEF0BB9, v38;
	v54 =	vadd.s32 $0xFFEF0BB9, v48;
	v56 =	vadd.s32 $0xFF74F9B9, v48  }
0xc1: {  	[tilespmem:$0x830] =	vst v5;
	v5 =	vadd.s32 v53, v60;
	vm2 =	vgt.s32 v48, $0x10F446;
	v27 =	vsel vm12, v61, v27  }
0xc2: {  	v25 =	vmul.u32 $0xA, v25;
	vm5 =	vgt.s32 v43, $0x7A11FF;
	vm8 =	vgt.s32 v54, $0x7A11FF  }
0xc3: {  	vm13 =	vgt.s32 v27, $0xF423F;
	v36 =	vadd.s32 $0xFFF0BDC0, v27;
	v47 =	vsel vm5, v45, v43  }
0xc4: {  	v59 =	vsel vm8, v56, v54;
	v61 =	vadd.s32 $0xFFEF0BB9, v57;
	vm8 =	vgt.s32 v31, $0x10F446  }
0xc5: {  	v35 =	vld [tilespmem:$0x5D0];
	v27 =	vsel vm13, v36, v27;
	v25 =	vadd.s32 v25, v28;
	v28 =	vadd.s32 v63, v41  }
0xc6: {  	[tilespmem:$0x850] =	vst v6;
	v29 =	vadd.s32 $0xFFC2F700, v47;
	vm1 =	vgt.s32 v59, $0x3D08FF;
	v6 =	vadd.s32 $0xFFC2F700, v59  }
0xc7: {  	vm11 =	vgt.s32 v61, $0x7A11FF;
	v63 =	vadd.s32 $0xFF74F9B9, v57;
	vm13 =	vgt.s32 v57, $0x10F446  }
0xc8: {  	[tilespmem:$0x810] =	vst v1;
	v26 =	vsel vm14, v27, v51;
	v27 =	vsel vm4, v30, v40;
	v36 =	vsel vm13, $0x10F447, v0  }
0xc9: {  	[tilespmem:$0x820] =	vst v3;
	v26 =	vmul.u32 $0xA, v26;
	vm0 =	vgt.s32 v27, $0x1E847F;
	v42 =	vadd.s32 $0xFFE17B80, v27  }
0xca: {  	[tilespmem:$0x8A0] =	vst v10;
	vm4 =	vgt.s32 v37, $0x7A11FF;
	v10 =	vadd.s32 v35, v36;
	v27 =	vsel vm0, v42, v27  }
0xcb: {  	[tilespmem:$0x840] =	vst v4;
	v62 =	vld [tilespmem:$0x5C0];
	vm0 =	vgt.s32 v47, $0x3D08FF;
	v46 =	vadd.s32 v26, v28;
	vm6 =	vgt.s32 v27, $0xF423F  }
0xcc: {  	[tilespmem:$0x860] =	vst v8;
	v49 =	vadd.s32 $0xFFF0BDC0, v27;
	v50 =	vsel vm0, v29, v47;
	v29 =	vsel vm2, $0x10F447, v0  }
0xcd: {  	[tilespmem:$0x870] =	vst v7;
	v26 =	vld [tilespmem:$0x1E0];
	v3 =	vsel vm6, v49, v27;
	vm0 =	vgt.s32 v50, $0x1E847F;
	v51 =	vadd.s32 $0xFFE17B80, v50  }
0xce: {  	[tilespmem:$0x880] =	vst v9;
	v47 =	vsel vm8, $0x10F447, v0;
	v3 =	vsel vm7, v3, v33;
	v4 =	vsel vm0, v51, v50  }
0xcf: {  	[tilespmem:$0x890] =	vst v11;
	v3 =	vmul.u32 $0xA, v3;
	vm0 =	vgt.s32 v4, $0xF423F;
	v55 =	vadd.s32 $0xFFF0BDC0, v4  }
0xd0: {  	[tilespmem:$0x8B0] =	vst v12;
	v30 =	vadd.s32 v62, v29;
	v58 =	vsel vm0, v55, v4;
	v4 =	vsel vm1, v6, v59  }
0xd1: {  	[tilespmem:$0x8C0] =	vst v14;
	v2 =	vadd.s32 v3, v2;
	v3 =	vsel vm9, v58, v38;
	vm10 =	vgt.s32 v4, $0x1E847F  }
0xd2: {  	v6 =	vadd.s32 $0xFFE17B80, v4;
	v33 =	vadd.s32 $0xFFEF0BB9, v26;
	v34 =	vadd.s32 $0xFF74F9B9, v26  }
0xd3: {  	[tilespmem:$0x8D0] =	vst v13;
	v38 =	vadd.s32 $0xFF74F9B9, v31;
	v4 =	vsel vm10, v6, v4;
	v6 =	vsel vm11, v63, v61  }
0xd4: {  	vm6 =	vgt.s32 v26, $0x10F446;
	vm12 =	vgt.s32 v6, $0x3D08FF;
	v8 =	vadd.s32 $0xFFC2F700, v6  }
0xd5: {  	[tilespmem:$0x8E0] =	vst v15;
	vm0 =	vgt.s32 v4, $0xF423F;
	v12 =	vadd.s32 $0xFFF0BDC0, v4;
	v6 =	vsel vm12, v8, v6  }
0xd6: {  	[tilespmem:$0x8F0] =	vst v17;
	v4 =	vsel vm0, v12, v4;
	vm0 =	vgt.s32 v6, $0x1E847F;
	v8 =	vadd.s32 $0xFFE17B80, v6  }
0xd7: {  	[tilespmem:$0x900] =	vst v16;
	v3 =	vmul.u32 $0xA, v3;
	vm14 =	vgt.s32 v33, $0x7A11FF;
	v6 =	vsel vm0, v8, v6  }
0xd8: {  	[tilespmem:$0x990] =	vst v46;
	v46 =	vsel vm6, $0x10F447, v0;
	vm0 =	vgt.s32 v6, $0xF423F;
	v32 =	vadd.s32 $0xFFF0BDC0, v6  }
0xd9: {  	[tilespmem:$0x910] =	vst v18;
	v3 =	vadd.s32 v3, v5;
	v5 =	vsel vm0, v32, v6;
	v6 =	vsel vm14, v34, v33  }
0xda: {  	[tilespmem:$0x920] =	vst v20;
	v4 =	vsel vm2, v4, v48;
	vm15 =	vgt.s32 v6, $0x3D08FF;
	v8 =	vadd.s32 $0xFFC2F700, v6  }
0xdb: {  	[tilespmem:$0x930] =	vst v19;
	v4 =	vmul.u32 $0xA, v4;
	v6 =	vsel vm15, v8, v6;
	v8 =	vsel vm4, v38, v37  }
0xdc: {  	[tilespmem:$0x940] =	vst v21;
	v5 =	vsel vm13, v5, v57;
	vm0 =	vgt.s32 v8, $0x3D08FF;
	v12 =	vadd.s32 $0xFFC2F700, v8  }
0xdd: {  	[tilespmem:$0x950] =	vst v23;
	vm5 =	vgt.s32 v6, $0x1E847F;
	v39 =	vadd.s32 $0xFFE17B80, v6;
	v8 =	vsel vm0, v12, v8  }
0xde: {  	[tilespmem:$0x960] =	vst v22;
	v40 =	vld [tilespmem:$0x5E0];
	v6 =	vsel vm5, v39, v6;
	vm0 =	vgt.s32 v8, $0x1E847F;
	v42 =	vadd.s32 $0xFFE17B80, v8  }
0xdf: {  	[tilespmem:$0x970] =	vst v24;
	v43 =	vld [tilespmem:$0x5F0];
	vm1 =	vgt.s32 v6, $0xF423F;
	v41 =	vadd.s32 $0xFFF0BDC0, v6;
	v8 =	vsel vm0, v42, v8  }
0xe0: {  	[tilespmem:$0x980] =	vst v25;
	v6 =	vsel vm1, v41, v6;
	vm7 =	vgt.s32 v8, $0xF423F;
	v44 =	vadd.s32 $0xFFF0BDC0, v8  }
0xe1: {  	[tilespmem:$0x9A0] =	vst v2;
	v5 =	vmul.u32 $0xA, v5;
	v45 =	vsel vm6, v6, v26;
	v1 =	vsel vm7, v44, v8  }
0xe2: {  	[tilespmem:$0x9B0] =	vst v3;
	v4 =	vadd.s32 v4, v30;
	v2 =	vmul.u32 $0xA, v45;
	v1 =	vsel vm8, v1, v31  }
0xe3: {  	v3 =	vadd.s32 v40, v46;
	[tilespmem:$0x9C0] =	vst v4;
	v5 =	vadd.s32 v5, v10;
	v1 =	vmul.u32 $0xA, v1  }
0xe4: {  	v48 =	vadd.s32 v43, v47;
	[tilespmem:$0x9D0] =	vst v5;
	v2 =	vadd.s32 v2, v3  }
0xe5: {  	[tilespmem:$0x9E0] =	vst v2;
	v1 =	vadd.s32 v1, v48  }
0xe6: {  	s25 =	simm.s32 $0x800;
	s26 =	simm.s32 $0x3;
	s5 =	sadd.s32 s3, s5;
	[tilespmem:$0x9F0] =	vst v1  }
0xe7: {  	[hbm4b:s5+s2] =	stream.linear.scatter [tilespmem:s25], [sflag:$0x5], $0x200, $0x38;
	[tilespmem:$0xC00] =	vst v63  }
0xe8: {  	_ =	swait.ge [sflag:s26], $0x200  }
0xe9: {  	[sflag:s26] =	ssyncset.done $0x0  }
0xea: {  	s28 =	simm.s32 $0x4;
	[sflag:s26] =	ssyncadd.s32 $0xFFFFFE00  }
0xeb: {  	_ =	swait.ge [sflag:s28], $0x200  }
0xec: {  	[sflag:s28] =	ssyncset.done $0x0  }
0xed: {  	[sflag:s28] =	ssyncadd.s32 $0xFFFFFE00  }
0xee: {  	v49 =	vld [tilespmem:$0x200]  }
0xef: {  	v50 =	vld [tilespmem:$0x210]  }
0xf0: {  	v56 =	vld [tilespmem:$0x220]  }
0xf1: {  	v59 =	vld [tilespmem:$0x230]  }
0xf2: {  	v26 =	vld [tilespmem:$0x240]  }
0xf3: {  	v32 =	vld [tilespmem:$0x250]  }
0xf4: {  	v46 =	vld [tilespmem:$0x270];
	v51 =	vadd.s32 $0xFFEF0BB9, v49;
	v52 =	vadd.s32 $0xFF74F9B9, v49;
	v53 =	vadd.s32 $0xFFEF0BB9, v50  }
0xf5: {  	v54 =	vadd.s32 $0xFF74F9B9, v50;
	vm12 =	vgt.s32 v49, $0x10F446;
	v61 =	vadd.s32 $0xFFEF0BB9, v56  }
0xf6: {  	vm14 =	vgt.s32 v50, $0x10F446;
	v62 =	vadd.s32 $0xFF74F9B9, v56;
	v24 =	vadd.s32 $0xFFEF0BB9, v59  }
0xf7: {  	v25 =	vadd.s32 $0xFF74F9B9, v59;
	vm8 =	vgt.s32 v56, $0x10F446;
	v31 =	vadd.s32 $0xFFEF0BB9, v26  }
0xf8: {  	v33 =	vadd.s32 $0xFF74F9B9, v26;
	v39 =	vadd.s32 $0xFF74F9B9, v32;
	vm9 =	vgt.s32 v51, $0x7A11FF  }
0xf9: {  	vm10 =	vgt.s32 v53, $0x7A11FF;
	vm15 =	vgt.s32 v61, $0x7A11FF;
	v63 =	vsel vm12, $0x10F447, v0  }
0xfa: {  	vm5 =	vgt.s32 v24, $0x7A11FF;
	v28 =	vsel vm14, $0x10F447, v0;
	v36 =	vsel vm8, $0x10F447, v0  }
0xfb: {  	v3 =	vsel vm9, v52, v51;
	v23 =	vsel vm15, v62, v61;
	vm15 =	vgt.s32 v26, $0x10F446  }
0xfc: {  	v38 =	vadd.s32 $0xFFEF0BB9, v32;
	v51 =	vadd.s32 $0xFFEF0BB9, v46;
	v52 =	vld [tilespmem:$0x600];
	vm0 =	vgt.s32 v3, $0x3D08FF  }
0xfd: {  	v4 =	vadd.s32 $0xFFC2F700, v3;
	vm4 =	vgt.s32 v23, $0x3D08FF;
	v47 =	vsel vm15, $0x10F447, v0  }
0xfe: {  	v62 =	vld [tilespmem:$0x290];
	v3 =	vsel vm0, v4, v3;
	v4 =	vsel vm10, v54, v53;
	vm10 =	vgt.s32 v31, $0x7A11FF  }
0xff: {  	v53 =	vadd.s32 $0xFF74F9B9, v46;
	vm11 =	vgt.s32 v3, $0x1E847F;
	v55 =	vadd.s32 $0xFFE17B80, v3  }
0x100: {  	vm0 =	vgt.s32 v4, $0x3D08FF;
	v5 =	vadd.s32 $0xFFC2F700, v4;
	v34 =	vsel vm10, v33, v31  }
0x101: {  	v42 =	vld [tilespmem:$0x260];
	v3 =	vsel vm11, v55, v3;
	v4 =	vsel vm0, v5, v4;
	v11 =	vadd.s32 $0xFFC2F700, v34  }
0x102: {  	vm1 =	vgt.s32 v3, $0xF423F;
	v57 =	vadd.s32 $0xFFF0BDC0, v3;
	vm0 =	vgt.s32 v4, $0x1E847F  }
0x103: {  	v58 =	vadd.s32 $0xFFE17B80, v4;
	v8 =	vadd.s32 v52, v63;
	v31 =	vadd.s32 $0xFFEF0BB9, v62  }
0x104: {  	v3 =	vsel vm1, v57, v3;
	v4 =	vsel vm0, v58, v4;
	vm1 =	vgt.s32 v34, $0x3D08FF  }
0x105: {  	vm13 =	vgt.s32 v4, $0xF423F;
	v7 =	vadd.s32 $0xFFF0BDC0, v4;
	v1 =	vsel vm12, v3, v49  }
0x106: {  	v6 =	vsel vm1, v11, v34;
	vm12 =	vgt.s32 v38, $0x7A11FF;
	v49 =	vadd.s32 $0xFFEF0BB9, v42  }
0x107: {  	v60 =	vsel vm13, v7, v4;
	v4 =	vadd.s32 $0xFFC2F700, v23;
	vm11 =	vgt.s32 v6, $0x1E847F  }
0x108: {  	v33 =	vld [tilespmem:$0x630];
	v37 =	vadd.s32 $0xFFE17B80, v6;
	vm13 =	vgt.s32 v59, $0x10F446;
	v1 =	vmul.u32 $0xA, v1  }
0x109: {  	v2 =	vsel vm14, v60, v50;
	v3 =	vsel vm4, v4, v23;
	v4 =	vsel vm5, v25, v24  }
0x10a: {  	v6 =	vsel vm11, v37, v6;
	v45 =	vsel vm13, $0x10F447, v0;
	v50 =	vadd.s32 $0xFF74F9B9, v42  }
0x10b: {  	vm6 =	vgt.s32 v3, $0x1E847F;
	v27 =	vadd.s32 $0xFFE17B80, v3;
	vm0 =	vgt.s32 v4, $0x3D08FF  }
0x10c: {  	v7 =	vadd.s32 $0xFFC2F700, v4;
	vm14 =	vgt.s32 v6, $0xF423F;
	v40 =	vadd.s32 $0xFFF0BDC0, v6  }
0x10d: {  	v1 =	vadd.s32 v1, v8;
	v2 =	vmul.u32 $0xA, v2;
	v11 =	vadd.s32 v33, v45  }
0x10e: {  	v3 =	vsel vm6, v27, v3;
	v4 =	vsel vm0, v7, v4;
	v7 =	vsel vm12, v39, v38  }
0x10f: {  	v43 =	vsel vm14, v40, v6;
	vm6 =	vgt.s32 v32, $0x10F446;
	vm14 =	vgt.s32 v42, $0x10F446  }
0x110: {  	vm7 =	vgt.s32 v3, $0xF423F;
	v29 =	vadd.s32 $0xFFF0BDC0, v3;
	vm9 =	vgt.s32 v4, $0x1E847F  }
0x111: {  	v30 =	vadd.s32 $0xFFE17B80, v4;
	vm0 =	vgt.s32 v7, $0x3D08FF;
	v41 =	vadd.s32 $0xFFC2F700, v7  }
0x112: {  	v60 =	vld [tilespmem:$0x620];
	v5 =	vsel vm15, v43, v26;
	v16 =	vsel vm6, $0x10F447, v0;
	v61 =	vsel vm14, $0x10F447, v0  }
0x113: {  	v3 =	vsel vm7, v29, v3;
	v4 =	vsel vm9, v30, v4;
	v44 =	vsel vm0, v41, v7  }
0x114: {  	vm7 =	vgt.s32 v49, $0x7A11FF;
	vm9 =	vgt.s32 v51, $0x7A11FF;
	v5 =	vmul.u32 $0xA, v5  }
0x115: {  	v38 =	vld [tilespmem:$0x2A0];
	v3 =	vsel vm8, v3, v56;
	vm2 =	vgt.s32 v4, $0xF423F;
	v35 =	vadd.s32 $0xFFF0BDC0, v4  }
0x116: {  	v40 =	vld [tilespmem:$0x640];
	vm4 =	vgt.s32 v44, $0x1E847F;
	v7 =	vadd.s32 $0xFFE17B80, v44;
	v12 =	vsel vm7, v50, v49  }
0x117: {  	v8 =	vadd.s32 v60, v36;
	v4 =	vsel vm2, v35, v4;
	v6 =	vsel vm4, v7, v44  }
0x118: {  	vm8 =	vgt.s32 v12, $0x3D08FF;
	v14 =	vadd.s32 $0xFFC2F700, v12;
	vm4 =	vgt.s32 v46, $0x10F446  }
0x119: {  	v43 =	vld [tilespmem:$0x2B0];
	v3 =	vmul.u32 $0xA, v3;
	v4 =	vsel vm13, v4, v59;
	vm5 =	vgt.s32 v6, $0xF423F  }
0x11a: {  	v48 =	vadd.s32 $0xFFF0BDC0, v6;
	v12 =	vsel vm8, v14, v12;
	v14 =	vsel vm9, v53, v51  }
0x11b: {  	v44 =	vadd.s32 $0xFFEF0BB9, v38;
	v45 =	vadd.s32 $0xFF74F9B9, v38;
	v9 =	vadd.s32 v40, v47  }
0x11c: {  	v6 =	vsel vm5, v48, v6;
	vm10 =	vgt.s32 v12, $0x1E847F;
	v54 =	vadd.s32 $0xFFE17B80, v12  }
0x11d: {  	v56 =	vld [tilespmem:$0x610];
	vm11 =	vgt.s32 v14, $0x3D08FF;
	v55 =	vadd.s32 $0xFFC2F700, v14;
	v3 =	vadd.s32 v3, v8  }
0x11e: {  	v49 =	vld [tilespmem:$0x650];
	v4 =	vmul.u32 $0xA, v4;
	v48 =	vadd.s32 $0xFFEF0BB9, v43;
	v50 =	vadd.s32 $0xFF74F9B9, v43  }
0x11f: {  	v6 =	vsel vm6, v6, v32;
	v12 =	vsel vm10, v54, v12;
	v14 =	vsel vm11, v55, v14  }
0x120: {  	vm6 =	vgt.s32 v31, $0x7A11FF;
	v32 =	vadd.s32 $0xFF74F9B9, v62;
	vm12 =	vgt.s32 v12, $0xF423F  }
0x121: {  	v59 =	vld [tilespmem:$0x280];
	v57 =	vadd.s32 $0xFFF0BDC0, v12;
	vm13 =	vgt.s32 v14, $0x1E847F;
	v58 =	vadd.s32 $0xFFE17B80, v14  }
0x122: {  	v10 =	vadd.s32 v56, v28;
	v13 =	vsel vm6, v32, v31;
	v4 =	vadd.s32 v4, v11  }
0x123: {  	v53 =	vld [tilespmem:$0x660];
	v16 =	vadd.s32 v49, v16;
	v12 =	vsel vm12, v57, v12;
	v14 =	vsel vm13, v58, v14  }
0x124: {  	v2 =	vadd.s32 v2, v10;
	vm8 =	vgt.s32 v13, $0x3D08FF;
	v35 =	vadd.s32 $0xFFC2F700, v13  }
0x125: {  	vm13 =	vgt.s32 v62, $0x10F446;
	v12 =	vsel vm14, v12, v42;
	vm15 =	vgt.s32 v14, $0xF423F  }
0x126: {  	v40 =	vld [tilespmem:$0x690];
	v17 =	vadd.s32 $0xFFF0BDC0, v14;
	v28 =	vadd.s32 $0xFFEF0BB9, v59;
	v29 =	vadd.s32 $0xFF74F9B9, v59  }
0x127: {  	v13 =	vsel vm8, v35, v13;
	vm11 =	vgt.s32 v59, $0x10F446;
	v18 =	vsel vm13, $0x10F447, v0  }
0x128: {  	vm14 =	vgt.s32 v44, $0x7A11FF;
	vm8 =	vgt.s32 v38, $0x10F446;
	v60 =	vadd.s32 v53, v61  }
0x129: {  	v14 =	vsel vm15, v17, v14;
	vm5 =	vgt.s32 v28, $0x7A11FF;
	vm10 =	vgt.s32 v13, $0x1E847F  }
0x12a: {  	v56 =	vld [tilespmem:$0x2C0];
	v37 =	vadd.s32 $0xFFE17B80, v13;
	v19 =	vsel vm11, $0x10F447, v0;
	v47 =	vsel vm14, v45, v44  }
0x12b: {  	vm15 =	vgt.s32 v48, $0x7A11FF;
	v15 =	vadd.s32 v40, v18;
	v63 =	vsel vm4, v14, v46  }
0x12c: {  	v31 =	vld [tilespmem:$0x670];
	v14 =	vsel vm4, $0x10F447, v0;
	v7 =	vsel vm5, v29, v28;
	v39 =	vsel vm10, v37, v13  }
0x12d: {  	v58 =	vld [tilespmem:$0x2D0];
	v46 =	vmul.u32 $0xA, v6;
	vm10 =	vgt.s32 v43, $0x10F446;
	vm0 =	vgt.s32 v7, $0x3D08FF  }
0x12e: {  	v35 =	vld [tilespmem:$0x680];
	v30 =	vadd.s32 $0xFFC2F700, v7;
	vm12 =	vgt.s32 v39, $0xF423F;
	v42 =	vadd.s32 $0xFFF0BDC0, v39  }
0x12f: {  	v44 =	vld [tilespmem:$0x2F0];
	v61 =	vadd.s32 $0xFFEF0BB9, v56;
	v20 =	vsel vm10, $0x10F447, v0;
	v7 =	vsel vm0, v30, v7  }
0x130: {  	v63 =	vmul.u32 $0xA, v63;
	vm7 =	vgt.s32 v7, $0x1E847F;
	v34 =	vadd.s32 $0xFFE17B80, v7  }
0x131: {  	v14 =	vadd.s32 v31, v14;
	vm0 =	vgt.s32 v47, $0x3D08FF;
	v7 =	vsel vm7, v34, v7  }
0x132: {  	v30 =	vadd.s32 $0xFFEF0BB9, v58;
	vm9 =	vgt.s32 v7, $0xF423F;
	v36 =	vadd.s32 $0xFFF0BDC0, v7  }
0x133: {  	v32 =	vadd.s32 $0xFF74F9B9, v58;
	v19 =	vadd.s32 v35, v19;
	v7 =	vsel vm9, v36, v7  }
0x134: {  	v49 =	vadd.s32 $0xFF74F9B9, v44;
	v41 =	vsel vm11, v7, v59;
	v7 =	vsel vm12, v42, v39  }
0x135: {  	v59 =	vmul.u32 $0xA, v12;
	vm11 =	vgt.s32 v61, $0x7A11FF;
	vm12 =	vgt.s32 v30, $0x7A11FF  }
0x136: {  	v11 =	vsel vm13, v7, v62;
	v7 =	vadd.s32 $0xFFC2F700, v47;
	v62 =	vadd.s32 $0xFF74F9B9, v56  }
0x137: {  	v10 =	vsel vm12, v32, v30;
	v39 =	vmul.u32 $0xA, v41;
	v6 =	vsel vm0, v7, v47  }
0x138: {  	v7 =	vsel vm15, v50, v48;
	v28 =	vsel vm11, v62, v61;
	vm14 =	vgt.s32 v10, $0x3D08FF  }
0x139: {  	v34 =	vadd.s32 $0xFFC2F700, v10;
	v11 =	vmul.u32 $0xA, v11;
	v48 =	vadd.s32 $0xFFEF0BB9, v44  }
0x13a: {  	vm4 =	vgt.s32 v6, $0x1E847F;
	v51 =	vadd.s32 $0xFFE17B80, v6;
	vm5 =	vgt.s32 v7, $0x3D08FF  }
0x13b: {  	v52 =	vadd.s32 $0xFFC2F700, v7;
	vm0 =	vgt.s32 v28, $0x3D08FF;
	v29 =	vadd.s32 $0xFFC2F700, v28  }
0x13c: {  	v10 =	vsel vm14, v34, v10;
	v6 =	vsel vm4, v51, v6;
	v7 =	vsel vm5, v52, v7  }
0x13d: {  	vm4 =	vgt.s32 v10, $0x1E847F;
	v37 =	vadd.s32 $0xFFE17B80, v10;
	vm5 =	vgt.s32 v56, $0x10F446  }
0x13e: {  	vm6 =	vgt.s32 v6, $0xF423F;
	v54 =	vadd.s32 $0xFFF0BDC0, v6;
	vm7 =	vgt.s32 v7, $0x1E847F  }
0x13f: {  	v55 =	vadd.s32 $0xFFE17B80, v7;
	v10 =	vsel vm4, v37, v10;
	v42 =	vsel vm5, $0x10F447, v0  }
0x140: {  	vm4 =	vgt.s32 v44, $0x10F446;
	v8 =	vsel vm6, v54, v6;
	v7 =	vsel vm7, v55, v7  }
0x141: {  	v34 =	vld [tilespmem:$0x6C0];
	v6 =	vadd.s32 v5, v9;
	v5 =	vadd.s32 v46, v16;
	v16 =	vsel vm8, $0x10F447, v0  }
0x142: {  	v9 =	vsel vm0, v29, v28;
	vm6 =	vgt.s32 v10, $0xF423F;
	vm7 =	vgt.s32 v58, $0x10F446  }
0x143: {  	v24 =	vsel vm4, $0x10F447, v0;
	v13 =	vsel vm8, v8, v38;
	vm9 =	vgt.s32 v7, $0xF423F  }
0x144: {  	v57 =	vadd.s32 $0xFFF0BDC0, v7;
	vm13 =	vgt.s32 v9, $0x1E847F;
	v33 =	vadd.s32 $0xFFE17B80, v9  }
0x145: {  	v8 =	vadd.s32 v63, v14;
	v7 =	vsel vm9, v57, v7;
	v9 =	vsel vm13, v33, v9  }
0x146: {  	v50 =	vld [tilespmem:$0x6A0];
	vm9 =	vgt.s32 v48, $0x7A11FF;
	v57 =	vmul.u32 $0xA, v13;
	v22 =	vadd.s32 v34, v42  }
0x147: {  	v55 =	vld [tilespmem:$0x300];
	v12 =	vsel vm10, v7, v43;
	v7 =	vadd.s32 v59, v60;
	vm15 =	vgt.s32 v9, $0xF423F  }
0x148: {  	v38 =	vld [tilespmem:$0x2E0];
	v36 =	vadd.s32 $0xFFF0BDC0, v9;
	v43 =	vadd.s32 $0xFFF0BDC0, v10;
	v18 =	vsel vm9, v49, v48  }
0x149: {  	v9 =	vsel vm15, v36, v9;
	v10 =	vsel vm6, v43, v10;
	vm11 =	vgt.s32 v18, $0x3D08FF  }
0x14a: {  	v52 =	vadd.s32 $0xFFC2F700, v18;
	v12 =	vmul.u32 $0xA, v12;
	v41 =	vsel vm5, v9, v56  }
0x14b: {  	v63 =	vld [tilespmem:$0x310];
	v9 =	vadd.s32 v39, v19;
	v14 =	vsel vm7, v10, v58;
	v19 =	vsel vm7, $0x10F447, v0  }
0x14c: {  	v18 =	vsel vm11, v52, v18;
	v58 =	vadd.s32 v50, v16;
	v31 =	vadd.s32 $0xFFEF0BB9, v55  }
0x14d: {  	v32 =	vadd.s32 $0xFF74F9B9, v55;
	vm11 =	vgt.s32 v55, $0x10F446;
	v45 =	vadd.s32 $0xFFEF0BB9, v38  }
0x14e: {  	v46 =	vadd.s32 $0xFF74F9B9, v38;
	vm13 =	vgt.s32 v18, $0x1E847F;
	v54 =	vadd.s32 $0xFFE17B80, v18  }
0x14f: {  	v59 =	vld [tilespmem:$0x6B0];
	vm14 =	vgt.s32 v38, $0x10F446;
	vm5 =	vgt.s32 v31, $0x7A11FF;
	v17 =	vmul.u32 $0xA, v41  }
0x150: {  	v33 =	vadd.s32 $0xFFEF0BB9, v63;
	v35 =	vadd.s32 $0xFF74F9B9, v63;
	v43 =	vsel vm11, $0x10F447, v0  }
0x151: {  	v14 =	vmul.u32 $0xA, v14;
	vm8 =	vgt.s32 v45, $0x7A11FF;
	v56 =	vsel vm13, v54, v18  }
0x152: {  	v41 =	vld [tilespmem:$0x320];
	v61 =	vsel vm14, $0x10F447, v0;
	v13 =	vsel vm5, v32, v31;
	vm6 =	vgt.s32 v33, $0x7A11FF  }
0x153: {  	vm13 =	vgt.s32 v63, $0x10F446;
	v54 =	vld [tilespmem:$0x6F0];
	v10 =	vsel vm8, v46, v45;
	vm15 =	vgt.s32 v56, $0xF423F  }
0x154: {  	v62 =	vadd.s32 $0xFFF0BDC0, v56;
	v45 =	vld [tilespmem:$0x330];
	vm0 =	vgt.s32 v10, $0x3D08FF;
	v47 =	vadd.s32 $0xFFC2F700, v10  }
0x155: {  	v16 =	vadd.s32 v59, v20;
	v34 =	vsel vm13, $0x10F447, v0;
	v10 =	vsel vm0, v47, v10  }
0x156: {  	v30 =	vsel vm15, v62, v56;
	vm10 =	vgt.s32 v10, $0x1E847F;
	v51 =	vadd.s32 $0xFFE17B80, v10  }
0x157: {  	v23 =	vsel vm4, v30, v44;
	vm0 =	vgt.s32 v13, $0x3D08FF;
	v10 =	vsel vm10, v51, v10  }
0x158: {  	v50 =	vld [tilespmem:$0x6E0];
	v46 =	vadd.s32 $0xFF74F9B9, v41;
	v24 =	vadd.s32 v54, v24;
	vm12 =	vgt.s32 v10, $0xF423F  }
0x159: {  	v53 =	vadd.s32 $0xFFF0BDC0, v10;
	v49 =	vadd.s32 $0xFFEF0BB9, v45;
	v51 =	vadd.s32 $0xFF74F9B9, v45  }
0x15a: {  	v21 =	vsel vm12, v53, v10;
	v10 =	vadd.s32 v11, v15;
	v11 =	vadd.s32 v57, v58  }
0x15b: {  	v15 =	vadd.s32 $0xFFC2F700, v13;
	vm15 =	vgt.s32 v49, $0x7A11FF;
	v58 =	vmul.u32 $0xA, v23  }
0x15c: {  	v60 =	vsel vm14, v21, v38;
	v13 =	vsel vm0, v15, v13;
	v15 =	vsel vm6, v35, v33  }
0x15d: {  	v33 =	vadd.s32 $0xFFEF0BB9, v41;
	v18 =	vsel vm15, v51, v49;
	v21 =	vadd.s32 v50, v61  }
0x15e: {  	vm7 =	vgt.s32 v13, $0x1E847F;
	v36 =	vadd.s32 $0xFFE17B80, v13;
	vm8 =	vgt.s32 v15, $0x3D08FF  }
0x15f: {  	v37 =	vadd.s32 $0xFFC2F700, v15;
	vm14 =	vgt.s32 v33, $0x7A11FF;
	v47 =	vmul.u32 $0xA, v60  }
0x160: {  	vm5 =	vgt.s32 v18, $0x3D08FF;
	v53 =	vadd.s32 $0xFFC2F700, v18;
	v13 =	vsel vm7, v36, v13  }
0x161: {  	v57 =	vld [tilespmem:$0x340];
	v15 =	vsel vm8, v37, v15;
	v18 =	vsel vm5, v53, v18;
	vm8 =	vgt.s32 v41, $0x10F446  }
0x162: {  	vm9 =	vgt.s32 v13, $0xF423F;
	v39 =	vadd.s32 $0xFFF0BDC0, v13;
	vm10 =	vgt.s32 v15, $0x1E847F  }
0x163: {  	v38 =	vld [tilespmem:$0x6D0];
	v40 =	vadd.s32 $0xFFE17B80, v15;
	vm7 =	vgt.s32 v18, $0x1E847F;
	v56 =	vadd.s32 $0xFFE17B80, v18  }
0x164: {  	v61 =	vsel vm8, $0x10F447, v0;
	v20 =	vsel vm9, v39, v13;
	v15 =	vsel vm10, v40, v15  }
0x165: {  	v59 =	vld [tilespmem:$0x700];
	v13 =	vadd.s32 v12, v16;
	v12 =	vadd.s32 v17, v22;
	v18 =	vsel vm7, v56, v18  }
0x166: {  	vm10 =	vgt.s32 v45, $0x10F446;
	v16 =	vadd.s32 v58, v24;
	v35 =	vadd.s32 $0xFFEF0BB9, v57  }
0x167: {  	v36 =	vadd.s32 $0xFF74F9B9, v57;
	vm5 =	vgt.s32 v57, $0x10F446;
	v42 =	vsel vm11, v20, v55  }
0x168: {  	vm12 =	vgt.s32 v15, $0xF423F;
	v44 =	vadd.s32 $0xFFF0BDC0, v15;
	v32 =	vadd.s32 v38, v19  }
0x169: {  	vm9 =	vgt.s32 v18, $0xF423F;
	v62 =	vadd.s32 $0xFFF0BDC0, v18;
	v24 =	vsel vm10, $0x10F447, v0  }
0x16a: {  	vm11 =	vgt.s32 v35, $0x7A11FF;
	v20 =	vadd.s32 v59, v43;
	v50 =	vsel vm5, $0x10F447, v0  }
0x16b: {  	v15 =	vsel vm12, v44, v15;
	v14 =	vadd.s32 v14, v32;
	v18 =	vsel vm9, v62, v18  }
0x16c: {  	v59 =	vld [tilespmem:$0x730];
	v17 =	vmul.u32 $0xA, v42;
	v19 =	vsel vm13, v15, v63;
	v15 =	vsel vm14, v46, v33  }
0x16d: {  	v40 =	vld [tilespmem:$0x710];
	v22 =	vsel vm10, v18, v45;
	v18 =	vsel vm11, v36, v35;
	vm0 =	vgt.s32 v15, $0x3D08FF  }
0x16e: {  	v63 =	vld [tilespmem:$0x350];
	v48 =	vadd.s32 $0xFFC2F700, v15;
	v37 =	vadd.s32 $0xFFC2F700, v18;
	v17 =	vadd.s32 v17, v20  }
0x16f: {  	v45 =	vld [tilespmem:$0x360];
	v19 =	vmul.u32 $0xA, v19;
	v22 =	vmul.u32 $0xA, v22;
	v15 =	vsel vm0, v48, v15  }
0x170: {  	vm0 =	vgt.s32 v18, $0x3D08FF;
	vm4 =	vgt.s32 v15, $0x1E847F;
	v52 =	vadd.s32 $0xFFE17B80, v15  }
0x171: {  	v18 =	vsel vm0, v37, v18;
	v24 =	vadd.s32 v59, v24;
	v15 =	vsel vm4, v52, v15  }
0x172: {  	v48 =	vld [tilespmem:$0x720];
	vm13 =	vgt.s32 v18, $0x1E847F;
	vm6 =	vgt.s32 v15, $0xF423F;
	v55 =	vadd.s32 $0xFFF0BDC0, v15  }
0x173: {  	v38 =	vadd.s32 $0xFFEF0BB9, v63;
	v39 =	vadd.s32 $0xFF74F9B9, v63;
	vm7 =	vgt.s32 v63, $0x10F446  }
0x174: {  	v56 =	vadd.s32 $0xFFEF0BB9, v45;
	v26 =	vsel vm6, v55, v15;
	v15 =	vadd.s32 v47, v21  }
0x175: {  	v52 =	vld [tilespmem:$0x370];
	vm12 =	vgt.s32 v38, $0x7A11FF;
	v47 =	vadd.s32 v40, v34;
	v29 =	vsel vm7, $0x10F447, v0  }
0x176: {  	v60 =	vsel vm8, v26, v41;
	v21 =	vsel vm12, v39, v38;
	v41 =	vadd.s32 $0xFFE17B80, v18  }
0x177: {  	vm8 =	vgt.s32 v56, $0x7A11FF;
	v25 =	vadd.s32 v48, v61;
	v18 =	vsel vm13, v41, v18  }
0x178: {  	vm14 =	vgt.s32 v21, $0x3D08FF;
	v42 =	vadd.s32 $0xFFC2F700, v21;
	v54 =	vmul.u32 $0xA, v60  }
0x179: {  	v34 =	vld [tilespmem:$0x380];
	v21 =	vsel vm14, v42, v21;
	vm15 =	vgt.s32 v18, $0xF423F;
	v43 =	vadd.s32 $0xFFF0BDC0, v18  }
0x17a: {  	v58 =	vadd.s32 $0xFFEF0BB9, v52;
	v60 =	vadd.s32 $0xFF74F9B9, v52;
	vm14 =	vgt.s32 v45, $0x10F446  }
0x17b: {  	v18 =	vsel vm15, v43, v18;
	vm4 =	vgt.s32 v21, $0x1E847F;
	v44 =	vadd.s32 $0xFFE17B80, v21  }
0x17c: {  	vm9 =	vgt.s32 v58, $0x7A11FF;
	v20 =	vadd.s32 v54, v25;
	v39 =	vsel vm14, $0x10F447, v0  }
0x17d: {  	v46 =	vsel vm4, v44, v21;
	v49 =	vsel vm5, v18, v57;
	v18 =	vadd.s32 v19, v47  }
0x17e: {  	v57 =	vadd.s32 $0xFF74F9B9, v45;
	vm4 =	vgt.s32 v52, $0x10F446;
	v44 =	vadd.s32 $0xFFEF0BB9, v34  }
0x17f: {  	vm6 =	vgt.s32 v46, $0xF423F;
	v51 =	vadd.s32 $0xFFF0BDC0, v46;
	v19 =	vsel vm8, v57, v56  }
0x180: {  	v27 =	vmul.u32 $0xA, v49;
	vm5 =	vgt.s32 v44, $0x7A11FF;
	v53 =	vsel vm6, v51, v46  }
0x181: {  	vm0 =	vgt.s32 v19, $0x3D08FF;
	v21 =	vadd.s32 $0xFFC2F700, v19;
	v46 =	vadd.s32 $0xFF74F9B9, v34  }
0x182: {  	v55 =	vsel vm7, v53, v63;
	v19 =	vsel vm0, v21, v19;
	v21 =	vsel vm9, v60, v58  }
0x183: {  	v48 =	vsel vm5, v46, v44;
	vm10 =	vgt.s32 v19, $0x1E847F;
	v61 =	vadd.s32 $0xFFE17B80, v19  }
0x184: {  	vm11 =	vgt.s32 v21, $0x3D08FF;
	v62 =	vadd.s32 $0xFFC2F700, v21;
	v47 =	vmul.u32 $0xA, v55  }
0x185: {  	v51 =	vld [tilespmem:$0x750];
	vm0 =	vgt.s32 v48, $0x3D08FF;
	v49 =	vadd.s32 $0xFFC2F700, v48;
	v19 =	vsel vm10, v61, v19  }
0x186: {  	v41 =	vld [tilespmem:$0x390];
	v21 =	vsel vm11, v62, v21;
	v23 =	vsel vm0, v49, v48;
	vm11 =	vgt.s32 v34, $0x10F446  }
0x187: {  	v63 =	vld [tilespmem:$0x740];
	vm12 =	vgt.s32 v19, $0xF423F;
	v36 =	vadd.s32 $0xFFF0BDC0, v19;
	vm13 =	vgt.s32 v21, $0x1E847F  }
0x188: {  	v37 =	vadd.s32 $0xFFE17B80, v21;
	vm7 =	vgt.s32 v23, $0x1E847F;
	v53 =	vadd.s32 $0xFFE17B80, v23  }
0x189: {  	v35 =	vld [tilespmem:$0x3A0];
	v60 =	vsel vm11, $0x10F447, v0;
	v26 =	vsel vm12, v36, v19;
	v21 =	vsel vm13, v37, v21  }
0x18a: {  	v55 =	vld [tilespmem:$0x760];
	v19 =	vadd.s32 v22, v24;
	v23 =	vsel vm7, v53, v23;
	v29 =	vadd.s32 v51, v29  }
0x18b: {  	v58 =	vld [tilespmem:$0x770];
	vm13 =	vgt.s32 v41, $0x10F446;
	v38 =	vsel vm14, v26, v45;
	vm15 =	vgt.s32 v21, $0xF423F  }
0x18c: {  	v40 =	vadd.s32 $0xFFF0BDC0, v21;
	v42 =	vadd.s32 v63, v50;
	v45 =	vsel vm4, $0x10F447, v0  }
0x18d: {  	v50 =	vadd.s32 $0xFFEF0BB9, v41;
	vm9 =	vgt.s32 v23, $0xF423F;
	v56 =	vadd.s32 $0xFFF0BDC0, v23  }
0x18e: {  	v62 =	vld [tilespmem:$0x3B0];
	v22 =	vadd.s32 v47, v29;
	v21 =	vsel vm15, v40, v21;
	vm6 =	vgt.s32 v50, $0x7A11FF  }
0x18f: {  	v23 =	vsel vm9, v56, v23;
	v24 =	vmul.u32 $0xA, v38;
	v25 =	vadd.s32 v55, v39  }
0x190: {  	v44 =	vld [tilespmem:$0x780];
	v40 =	vadd.s32 $0xFFEF0BB9, v35;
	v29 =	vadd.s32 v58, v45;
	vm9 =	vgt.s32 v35, $0x10F446  }
0x191: {  	v43 =	vsel vm4, v21, v52;
	v21 =	vadd.s32 v27, v42;
	v52 =	vadd.s32 $0xFF74F9B9, v41  }
0x192: {  	v36 =	vld [tilespmem:$0x3C0];
	v59 =	vsel vm11, v23, v34;
	vm14 =	vgt.s32 v40, $0x7A11FF;
	v42 =	vadd.s32 $0xFF74F9B9, v35  }
0x193: {  	v45 =	vadd.s32 $0xFF74F9B9, v62;
	v58 =	vsel vm9, $0x10F447, v0;
	v27 =	vsel vm6, v52, v50  }
0x194: {  	v23 =	vadd.s32 v24, v25;
	v28 =	vmul.u32 $0xA, v43;
	v25 =	vsel vm14, v42, v40  }
0x195: {  	v56 =	vld [tilespmem:$0x3D0];
	v43 =	vadd.s32 $0xFFEF0BB9, v62;
	v50 =	vadd.s32 v44, v60;
	v55 =	vmul.u32 $0xA, v59  }
0x196: {  	vm8 =	vgt.s32 v27, $0x3D08FF;
	v54 =	vadd.s32 $0xFFC2F700, v27;
	vm0 =	vgt.s32 v25, $0x3D08FF  }
0x197: {  	v44 =	vld [tilespmem:$0x3F0];
	vm15 =	vgt.s32 v43, $0x7A11FF;
	v52 =	vadd.s32 $0xFFEF0BB9, v36;
	v27 =	vsel vm8, v54, v27  }
0x198: {  	[tilespmem:$0xA00] =	vst v1;
	v1 =	vadd.s32 v28, v29;
	vm8 =	vgt.s32 v52, $0x7A11FF;
	v54 =	vadd.s32 $0xFF74F9B9, v36  }
0x199: {  	[tilespmem:$0xA30] =	vst v4;
	v4 =	vadd.s32 v55, v50;
	vm10 =	vgt.s32 v27, $0x1E847F;
	v57 =	vadd.s32 $0xFFE17B80, v27  }
0x19a: {  	v53 =	vld [tilespmem:$0x790];
	v32 =	vadd.s32 $0xFFEF0BB9, v56;
	v34 =	vadd.s32 $0xFF74F9B9, v56;
	v27 =	vsel vm10, v57, v27  }
0x19b: {  	vm10 =	vgt.s32 v62, $0x10F446;
	vm12 =	vgt.s32 v27, $0xF423F;
	v61 =	vadd.s32 $0xFFF0BDC0, v27  }
0x19c: {  	v60 =	vsel vm10, $0x10F447, v0;
	v50 =	vadd.s32 $0xFFEF0BB9, v44;
	v27 =	vsel vm12, v61, v27  }
0x19d: {  	vm12 =	vgt.s32 v32, $0x7A11FF;
	v63 =	vsel vm13, v27, v41;
	v27 =	vadd.s32 $0xFFC2F700, v25  }
0x19e: {  	[tilespmem:$0xA20] =	vst v3;
	v41 =	vsel vm13, $0x10F447, v0;
	v26 =	vsel vm12, v34, v32;
	v25 =	vsel vm0, v27, v25  }
0x19f: {  	[tilespmem:$0xA10] =	vst v2;
	v27 =	vsel vm15, v45, v43;
	v59 =	vmul.u32 $0xA, v63;
	v3 =	vadd.s32 v53, v41  }
0x1a0: {  	vm14 =	vgt.s32 v26, $0x3D08FF;
	v37 =	vadd.s32 $0xFFC2F700, v26;
	vm15 =	vgt.s32 v36, $0x10F446  }
0x1a1: {  	vm4 =	vgt.s32 v25, $0x1E847F;
	v46 =	vadd.s32 $0xFFE17B80, v25;
	vm5 =	vgt.s32 v27, $0x3D08FF  }
0x1a2: {  	[tilespmem:$0xA90] =	vst v10;
	v47 =	vadd.s32 $0xFFC2F700, v27;
	v10 =	vsel vm14, v37, v26;
	v40 =	vsel vm15, $0x10F447, v0  }
0x1a3: {  	[tilespmem:$0xA40] =	vst v6;
	v43 =	vld [tilespmem:$0x3E0];
	v25 =	vsel vm4, v46, v25;
	v27 =	vsel vm5, v47, v27;
	v3 =	vadd.s32 v59, v3  }
0x1a4: {  	vm4 =	vgt.s32 v10, $0x1E847F;
	v42 =	vadd.s32 $0xFFE17B80, v10;
	vm5 =	vgt.s32 v56, $0x10F446  }
0x1a5: {  	[tilespmem:$0xA50] =	vst v5;
	vm6 =	vgt.s32 v25, $0xF423F;
	v48 =	vadd.s32 $0xFFF0BDC0, v25;
	vm7 =	vgt.s32 v27, $0x1E847F  }
0x1a6: {  	[tilespmem:$0xA70] =	vst v8;
	v49 =	vadd.s32 $0xFFE17B80, v27;
	v10 =	vsel vm4, v42, v10;
	v46 =	vsel vm5, $0x10F447, v0  }
0x1a7: {  	[tilespmem:$0xA60] =	vst v7;
	v25 =	vsel vm6, v48, v25;
	v27 =	vsel vm7, v49, v27;
	v45 =	vadd.s32 $0xFFF0BDC0, v10  }
0x1a8: {  	[tilespmem:$0xA80] =	vst v9;
	vm7 =	vgt.s32 v50, $0x7A11FF;
	vm0 =	vgt.s32 v27, $0xF423F;
	v51 =	vadd.s32 $0xFFF0BDC0, v27  }
0x1a9: {  	[tilespmem:$0xAA0] =	vst v11;
	v57 =	vsel vm9, v25, v35;
	v35 =	vld [tilespmem:$0x7B0];
	v48 =	vadd.s32 $0xFFEF0BB9, v43;
	v49 =	vadd.s32 $0xFF74F9B9, v43  }
0x1aa: {  	[tilespmem:$0xAB0] =	vst v13;
	vm14 =	vgt.s32 v43, $0x10F446;
	v2 =	vsel vm0, v51, v27;
	v27 =	vsel vm8, v54, v52  }
0x1ab: {  	v38 =	vld [tilespmem:$0x7C0];
	v6 =	vmul.u32 $0xA, v57;
	vm11 =	vgt.s32 v27, $0x3D08FF;
	v61 =	vadd.s32 $0xFFC2F700, v27  }
0x1ac: {  	[tilespmem:$0xAC0] =	vst v12;
	vm6 =	vgt.s32 v48, $0x7A11FF;
	v2 =	vsel vm10, v2, v62;
	v62 =	vld [tilespmem:$0x7A0];
	v63 =	vsel vm11, v61, v27  }
0x1ad: {  	v51 =	vadd.s32 $0xFF74F9B9, v44;
	vm0 =	vgt.s32 v63, $0x1E847F;
	v27 =	vadd.s32 $0xFFE17B80, v63  }
0x1ae: {  	[tilespmem:$0xAF0] =	vst v16;
	v41 =	vld [tilespmem:$0x7D0];
	v2 =	vmul.u32 $0xA, v2;
	v33 =	vsel vm0, v27, v63;
	v9 =	vadd.s32 v35, v60  }
0x1af: {  	[tilespmem:$0xAD0] =	vst v14;
	vm0 =	vgt.s32 v10, $0xF423F;
	vm13 =	vgt.s32 v33, $0xF423F;
	v27 =	vadd.s32 $0xFFF0BDC0, v33  }
0x1b0: {  	[tilespmem:$0xB00] =	vst v17;
	v10 =	vsel vm0, v45, v10;
	v2 =	vadd.s32 v2, v9;
	v8 =	vsel vm13, v27, v33  }
0x1b1: {  	[tilespmem:$0xAE0] =	vst v15;
	v7 =	vadd.s32 v62, v58;
	v47 =	vsel vm5, v10, v56;
	v10 =	vsel vm7, v51, v50  }
0x1b2: {  	[tilespmem:$0xB20] =	vst v20;
	v62 =	vsel vm14, $0x10F447, v0;
	v39 =	vadd.s32 v6, v7;
	v8 =	vsel vm15, v8, v36  }
0x1b3: {  	[tilespmem:$0xB10] =	vst v18;
	v6 =	vadd.s32 v38, v40;
	v7 =	vadd.s32 v41, v46;
	v8 =	vmul.u32 $0xA, v8  }
0x1b4: {  	[tilespmem:$0xB30] =	vst v19;
	vm9 =	vgt.s32 v10, $0x3D08FF;
	v53 =	vadd.s32 $0xFFC2F700, v10;
	v9 =	vmul.u32 $0xA, v47  }
0x1b5: {  	[tilespmem:$0xB50] =	vst v22;
	vm15 =	vgt.s32 v44, $0x10F446;
	v6 =	vadd.s32 v8, v6;
	v8 =	vsel vm6, v49, v48  }
0x1b6: {  	[tilespmem:$0xB40] =	vst v21;
	v10 =	vsel vm9, v53, v10;
	vm8 =	vgt.s32 v8, $0x3D08FF;
	v52 =	vadd.s32 $0xFFC2F700, v8  }
0x1b7: {  	[tilespmem:$0xB60] =	vst v23;
	vm11 =	vgt.s32 v10, $0x1E847F;
	v55 =	vadd.s32 $0xFFE17B80, v10;
	v8 =	vsel vm8, v52, v8  }
0x1b8: {  	[tilespmem:$0xB70] =	vst v1;
	v59 =	vld [tilespmem:$0x7F0];
	v10 =	vsel vm11, v55, v10;
	vm10 =	vgt.s32 v8, $0x1E847F;
	v54 =	vadd.s32 $0xFFE17B80, v8  }
0x1b9: {  	[tilespmem:$0xB80] =	vst v4;
	v56 =	vld [tilespmem:$0x7E0];
	vm13 =	vgt.s32 v10, $0xF423F;
	v60 =	vadd.s32 $0xFFF0BDC0, v10;
	v8 =	vsel vm10, v54, v8  }
0x1ba: {  	[tilespmem:$0xB90] =	vst v3;
	v61 =	vsel vm13, v60, v10;
	vm12 =	vgt.s32 v8, $0xF423F;
	v57 =	vadd.s32 $0xFFF0BDC0, v8  }
0x1bb: {  	[tilespmem:$0xBB0] =	vst v2;
	v0 =	vsel vm15, $0x10F447, v0;
	v3 =	vsel vm15, v61, v44;
	v58 =	vsel vm12, v57, v8  }
0x1bc: {  	[tilespmem:$0xBA0] =	vst v39;
	v63 =	vadd.s32 v9, v7;
	v3 =	vmul.u32 $0xA, v3;
	v4 =	vsel vm14, v58, v43  }
0x1bd: {  	v0 =	vadd.s32 v59, v0;
	[tilespmem:$0xBD0] =	vst v63;
	v4 =	vmul.u32 $0xA, v4  }
0x1be: {  	[tilespmem:$0xBC0] =	vst v6;
	v1 =	vadd.s32 v56, v62;
	v0 =	vadd.s32 v3, v0  }
0x1bf: {  	[tilespmem:$0xBF0] =	vst v0;
	v1 =	vadd.s32 v4, v1  }
0x1c0: {  	s29 =	simm.s32 $0x5;
	[tilespmem:$0xBE0] =	vst v1  }
0x1c1: {  	_ =	swait.ge [sflag:s29], $0x200  }
0x1c2: {  	s30 =	simm.s32 $0xA00;
	[sflag:s29] =	ssyncset.done $0x0  }
0x1c3: {  	s31 =	simm.s32 $0x6;
	s3 =	sadd.s32 s3, s19;
	[sflag:s29] =	ssyncadd.s32 $0xFFFFFE00  }
0x1c4: {  	[hbm4b:s3+s2] =	stream.linear.scatter [tilespmem:s30], [sflag:$0x6], $0x200, $0x38;
	[tilespmem:$0xC00] =	vst v63  }
0x1c5: {  	_ =	swait.ge [sflag:s31], $0x200  }
0x1c6: {  	[sflag:s31] =	ssyncset.done $0x0  }
0x1c7: {  	[sflag:s31] =	ssyncadd.s32 $0xFFFFFE00  }
0x1c8: {  	_ =	sfence.sel $0x180000  }
0x1c9: {  	[bflag:$0x0] =	sbarrier.arrive $0xFFFF  }
0x1ca: {  	p0 =	sne.s32 s1, $0x0;
	_ =	strace $0x90000047  }
0x1cb: {  	s0 =	sadd.s32 @!p0 $0x100000, s0;
	[bflag:$0x2] =	sbarrier.arrive $0xFFFF  }
0x1cc: {  	[sflag:s0] =	ssyncadd.tile.s32 @!p0 $0x1;
	_ =	shalt  }
.Lfunc_end2:
_tile_overlayer_lowered:
.L_overlay_start_2:
0x1cd: {  	(tag) =	ssettag $0x2  }
0x1ce: {  	s0 =	rddreg [dreg:$0x0];
	s2 =	stileid.u32  }
0x1cf: {  	s1 =	rddreg [dreg:$0x1];
	p0 =	sne.s32 s2, $0x0  }
0x1d0: {  	s3 =	rddreg [dreg:$0x2];
	[bflag:$0x3] =	sbarrier.arrive $0xFFFF;
	s2 =	simm.s32 @!p0 $0x1C06  }
0x1d1: {  	[timem:s3], [sflag:s2] =	dma.local @!p0 [hbm:s0], s1  }
0x1d2: {  	s0 =	simm.s32 @!p0 $0x6  }
0x1d3: {  	_ =	swait.ge @!p0 [sflag:s0], s1  }
0x1d4: {  	s1 =	ssub.s32 @!p0 $0x0, s1;
	[sflag:s0] =	ssyncset.done @!p0 $0x0  }
0x1d5: {  	[sflag:s0] =	ssyncadd.s32 @!p0 s1  }
0x1d6: {  	[bflag:$0x3] =	sbarrier.arrive $0xFFFF  }
0x1d7: {  	_ =	shalt  }

</sc_bundles>
